<compile_context>
chip_gen: v7x
topology: tpu7x:2x2x1
jax: 0.10.2.dev20260603
libtpu: 0.0.44.dev20260713+nightly
codegen_flags: <defaults>
</compile_context>

<pallas_src>
import functools

import jax
import jax.numpy as jnp
from jax import lax
from jax.experimental import pallas as pl
from jax.experimental.pallas import tpu as pltpu
from jax.experimental.pallas import tpu_sc as plsc

NC = 2
NS = 16
NW = NC * NS
L = 16
JB = 40
TD = 8
TI = 128


@functools.lru_cache(maxsize=None)
def _make(nj, ni, vocab, dim):
    mesh = plsc.VectorSubcoreMesh(core_axis_name="c", subcore_axis_name="s")
    iw = ni // NW
    ntd = dim // TD
    nti = iw // TI
    gi_n = iw // L
    njb = nj // JB

    @functools.partial(
        pl.kernel,
        mesh=mesh,
        out_type=jax.ShapeDtypeStruct((nj, ntd, ni // TI, TD, TI),
                                      jnp.float32),
        compiler_params=pltpu.CompilerParams(
            needs_layout_passes=False, use_tc_tiling_on_sc=True),
        scratch_types=[
            pltpu.VMEM((2, JB, iw), jnp.int32),
            pltpu.VMEM((2, ntd, nti, TD, TI), jnp.float32),
            pltpu.VMEM((dim, vocab), jnp.float32),
            pltpu.SemaphoreType.DMA,
            pltpu.SemaphoreType.DMA,
            pltpu.SemaphoreType.DMA,
            pltpu.SemaphoreType.DMA,
        ],
    )
    def k(idx_hbm, table_hbm, out_hbm, idx_v, rows_v, table_v,
          isem0, isem1, osem0, osem1):
        wid = lax.axis_index("s") * NC + lax.axis_index("c")
        ibase = wid * iw
        isems = (isem0, isem1)
        osems = (osem0, osem1)

        pltpu.sync_copy(table_hbm, table_v)

        def load_idx(jb, b):
            pltpu.async_copy(
                idx_hbm.at[pl.ds(jb * JB, JB), pl.ds(ibase, iw)],
                idx_v.at[b], isems[b])

        def wait_idx(b):
            pltpu.make_async_copy(
                idx_hbm.at[pl.ds(0, JB), pl.ds(ibase, iw)],
                idx_v.at[b], isems[b]).wait()

        def compute(ib, jj, rb):
            rows = rows_v.at[rb]

            @plsc.parallel_loop(0, gi_n, unroll=4)
            def gi_body(gi):
                idxs = idx_v[ib, jj, pl.ds(gi * L, L)]
                it = gi // (TI // L)
                ii = (gi % (TI // L)) * L

                @plsc.parallel_loop(0, dim, unroll=8)
                def d_body(d):
                    dfull = jnp.full((L,), d, jnp.int32)
                    val = plsc.load_gather(table_v, [dfull, idxs])
                    rows[d // TD, it, d % TD, pl.ds(ii, L)] = val

        def start_out(j, rb):
            pltpu.async_copy(
                rows_v.at[rb],
                out_hbm.at[j, pl.ds(0, ntd), pl.ds(wid * nti, nti)],
                osems[rb])

        def wait_out(rb):
            pltpu.make_async_copy(
                rows_v.at[rb],
                out_hbm.at[0, pl.ds(0, ntd), pl.ds(wid * nti, nti)],
                osems[rb]).wait()

        load_idx(0, 0)
        wait_idx(0)
        for jb in range(njb):
            ib = jb % 2
            if jb + 1 < njb:
                load_idx(jb + 1, 1 - ib)

            def body(t, carry, jb=jb, ib=ib):
                j = jb * JB + 2 * t
                for rb in range(2):
                    if jb == 0:
                        @pl.when(t > 0)
                        def _(rb=rb):
                            wait_out(rb)
                    else:
                        wait_out(rb)
                    compute(ib, 2 * t + rb, rb)
                    start_out(j + rb, rb)
                return carry

            lax.fori_loop(0, JB // 2, body, 0)
            if jb + 1 < njb:
                wait_idx(1 - ib)
        for rb in range(2):
            wait_out(rb)

    return k


def kernel(indices, table):
    n, m = indices.shape
    vocab, dim = table.shape
    idx_t = indices.astype(jnp.int32).T
    table_t = table.T
    out5 = _make(m, n, vocab, dim)(idx_t, table_t)
    out = out5.transpose(2, 4, 0, 1, 3).reshape(n, m, dim)
    return out

# --- scband reference (transcript-rebuilt; emitter-appended) ---
"""Pipeline reference for scband-my-model-44667659878999 (READ-ONLY COPY).

The authoritative reference and input builder live on the scoring server;
editing this copy changes nothing except your own understanding.
"""

import jax, jax.numpy as jnp
import numpy as np

VOCAB = 150
EMBED_DIM = 32

def setup_inputs(seed: int = 0) -> dict:
    key = jax.random.key(seed)
    k_idx, k_tab = jax.random.split(key)
    indices = jax.random.randint(k_idx, (16384, 200), 0, VOCAB, dtype=jnp.int64 if jax.config.jax_enable_x64 else jnp.int32)
    table = jax.random.normal(k_tab, (VOCAB, EMBED_DIM), dtype=jnp.float32) * 0.05
    return {"indices": indices, "table": table}

def reference(indices, table):
    # Embedding lookup: gather rows of the table by index
    return jnp.take(table, indices, axis=0)

if __name__ == "__main__":
    import jax
    _d = setup_inputs()
    print(jax.jit(kernel)(*tuple(_d.values())))

</pallas_src>

<mosaic_0001>
#map = affine_map<(d0, d1) -> (0, 0)>
#map1 = affine_map<(d0, d1) -> (0, 0, 0, 0, 0)>
module attributes {stable_mosaic.version = 14 : i64} {
  func.func @k(%arg0: i32, %arg1: i32, %arg2: memref<200x16384xi32, #tpu.memory_space<hbm>>, %arg3: memref<32x150xf32, #tpu.memory_space<hbm>>, %arg4: memref<200x4x128x8x128xf32, #tpu.memory_space<hbm>>, %arg5: memref<2x40x512xi32, #tpu.memory_space<vmem>>, %arg6: memref<2x4x4x8x128xf32, #tpu.memory_space<vmem>>, %arg7: memref<32x150xf32, #tpu.memory_space<vmem>>, %arg8: memref<!tpu.dma_semaphore, #tpu.memory_space<semaphore_mem>>, %arg9: memref<!tpu.dma_semaphore, #tpu.memory_space<semaphore_mem>>, %arg10: memref<!tpu.dma_semaphore, #tpu.memory_space<semaphore_mem>>, %arg11: memref<!tpu.dma_semaphore, #tpu.memory_space<semaphore_mem>>) attributes {dimension_semantics = [#tpu.dimension_semantics<core_parallel>, #tpu.dimension_semantics<subcore_parallel>], iteration_bounds = array<i64: 2, 16>, scalar_prefetch = 0 : i64, scratch_operands = 7 : i64, tpu.core_type = #tpu.core_type<sc_vector_subcore>, window_params = [{transform_indices = #map}, {transform_indices = #map}, {transform_indices = #map1}]} {
    %mul3A = arith.constant 2 : i32
    %mul3A_0 = arith.muli %arg1, %mul3A : i32
    %add3A = arith.addi %mul3A_0, %arg0 : i32
    %mul3A_1 = arith.constant 512 : i32
    %mul3A_2 = arith.muli %add3A, %mul3A_1 : i32
    "tpu.region"() ({
      %run_scoped3A = tpu.sem_alloc : memref<!tpu.dma_semaphore, #tpu.memory_space<semaphore_mem>>
      tpu.enqueue_dma source(%arg3 : memref<32x150xf32, #tpu.memory_space<hbm>>) target(%arg7 : memref<32x150xf32, #tpu.memory_space<vmem>>) target_semaphore(%run_scoped3A : memref<!tpu.dma_semaphore, #tpu.memory_space<semaphore_mem>>)
      tpu.wait_dma2 semaphore(%run_scoped3A : memref<!tpu.dma_semaphore, #tpu.memory_space<semaphore_mem>>) src(%arg3 : memref<32x150xf32, #tpu.memory_space<hbm>>) dst(%arg7 : memref<32x150xf32, #tpu.memory_space<vmem>>)
      tpu.yield
    }) : () -> ()
    %dma_start3A = arith.constant 0 : i32
    %dma_start3A_3 = arith.constant 0 : i32
    %dma_start3A_4 = arith.constant 0 : i32
    %dma_start3A_5 = tpu.memref_slice %arg5[%dma_start3A, %dma_start3A_3, %dma_start3A_4] : memref<2x40x512xi32, #tpu.memory_space<vmem>> -> memref<1x40x512xi32, #tpu.memory_space<vmem>>
    %dma_start3A_6 = tpu.memref_squeeze %dma_start3A_5 : memref<1x40x512xi32, #tpu.memory_space<vmem>> -> memref<40x512xi32, #tpu.memory_space<vmem>>
    %dma_start3A_7 = arith.constant 0 : i32
    %dma_start3A_8 = tpu.memref_slice %arg2[%dma_start3A_7, %mul3A_2] : memref<200x16384xi32, #tpu.memory_space<hbm>> -> memref<40x512xi32, #tpu.memory_space<hbm>>
    %dma_start3A_9 = arith.constant 0 : i32
    %dma_start3A_10 = arith.constant 0 : i32
    %dma_start3A_11 = tpu.memref_slice %arg5[%dma_start3A, %dma_start3A_9, %dma_start3A_10] : memref<2x40x512xi32, #tpu.memory_space<vmem>> -> memref<1x40x512xi32, #tpu.memory_space<vmem>>
    %dma_start3A_12 = tpu.memref_squeeze %dma_start3A_11 : memref<1x40x512xi32, #tpu.memory_space<vmem>> -> memref<40x512xi32, #tpu.memory_space<vmem>>
    %dma_start3A_13 = arith.constant 0 : i32
    %dma_start3A_14 = tpu.memref_slice %arg2[%dma_start3A_13, %mul3A_2] : memref<200x16384xi32, #tpu.memory_space<hbm>> -> memref<40x512xi32, #tpu.memory_space<hbm>>
    tpu.enqueue_dma source(%dma_start3A_14 : memref<40x512xi32, #tpu.memory_space<hbm>>) target(%dma_start3A_12 : memref<40x512xi32, #tpu.memory_space<vmem>>) target_semaphore(%arg8 : memref<!tpu.dma_semaphore, #tpu.memory_space<semaphore_mem>>)
    %dma_wait3A = arith.constant 0 : i32
    %dma_wait3A_15 = arith.constant 0 : i32
    %dma_wait3A_16 = arith.constant 0 : i32
    %dma_wait3A_17 = tpu.memref_slice %arg5[%dma_wait3A, %dma_wait3A_15, %dma_wait3A_16] : memref<2x40x512xi32, #tpu.memory_space<vmem>> -> memref<1x40x512xi32, #tpu.memory_space<vmem>>
    %dma_wait3A_18 = tpu.memref_squeeze %dma_wait3A_17 : memref<1x40x512xi32, #tpu.memory_space<vmem>> -> memref<40x512xi32, #tpu.memory_space<vmem>>
    %dma_wait3A_19 = arith.constant 0 : i32
    %dma_wait3A_20 = tpu.memref_slice %arg2[%dma_wait3A_19, %mul3A_2] : memref<200x16384xi32, #tpu.memory_space<hbm>> -> memref<40x512xi32, #tpu.memory_space<hbm>>
    %dma_wait3A_21 = arith.constant 0 : i32
    %dma_wait3A_22 = arith.constant 0 : i32
    %dma_wait3A_23 = tpu.memref_slice %arg5[%dma_wait3A, %dma_wait3A_21, %dma_wait3A_22] : memref<2x40x512xi32, #tpu.memory_space<vmem>> -> memref<1x40x512xi32, #tpu.memory_space<vmem>>
    %dma_wait3A_24 = tpu.memref_squeeze %dma_wait3A_23 : memref<1x40x512xi32, #tpu.memory_space<vmem>> -> memref<40x512xi32, #tpu.memory_space<vmem>>
    %dma_wait3A_25 = arith.constant 0 : i32
    %dma_wait3A_26 = tpu.memref_slice %arg2[%dma_wait3A_25, %mul3A_2] : memref<200x16384xi32, #tpu.memory_space<hbm>> -> memref<40x512xi32, #tpu.memory_space<hbm>>
    tpu.wait_dma2 semaphore(%arg8 : memref<!tpu.dma_semaphore, #tpu.memory_space<semaphore_mem>>) src(%dma_wait3A_26 : memref<40x512xi32, #tpu.memory_space<hbm>>) dst(%dma_wait3A_24 : memref<40x512xi32, #tpu.memory_space<vmem>>)
    %dma_start3A_27 = arith.constant 1 : i32
    %dma_start3A_28 = arith.constant 0 : i32
    %dma_start3A_29 = arith.constant 0 : i32
    %dma_start3A_30 = tpu.memref_slice %arg5[%dma_start3A_27, %dma_start3A_28, %dma_start3A_29] : memref<2x40x512xi32, #tpu.memory_space<vmem>> -> memref<1x40x512xi32, #tpu.memory_space<vmem>>
    %dma_start3A_31 = tpu.memref_squeeze %dma_start3A_30 : memref<1x40x512xi32, #tpu.memory_space<vmem>> -> memref<40x512xi32, #tpu.memory_space<vmem>>
    %dma_start3A_32 = arith.constant 40 : i32
    %dma_start3A_33 = tpu.memref_slice %arg2[%dma_start3A_32, %mul3A_2] : memref<200x16384xi32, #tpu.memory_space<hbm>> -> memref<40x512xi32, #tpu.memory_space<hbm>>
    %dma_start3A_34 = arith.constant 0 : i32
    %dma_start3A_35 = arith.constant 0 : i32
    %dma_start3A_36 = tpu.memref_slice %arg5[%dma_start3A_27, %dma_start3A_34, %dma_start3A_35] : memref<2x40x512xi32, #tpu.memory_space<vmem>> -> memref<1x40x512xi32, #tpu.memory_space<vmem>>
    %dma_start3A_37 = tpu.memref_squeeze %dma_start3A_36 : memref<1x40x512xi32, #tpu.memory_space<vmem>> -> memref<40x512xi32, #tpu.memory_space<vmem>>
    %dma_start3A_38 = arith.constant 40 : i32
    %dma_start3A_39 = tpu.memref_slice %arg2[%dma_start3A_38, %mul3A_2] : memref<200x16384xi32, #tpu.memory_space<hbm>> -> memref<40x512xi32, #tpu.memory_space<hbm>>
    tpu.enqueue_dma source(%dma_start3A_39 : memref<40x512xi32, #tpu.memory_space<hbm>>) target(%dma_start3A_37 : memref<40x512xi32, #tpu.memory_space<vmem>>) target_semaphore(%arg9 : memref<!tpu.dma_semaphore, #tpu.memory_space<semaphore_mem>>)
    %scan3A = arith.constant 0 : i32
    %scan3A_40 = arith.constant 0 : i32
    %scan3A_41 = arith.constant 20 : i32
    %scan3A_42 = arith.addi %scan3A_40, %scan3A_41 : i32
    %scan3A_43 = arith.constant 1 : i32
    scf.for %scan3A_212 = %scan3A_40 to %scan3A_42 step %scan3A_43  : i32 {
      %mul3A_213 = arith.constant 2 : i32
      %mul3A_214 = arith.muli %mul3A_213, %scan3A_212 : i32
      %add3A_215 = arith.constant 0 : i32
      %add3A_216 = arith.addi %add3A_215, %mul3A_214 : i32
      %gt3A = arith.constant 0 : i32
      %gt3A_217 = arith.cmpi sgt, %scan3A_212, %gt3A : i32
      %convert_element_type3A = arith.extui %gt3A_217 : i1 to i32
      %cond3A = arith.constant 0 : i32
      %cond3A_218 = arith.cmpi ne, %convert_element_type3A, %cond3A : i32
      scf.if %cond3A_218 {
        %mul3A_293 = arith.constant 4 : i32
        %mul3A_294 = arith.muli %add3A, %mul3A_293 : i32
        %dma_wait3A_295 = arith.constant 0 : i32
        %dma_wait3A_296 = arith.constant 0 : i32
        %dma_wait3A_297 = arith.constant 0 : i32
        %dma_wait3A_298 = arith.constant 0 : i32
        %dma_wait3A_299 = arith.constant 0 : i32
        %dma_wait3A_300 = arith.constant 0 : i32
        %dma_wait3A_301 = tpu.memref_slice %arg6[%dma_wait3A_295, %dma_wait3A_297, %dma_wait3A_298, %dma_wait3A_299, %dma_wait3A_300] : memref<2x4x4x8x128xf32, #tpu.memory_space<vmem>> -> memref<1x4x4x8x128xf32, #tpu.memory_space<vmem>>
        %dma_wait3A_302 = tpu.memref_squeeze %dma_wait3A_301 : memref<1x4x4x8x128xf32, #tpu.memory_space<vmem>> -> memref<4x4x8x128xf32, #tpu.memory_space<vmem>>
        %dma_wait3A_303 = arith.constant 0 : i32
        %dma_wait3A_304 = arith.constant 0 : i32
        %dma_wait3A_305 = arith.constant 0 : i32
        %dma_wait3A_306 = tpu.memref_slice %arg4[%dma_wait3A_296, %dma_wait3A_303, %mul3A_294, %dma_wait3A_304, %dma_wait3A_305] : memref<200x4x128x8x128xf32, #tpu.memory_space<hbm>> -> memref<1x4x4x8x128xf32, #tpu.memory_space<hbm>>
        %dma_wait3A_307 = tpu.memref_squeeze %dma_wait3A_306 : memref<1x4x4x8x128xf32, #tpu.memory_space<hbm>> -> memref<4x4x8x128xf32, #tpu.memory_space<hbm>>
        %dma_wait3A_308 = arith.constant 0 : i32
        %dma_wait3A_309 = arith.constant 0 : i32
        %dma_wait3A_310 = arith.constant 0 : i32
        %dma_wait3A_311 = tpu.memref_slice %arg4[%dma_wait3A_296, %dma_wait3A_308, %mul3A_294, %dma_wait3A_309, %dma_wait3A_310] : memref<200x4x128x8x128xf32, #tpu.memory_space<hbm>> -> memref<1x4x4x8x128xf32, #tpu.memory_space<hbm>>
        %dma_wait3A_312 = tpu.memref_squeeze %dma_wait3A_311 : memref<1x4x4x8x128xf32, #tpu.memory_space<hbm>> -> memref<4x4x8x128xf32, #tpu.memory_space<hbm>>
        %dma_wait3A_313 = arith.constant 0 : i32
        %dma_wait3A_314 = arith.constant 0 : i32
        %dma_wait3A_315 = arith.constant 0 : i32
        %dma_wait3A_316 = arith.constant 0 : i32
        %dma_wait3A_317 = tpu.memref_slice %arg6[%dma_wait3A_295, %dma_wait3A_313, %dma_wait3A_314, %dma_wait3A_315, %dma_wait3A_316] : memref<2x4x4x8x128xf32, #tpu.memory_space<vmem>> -> memref<1x4x4x8x128xf32, #tpu.memory_space<vmem>>
        %dma_wait3A_318 = tpu.memref_squeeze %dma_wait3A_317 : memref<1x4x4x8x128xf32, #tpu.memory_space<vmem>> -> memref<4x4x8x128xf32, #tpu.memory_space<vmem>>
        tpu.wait_dma2 semaphore(%arg10 : memref<!tpu.dma_semaphore, #tpu.memory_space<semaphore_mem>>) src(%dma_wait3A_318 : memref<4x4x8x128xf32, #tpu.memory_space<vmem>>) dst(%dma_wait3A_312 : memref<4x4x8x128xf32, #tpu.memory_space<hbm>>)
      } else {
      }
      %mul3A_219 = arith.constant 2 : i32
      %mul3A_220 = arith.muli %mul3A_219, %scan3A_212 : i32
      %add3A_221 = arith.constant 0 : i32
      %add3A_222 = arith.addi %mul3A_220, %add3A_221 : i32
      %parallel_loop3A = arith.constant 0 : i32
      %parallel_loop3A_223 = arith.constant 32 : i32
      %parallel_loop3A_224 = arith.constant 1 : i32
      %parallel_loop3A_225 = arith.constant 0 : i32
      scf.for %parallel_loop3A_293 = %parallel_loop3A to %parallel_loop3A_223 step %parallel_loop3A_224  : i32 {
        %parallel_loop3A_294 = arith.constant 16 : i32
        %parallel_loop3A_295 = arith.muli %parallel_loop3A_293, %parallel_loop3A_294 : i32
        %parallel_loop3A_296 = arith.constant 0 : i32
        %parallel_loop3A_297 = arith.index_cast %parallel_loop3A_296 : i32 to index
        %parallel_loop3A_298 = arith.index_cast %add3A_222 : i32 to index
        %parallel_loop3A_299 = arith.index_cast %parallel_loop3A_295 : i32 to index
        %parallel_loop3A_300 = tpu.vector_load %arg5[%parallel_loop3A_297, %parallel_loop3A_298, %parallel_loop3A_299] {strides = array<i32>} : memref<2x40x512xi32, #tpu.memory_space<vmem>>, vector<16xi32>,
        %parallel_loop3A_301 = arith.constant 8 : i32
        %parallel_loop3A_302 = arith.divsi %parallel_loop3A_293, %parallel_loop3A_301 : i32
        %parallel_loop3A_303 = arith.constant 0 : i32
        %parallel_loop3A_304 = arith.cmpi sgt, %parallel_loop3A_293, %parallel_loop3A_303 : i32
        %parallel_loop3A_305 = arith.extui %parallel_loop3A_304 : i1 to i32
        %parallel_loop3A_306 = arith.constant 0 : i32
        %parallel_loop3A_307 = arith.cmpi slt, %parallel_loop3A_293, %parallel_loop3A_306 : i32
        %parallel_loop3A_308 = arith.extui %parallel_loop3A_307 : i1 to i32
        %parallel_loop3A_309 = arith.subi %parallel_loop3A_305, %parallel_loop3A_308 : i32
        %parallel_loop3A_310 = arith.constant 0 : i32
        %parallel_loop3A_311 = arith.cmpi sgt, %parallel_loop3A_301, %parallel_loop3A_310 : i32
        %parallel_loop3A_312 = arith.extui %parallel_loop3A_311 : i1 to i32
        %parallel_loop3A_313 = arith.constant 0 : i32
        %parallel_loop3A_314 = arith.cmpi slt, %parallel_loop3A_301, %parallel_loop3A_313 : i32
        %parallel_loop3A_315 = arith.extui %parallel_loop3A_314 : i1 to i32
        %parallel_loop3A_316 = arith.subi %parallel_loop3A_312, %parallel_loop3A_315 : i32
        %parallel_loop3A_317 = arith.cmpi ne, %parallel_loop3A_309, %parallel_loop3A_316 : i32
        %parallel_loop3A_318 = arith.remsi %parallel_loop3A_293, %parallel_loop3A_301 : i32
        %parallel_loop3A_319 = arith.constant 0 : i32
        %parallel_loop3A_320 = arith.cmpi ne, %parallel_loop3A_318, %parallel_loop3A_319 : i32
        %parallel_loop3A_321 = arith.andi %parallel_loop3A_317, %parallel_loop3A_320 : i1
        %parallel_loop3A_322 = arith.constant 1 : i32
        %parallel_loop3A_323 = arith.subi %parallel_loop3A_302, %parallel_loop3A_322 : i32
        %parallel_loop3A_324 = arith.select %parallel_loop3A_321, %parallel_loop3A_323, %parallel_loop3A_302 : i32
        %parallel_loop3A_325 = arith.constant 8 : i32
        %parallel_loop3A_326 = arith.constant 0 : i32
        %parallel_loop3A_327 = arith.cmpi eq, %parallel_loop3A_325, %parallel_loop3A_326 : i32
        %parallel_loop3A_328 = arith.constant 1 : i32
        %parallel_loop3A_329 = arith.select %parallel_loop3A_327, %parallel_loop3A_328, %parallel_loop3A_325 : i32
        %parallel_loop3A_330 = arith.remsi %parallel_loop3A_293, %parallel_loop3A_329 : i32
        %parallel_loop3A_331 = arith.constant 0 : i32
        %parallel_loop3A_332 = arith.cmpi ne, %parallel_loop3A_330, %parallel_loop3A_331 : i32
        %parallel_loop3A_333 = arith.constant 0 : i32
        %parallel_loop3A_334 = arith.cmpi slt, %parallel_loop3A_330, %parallel_loop3A_333 : i32
        %parallel_loop3A_335 = arith.constant 0 : i32
        %parallel_loop3A_336 = arith.cmpi slt, %parallel_loop3A_329, %parallel_loop3A_335 : i32
        %parallel_loop3A_337 = arith.xori %parallel_loop3A_334, %parallel_loop3A_336 : i1
        %parallel_loop3A_338 = arith.andi %parallel_loop3A_337, %parallel_loop3A_332 : i1
        %parallel_loop3A_339 = arith.addi %parallel_loop3A_330, %parallel_loop3A_329 : i32
        %parallel_loop3A_340 = arith.select %parallel_loop3A_338, %parallel_loop3A_339, %parallel_loop3A_330 : i32
        %parallel_loop3A_341 = arith.constant 16 : i32
        %parallel_loop3A_342 = arith.muli %parallel_loop3A_340, %parallel_loop3A_341 : i32
        %parallel_loop3A_343 = arith.constant 0 : i32
        %parallel_loop3A_344 = arith.constant 32 : i32
        %parallel_loop3A_345 = arith.constant 1 : i32
        scf.for %parallel_loop3A_346 = %parallel_loop3A_343 to %parallel_loop3A_344 step %parallel_loop3A_345  : i32 {
          %parallel_loop3A_347 = vector.broadcast %parallel_loop3A_346 : i32 to vector<16xi32>
          %parallel_loop3A_348 = tpu.vector_load_idx %arg7[%parallel_loop3A_347, %parallel_loop3A_300] : memref<32x150xf32, #tpu.memory_space<vmem>>[vector<16xi32>, vector<16xi32>], vector<16xf32>,
          %parallel_loop3A_349 = arith.constant 8 : i32
          %parallel_loop3A_350 = arith.divsi %parallel_loop3A_346, %parallel_loop3A_349 : i32
          %parallel_loop3A_351 = arith.constant 0 : i32
          %parallel_loop3A_352 = arith.cmpi sgt, %parallel_loop3A_346, %parallel_loop3A_351 : i32
          %parallel_loop3A_353 = arith.extui %parallel_loop3A_352 : i1 to i32
          %parallel_loop3A_354 = arith.constant 0 : i32
          %parallel_loop3A_355 = arith.cmpi slt, %parallel_loop3A_346, %parallel_loop3A_354 : i32
          %parallel_loop3A_356 = arith.extui %parallel_loop3A_355 : i1 to i32
          %parallel_loop3A_357 = arith.subi %parallel_loop3A_353, %parallel_loop3A_356 : i32
          %parallel_loop3A_358 = arith.constant 0 : i32
          %parallel_loop3A_359 = arith.cmpi sgt, %parallel_loop3A_349, %parallel_loop3A_358 : i32
          %parallel_loop3A_360 = arith.extui %parallel_loop3A_359 : i1 to i32
          %parallel_loop3A_361 = arith.constant 0 : i32
          %parallel_loop3A_362 = arith.cmpi slt, %parallel_loop3A_349, %parallel_loop3A_361 : i32
          %parallel_loop3A_363 = arith.extui %parallel_loop3A_362 : i1 to i32
          %parallel_loop3A_364 = arith.subi %parallel_loop3A_360, %parallel_loop3A_363 : i32
          %parallel_loop3A_365 = arith.cmpi ne, %parallel_loop3A_357, %parallel_loop3A_364 : i32
          %parallel_loop3A_366 = arith.remsi %parallel_loop3A_346, %parallel_loop3A_349 : i32
          %parallel_loop3A_367 = arith.constant 0 : i32
          %parallel_loop3A_368 = arith.cmpi ne, %parallel_loop3A_366, %parallel_loop3A_367 : i32
          %parallel_loop3A_369 = arith.andi %parallel_loop3A_365, %parallel_loop3A_368 : i1
          %parallel_loop3A_370 = arith.constant 1 : i32
          %parallel_loop3A_371 = arith.subi %parallel_loop3A_350, %parallel_loop3A_370 : i32
          %parallel_loop3A_372 = arith.select %parallel_loop3A_369, %parallel_loop3A_371, %parallel_loop3A_350 : i32
          %parallel_loop3A_373 = arith.constant 8 : i32
          %parallel_loop3A_374 = arith.constant 0 : i32
          %parallel_loop3A_375 = arith.cmpi eq, %parallel_loop3A_373, %parallel_loop3A_374 : i32
          %parallel_loop3A_376 = arith.constant 1 : i32
          %parallel_loop3A_377 = arith.select %parallel_loop3A_375, %parallel_loop3A_376, %parallel_loop3A_373 : i32
          %parallel_loop3A_378 = arith.remsi %parallel_loop3A_346, %parallel_loop3A_377 : i32
          %parallel_loop3A_379 = arith.constant 0 : i32
          %parallel_loop3A_380 = arith.cmpi ne, %parallel_loop3A_378, %parallel_loop3A_379 : i32
          %parallel_loop3A_381 = arith.constant 0 : i32
          %parallel_loop3A_382 = arith.cmpi slt, %parallel_loop3A_378, %parallel_loop3A_381 : i32
          %parallel_loop3A_383 = arith.constant 0 : i32
          %parallel_loop3A_384 = arith.cmpi slt, %parallel_loop3A_377, %parallel_loop3A_383 : i32
          %parallel_loop3A_385 = arith.xori %parallel_loop3A_382, %parallel_loop3A_384 : i1
          %parallel_loop3A_386 = arith.andi %parallel_loop3A_385, %parallel_loop3A_380 : i1
          %parallel_loop3A_387 = arith.addi %parallel_loop3A_378, %parallel_loop3A_377 : i32
          %parallel_loop3A_388 = arith.select %parallel_loop3A_386, %parallel_loop3A_387, %parallel_loop3A_378 : i32
          %parallel_loop3A_389 = arith.constant 0 : i32
          %parallel_loop3A_390 = arith.constant 0 : i32
          %parallel_loop3A_391 = arith.constant 0 : i32
          %parallel_loop3A_392 = arith.constant 0 : i32
          %parallel_loop3A_393 = tpu.memref_slice %arg6[%parallel_loop3A_225, %parallel_loop3A_389, %parallel_loop3A_390, %parallel_loop3A_391, %parallel_loop3A_392] : memref<2x4x4x8x128xf32, #tpu.memory_space<vmem>> -> memref<1x4x4x8x128xf32, #tpu.memory_space<vmem>>
          %parallel_loop3A_394 = tpu.memref_squeeze %parallel_loop3A_393 : memref<1x4x4x8x128xf32, #tpu.memory_space<vmem>> -> memref<4x4x8x128xf32, #tpu.memory_space<vmem>>
          %parallel_loop3A_395 = arith.index_cast %parallel_loop3A_372 : i32 to index
          %parallel_loop3A_396 = arith.index_cast %parallel_loop3A_324 : i32 to index
          %parallel_loop3A_397 = arith.index_cast %parallel_loop3A_388 : i32 to index
          %parallel_loop3A_398 = arith.index_cast %parallel_loop3A_342 : i32 to index
          %parallel_loop3A_399 = tpu.vector_load %parallel_loop3A_394[%parallel_loop3A_395, %parallel_loop3A_396, %parallel_loop3A_397, %parallel_loop3A_398] {strides = array<i32>} : memref<4x4x8x128xf32, #tpu.memory_space<vmem>>, vector<16xf32>,
          tpu.vector_store %parallel_loop3A_394[%parallel_loop3A_395, %parallel_loop3A_396, %parallel_loop3A_397, %parallel_loop3A_398], %parallel_loop3A_348 {strides = array<i32>} : memref<4x4x8x128xf32, #tpu.memory_space<vmem>>, vector<16xf32>,
        } {sc.loop_unroll_factor = 8 : i64, sc.parallel_access}
      } {sc.loop_unroll_factor = 4 : i64, sc.parallel_access}
      %add3A_226 = arith.constant 0 : i32
      %add3A_227 = arith.addi %add3A_216, %add3A_226 : i32
      %mul3A_228 = arith.constant 4 : i32
      %mul3A_229 = arith.muli %add3A, %mul3A_228 : i32
      %dma_start3A_230 = arith.constant 0 : i32
      %dma_start3A_231 = arith.constant 0 : i32
      %dma_start3A_232 = arith.constant 0 : i32
      %dma_start3A_233 = arith.constant 0 : i32
      %dma_start3A_234 = arith.constant 0 : i32
      %dma_start3A_235 = tpu.memref_slice %arg6[%dma_start3A_230, %dma_start3A_231, %dma_start3A_232, %dma_start3A_233, %dma_start3A_234] : memref<2x4x4x8x128xf32, #tpu.memory_space<vmem>> -> memref<1x4x4x8x128xf32, #tpu.memory_space<vmem>>
      %dma_start3A_236 = tpu.memref_squeeze %dma_start3A_235 : memref<1x4x4x8x128xf32, #tpu.memory_space<vmem>> -> memref<4x4x8x128xf32, #tpu.memory_space<vmem>>
      %dma_start3A_237 = arith.constant 0 : i32
      %dma_start3A_238 = arith.constant 0 : i32
      %dma_start3A_239 = arith.constant 0 : i32
      %dma_start3A_240 = tpu.memref_slice %arg4[%add3A_227, %dma_start3A_237, %mul3A_229, %dma_start3A_238, %dma_start3A_239] : memref<200x4x128x8x128xf32, #tpu.memory_space<hbm>> -> memref<1x4x4x8x128xf32, #tpu.memory_space<hbm>>
      %dma_start3A_241 = tpu.memref_squeeze %dma_start3A_240 : memref<1x4x4x8x128xf32, #tpu.memory_space<hbm>> -> memref<4x4x8x128xf32, #tpu.memory_space<hbm>>
      %dma_start3A_242 = arith.constant 0 : i32
      %dma_start3A_243 = arith.constant 0 : i32
      %dma_start3A_244 = arith.constant 0 : i32
      %dma_start3A_245 = tpu.memref_slice %arg4[%add3A_227, %dma_start3A_242, %mul3A_229, %dma_start3A_243, %dma_start3A_244] : memref<200x4x128x8x128xf32, #tpu.memory_space<hbm>> -> memref<1x4x4x8x128xf32, #tpu.memory_space<hbm>>
      %dma_start3A_246 = tpu.memref_squeeze %dma_start3A_245 : memref<1x4x4x8x128xf32, #tpu.memory_space<hbm>> -> memref<4x4x8x128xf32, #tpu.memory_space<hbm>>
      %dma_start3A_247 = arith.constant 0 : i32
      %dma_start3A_248 = arith.constant 0 : i32
      %dma_start3A_249 = arith.constant 0 : i32
      %dma_start3A_250 = arith.constant 0 : i32
      %dma_start3A_251 = tpu.memref_slice %arg6[%dma_start3A_230, %dma_start3A_247, %dma_start3A_248, %dma_start3A_249, %dma_start3A_250] : memref<2x4x4x8x128xf32, #tpu.memory_space<vmem>> -> memref<1x4x4x8x128xf32, #tpu.memory_space<vmem>>
      %dma_start3A_252 = tpu.memref_squeeze %dma_start3A_251 : memref<1x4x4x8x128xf32, #tpu.memory_space<vmem>> -> memref<4x4x8x128xf32, #tpu.memory_space<vmem>>
      tpu.enqueue_dma source(%dma_start3A_252 : memref<4x4x8x128xf32, #tpu.memory_space<vmem>>) target(%dma_start3A_246 : memref<4x4x8x128xf32, #tpu.memory_space<hbm>>) target_semaphore(%arg10 : memref<!tpu.dma_semaphore, #tpu.memory_space<semaphore_mem>>)
      %gt3A_253 = arith.constant 0 : i32
      %gt3A_254 = arith.cmpi sgt, %scan3A_212, %gt3A_253 : i32
      %convert_element_type3A_255 = arith.extui %gt3A_254 : i1 to i32
      %cond3A_256 = arith.constant 0 : i32
      %cond3A_257 = arith.cmpi ne, %convert_element_type3A_255, %cond3A_256 : i32
      scf.if %cond3A_257 {
        %mul3A_293 = arith.constant 4 : i32
        %mul3A_294 = arith.muli %add3A, %mul3A_293 : i32
        %dma_wait3A_295 = arith.constant 1 : i32
        %dma_wait3A_296 = arith.constant 0 : i32
        %dma_wait3A_297 = arith.constant 0 : i32
        %dma_wait3A_298 = arith.constant 0 : i32
        %dma_wait3A_299 = arith.constant 0 : i32
        %dma_wait3A_300 = arith.constant 0 : i32
        %dma_wait3A_301 = tpu.memref_slice %arg6[%dma_wait3A_295, %dma_wait3A_297, %dma_wait3A_298, %dma_wait3A_299, %dma_wait3A_300] : memref<2x4x4x8x128xf32, #tpu.memory_space<vmem>> -> memref<1x4x4x8x128xf32, #tpu.memory_space<vmem>>
        %dma_wait3A_302 = tpu.memref_squeeze %dma_wait3A_301 : memref<1x4x4x8x128xf32, #tpu.memory_space<vmem>> -> memref<4x4x8x128xf32, #tpu.memory_space<vmem>>
        %dma_wait3A_303 = arith.constant 0 : i32
        %dma_wait3A_304 = arith.constant 0 : i32
        %dma_wait3A_305 = arith.constant 0 : i32
        %dma_wait3A_306 = tpu.memref_slice %arg4[%dma_wait3A_296, %dma_wait3A_303, %mul3A_294, %dma_wait3A_304, %dma_wait3A_305] : memref<200x4x128x8x128xf32, #tpu.memory_space<hbm>> -> memref<1x4x4x8x128xf32, #tpu.memory_space<hbm>>
        %dma_wait3A_307 = tpu.memref_squeeze %dma_wait3A_306 : memref<1x4x4x8x128xf32, #tpu.memory_space<hbm>> -> memref<4x4x8x128xf32, #tpu.memory_space<hbm>>
        %dma_wait3A_308 = arith.constant 0 : i32
        %dma_wait3A_309 = arith.constant 0 : i32
        %dma_wait3A_310 = arith.constant 0 : i32
        %dma_wait3A_311 = tpu.memref_slice %arg4[%dma_wait3A_296, %dma_wait3A_308, %mul3A_294, %dma_wait3A_309, %dma_wait3A_310] : memref<200x4x128x8x128xf32, #tpu.memory_space<hbm>> -> memref<1x4x4x8x128xf32, #tpu.memory_space<hbm>>
        %dma_wait3A_312 = tpu.memref_squeeze %dma_wait3A_311 : memref<1x4x4x8x128xf32, #tpu.memory_space<hbm>> -> memref<4x4x8x128xf32, #tpu.memory_space<hbm>>
        %dma_wait3A_313 = arith.constant 0 : i32
        %dma_wait3A_314 = arith.constant 0 : i32
        %dma_wait3A_315 = arith.constant 0 : i32
        %dma_wait3A_316 = arith.constant 0 : i32
        %dma_wait3A_317 = tpu.memref_slice %arg6[%dma_wait3A_295, %dma_wait3A_313, %dma_wait3A_314, %dma_wait3A_315, %dma_wait3A_316] : memref<2x4x4x8x128xf32, #tpu.memory_space<vmem>> -> memref<1x4x4x8x128xf32, #tpu.memory_space<vmem>>
        %dma_wait3A_318 = tpu.memref_squeeze %dma_wait3A_317 : memref<1x4x4x8x128xf32, #tpu.memory_space<vmem>> -> memref<4x4x8x128xf32, #tpu.memory_space<vmem>>
        tpu.wait_dma2 semaphore(%arg11 : memref<!tpu.dma_semaphore, #tpu.memory_space<semaphore_mem>>) src(%dma_wait3A_318 : memref<4x4x8x128xf32, #tpu.memory_space<vmem>>) dst(%dma_wait3A_312 : memref<4x4x8x128xf32, #tpu.memory_space<hbm>>)
      } else {
      }
      %mul3A_258 = arith.constant 2 : i32
      %mul3A_259 = arith.muli %mul3A_258, %scan3A_212 : i32
      %add3A_260 = arith.constant 1 : i32
      %add3A_261 = arith.addi %mul3A_259, %add3A_260 : i32
      %parallel_loop3A_262 = arith.constant 0 : i32
      %parallel_loop3A_263 = arith.constant 32 : i32
      %parallel_loop3A_264 = arith.constant 1 : i32
      %parallel_loop3A_265 = arith.constant 1 : i32
      scf.for %parallel_loop3A_293 = %parallel_loop3A_262 to %parallel_loop3A_263 step %parallel_loop3A_264  : i32 {
        %parallel_loop3A_294 = arith.constant 16 : i32
        %parallel_loop3A_295 = arith.muli %parallel_loop3A_293, %parallel_loop3A_294 : i32
        %parallel_loop3A_296 = arith.constant 0 : i32
        %parallel_loop3A_297 = arith.index_cast %parallel_loop3A_296 : i32 to index
        %parallel_loop3A_298 = arith.index_cast %add3A_261 : i32 to index
        %parallel_loop3A_299 = arith.index_cast %parallel_loop3A_295 : i32 to index
        %parallel_loop3A_300 = tpu.vector_load %arg5[%parallel_loop3A_297, %parallel_loop3A_298, %parallel_loop3A_299] {strides = array<i32>} : memref<2x40x512xi32, #tpu.memory_space<vmem>>, vector<16xi32>,
        %parallel_loop3A_301 = arith.constant 8 : i32
        %parallel_loop3A_302 = arith.divsi %parallel_loop3A_293, %parallel_loop3A_301 : i32
        %parallel_loop3A_303 = arith.constant 0 : i32
        %parallel_loop3A_304 = arith.cmpi sgt, %parallel_loop3A_293, %parallel_loop3A_303 : i32
        %parallel_loop3A_305 = arith.extui %parallel_loop3A_304 : i1 to i32
        %parallel_loop3A_306 = arith.constant 0 : i32
        %parallel_loop3A_307 = arith.cmpi slt, %parallel_loop3A_293, %parallel_loop3A_306 : i32
        %parallel_loop3A_308 = arith.extui %parallel_loop3A_307 : i1 to i32
        %parallel_loop3A_309 = arith.subi %parallel_loop3A_305, %parallel_loop3A_308 : i32
        %parallel_loop3A_310 = arith.constant 0 : i32
        %parallel_loop3A_311 = arith.cmpi sgt, %parallel_loop3A_301, %parallel_loop3A_310 : i32
        %parallel_loop3A_312 = arith.extui %parallel_loop3A_311 : i1 to i32
        %parallel_loop3A_313 = arith.constant 0 : i32
        %parallel_loop3A_314 = arith.cmpi slt, %parallel_loop3A_301, %parallel_loop3A_313 : i32
        %parallel_loop3A_315 = arith.extui %parallel_loop3A_314 : i1 to i32
        %parallel_loop3A_316 = arith.subi %parallel_loop3A_312, %parallel_loop3A_315 : i32
        %parallel_loop3A_317 = arith.cmpi ne, %parallel_loop3A_309, %parallel_loop3A_316 : i32
        %parallel_loop3A_318 = arith.remsi %parallel_loop3A_293, %parallel_loop3A_301 : i32
        %parallel_loop3A_319 = arith.constant 0 : i32
        %parallel_loop3A_320 = arith.cmpi ne, %parallel_loop3A_318, %parallel_loop3A_319 : i32
        %parallel_loop3A_321 = arith.andi %parallel_loop3A_317, %parallel_loop3A_320 : i1
        %parallel_loop3A_322 = arith.constant 1 : i32
        %parallel_loop3A_323 = arith.subi %parallel_loop3A_302, %parallel_loop3A_322 : i32
        %parallel_loop3A_324 = arith.select %parallel_loop3A_321, %parallel_loop3A_323, %parallel_loop3A_302 : i32
        %parallel_loop3A_325 = arith.constant 8 : i32
        %parallel_loop3A_326 = arith.constant 0 : i32
        %parallel_loop3A_327 = arith.cmpi eq, %parallel_loop3A_325, %parallel_loop3A_326 : i32
        %parallel_loop3A_328 = arith.constant 1 : i32
        %parallel_loop3A_329 = arith.select %parallel_loop3A_327, %parallel_loop3A_328, %parallel_loop3A_325 : i32
        %parallel_loop3A_330 = arith.remsi %parallel_loop3A_293, %parallel_loop3A_329 : i32
        %parallel_loop3A_331 = arith.constant 0 : i32
        %parallel_loop3A_332 = arith.cmpi ne, %parallel_loop3A_330, %parallel_loop3A_331 : i32
        %parallel_loop3A_333 = arith.constant 0 : i32
        %parallel_loop3A_334 = arith.cmpi slt, %parallel_loop3A_330, %parallel_loop3A_333 : i32
        %parallel_loop3A_335 = arith.constant 0 : i32
        %parallel_loop3A_336 = arith.cmpi slt, %parallel_loop3A_329, %parallel_loop3A_335 : i32
        %parallel_loop3A_337 = arith.xori %parallel_loop3A_334, %parallel_loop3A_336 : i1
        %parallel_loop3A_338 = arith.andi %parallel_loop3A_337, %parallel_loop3A_332 : i1
        %parallel_loop3A_339 = arith.addi %parallel_loop3A_330, %parallel_loop3A_329 : i32
        %parallel_loop3A_340 = arith.select %parallel_loop3A_338, %parallel_loop3A_339, %parallel_loop3A_330 : i32
        %parallel_loop3A_341 = arith.constant 16 : i32
        %parallel_loop3A_342 = arith.muli %parallel_loop3A_340, %parallel_loop3A_341 : i32
        %parallel_loop3A_343 = arith.constant 0 : i32
        %parallel_loop3A_344 = arith.constant 32 : i32
        %parallel_loop3A_345 = arith.constant 1 : i32
        scf.for %parallel_loop3A_346 = %parallel_loop3A_343 to %parallel_loop3A_344 step %parallel_loop3A_345  : i32 {
          %parallel_loop3A_347 = vector.broadcast %parallel_loop3A_346 : i32 to vector<16xi32>
          %parallel_loop3A_348 = tpu.vector_load_idx %arg7[%parallel_loop3A_347, %parallel_loop3A_300] : memref<32x150xf32, #tpu.memory_space<vmem>>[vector<16xi32>, vector<16xi32>], vector<16xf32>,
          %parallel_loop3A_349 = arith.constant 8 : i32
          %parallel_loop3A_350 = arith.divsi %parallel_loop3A_346, %parallel_loop3A_349 : i32
          %parallel_loop3A_351 = arith.constant 0 : i32
          %parallel_loop3A_352 = arith.cmpi sgt, %parallel_loop3A_346, %parallel_loop3A_351 : i32
          %parallel_loop3A_353 = arith.extui %parallel_loop3A_352 : i1 to i32
          %parallel_loop3A_354 = arith.constant 0 : i32
          %parallel_loop3A_355 = arith.cmpi slt, %parallel_loop3A_346, %parallel_loop3A_354 : i32
          %parallel_loop3A_356 = arith.extui %parallel_loop3A_355 : i1 to i32
          %parallel_loop3A_357 = arith.subi %parallel_loop3A_353, %parallel_loop3A_356 : i32
          %parallel_loop3A_358 = arith.constant 0 : i32
          %parallel_loop3A_359 = arith.cmpi sgt, %parallel_loop3A_349, %parallel_loop3A_358 : i32
          %parallel_loop3A_360 = arith.extui %parallel_loop3A_359 : i1 to i32
          %parallel_loop3A_361 = arith.constant 0 : i32
          %parallel_loop3A_362 = arith.cmpi slt, %parallel_loop3A_349, %parallel_loop3A_361 : i32
          %parallel_loop3A_363 = arith.extui %parallel_loop3A_362 : i1 to i32
          %parallel_loop3A_364 = arith.subi %parallel_loop3A_360, %parallel_loop3A_363 : i32
          %parallel_loop3A_365 = arith.cmpi ne, %parallel_loop3A_357, %parallel_loop3A_364 : i32
          %parallel_loop3A_366 = arith.remsi %parallel_loop3A_346, %parallel_loop3A_349 : i32
          %parallel_loop3A_367 = arith.constant 0 : i32
          %parallel_loop3A_368 = arith.cmpi ne, %parallel_loop3A_366, %parallel_loop3A_367 : i32
          %parallel_loop3A_369 = arith.andi %parallel_loop3A_365, %parallel_loop3A_368 : i1
          %parallel_loop3A_370 = arith.constant 1 : i32
          %parallel_loop3A_371 = arith.subi %parallel_loop3A_350, %parallel_loop3A_370 : i32
          %parallel_loop3A_372 = arith.select %parallel_loop3A_369, %parallel_loop3A_371, %parallel_loop3A_350 : i32
          %parallel_loop3A_373 = arith.constant 8 : i32
          %parallel_loop3A_374 = arith.constant 0 : i32
          %parallel_loop3A_375 = arith.cmpi eq, %parallel_loop3A_373, %parallel_loop3A_374 : i32
          %parallel_loop3A_376 = arith.constant 1 : i32
          %parallel_loop3A_377 = arith.select %parallel_loop3A_375, %parallel_loop3A_376, %parallel_loop3A_373 : i32
          %parallel_loop3A_378 = arith.remsi %parallel_loop3A_346, %parallel_loop3A_377 : i32
          %parallel_loop3A_379 = arith.constant 0 : i32
          %parallel_loop3A_380 = arith.cmpi ne, %parallel_loop3A_378, %parallel_loop3A_379 : i32
          %parallel_loop3A_381 = arith.constant 0 : i32
          %parallel_loop3A_382 = arith.cmpi slt, %parallel_loop3A_378, %parallel_loop3A_381 : i32
          %parallel_loop3A_383 = arith.constant 0 : i32
          %parallel_loop3A_384 = arith.cmpi slt, %parallel_loop3A_377, %parallel_loop3A_383 : i32
          %parallel_loop3A_385 = arith.xori %parallel_loop3A_382, %parallel_loop3A_384 : i1
          %parallel_loop3A_386 = arith.andi %parallel_loop3A_385, %parallel_loop3A_380 : i1
          %parallel_loop3A_387 = arith.addi %parallel_loop3A_378, %parallel_loop3A_377 : i32
          %parallel_loop3A_388 = arith.select %parallel_loop3A_386, %parallel_loop3A_387, %parallel_loop3A_378 : i32
          %parallel_loop3A_389 = arith.constant 0 : i32
          %parallel_loop3A_390 = arith.constant 0 : i32
          %parallel_loop3A_391 = arith.constant 0 : i32
          %parallel_loop3A_392 = arith.constant 0 : i32
          %parallel_loop3A_393 = tpu.memref_slice %arg6[%parallel_loop3A_265, %parallel_loop3A_389, %parallel_loop3A_390, %parallel_loop3A_391, %parallel_loop3A_392] : memref<2x4x4x8x128xf32, #tpu.memory_space<vmem>> -> memref<1x4x4x8x128xf32, #tpu.memory_space<vmem>>
          %parallel_loop3A_394 = tpu.memref_squeeze %parallel_loop3A_393 : memref<1x4x4x8x128xf32, #tpu.memory_space<vmem>> -> memref<4x4x8x128xf32, #tpu.memory_space<vmem>>
          %parallel_loop3A_395 = arith.index_cast %parallel_loop3A_372 : i32 to index
          %parallel_loop3A_396 = arith.index_cast %parallel_loop3A_324 : i32 to index
          %parallel_loop3A_397 = arith.index_cast %parallel_loop3A_388 : i32 to index
          %parallel_loop3A_398 = arith.index_cast %parallel_loop3A_342 : i32 to index
          %parallel_loop3A_399 = tpu.vector_load %parallel_loop3A_394[%parallel_loop3A_395, %parallel_loop3A_396, %parallel_loop3A_397, %parallel_loop3A_398] {strides = array<i32>} : memref<4x4x8x128xf32, #tpu.memory_space<vmem>>, vector<16xf32>,
          tpu.vector_store %parallel_loop3A_394[%parallel_loop3A_395, %parallel_loop3A_396, %parallel_loop3A_397, %parallel_loop3A_398], %parallel_loop3A_348 {strides = array<i32>} : memref<4x4x8x128xf32, #tpu.memory_space<vmem>>, vector<16xf32>,
        } {sc.loop_unroll_factor = 8 : i64, sc.parallel_access}
      } {sc.loop_unroll_factor = 4 : i64, sc.parallel_access}
      %add3A_266 = arith.constant 1 : i32
      %add3A_267 = arith.addi %add3A_216, %add3A_266 : i32
      %mul3A_268 = arith.constant 4 : i32
      %mul3A_269 = arith.muli %add3A, %mul3A_268 : i32
      %dma_start3A_270 = arith.constant 1 : i32
      %dma_start3A_271 = arith.constant 0 : i32
      %dma_start3A_272 = arith.constant 0 : i32
      %dma_start3A_273 = arith.constant 0 : i32
      %dma_start3A_274 = arith.constant 0 : i32
      %dma_start3A_275 = tpu.memref_slice %arg6[%dma_start3A_270, %dma_start3A_271, %dma_start3A_272, %dma_start3A_273, %dma_start3A_274] : memref<2x4x4x8x128xf32, #tpu.memory_space<vmem>> -> memref<1x4x4x8x128xf32, #tpu.memory_space<vmem>>
      %dma_start3A_276 = tpu.memref_squeeze %dma_start3A_275 : memref<1x4x4x8x128xf32, #tpu.memory_space<vmem>> -> memref<4x4x8x128xf32, #tpu.memory_space<vmem>>
      %dma_start3A_277 = arith.constant 0 : i32
      %dma_start3A_278 = arith.constant 0 : i32
      %dma_start3A_279 = arith.constant 0 : i32
      %dma_start3A_280 = tpu.memref_slice %arg4[%add3A_267, %dma_start3A_277, %mul3A_269, %dma_start3A_278, %dma_start3A_279] : memref<200x4x128x8x128xf32, #tpu.memory_space<hbm>> -> memref<1x4x4x8x128xf32, #tpu.memory_space<hbm>>
      %dma_start3A_281 = tpu.memref_squeeze %dma_start3A_280 : memref<1x4x4x8x128xf32, #tpu.memory_space<hbm>> -> memref<4x4x8x128xf32, #tpu.memory_space<hbm>>
      %dma_start3A_282 = arith.constant 0 : i32
      %dma_start3A_283 = arith.constant 0 : i32
      %dma_start3A_284 = arith.constant 0 : i32
      %dma_start3A_285 = tpu.memref_slice %arg4[%add3A_267, %dma_start3A_282, %mul3A_269, %dma_start3A_283, %dma_start3A_284] : memref<200x4x128x8x128xf32, #tpu.memory_space<hbm>> -> memref<1x4x4x8x128xf32, #tpu.memory_space<hbm>>
      %dma_start3A_286 = tpu.memref_squeeze %dma_start3A_285 : memref<1x4x4x8x128xf32, #tpu.memory_space<hbm>> -> memref<4x4x8x128xf32, #tpu.memory_space<hbm>>
      %dma_start3A_287 = arith.constant 0 : i32
      %dma_start3A_288 = arith.constant 0 : i32
      %dma_start3A_289 = arith.constant 0 : i32
      %dma_start3A_290 = arith.constant 0 : i32
      %dma_start3A_291 = tpu.memref_slice %arg6[%dma_start3A_270, %dma_start3A_287, %dma_start3A_288, %dma_start3A_289, %dma_start3A_290] : memref<2x4x4x8x128xf32, #tpu.memory_space<vmem>> -> memref<1x4x4x8x128xf32, #tpu.memory_space<vmem>>
      %dma_start3A_292 = tpu.memref_squeeze %dma_start3A_291 : memref<1x4x4x8x128xf32, #tpu.memory_space<vmem>> -> memref<4x4x8x128xf32, #tpu.memory_space<vmem>>
      tpu.enqueue_dma source(%dma_start3A_292 : memref<4x4x8x128xf32, #tpu.memory_space<vmem>>) target(%dma_start3A_286 : memref<4x4x8x128xf32, #tpu.memory_space<hbm>>) target_semaphore(%arg11 : memref<!tpu.dma_semaphore, #tpu.memory_space<semaphore_mem>>)
    }
    %scan3A_44 = arith.constant 20 : i32
    %dma_wait3A_45 = arith.constant 1 : i32
    %dma_wait3A_46 = arith.constant 0 : i32
    %dma_wait3A_47 = arith.constant 0 : i32
    %dma_wait3A_48 = tpu.memref_slice %arg5[%dma_wait3A_45, %dma_wait3A_46, %dma_wait3A_47] : memref<2x40x512xi32, #tpu.memory_space<vmem>> -> memref<1x40x512xi32, #tpu.memory_space<vmem>>
    %dma_wait3A_49 = tpu.memref_squeeze %dma_wait3A_48 : memref<1x40x512xi32, #tpu.memory_space<vmem>> -> memref<40x512xi32, #tpu.memory_space<vmem>>
    %dma_wait3A_50 = arith.constant 0 : i32
    %dma_wait3A_51 = tpu.memref_slice %arg2[%dma_wait3A_50, %mul3A_2] : memref<200x16384xi32, #tpu.memory_space<hbm>> -> memref<40x512xi32, #tpu.memory_space<hbm>>
    %dma_wait3A_52 = arith.constant 0 : i32
    %dma_wait3A_53 = arith.constant 0 : i32
    %dma_wait3A_54 = tpu.memref_slice %arg5[%dma_wait3A_45, %dma_wait3A_52, %dma_wait3A_53] : memref<2x40x512xi32, #tpu.memory_space<vmem>> -> memref<1x40x512xi32, #tpu.memory_space<vmem>>
    %dma_wait3A_55 = tpu.memref_squeeze %dma_wait3A_54 : memref<1x40x512xi32, #tpu.memory_space<vmem>> -> memref<40x512xi32, #tpu.memory_space<vmem>>
    %dma_wait3A_56 = arith.constant 0 : i32
    %dma_wait3A_57 = tpu.memref_slice %arg2[%dma_wait3A_56, %mul3A_2] : memref<200x16384xi32, #tpu.memory_space<hbm>> -> memref<40x512xi32, #tpu.memory_space<hbm>>
    tpu.wait_dma2 semaphore(%arg9 : memref<!tpu.dma_semaphore, #tpu.memory_space<semaphore_mem>>) src(%dma_wait3A_57 : memref<40x512xi32, #tpu.memory_space<hbm>>) dst(%dma_wait3A_55 : memref<40x512xi32, #tpu.memory_space<vmem>>)
    %dma_start3A_58 = arith.constant 0 : i32
    %dma_start3A_59 = arith.constant 0 : i32
    %dma_start3A_60 = arith.constant 0 : i32
    %dma_start3A_61 = tpu.memref_slice %arg5[%dma_start3A_58, %dma_start3A_59, %dma_start3A_60] : memref<2x40x512xi32, #tpu.memory_space<vmem>> -> memref<1x40x512xi32, #tpu.memory_space<vmem>>
    %dma_start3A_62 = tpu.memref_squeeze %dma_start3A_61 : memref<1x40x512xi32, #tpu.memory_space<vmem>> -> memref<40x512xi32, #tpu.memory_space<vmem>>
    %dma_start3A_63 = arith.constant 80 : i32
    %dma_start3A_64 = tpu.memref_slice %arg2[%dma_start3A_63, %mul3A_2] : memref<200x16384xi32, #tpu.memory_space<hbm>> -> memref<40x512xi32, #tpu.memory_space<hbm>>
    %dma_start3A_65 = arith.constant 0 : i32
    %dma_start3A_66 = arith.constant 0 : i32
    %dma_start3A_67 = tpu.memref_slice %arg5[%dma_start3A_58, %dma_start3A_65, %dma_start3A_66] : memref<2x40x512xi32, #tpu.memory_space<vmem>> -> memref<1x40x512xi32, #tpu.memory_space<vmem>>
    %dma_start3A_68 = tpu.memref_squeeze %dma_start3A_67 : memref<1x40x512xi32, #tpu.memory_space<vmem>> -> memref<40x512xi32, #tpu.memory_space<vmem>>
    %dma_start3A_69 = arith.constant 80 : i32
    %dma_start3A_70 = tpu.memref_slice %arg2[%dma_start3A_69, %mul3A_2] : memref<200x16384xi32, #tpu.memory_space<hbm>> -> memref<40x512xi32, #tpu.memory_space<hbm>>
    tpu.enqueue_dma source(%dma_start3A_70 : memref<40x512xi32, #tpu.memory_space<hbm>>) target(%dma_start3A_68 : memref<40x512xi32, #tpu.memory_space<vmem>>) target_semaphore(%arg8 : memref<!tpu.dma_semaphore, #tpu.memory_space<semaphore_mem>>)
    %scan3A_71 = arith.constant 0 : i32
    %scan3A_72 = arith.constant 0 : i32
    %scan3A_73 = arith.constant 20 : i32
    %scan3A_74 = arith.addi %scan3A_72, %scan3A_73 : i32
    %scan3A_75 = arith.constant 1 : i32
    scf.for %scan3A_212 = %scan3A_72 to %scan3A_74 step %scan3A_75  : i32 {
      %mul3A_213 = arith.constant 2 : i32
      %mul3A_214 = arith.muli %mul3A_213, %scan3A_212 : i32
      %add3A_215 = arith.constant 40 : i32
      %add3A_216 = arith.addi %add3A_215, %mul3A_214 : i32
      %mul3A_217 = arith.constant 4 : i32
      %mul3A_218 = arith.muli %add3A, %mul3A_217 : i32
      %dma_wait3A_219 = arith.constant 0 : i32
      %dma_wait3A_220 = arith.constant 0 : i32
      %dma_wait3A_221 = arith.constant 0 : i32
      %dma_wait3A_222 = arith.constant 0 : i32
      %dma_wait3A_223 = arith.constant 0 : i32
      %dma_wait3A_224 = arith.constant 0 : i32
      %dma_wait3A_225 = tpu.memref_slice %arg6[%dma_wait3A_219, %dma_wait3A_221, %dma_wait3A_222, %dma_wait3A_223, %dma_wait3A_224] : memref<2x4x4x8x128xf32, #tpu.memory_space<vmem>> -> memref<1x4x4x8x128xf32, #tpu.memory_space<vmem>>
      %dma_wait3A_226 = tpu.memref_squeeze %dma_wait3A_225 : memref<1x4x4x8x128xf32, #tpu.memory_space<vmem>> -> memref<4x4x8x128xf32, #tpu.memory_space<vmem>>
      %dma_wait3A_227 = arith.constant 0 : i32
      %dma_wait3A_228 = arith.constant 0 : i32
      %dma_wait3A_229 = arith.constant 0 : i32
      %dma_wait3A_230 = tpu.memref_slice %arg4[%dma_wait3A_220, %dma_wait3A_227, %mul3A_218, %dma_wait3A_228, %dma_wait3A_229] : memref<200x4x128x8x128xf32, #tpu.memory_space<hbm>> -> memref<1x4x4x8x128xf32, #tpu.memory_space<hbm>>
      %dma_wait3A_231 = tpu.memref_squeeze %dma_wait3A_230 : memref<1x4x4x8x128xf32, #tpu.memory_space<hbm>> -> memref<4x4x8x128xf32, #tpu.memory_space<hbm>>
      %dma_wait3A_232 = arith.constant 0 : i32
      %dma_wait3A_233 = arith.constant 0 : i32
      %dma_wait3A_234 = arith.constant 0 : i32
      %dma_wait3A_235 = tpu.memref_slice %arg4[%dma_wait3A_220, %dma_wait3A_232, %mul3A_218, %dma_wait3A_233, %dma_wait3A_234] : memref<200x4x128x8x128xf32, #tpu.memory_space<hbm>> -> memref<1x4x4x8x128xf32, #tpu.memory_space<hbm>>
      %dma_wait3A_236 = tpu.memref_squeeze %dma_wait3A_235 : memref<1x4x4x8x128xf32, #tpu.memory_space<hbm>> -> memref<4x4x8x128xf32, #tpu.memory_space<hbm>>
      %dma_wait3A_237 = arith.constant 0 : i32
      %dma_wait3A_238 = arith.constant 0 : i32
      %dma_wait3A_239 = arith.constant 0 : i32
      %dma_wait3A_240 = arith.constant 0 : i32
      %dma_wait3A_241 = tpu.memref_slice %arg6[%dma_wait3A_219, %dma_wait3A_237, %dma_wait3A_238, %dma_wait3A_239, %dma_wait3A_240] : memref<2x4x4x8x128xf32, #tpu.memory_space<vmem>> -> memref<1x4x4x8x128xf32, #tpu.memory_space<vmem>>
      %dma_wait3A_242 = tpu.memref_squeeze %dma_wait3A_241 : memref<1x4x4x8x128xf32, #tpu.memory_space<vmem>> -> memref<4x4x8x128xf32, #tpu.memory_space<vmem>>
      tpu.wait_dma2 semaphore(%arg10 : memref<!tpu.dma_semaphore, #tpu.memory_space<semaphore_mem>>) src(%dma_wait3A_242 : memref<4x4x8x128xf32, #tpu.memory_space<vmem>>) dst(%dma_wait3A_236 : memref<4x4x8x128xf32, #tpu.memory_space<hbm>>)
      %mul3A_243 = arith.constant 2 : i32
      %mul3A_244 = arith.muli %mul3A_243, %scan3A_212 : i32
      %add3A_245 = arith.constant 0 : i32
      %add3A_246 = arith.addi %mul3A_244, %add3A_245 : i32
      %parallel_loop3A = arith.constant 0 : i32
      %parallel_loop3A_247 = arith.constant 32 : i32
      %parallel_loop3A_248 = arith.constant 1 : i32
      %parallel_loop3A_249 = arith.constant 0 : i32
      scf.for %parallel_loop3A_338 = %parallel_loop3A to %parallel_loop3A_247 step %parallel_loop3A_248  : i32 {
        %parallel_loop3A_339 = arith.constant 16 : i32
        %parallel_loop3A_340 = arith.muli %parallel_loop3A_338, %parallel_loop3A_339 : i32
        %parallel_loop3A_341 = arith.constant 1 : i32
        %parallel_loop3A_342 = arith.index_cast %parallel_loop3A_341 : i32 to index
        %parallel_loop3A_343 = arith.index_cast %add3A_246 : i32 to index
        %parallel_loop3A_344 = arith.index_cast %parallel_loop3A_340 : i32 to index
        %parallel_loop3A_345 = tpu.vector_load %arg5[%parallel_loop3A_342, %parallel_loop3A_343, %parallel_loop3A_344] {strides = array<i32>} : memref<2x40x512xi32, #tpu.memory_space<vmem>>, vector<16xi32>,
        %parallel_loop3A_346 = arith.constant 8 : i32
        %parallel_loop3A_347 = arith.divsi %parallel_loop3A_338, %parallel_loop3A_346 : i32
        %parallel_loop3A_348 = arith.constant 0 : i32
        %parallel_loop3A_349 = arith.cmpi sgt, %parallel_loop3A_338, %parallel_loop3A_348 : i32
        %parallel_loop3A_350 = arith.extui %parallel_loop3A_349 : i1 to i32
        %parallel_loop3A_351 = arith.constant 0 : i32
        %parallel_loop3A_352 = arith.cmpi slt, %parallel_loop3A_338, %parallel_loop3A_351 : i32
        %parallel_loop3A_353 = arith.extui %parallel_loop3A_352 : i1 to i32
        %parallel_loop3A_354 = arith.subi %parallel_loop3A_350, %parallel_loop3A_353 : i32
        %parallel_loop3A_355 = arith.constant 0 : i32
        %parallel_loop3A_356 = arith.cmpi sgt, %parallel_loop3A_346, %parallel_loop3A_355 : i32
        %parallel_loop3A_357 = arith.extui %parallel_loop3A_356 : i1 to i32
        %parallel_loop3A_358 = arith.constant 0 : i32
        %parallel_loop3A_359 = arith.cmpi slt, %parallel_loop3A_346, %parallel_loop3A_358 : i32
        %parallel_loop3A_360 = arith.extui %parallel_loop3A_359 : i1 to i32
        %parallel_loop3A_361 = arith.subi %parallel_loop3A_357, %parallel_loop3A_360 : i32
        %parallel_loop3A_362 = arith.cmpi ne, %parallel_loop3A_354, %parallel_loop3A_361 : i32
        %parallel_loop3A_363 = arith.remsi %parallel_loop3A_338, %parallel_loop3A_346 : i32
        %parallel_loop3A_364 = arith.constant 0 : i32
        %parallel_loop3A_365 = arith.cmpi ne, %parallel_loop3A_363, %parallel_loop3A_364 : i32
        %parallel_loop3A_366 = arith.andi %parallel_loop3A_362, %parallel_loop3A_365 : i1
        %parallel_loop3A_367 = arith.constant 1 : i32
        %parallel_loop3A_368 = arith.subi %parallel_loop3A_347, %parallel_loop3A_367 : i32
        %parallel_loop3A_369 = arith.select %parallel_loop3A_366, %parallel_loop3A_368, %parallel_loop3A_347 : i32
        %parallel_loop3A_370 = arith.constant 8 : i32
        %parallel_loop3A_371 = arith.constant 0 : i32
        %parallel_loop3A_372 = arith.cmpi eq, %parallel_loop3A_370, %parallel_loop3A_371 : i32
        %parallel_loop3A_373 = arith.constant 1 : i32
        %parallel_loop3A_374 = arith.select %parallel_loop3A_372, %parallel_loop3A_373, %parallel_loop3A_370 : i32
        %parallel_loop3A_375 = arith.remsi %parallel_loop3A_338, %parallel_loop3A_374 : i32
        %parallel_loop3A_376 = arith.constant 0 : i32
        %parallel_loop3A_377 = arith.cmpi ne, %parallel_loop3A_375, %parallel_loop3A_376 : i32
        %parallel_loop3A_378 = arith.constant 0 : i32
        %parallel_loop3A_379 = arith.cmpi slt, %parallel_loop3A_375, %parallel_loop3A_378 : i32
        %parallel_loop3A_380 = arith.constant 0 : i32
        %parallel_loop3A_381 = arith.cmpi slt, %parallel_loop3A_374, %parallel_loop3A_380 : i32
        %parallel_loop3A_382 = arith.xori %parallel_loop3A_379, %parallel_loop3A_381 : i1
        %parallel_loop3A_383 = arith.andi %parallel_loop3A_382, %parallel_loop3A_377 : i1
        %parallel_loop3A_384 = arith.addi %parallel_loop3A_375, %parallel_loop3A_374 : i32
        %parallel_loop3A_385 = arith.select %parallel_loop3A_383, %parallel_loop3A_384, %parallel_loop3A_375 : i32
        %parallel_loop3A_386 = arith.constant 16 : i32
        %parallel_loop3A_387 = arith.muli %parallel_loop3A_385, %parallel_loop3A_386 : i32
        %parallel_loop3A_388 = arith.constant 0 : i32
        %parallel_loop3A_389 = arith.constant 32 : i32
        %parallel_loop3A_390 = arith.constant 1 : i32
        scf.for %parallel_loop3A_391 = %parallel_loop3A_388 to %parallel_loop3A_389 step %parallel_loop3A_390  : i32 {
          %parallel_loop3A_392 = vector.broadcast %parallel_loop3A_391 : i32 to vector<16xi32>
          %parallel_loop3A_393 = tpu.vector_load_idx %arg7[%parallel_loop3A_392, %parallel_loop3A_345] : memref<32x150xf32, #tpu.memory_space<vmem>>[vector<16xi32>, vector<16xi32>], vector<16xf32>,
          %parallel_loop3A_394 = arith.constant 8 : i32
          %parallel_loop3A_395 = arith.divsi %parallel_loop3A_391, %parallel_loop3A_394 : i32
          %parallel_loop3A_396 = arith.constant 0 : i32
          %parallel_loop3A_397 = arith.cmpi sgt, %parallel_loop3A_391, %parallel_loop3A_396 : i32
          %parallel_loop3A_398 = arith.extui %parallel_loop3A_397 : i1 to i32
          %parallel_loop3A_399 = arith.constant 0 : i32
          %parallel_loop3A_400 = arith.cmpi slt, %parallel_loop3A_391, %parallel_loop3A_399 : i32
          %parallel_loop3A_401 = arith.extui %parallel_loop3A_400 : i1 to i32
          %parallel_loop3A_402 = arith.subi %parallel_loop3A_398, %parallel_loop3A_401 : i32
          %parallel_loop3A_403 = arith.constant 0 : i32
          %parallel_loop3A_404 = arith.cmpi sgt, %parallel_loop3A_394, %parallel_loop3A_403 : i32
          %parallel_loop3A_405 = arith.extui %parallel_loop3A_404 : i1 to i32
          %parallel_loop3A_406 = arith.constant 0 : i32
          %parallel_loop3A_407 = arith.cmpi slt, %parallel_loop3A_394, %parallel_loop3A_406 : i32
          %parallel_loop3A_408 = arith.extui %parallel_loop3A_407 : i1 to i32
          %parallel_loop3A_409 = arith.subi %parallel_loop3A_405, %parallel_loop3A_408 : i32
          %parallel_loop3A_410 = arith.cmpi ne, %parallel_loop3A_402, %parallel_loop3A_409 : i32
          %parallel_loop3A_411 = arith.remsi %parallel_loop3A_391, %parallel_loop3A_394 : i32
          %parallel_loop3A_412 = arith.constant 0 : i32
          %parallel_loop3A_413 = arith.cmpi ne, %parallel_loop3A_411, %parallel_loop3A_412 : i32
          %parallel_loop3A_414 = arith.andi %parallel_loop3A_410, %parallel_loop3A_413 : i1
          %parallel_loop3A_415 = arith.constant 1 : i32
          %parallel_loop3A_416 = arith.subi %parallel_loop3A_395, %parallel_loop3A_415 : i32
          %parallel_loop3A_417 = arith.select %parallel_loop3A_414, %parallel_loop3A_416, %parallel_loop3A_395 : i32
          %parallel_loop3A_418 = arith.constant 8 : i32
          %parallel_loop3A_419 = arith.constant 0 : i32
          %parallel_loop3A_420 = arith.cmpi eq, %parallel_loop3A_418, %parallel_loop3A_419 : i32
          %parallel_loop3A_421 = arith.constant 1 : i32
          %parallel_loop3A_422 = arith.select %parallel_loop3A_420, %parallel_loop3A_421, %parallel_loop3A_418 : i32
          %parallel_loop3A_423 = arith.remsi %parallel_loop3A_391, %parallel_loop3A_422 : i32
          %parallel_loop3A_424 = arith.constant 0 : i32
          %parallel_loop3A_425 = arith.cmpi ne, %parallel_loop3A_423, %parallel_loop3A_424 : i32
          %parallel_loop3A_426 = arith.constant 0 : i32
          %parallel_loop3A_427 = arith.cmpi slt, %parallel_loop3A_423, %parallel_loop3A_426 : i32
          %parallel_loop3A_428 = arith.constant 0 : i32
          %parallel_loop3A_429 = arith.cmpi slt, %parallel_loop3A_422, %parallel_loop3A_428 : i32
          %parallel_loop3A_430 = arith.xori %parallel_loop3A_427, %parallel_loop3A_429 : i1
          %parallel_loop3A_431 = arith.andi %parallel_loop3A_430, %parallel_loop3A_425 : i1
          %parallel_loop3A_432 = arith.addi %parallel_loop3A_423, %parallel_loop3A_422 : i32
          %parallel_loop3A_433 = arith.select %parallel_loop3A_431, %parallel_loop3A_432, %parallel_loop3A_423 : i32
          %parallel_loop3A_434 = arith.constant 0 : i32
          %parallel_loop3A_435 = arith.constant 0 : i32
          %parallel_loop3A_436 = arith.constant 0 : i32
          %parallel_loop3A_437 = arith.constant 0 : i32
          %parallel_loop3A_438 = tpu.memref_slice %arg6[%parallel_loop3A_249, %parallel_loop3A_434, %parallel_loop3A_435, %parallel_loop3A_436, %parallel_loop3A_437] : memref<2x4x4x8x128xf32, #tpu.memory_space<vmem>> -> memref<1x4x4x8x128xf32, #tpu.memory_space<vmem>>
          %parallel_loop3A_439 = tpu.memref_squeeze %parallel_loop3A_438 : memref<1x4x4x8x128xf32, #tpu.memory_space<vmem>> -> memref<4x4x8x128xf32, #tpu.memory_space<vmem>>
          %parallel_loop3A_440 = arith.index_cast %parallel_loop3A_417 : i32 to index
          %parallel_loop3A_441 = arith.index_cast %parallel_loop3A_369 : i32 to index
          %parallel_loop3A_442 = arith.index_cast %parallel_loop3A_433 : i32 to index
          %parallel_loop3A_443 = arith.index_cast %parallel_loop3A_387 : i32 to index
          %parallel_loop3A_444 = tpu.vector_load %parallel_loop3A_439[%parallel_loop3A_440, %parallel_loop3A_441, %parallel_loop3A_442, %parallel_loop3A_443] {strides = array<i32>} : memref<4x4x8x128xf32, #tpu.memory_space<vmem>>, vector<16xf32>,
          tpu.vector_store %parallel_loop3A_439[%parallel_loop3A_440, %parallel_loop3A_441, %parallel_loop3A_442, %parallel_loop3A_443], %parallel_loop3A_393 {strides = array<i32>} : memref<4x4x8x128xf32, #tpu.memory_space<vmem>>, vector<16xf32>,
        } {sc.loop_unroll_factor = 8 : i64, sc.parallel_access}
      } {sc.loop_unroll_factor = 4 : i64, sc.parallel_access}
      %add3A_250 = arith.constant 0 : i32
      %add3A_251 = arith.addi %add3A_216, %add3A_250 : i32
      %mul3A_252 = arith.constant 4 : i32
      %mul3A_253 = arith.muli %add3A, %mul3A_252 : i32
      %dma_start3A_254 = arith.constant 0 : i32
      %dma_start3A_255 = arith.constant 0 : i32
      %dma_start3A_256 = arith.constant 0 : i32
      %dma_start3A_257 = arith.constant 0 : i32
      %dma_start3A_258 = arith.constant 0 : i32
      %dma_start3A_259 = tpu.memref_slice %arg6[%dma_start3A_254, %dma_start3A_255, %dma_start3A_256, %dma_start3A_257, %dma_start3A_258] : memref<2x4x4x8x128xf32, #tpu.memory_space<vmem>> -> memref<1x4x4x8x128xf32, #tpu.memory_space<vmem>>
      %dma_start3A_260 = tpu.memref_squeeze %dma_start3A_259 : memref<1x4x4x8x128xf32, #tpu.memory_space<vmem>> -> memref<4x4x8x128xf32, #tpu.memory_space<vmem>>
      %dma_start3A_261 = arith.constant 0 : i32
      %dma_start3A_262 = arith.constant 0 : i32
      %dma_start3A_263 = arith.constant 0 : i32
      %dma_start3A_264 = tpu.memref_slice %arg4[%add3A_251, %dma_start3A_261, %mul3A_253, %dma_start3A_262, %dma_start3A_263] : memref<200x4x128x8x128xf32, #tpu.memory_space<hbm>> -> memref<1x4x4x8x128xf32, #tpu.memory_space<hbm>>
      %dma_start3A_265 = tpu.memref_squeeze %dma_start3A_264 : memref<1x4x4x8x128xf32, #tpu.memory_space<hbm>> -> memref<4x4x8x128xf32, #tpu.memory_space<hbm>>
      %dma_start3A_266 = arith.constant 0 : i32
      %dma_start3A_267 = arith.constant 0 : i32
      %dma_start3A_268 = arith.constant 0 : i32
      %dma_start3A_269 = tpu.memref_slice %arg4[%add3A_251, %dma_start3A_266, %mul3A_253, %dma_start3A_267, %dma_start3A_268] : memref<200x4x128x8x128xf32, #tpu.memory_space<hbm>> -> memref<1x4x4x8x128xf32, #tpu.memory_space<hbm>>
      %dma_start3A_270 = tpu.memref_squeeze %dma_start3A_269 : memref<1x4x4x8x128xf32, #tpu.memory_space<hbm>> -> memref<4x4x8x128xf32, #tpu.memory_space<hbm>>
      %dma_start3A_271 = arith.constant 0 : i32
      %dma_start3A_272 = arith.constant 0 : i32
      %dma_start3A_273 = arith.constant 0 : i32
      %dma_start3A_274 = arith.constant 0 : i32
      %dma_start3A_275 = tpu.memref_slice %arg6[%dma_start3A_254, %dma_start3A_271, %dma_start3A_272, %dma_start3A_273, %dma_start3A_274] : memref<2x4x4x8x128xf32, #tpu.memory_space<vmem>> -> memref<1x4x4x8x128xf32, #tpu.memory_space<vmem>>
      %dma_start3A_276 = tpu.memref_squeeze %dma_start3A_275 : memref<1x4x4x8x128xf32, #tpu.memory_space<vmem>> -> memref<4x4x8x128xf32, #tpu.memory_space<vmem>>
      tpu.enqueue_dma source(%dma_start3A_276 : memref<4x4x8x128xf32, #tpu.memory_space<vmem>>) target(%dma_start3A_270 : memref<4x4x8x128xf32, #tpu.memory_space<hbm>>) target_semaphore(%arg10 : memref<!tpu.dma_semaphore, #tpu.memory_space<semaphore_mem>>)
      %mul3A_277 = arith.constant 4 : i32
      %mul3A_278 = arith.muli %add3A, %mul3A_277 : i32
      %dma_wait3A_279 = arith.constant 1 : i32
      %dma_wait3A_280 = arith.constant 0 : i32
      %dma_wait3A_281 = arith.constant 0 : i32
      %dma_wait3A_282 = arith.constant 0 : i32
      %dma_wait3A_283 = arith.constant 0 : i32
      %dma_wait3A_284 = arith.constant 0 : i32
      %dma_wait3A_285 = tpu.memref_slice %arg6[%dma_wait3A_279, %dma_wait3A_281, %dma_wait3A_282, %dma_wait3A_283, %dma_wait3A_284] : memref<2x4x4x8x128xf32, #tpu.memory_space<vmem>> -> memref<1x4x4x8x128xf32, #tpu.memory_space<vmem>>
      %dma_wait3A_286 = tpu.memref_squeeze %dma_wait3A_285 : memref<1x4x4x8x128xf32, #tpu.memory_space<vmem>> -> memref<4x4x8x128xf32, #tpu.memory_space<vmem>>
      %dma_wait3A_287 = arith.constant 0 : i32
      %dma_wait3A_288 = arith.constant 0 : i32
      %dma_wait3A_289 = arith.constant 0 : i32
      %dma_wait3A_290 = tpu.memref_slice %arg4[%dma_wait3A_280, %dma_wait3A_287, %mul3A_278, %dma_wait3A_288, %dma_wait3A_289] : memref<200x4x128x8x128xf32, #tpu.memory_space<hbm>> -> memref<1x4x4x8x128xf32, #tpu.memory_space<hbm>>
      %dma_wait3A_291 = tpu.memref_squeeze %dma_wait3A_290 : memref<1x4x4x8x128xf32, #tpu.memory_space<hbm>> -> memref<4x4x8x128xf32, #tpu.memory_space<hbm>>
      %dma_wait3A_292 = arith.constant 0 : i32
      %dma_wait3A_293 = arith.constant 0 : i32
      %dma_wait3A_294 = arith.constant 0 : i32
      %dma_wait3A_295 = tpu.memref_slice %arg4[%dma_wait3A_280, %dma_wait3A_292, %mul3A_278, %dma_wait3A_293, %dma_wait3A_294] : memref<200x4x128x8x128xf32, #tpu.memory_space<hbm>> -> memref<1x4x4x8x128xf32, #tpu.memory_space<hbm>>
      %dma_wait3A_296 = tpu.memref_squeeze %dma_wait3A_295 : memref<1x4x4x8x128xf32, #tpu.memory_space<hbm>> -> memref<4x4x8x128xf32, #tpu.memory_space<hbm>>
      %dma_wait3A_297 = arith.constant 0 : i32
      %dma_wait3A_298 = arith.constant 0 : i32
      %dma_wait3A_299 = arith.constant 0 : i32
      %dma_wait3A_300 = arith.constant 0 : i32
      %dma_wait3A_301 = tpu.memref_slice %arg6[%dma_wait3A_279, %dma_wait3A_297, %dma_wait3A_298, %dma_wait3A_299, %dma_wait3A_300] : memref<2x4x4x8x128xf32, #tpu.memory_space<vmem>> -> memref<1x4x4x8x128xf32, #tpu.memory_space<vmem>>
      %dma_wait3A_302 = tpu.memref_squeeze %dma_wait3A_301 : memref<1x4x4x8x128xf32, #tpu.memory_space<vmem>> -> memref<4x4x8x128xf32, #tpu.memory_space<vmem>>
      tpu.wait_dma2 semaphore(%arg11 : memref<!tpu.dma_semaphore, #tpu.memory_space<semaphore_mem>>) src(%dma_wait3A_302 : memref<4x4x8x128xf32, #tpu.memory_space<vmem>>) dst(%dma_wait3A_296 : memref<4x4x8x128xf32, #tpu.memory_space<hbm>>)
      %mul3A_303 = arith.constant 2 : i32
      %mul3A_304 = arith.muli %mul3A_303, %scan3A_212 : i32
      %add3A_305 = arith.constant 1 : i32
      %add3A_306 = arith.addi %mul3A_304, %add3A_305 : i32
      %parallel_loop3A_307 = arith.constant 0 : i32
      %parallel_loop3A_308 = arith.constant 32 : i32
      %parallel_loop3A_309 = arith.constant 1 : i32
      %parallel_loop3A_310 = arith.constant 1 : i32
      scf.for %parallel_loop3A_338 = %parallel_loop3A_307 to %parallel_loop3A_308 step %parallel_loop3A_309  : i32 {
        %parallel_loop3A_339 = arith.constant 16 : i32
        %parallel_loop3A_340 = arith.muli %parallel_loop3A_338, %parallel_loop3A_339 : i32
        %parallel_loop3A_341 = arith.constant 1 : i32
        %parallel_loop3A_342 = arith.index_cast %parallel_loop3A_341 : i32 to index
        %parallel_loop3A_343 = arith.index_cast %add3A_306 : i32 to index
        %parallel_loop3A_344 = arith.index_cast %parallel_loop3A_340 : i32 to index
        %parallel_loop3A_345 = tpu.vector_load %arg5[%parallel_loop3A_342, %parallel_loop3A_343, %parallel_loop3A_344] {strides = array<i32>} : memref<2x40x512xi32, #tpu.memory_space<vmem>>, vector<16xi32>,
        %parallel_loop3A_346 = arith.constant 8 : i32
        %parallel_loop3A_347 = arith.divsi %parallel_loop3A_338, %parallel_loop3A_346 : i32
        %parallel_loop3A_348 = arith.constant 0 : i32
        %parallel_loop3A_349 = arith.cmpi sgt, %parallel_loop3A_338, %parallel_loop3A_348 : i32
        %parallel_loop3A_350 = arith.extui %parallel_loop3A_349 : i1 to i32
        %parallel_loop3A_351 = arith.constant 0 : i32
        %parallel_loop3A_352 = arith.cmpi slt, %parallel_loop3A_338, %parallel_loop3A_351 : i32
        %parallel_loop3A_353 = arith.extui %parallel_loop3A_352 : i1 to i32
        %parallel_loop3A_354 = arith.subi %parallel_loop3A_350, %parallel_loop3A_353 : i32
        %parallel_loop3A_355 = arith.constant 0 : i32
        %parallel_loop3A_356 = arith.cmpi sgt, %parallel_loop3A_346, %parallel_loop3A_355 : i32
        %parallel_loop3A_357 = arith.extui %parallel_loop3A_356 : i1 to i32
        %parallel_loop3A_358 = arith.constant 0 : i32
        %parallel_loop3A_359 = arith.cmpi slt, %parallel_loop3A_346, %parallel_loop3A_358 : i32
        %parallel_loop3A_360 = arith.extui %parallel_loop3A_359 : i1 to i32
        %parallel_loop3A_361 = arith.subi %parallel_loop3A_357, %parallel_loop3A_360 : i32
        %parallel_loop3A_362 = arith.cmpi ne, %parallel_loop3A_354, %parallel_loop3A_361 : i32
        %parallel_loop3A_363 = arith.remsi %parallel_loop3A_338, %parallel_loop3A_346 : i32
        %parallel_loop3A_364 = arith.constant 0 : i32
        %parallel_loop3A_365 = arith.cmpi ne, %parallel_loop3A_363, %parallel_loop3A_364 : i32
        %parallel_loop3A_366 = arith.andi %parallel_loop3A_362, %parallel_loop3A_365 : i1
        %parallel_loop3A_367 = arith.constant 1 : i32
        %parallel_loop3A_368 = arith.subi %parallel_loop3A_347, %parallel_loop3A_367 : i32
        %parallel_loop3A_369 = arith.select %parallel_loop3A_366, %parallel_loop3A_368, %parallel_loop3A_347 : i32
        %parallel_loop3A_370 = arith.constant 8 : i32
        %parallel_loop3A_371 = arith.constant 0 : i32
        %parallel_loop3A_372 = arith.cmpi eq, %parallel_loop3A_370, %parallel_loop3A_371 : i32
        %parallel_loop3A_373 = arith.constant 1 : i32
        %parallel_loop3A_374 = arith.select %parallel_loop3A_372, %parallel_loop3A_373, %parallel_loop3A_370 : i32
        %parallel_loop3A_375 = arith.remsi %parallel_loop3A_338, %parallel_loop3A_374 : i32
        %parallel_loop3A_376 = arith.constant 0 : i32
        %parallel_loop3A_377 = arith.cmpi ne, %parallel_loop3A_375, %parallel_loop3A_376 : i32
        %parallel_loop3A_378 = arith.constant 0 : i32
        %parallel_loop3A_379 = arith.cmpi slt, %parallel_loop3A_375, %parallel_loop3A_378 : i32
        %parallel_loop3A_380 = arith.constant 0 : i32
        %parallel_loop3A_381 = arith.cmpi slt, %parallel_loop3A_374, %parallel_loop3A_380 : i32
        %parallel_loop3A_382 = arith.xori %parallel_loop3A_379, %parallel_loop3A_381 : i1
        %parallel_loop3A_383 = arith.andi %parallel_loop3A_382, %parallel_loop3A_377 : i1
        %parallel_loop3A_384 = arith.addi %parallel_loop3A_375, %parallel_loop3A_374 : i32
        %parallel_loop3A_385 = arith.select %parallel_loop3A_383, %parallel_loop3A_384, %parallel_loop3A_375 : i32
        %parallel_loop3A_386 = arith.constant 16 : i32
        %parallel_loop3A_387 = arith.muli %parallel_loop3A_385, %parallel_loop3A_386 : i32
        %parallel_loop3A_388 = arith.constant 0 : i32
        %parallel_loop3A_389 = arith.constant 32 : i32
        %parallel_loop3A_390 = arith.constant 1 : i32
        scf.for %parallel_loop3A_391 = %parallel_loop3A_388 to %parallel_loop3A_389 step %parallel_loop3A_390  : i32 {
          %parallel_loop3A_392 = vector.broadcast %parallel_loop3A_391 : i32 to vector<16xi32>
          %parallel_loop3A_393 = tpu.vector_load_idx %arg7[%parallel_loop3A_392, %parallel_loop3A_345] : memref<32x150xf32, #tpu.memory_space<vmem>>[vector<16xi32>, vector<16xi32>], vector<16xf32>,
          %parallel_loop3A_394 = arith.constant 8 : i32
          %parallel_loop3A_395 = arith.divsi %parallel_loop3A_391, %parallel_loop3A_394 : i32
          %parallel_loop3A_396 = arith.constant 0 : i32
          %parallel_loop3A_397 = arith.cmpi sgt, %parallel_loop3A_391, %parallel_loop3A_396 : i32
          %parallel_loop3A_398 = arith.extui %parallel_loop3A_397 : i1 to i32
          %parallel_loop3A_399 = arith.constant 0 : i32
          %parallel_loop3A_400 = arith.cmpi slt, %parallel_loop3A_391, %parallel_loop3A_399 : i32
          %parallel_loop3A_401 = arith.extui %parallel_loop3A_400 : i1 to i32
          %parallel_loop3A_402 = arith.subi %parallel_loop3A_398, %parallel_loop3A_401 : i32
          %parallel_loop3A_403 = arith.constant 0 : i32
          %parallel_loop3A_404 = arith.cmpi sgt, %parallel_loop3A_394, %parallel_loop3A_403 : i32
          %parallel_loop3A_405 = arith.extui %parallel_loop3A_404 : i1 to i32
          %parallel_loop3A_406 = arith.constant 0 : i32
          %parallel_loop3A_407 = arith.cmpi slt, %parallel_loop3A_394, %parallel_loop3A_406 : i32
          %parallel_loop3A_408 = arith.extui %parallel_loop3A_407 : i1 to i32
          %parallel_loop3A_409 = arith.subi %parallel_loop3A_405, %parallel_loop3A_408 : i32
          %parallel_loop3A_410 = arith.cmpi ne, %parallel_loop3A_402, %parallel_loop3A_409 : i32
          %parallel_loop3A_411 = arith.remsi %parallel_loop3A_391, %parallel_loop3A_394 : i32
          %parallel_loop3A_412 = arith.constant 0 : i32
          %parallel_loop3A_413 = arith.cmpi ne, %parallel_loop3A_411, %parallel_loop3A_412 : i32
          %parallel_loop3A_414 = arith.andi %parallel_loop3A_410, %parallel_loop3A_413 : i1
          %parallel_loop3A_415 = arith.constant 1 : i32
          %parallel_loop3A_416 = arith.subi %parallel_loop3A_395, %parallel_loop3A_415 : i32
          %parallel_loop3A_417 = arith.select %parallel_loop3A_414, %parallel_loop3A_416, %parallel_loop3A_395 : i32
          %parallel_loop3A_418 = arith.constant 8 : i32
          %parallel_loop3A_419 = arith.constant 0 : i32
          %parallel_loop3A_420 = arith.cmpi eq, %parallel_loop3A_418, %parallel_loop3A_419 : i32
          %parallel_loop3A_421 = arith.constant 1 : i32
          %parallel_loop3A_422 = arith.select %parallel_loop3A_420, %parallel_loop3A_421, %parallel_loop3A_418 : i32
          %parallel_loop3A_423 = arith.remsi %parallel_loop3A_391, %parallel_loop3A_422 : i32
          %parallel_loop3A_424 = arith.constant 0 : i32
          %parallel_loop3A_425 = arith.cmpi ne, %parallel_loop3A_423, %parallel_loop3A_424 : i32
          %parallel_loop3A_426 = arith.constant 0 : i32
          %parallel_loop3A_427 = arith.cmpi slt, %parallel_loop3A_423, %parallel_loop3A_426 : i32
          %parallel_loop3A_428 = arith.constant 0 : i32
          %parallel_loop3A_429 = arith.cmpi slt, %parallel_loop3A_422, %parallel_loop3A_428 : i32
          %parallel_loop3A_430 = arith.xori %parallel_loop3A_427, %parallel_loop3A_429 : i1
          %parallel_loop3A_431 = arith.andi %parallel_loop3A_430, %parallel_loop3A_425 : i1
          %parallel_loop3A_432 = arith.addi %parallel_loop3A_423, %parallel_loop3A_422 : i32
          %parallel_loop3A_433 = arith.select %parallel_loop3A_431, %parallel_loop3A_432, %parallel_loop3A_423 : i32
          %parallel_loop3A_434 = arith.constant 0 : i32
          %parallel_loop3A_435 = arith.constant 0 : i32
          %parallel_loop3A_436 = arith.constant 0 : i32
          %parallel_loop3A_437 = arith.constant 0 : i32
          %parallel_loop3A_438 = tpu.memref_slice %arg6[%parallel_loop3A_310, %parallel_loop3A_434, %parallel_loop3A_435, %parallel_loop3A_436, %parallel_loop3A_437] : memref<2x4x4x8x128xf32, #tpu.memory_space<vmem>> -> memref<1x4x4x8x128xf32, #tpu.memory_space<vmem>>
          %parallel_loop3A_439 = tpu.memref_squeeze %parallel_loop3A_438 : memref<1x4x4x8x128xf32, #tpu.memory_space<vmem>> -> memref<4x4x8x128xf32, #tpu.memory_space<vmem>>
          %parallel_loop3A_440 = arith.index_cast %parallel_loop3A_417 : i32 to index
          %parallel_loop3A_441 = arith.index_cast %parallel_loop3A_369 : i32 to index
          %parallel_loop3A_442 = arith.index_cast %parallel_loop3A_433 : i32 to index
          %parallel_loop3A_443 = arith.index_cast %parallel_loop3A_387 : i32 to index
          %parallel_loop3A_444 = tpu.vector_load %parallel_loop3A_439[%parallel_loop3A_440, %parallel_loop3A_441, %parallel_loop3A_442, %parallel_loop3A_443] {strides = array<i32>} : memref<4x4x8x128xf32, #tpu.memory_space<vmem>>, vector<16xf32>,
          tpu.vector_store %parallel_loop3A_439[%parallel_loop3A_440, %parallel_loop3A_441, %parallel_loop3A_442, %parallel_loop3A_443], %parallel_loop3A_393 {strides = array<i32>} : memref<4x4x8x128xf32, #tpu.memory_space<vmem>>, vector<16xf32>,
        } {sc.loop_unroll_factor = 8 : i64, sc.parallel_access}
      } {sc.loop_unroll_factor = 4 : i64, sc.parallel_access}
      %add3A_311 = arith.constant 1 : i32
      %add3A_312 = arith.addi %add3A_216, %add3A_311 : i32
      %mul3A_313 = arith.constant 4 : i32
      %mul3A_314 = arith.muli %add3A, %mul3A_313 : i32
      %dma_start3A_315 = arith.constant 1 : i32
      %dma_start3A_316 = arith.constant 0 : i32
      %dma_start3A_317 = arith.constant 0 : i32
      %dma_start3A_318 = arith.constant 0 : i32
      %dma_start3A_319 = arith.constant 0 : i32
      %dma_start3A_320 = tpu.memref_slice %arg6[%dma_start3A_315, %dma_start3A_316, %dma_start3A_317, %dma_start3A_318, %dma_start3A_319] : memref<2x4x4x8x128xf32, #tpu.memory_space<vmem>> -> memref<1x4x4x8x128xf32, #tpu.memory_space<vmem>>
      %dma_start3A_321 = tpu.memref_squeeze %dma_start3A_320 : memref<1x4x4x8x128xf32, #tpu.memory_space<vmem>> -> memref<4x4x8x128xf32, #tpu.memory_space<vmem>>
      %dma_start3A_322 = arith.constant 0 : i32
      %dma_start3A_323 = arith.constant 0 : i32
      %dma_start3A_324 = arith.constant 0 : i32
      %dma_start3A_325 = tpu.memref_slice %arg4[%add3A_312, %dma_start3A_322, %mul3A_314, %dma_start3A_323, %dma_start3A_324] : memref<200x4x128x8x128xf32, #tpu.memory_space<hbm>> -> memref<1x4x4x8x128xf32, #tpu.memory_space<hbm>>
      %dma_start3A_326 = tpu.memref_squeeze %dma_start3A_325 : memref<1x4x4x8x128xf32, #tpu.memory_space<hbm>> -> memref<4x4x8x128xf32, #tpu.memory_space<hbm>>
      %dma_start3A_327 = arith.constant 0 : i32
      %dma_start3A_328 = arith.constant 0 : i32
      %dma_start3A_329 = arith.constant 0 : i32
      %dma_start3A_330 = tpu.memref_slice %arg4[%add3A_312, %dma_start3A_327, %mul3A_314, %dma_start3A_328, %dma_start3A_329] : memref<200x4x128x8x128xf32, #tpu.memory_space<hbm>> -> memref<1x4x4x8x128xf32, #tpu.memory_space<hbm>>
      %dma_start3A_331 = tpu.memref_squeeze %dma_start3A_330 : memref<1x4x4x8x128xf32, #tpu.memory_space<hbm>> -> memref<4x4x8x128xf32, #tpu.memory_space<hbm>>
      %dma_start3A_332 = arith.constant 0 : i32
      %dma_start3A_333 = arith.constant 0 : i32
      %dma_start3A_334 = arith.constant 0 : i32
      %dma_start3A_335 = arith.constant 0 : i32
      %dma_start3A_336 = tpu.memref_slice %arg6[%dma_start3A_315, %dma_start3A_332, %dma_start3A_333, %dma_start3A_334, %dma_start3A_335] : memref<2x4x4x8x128xf32, #tpu.memory_space<vmem>> -> memref<1x4x4x8x128xf32, #tpu.memory_space<vmem>>
      %dma_start3A_337 = tpu.memref_squeeze %dma_start3A_336 : memref<1x4x4x8x128xf32, #tpu.memory_space<vmem>> -> memref<4x4x8x128xf32, #tpu.memory_space<vmem>>
      tpu.enqueue_dma source(%dma_start3A_337 : memref<4x4x8x128xf32, #tpu.memory_space<vmem>>) target(%dma_start3A_331 : memref<4x4x8x128xf32, #tpu.memory_space<hbm>>) target_semaphore(%arg11 : memref<!tpu.dma_semaphore, #tpu.memory_space<semaphore_mem>>)
    }
    %scan3A_76 = arith.constant 20 : i32
    %dma_wait3A_77 = arith.constant 0 : i32
    %dma_wait3A_78 = arith.constant 0 : i32
    %dma_wait3A_79 = arith.constant 0 : i32
    %dma_wait3A_80 = tpu.memref_slice %arg5[%dma_wait3A_77, %dma_wait3A_78, %dma_wait3A_79] : memref<2x40x512xi32, #tpu.memory_space<vmem>> -> memref<1x40x512xi32, #tpu.memory_space<vmem>>
    %dma_wait3A_81 = tpu.memref_squeeze %dma_wait3A_80 : memref<1x40x512xi32, #tpu.memory_space<vmem>> -> memref<40x512xi32, #tpu.memory_space<vmem>>
    %dma_wait3A_82 = arith.constant 0 : i32
    %dma_wait3A_83 = tpu.memref_slice %arg2[%dma_wait3A_82, %mul3A_2] : memref<200x16384xi32, #tpu.memory_space<hbm>> -> memref<40x512xi32, #tpu.memory_space<hbm>>
    %dma_wait3A_84 = arith.constant 0 : i32
    %dma_wait3A_85 = arith.constant 0 : i32
    %dma_wait3A_86 = tpu.memref_slice %arg5[%dma_wait3A_77, %dma_wait3A_84, %dma_wait3A_85] : memref<2x40x512xi32, #tpu.memory_space<vmem>> -> memref<1x40x512xi32, #tpu.memory_space<vmem>>
    %dma_wait3A_87 = tpu.memref_squeeze %dma_wait3A_86 : memref<1x40x512xi32, #tpu.memory_space<vmem>> -> memref<40x512xi32, #tpu.memory_space<vmem>>
    %dma_wait3A_88 = arith.constant 0 : i32
    %dma_wait3A_89 = tpu.memref_slice %arg2[%dma_wait3A_88, %mul3A_2] : memref<200x16384xi32, #tpu.memory_space<hbm>> -> memref<40x512xi32, #tpu.memory_space<hbm>>
    tpu.wait_dma2 semaphore(%arg8 : memref<!tpu.dma_semaphore, #tpu.memory_space<semaphore_mem>>) src(%dma_wait3A_89 : memref<40x512xi32, #tpu.memory_space<hbm>>) dst(%dma_wait3A_87 : memref<40x512xi32, #tpu.memory_space<vmem>>)
    %dma_start3A_90 = arith.constant 1 : i32
    %dma_start3A_91 = arith.constant 0 : i32
    %dma_start3A_92 = arith.constant 0 : i32
    %dma_start3A_93 = tpu.memref_slice %arg5[%dma_start3A_90, %dma_start3A_91, %dma_start3A_92] : memref<2x40x512xi32, #tpu.memory_space<vmem>> -> memref<1x40x512xi32, #tpu.memory_space<vmem>>
    %dma_start3A_94 = tpu.memref_squeeze %dma_start3A_93 : memref<1x40x512xi32, #tpu.memory_space<vmem>> -> memref<40x512xi32, #tpu.memory_space<vmem>>
    %dma_start3A_95 = arith.constant 120 : i32
    %dma_start3A_96 = tpu.memref_slice %arg2[%dma_start3A_95, %mul3A_2] : memref<200x16384xi32, #tpu.memory_space<hbm>> -> memref<40x512xi32, #tpu.memory_space<hbm>>
    %dma_start3A_97 = arith.constant 0 : i32
    %dma_start3A_98 = arith.constant 0 : i32
    %dma_start3A_99 = tpu.memref_slice %arg5[%dma_start3A_90, %dma_start3A_97, %dma_start3A_98] : memref<2x40x512xi32, #tpu.memory_space<vmem>> -> memref<1x40x512xi32, #tpu.memory_space<vmem>>
    %dma_start3A_100 = tpu.memref_squeeze %dma_start3A_99 : memref<1x40x512xi32, #tpu.memory_space<vmem>> -> memref<40x512xi32, #tpu.memory_space<vmem>>
    %dma_start3A_101 = arith.constant 120 : i32
    %dma_start3A_102 = tpu.memref_slice %arg2[%dma_start3A_101, %mul3A_2] : memref<200x16384xi32, #tpu.memory_space<hbm>> -> memref<40x512xi32, #tpu.memory_space<hbm>>
    tpu.enqueue_dma source(%dma_start3A_102 : memref<40x512xi32, #tpu.memory_space<hbm>>) target(%dma_start3A_100 : memref<40x512xi32, #tpu.memory_space<vmem>>) target_semaphore(%arg9 : memref<!tpu.dma_semaphore, #tpu.memory_space<semaphore_mem>>)
    %scan3A_103 = arith.constant 0 : i32
    %scan3A_104 = arith.constant 0 : i32
    %scan3A_105 = arith.constant 20 : i32
    %scan3A_106 = arith.addi %scan3A_104, %scan3A_105 : i32
    %scan3A_107 = arith.constant 1 : i32
    scf.for %scan3A_212 = %scan3A_104 to %scan3A_106 step %scan3A_107  : i32 {
      %mul3A_213 = arith.constant 2 : i32
      %mul3A_214 = arith.muli %mul3A_213, %scan3A_212 : i32
      %add3A_215 = arith.constant 80 : i32
      %add3A_216 = arith.addi %add3A_215, %mul3A_214 : i32
      %mul3A_217 = arith.constant 4 : i32
      %mul3A_218 = arith.muli %add3A, %mul3A_217 : i32
      %dma_wait3A_219 = arith.constant 0 : i32
      %dma_wait3A_220 = arith.constant 0 : i32
      %dma_wait3A_221 = arith.constant 0 : i32
      %dma_wait3A_222 = arith.constant 0 : i32
      %dma_wait3A_223 = arith.constant 0 : i32
      %dma_wait3A_224 = arith.constant 0 : i32
      %dma_wait3A_225 = tpu.memref_slice %arg6[%dma_wait3A_219, %dma_wait3A_221, %dma_wait3A_222, %dma_wait3A_223, %dma_wait3A_224] : memref<2x4x4x8x128xf32, #tpu.memory_space<vmem>> -> memref<1x4x4x8x128xf32, #tpu.memory_space<vmem>>
      %dma_wait3A_226 = tpu.memref_squeeze %dma_wait3A_225 : memref<1x4x4x8x128xf32, #tpu.memory_space<vmem>> -> memref<4x4x8x128xf32, #tpu.memory_space<vmem>>
      %dma_wait3A_227 = arith.constant 0 : i32
      %dma_wait3A_228 = arith.constant 0 : i32
      %dma_wait3A_229 = arith.constant 0 : i32
      %dma_wait3A_230 = tpu.memref_slice %arg4[%dma_wait3A_220, %dma_wait3A_227, %mul3A_218, %dma_wait3A_228, %dma_wait3A_229] : memref<200x4x128x8x128xf32, #tpu.memory_space<hbm>> -> memref<1x4x4x8x128xf32, #tpu.memory_space<hbm>>
      %dma_wait3A_231 = tpu.memref_squeeze %dma_wait3A_230 : memref<1x4x4x8x128xf32, #tpu.memory_space<hbm>> -> memref<4x4x8x128xf32, #tpu.memory_space<hbm>>
      %dma_wait3A_232 = arith.constant 0 : i32
      %dma_wait3A_233 = arith.constant 0 : i32
      %dma_wait3A_234 = arith.constant 0 : i32
      %dma_wait3A_235 = tpu.memref_slice %arg4[%dma_wait3A_220, %dma_wait3A_232, %mul3A_218, %dma_wait3A_233, %dma_wait3A_234] : memref<200x4x128x8x128xf32, #tpu.memory_space<hbm>> -> memref<1x4x4x8x128xf32, #tpu.memory_space<hbm>>
      %dma_wait3A_236 = tpu.memref_squeeze %dma_wait3A_235 : memref<1x4x4x8x128xf32, #tpu.memory_space<hbm>> -> memref<4x4x8x128xf32, #tpu.memory_space<hbm>>
      %dma_wait3A_237 = arith.constant 0 : i32
      %dma_wait3A_238 = arith.constant 0 : i32
      %dma_wait3A_239 = arith.constant 0 : i32
      %dma_wait3A_240 = arith.constant 0 : i32
      %dma_wait3A_241 = tpu.memref_slice %arg6[%dma_wait3A_219, %dma_wait3A_237, %dma_wait3A_238, %dma_wait3A_239, %dma_wait3A_240] : memref<2x4x4x8x128xf32, #tpu.memory_space<vmem>> -> memref<1x4x4x8x128xf32, #tpu.memory_space<vmem>>
      %dma_wait3A_242 = tpu.memref_squeeze %dma_wait3A_241 : memref<1x4x4x8x128xf32, #tpu.memory_space<vmem>> -> memref<4x4x8x128xf32, #tpu.memory_space<vmem>>
      tpu.wait_dma2 semaphore(%arg10 : memref<!tpu.dma_semaphore, #tpu.memory_space<semaphore_mem>>) src(%dma_wait3A_242 : memref<4x4x8x128xf32, #tpu.memory_space<vmem>>) dst(%dma_wait3A_236 : memref<4x4x8x128xf32, #tpu.memory_space<hbm>>)
      %mul3A_243 = arith.constant 2 : i32
      %mul3A_244 = arith.muli %mul3A_243, %scan3A_212 : i32
      %add3A_245 = arith.constant 0 : i32
      %add3A_246 = arith.addi %mul3A_244, %add3A_245 : i32
      %parallel_loop3A = arith.constant 0 : i32
      %parallel_loop3A_247 = arith.constant 32 : i32
      %parallel_loop3A_248 = arith.constant 1 : i32
      %parallel_loop3A_249 = arith.constant 0 : i32
      scf.for %parallel_loop3A_338 = %parallel_loop3A to %parallel_loop3A_247 step %parallel_loop3A_248  : i32 {
        %parallel_loop3A_339 = arith.constant 16 : i32
        %parallel_loop3A_340 = arith.muli %parallel_loop3A_338, %parallel_loop3A_339 : i32
        %parallel_loop3A_341 = arith.constant 0 : i32
        %parallel_loop3A_342 = arith.index_cast %parallel_loop3A_341 : i32 to index
        %parallel_loop3A_343 = arith.index_cast %add3A_246 : i32 to index
        %parallel_loop3A_344 = arith.index_cast %parallel_loop3A_340 : i32 to index
        %parallel_loop3A_345 = tpu.vector_load %arg5[%parallel_loop3A_342, %parallel_loop3A_343, %parallel_loop3A_344] {strides = array<i32>} : memref<2x40x512xi32, #tpu.memory_space<vmem>>, vector<16xi32>,
        %parallel_loop3A_346 = arith.constant 8 : i32
        %parallel_loop3A_347 = arith.divsi %parallel_loop3A_338, %parallel_loop3A_346 : i32
        %parallel_loop3A_348 = arith.constant 0 : i32
        %parallel_loop3A_349 = arith.cmpi sgt, %parallel_loop3A_338, %parallel_loop3A_348 : i32
        %parallel_loop3A_350 = arith.extui %parallel_loop3A_349 : i1 to i32
        %parallel_loop3A_351 = arith.constant 0 : i32
        %parallel_loop3A_352 = arith.cmpi slt, %parallel_loop3A_338, %parallel_loop3A_351 : i32
        %parallel_loop3A_353 = arith.extui %parallel_loop3A_352 : i1 to i32
        %parallel_loop3A_354 = arith.subi %parallel_loop3A_350, %parallel_loop3A_353 : i32
        %parallel_loop3A_355 = arith.constant 0 : i32
        %parallel_loop3A_356 = arith.cmpi sgt, %parallel_loop3A_346, %parallel_loop3A_355 : i32
        %parallel_loop3A_357 = arith.extui %parallel_loop3A_356 : i1 to i32
        %parallel_loop3A_358 = arith.constant 0 : i32
        %parallel_loop3A_359 = arith.cmpi slt, %parallel_loop3A_346, %parallel_loop3A_358 : i32
        %parallel_loop3A_360 = arith.extui %parallel_loop3A_359 : i1 to i32
        %parallel_loop3A_361 = arith.subi %parallel_loop3A_357, %parallel_loop3A_360 : i32
        %parallel_loop3A_362 = arith.cmpi ne, %parallel_loop3A_354, %parallel_loop3A_361 : i32
        %parallel_loop3A_363 = arith.remsi %parallel_loop3A_338, %parallel_loop3A_346 : i32
        %parallel_loop3A_364 = arith.constant 0 : i32
        %parallel_loop3A_365 = arith.cmpi ne, %parallel_loop3A_363, %parallel_loop3A_364 : i32
        %parallel_loop3A_366 = arith.andi %parallel_loop3A_362, %parallel_loop3A_365 : i1
        %parallel_loop3A_367 = arith.constant 1 : i32
        %parallel_loop3A_368 = arith.subi %parallel_loop3A_347, %parallel_loop3A_367 : i32
        %parallel_loop3A_369 = arith.select %parallel_loop3A_366, %parallel_loop3A_368, %parallel_loop3A_347 : i32
        %parallel_loop3A_370 = arith.constant 8 : i32
        %parallel_loop3A_371 = arith.constant 0 : i32
        %parallel_loop3A_372 = arith.cmpi eq, %parallel_loop3A_370, %parallel_loop3A_371 : i32
        %parallel_loop3A_373 = arith.constant 1 : i32
        %parallel_loop3A_374 = arith.select %parallel_loop3A_372, %parallel_loop3A_373, %parallel_loop3A_370 : i32
        %parallel_loop3A_375 = arith.remsi %parallel_loop3A_338, %parallel_loop3A_374 : i32
        %parallel_loop3A_376 = arith.constant 0 : i32
        %parallel_loop3A_377 = arith.cmpi ne, %parallel_loop3A_375, %parallel_loop3A_376 : i32
        %parallel_loop3A_378 = arith.constant 0 : i32
        %parallel_loop3A_379 = arith.cmpi slt, %parallel_loop3A_375, %parallel_loop3A_378 : i32
        %parallel_loop3A_380 = arith.constant 0 : i32
        %parallel_loop3A_381 = arith.cmpi slt, %parallel_loop3A_374, %parallel_loop3A_380 : i32
        %parallel_loop3A_382 = arith.xori %parallel_loop3A_379, %parallel_loop3A_381 : i1
        %parallel_loop3A_383 = arith.andi %parallel_loop3A_382, %parallel_loop3A_377 : i1
        %parallel_loop3A_384 = arith.addi %parallel_loop3A_375, %parallel_loop3A_374 : i32
        %parallel_loop3A_385 = arith.select %parallel_loop3A_383, %parallel_loop3A_384, %parallel_loop3A_375 : i32
        %parallel_loop3A_386 = arith.constant 16 : i32
        %parallel_loop3A_387 = arith.muli %parallel_loop3A_385, %parallel_loop3A_386 : i32
        %parallel_loop3A_388 = arith.constant 0 : i32
        %parallel_loop3A_389 = arith.constant 32 : i32
        %parallel_loop3A_390 = arith.constant 1 : i32
        scf.for %parallel_loop3A_391 = %parallel_loop3A_388 to %parallel_loop3A_389 step %parallel_loop3A_390  : i32 {
          %parallel_loop3A_392 = vector.broadcast %parallel_loop3A_391 : i32 to vector<16xi32>
          %parallel_loop3A_393 = tpu.vector_load_idx %arg7[%parallel_loop3A_392, %parallel_loop3A_345] : memref<32x150xf32, #tpu.memory_space<vmem>>[vector<16xi32>, vector<16xi32>], vector<16xf32>,
          %parallel_loop3A_394 = arith.constant 8 : i32
          %parallel_loop3A_395 = arith.divsi %parallel_loop3A_391, %parallel_loop3A_394 : i32
          %parallel_loop3A_396 = arith.constant 0 : i32
          %parallel_loop3A_397 = arith.cmpi sgt, %parallel_loop3A_391, %parallel_loop3A_396 : i32
          %parallel_loop3A_398 = arith.extui %parallel_loop3A_397 : i1 to i32
          %parallel_loop3A_399 = arith.constant 0 : i32
          %parallel_loop3A_400 = arith.cmpi slt, %parallel_loop3A_391, %parallel_loop3A_399 : i32
          %parallel_loop3A_401 = arith.extui %parallel_loop3A_400 : i1 to i32
          %parallel_loop3A_402 = arith.subi %parallel_loop3A_398, %parallel_loop3A_401 : i32
          %parallel_loop3A_403 = arith.constant 0 : i32
          %parallel_loop3A_404 = arith.cmpi sgt, %parallel_loop3A_394, %parallel_loop3A_403 : i32
          %parallel_loop3A_405 = arith.extui %parallel_loop3A_404 : i1 to i32
          %parallel_loop3A_406 = arith.constant 0 : i32
          %parallel_loop3A_407 = arith.cmpi slt, %parallel_loop3A_394, %parallel_loop3A_406 : i32
          %parallel_loop3A_408 = arith.extui %parallel_loop3A_407 : i1 to i32
          %parallel_loop3A_409 = arith.subi %parallel_loop3A_405, %parallel_loop3A_408 : i32
          %parallel_loop3A_410 = arith.cmpi ne, %parallel_loop3A_402, %parallel_loop3A_409 : i32
          %parallel_loop3A_411 = arith.remsi %parallel_loop3A_391, %parallel_loop3A_394 : i32
          %parallel_loop3A_412 = arith.constant 0 : i32
          %parallel_loop3A_413 = arith.cmpi ne, %parallel_loop3A_411, %parallel_loop3A_412 : i32
          %parallel_loop3A_414 = arith.andi %parallel_loop3A_410, %parallel_loop3A_413 : i1
          %parallel_loop3A_415 = arith.constant 1 : i32
          %parallel_loop3A_416 = arith.subi %parallel_loop3A_395, %parallel_loop3A_415 : i32
          %parallel_loop3A_417 = arith.select %parallel_loop3A_414, %parallel_loop3A_416, %parallel_loop3A_395 : i32
          %parallel_loop3A_418 = arith.constant 8 : i32
          %parallel_loop3A_419 = arith.constant 0 : i32
          %parallel_loop3A_420 = arith.cmpi eq, %parallel_loop3A_418, %parallel_loop3A_419 : i32
          %parallel_loop3A_421 = arith.constant 1 : i32
          %parallel_loop3A_422 = arith.select %parallel_loop3A_420, %parallel_loop3A_421, %parallel_loop3A_418 : i32
          %parallel_loop3A_423 = arith.remsi %parallel_loop3A_391, %parallel_loop3A_422 : i32
          %parallel_loop3A_424 = arith.constant 0 : i32
          %parallel_loop3A_425 = arith.cmpi ne, %parallel_loop3A_423, %parallel_loop3A_424 : i32
          %parallel_loop3A_426 = arith.constant 0 : i32
          %parallel_loop3A_427 = arith.cmpi slt, %parallel_loop3A_423, %parallel_loop3A_426 : i32
          %parallel_loop3A_428 = arith.constant 0 : i32
          %parallel_loop3A_429 = arith.cmpi slt, %parallel_loop3A_422, %parallel_loop3A_428 : i32
          %parallel_loop3A_430 = arith.xori %parallel_loop3A_427, %parallel_loop3A_429 : i1
          %parallel_loop3A_431 = arith.andi %parallel_loop3A_430, %parallel_loop3A_425 : i1
          %parallel_loop3A_432 = arith.addi %parallel_loop3A_423, %parallel_loop3A_422 : i32
          %parallel_loop3A_433 = arith.select %parallel_loop3A_431, %parallel_loop3A_432, %parallel_loop3A_423 : i32
          %parallel_loop3A_434 = arith.constant 0 : i32
          %parallel_loop3A_435 = arith.constant 0 : i32
          %parallel_loop3A_436 = arith.constant 0 : i32
          %parallel_loop3A_437 = arith.constant 0 : i32
          %parallel_loop3A_438 = tpu.memref_slice %arg6[%parallel_loop3A_249, %parallel_loop3A_434, %parallel_loop3A_435, %parallel_loop3A_436, %parallel_loop3A_437] : memref<2x4x4x8x128xf32, #tpu.memory_space<vmem>> -> memref<1x4x4x8x128xf32, #tpu.memory_space<vmem>>
          %parallel_loop3A_439 = tpu.memref_squeeze %parallel_loop3A_438 : memref<1x4x4x8x128xf32, #tpu.memory_space<vmem>> -> memref<4x4x8x128xf32, #tpu.memory_space<vmem>>
          %parallel_loop3A_440 = arith.index_cast %parallel_loop3A_417 : i32 to index
          %parallel_loop3A_441 = arith.index_cast %parallel_loop3A_369 : i32 to index
          %parallel_loop3A_442 = arith.index_cast %parallel_loop3A_433 : i32 to index
          %parallel_loop3A_443 = arith.index_cast %parallel_loop3A_387 : i32 to index
          %parallel_loop3A_444 = tpu.vector_load %parallel_loop3A_439[%parallel_loop3A_440, %parallel_loop3A_441, %parallel_loop3A_442, %parallel_loop3A_443] {strides = array<i32>} : memref<4x4x8x128xf32, #tpu.memory_space<vmem>>, vector<16xf32>,
          tpu.vector_store %parallel_loop3A_439[%parallel_loop3A_440, %parallel_loop3A_441, %parallel_loop3A_442, %parallel_loop3A_443], %parallel_loop3A_393 {strides = array<i32>} : memref<4x4x8x128xf32, #tpu.memory_space<vmem>>, vector<16xf32>,
        } {sc.loop_unroll_factor = 8 : i64, sc.parallel_access}
      } {sc.loop_unroll_factor = 4 : i64, sc.parallel_access}
      %add3A_250 = arith.constant 0 : i32
      %add3A_251 = arith.addi %add3A_216, %add3A_250 : i32
      %mul3A_252 = arith.constant 4 : i32
      %mul3A_253 = arith.muli %add3A, %mul3A_252 : i32
      %dma_start3A_254 = arith.constant 0 : i32
      %dma_start3A_255 = arith.constant 0 : i32
      %dma_start3A_256 = arith.constant 0 : i32
      %dma_start3A_257 = arith.constant 0 : i32
      %dma_start3A_258 = arith.constant 0 : i32
      %dma_start3A_259 = tpu.memref_slice %arg6[%dma_start3A_254, %dma_start3A_255, %dma_start3A_256, %dma_start3A_257, %dma_start3A_258] : memref<2x4x4x8x128xf32, #tpu.memory_space<vmem>> -> memref<1x4x4x8x128xf32, #tpu.memory_space<vmem>>
      %dma_start3A_260 = tpu.memref_squeeze %dma_start3A_259 : memref<1x4x4x8x128xf32, #tpu.memory_space<vmem>> -> memref<4x4x8x128xf32, #tpu.memory_space<vmem>>
      %dma_start3A_261 = arith.constant 0 : i32
      %dma_start3A_262 = arith.constant 0 : i32
      %dma_start3A_263 = arith.constant 0 : i32
      %dma_start3A_264 = tpu.memref_slice %arg4[%add3A_251, %dma_start3A_261, %mul3A_253, %dma_start3A_262, %dma_start3A_263] : memref<200x4x128x8x128xf32, #tpu.memory_space<hbm>> -> memref<1x4x4x8x128xf32, #tpu.memory_space<hbm>>
      %dma_start3A_265 = tpu.memref_squeeze %dma_start3A_264 : memref<1x4x4x8x128xf32, #tpu.memory_space<hbm>> -> memref<4x4x8x128xf32, #tpu.memory_space<hbm>>
      %dma_start3A_266 = arith.constant 0 : i32
      %dma_start3A_267 = arith.constant 0 : i32
      %dma_start3A_268 = arith.constant 0 : i32
      %dma_start3A_269 = tpu.memref_slice %arg4[%add3A_251, %dma_start3A_266, %mul3A_253, %dma_start3A_267, %dma_start3A_268] : memref<200x4x128x8x128xf32, #tpu.memory_space<hbm>> -> memref<1x4x4x8x128xf32, #tpu.memory_space<hbm>>
      %dma_start3A_270 = tpu.memref_squeeze %dma_start3A_269 : memref<1x4x4x8x128xf32, #tpu.memory_space<hbm>> -> memref<4x4x8x128xf32, #tpu.memory_space<hbm>>
      %dma_start3A_271 = arith.constant 0 : i32
      %dma_start3A_272 = arith.constant 0 : i32
      %dma_start3A_273 = arith.constant 0 : i32
      %dma_start3A_274 = arith.constant 0 : i32
      %dma_start3A_275 = tpu.memref_slice %arg6[%dma_start3A_254, %dma_start3A_271, %dma_start3A_272, %dma_start3A_273, %dma_start3A_274] : memref<2x4x4x8x128xf32, #tpu.memory_space<vmem>> -> memref<1x4x4x8x128xf32, #tpu.memory_space<vmem>>
      %dma_start3A_276 = tpu.memref_squeeze %dma_start3A_275 : memref<1x4x4x8x128xf32, #tpu.memory_space<vmem>> -> memref<4x4x8x128xf32, #tpu.memory_space<vmem>>
      tpu.enqueue_dma source(%dma_start3A_276 : memref<4x4x8x128xf32, #tpu.memory_space<vmem>>) target(%dma_start3A_270 : memref<4x4x8x128xf32, #tpu.memory_space<hbm>>) target_semaphore(%arg10 : memref<!tpu.dma_semaphore, #tpu.memory_space<semaphore_mem>>)
      %mul3A_277 = arith.constant 4 : i32
      %mul3A_278 = arith.muli %add3A, %mul3A_277 : i32
      %dma_wait3A_279 = arith.constant 1 : i32
      %dma_wait3A_280 = arith.constant 0 : i32
      %dma_wait3A_281 = arith.constant 0 : i32
      %dma_wait3A_282 = arith.constant 0 : i32
      %dma_wait3A_283 = arith.constant 0 : i32
      %dma_wait3A_284 = arith.constant 0 : i32
      %dma_wait3A_285 = tpu.memref_slice %arg6[%dma_wait3A_279, %dma_wait3A_281, %dma_wait3A_282, %dma_wait3A_283, %dma_wait3A_284] : memref<2x4x4x8x128xf32, #tpu.memory_space<vmem>> -> memref<1x4x4x8x128xf32, #tpu.memory_space<vmem>>
      %dma_wait3A_286 = tpu.memref_squeeze %dma_wait3A_285 : memref<1x4x4x8x128xf32, #tpu.memory_space<vmem>> -> memref<4x4x8x128xf32, #tpu.memory_space<vmem>>
      %dma_wait3A_287 = arith.constant 0 : i32
      %dma_wait3A_288 = arith.constant 0 : i32
      %dma_wait3A_289 = arith.constant 0 : i32
      %dma_wait3A_290 = tpu.memref_slice %arg4[%dma_wait3A_280, %dma_wait3A_287, %mul3A_278, %dma_wait3A_288, %dma_wait3A_289] : memref<200x4x128x8x128xf32, #tpu.memory_space<hbm>> -> memref<1x4x4x8x128xf32, #tpu.memory_space<hbm>>
      %dma_wait3A_291 = tpu.memref_squeeze %dma_wait3A_290 : memref<1x4x4x8x128xf32, #tpu.memory_space<hbm>> -> memref<4x4x8x128xf32, #tpu.memory_space<hbm>>
      %dma_wait3A_292 = arith.constant 0 : i32
      %dma_wait3A_293 = arith.constant 0 : i32
      %dma_wait3A_294 = arith.constant 0 : i32
      %dma_wait3A_295 = tpu.memref_slice %arg4[%dma_wait3A_280, %dma_wait3A_292, %mul3A_278, %dma_wait3A_293, %dma_wait3A_294] : memref<200x4x128x8x128xf32, #tpu.memory_space<hbm>> -> memref<1x4x4x8x128xf32, #tpu.memory_space<hbm>>
      %dma_wait3A_296 = tpu.memref_squeeze %dma_wait3A_295 : memref<1x4x4x8x128xf32, #tpu.memory_space<hbm>> -> memref<4x4x8x128xf32, #tpu.memory_space<hbm>>
      %dma_wait3A_297 = arith.constant 0 : i32
      %dma_wait3A_298 = arith.constant 0 : i32
      %dma_wait3A_299 = arith.constant 0 : i32
      %dma_wait3A_300 = arith.constant 0 : i32
      %dma_wait3A_301 = tpu.memref_slice %arg6[%dma_wait3A_279, %dma_wait3A_297, %dma_wait3A_298, %dma_wait3A_299, %dma_wait3A_300] : memref<2x4x4x8x128xf32, #tpu.memory_space<vmem>> -> memref<1x4x4x8x128xf32, #tpu.memory_space<vmem>>
      %dma_wait3A_302 = tpu.memref_squeeze %dma_wait3A_301 : memref<1x4x4x8x128xf32, #tpu.memory_space<vmem>> -> memref<4x4x8x128xf32, #tpu.memory_space<vmem>>
      tpu.wait_dma2 semaphore(%arg11 : memref<!tpu.dma_semaphore, #tpu.memory_space<semaphore_mem>>) src(%dma_wait3A_302 : memref<4x4x8x128xf32, #tpu.memory_space<vmem>>) dst(%dma_wait3A_296 : memref<4x4x8x128xf32, #tpu.memory_space<hbm>>)
      %mul3A_303 = arith.constant 2 : i32
      %mul3A_304 = arith.muli %mul3A_303, %scan3A_212 : i32
      %add3A_305 = arith.constant 1 : i32
      %add3A_306 = arith.addi %mul3A_304, %add3A_305 : i32
      %parallel_loop3A_307 = arith.constant 0 : i32
      %parallel_loop3A_308 = arith.constant 32 : i32
      %parallel_loop3A_309 = arith.constant 1 : i32
      %parallel_loop3A_310 = arith.constant 1 : i32
      scf.for %parallel_loop3A_338 = %parallel_loop3A_307 to %parallel_loop3A_308 step %parallel_loop3A_309  : i32 {
        %parallel_loop3A_339 = arith.constant 16 : i32
        %parallel_loop3A_340 = arith.muli %parallel_loop3A_338, %parallel_loop3A_339 : i32
        %parallel_loop3A_341 = arith.constant 0 : i32
        %parallel_loop3A_342 = arith.index_cast %parallel_loop3A_341 : i32 to index
        %parallel_loop3A_343 = arith.index_cast %add3A_306 : i32 to index
        %parallel_loop3A_344 = arith.index_cast %parallel_loop3A_340 : i32 to index
        %parallel_loop3A_345 = tpu.vector_load %arg5[%parallel_loop3A_342, %parallel_loop3A_343, %parallel_loop3A_344] {strides = array<i32>} : memref<2x40x512xi32, #tpu.memory_space<vmem>>, vector<16xi32>,
        %parallel_loop3A_346 = arith.constant 8 : i32
        %parallel_loop3A_347 = arith.divsi %parallel_loop3A_338, %parallel_loop3A_346 : i32
        %parallel_loop3A_348 = arith.constant 0 : i32
        %parallel_loop3A_349 = arith.cmpi sgt, %parallel_loop3A_338, %parallel_loop3A_348 : i32
        %parallel_loop3A_350 = arith.extui %parallel_loop3A_349 : i1 to i32
        %parallel_loop3A_351 = arith.constant 0 : i32
        %parallel_loop3A_352 = arith.cmpi slt, %parallel_loop3A_338, %parallel_loop3A_351 : i32
        %parallel_loop3A_353 = arith.extui %parallel_loop3A_352 : i1 to i32
        %parallel_loop3A_354 = arith.subi %parallel_loop3A_350, %parallel_loop3A_353 : i32
        %parallel_loop3A_355 = arith.constant 0 : i32
        %parallel_loop3A_356 = arith.cmpi sgt, %parallel_loop3A_346, %parallel_loop3A_355 : i32
        %parallel_loop3A_357 = arith.extui %parallel_loop3A_356 : i1 to i32
        %parallel_loop3A_358 = arith.constant 0 : i32
        %parallel_loop3A_359 = arith.cmpi slt, %parallel_loop3A_346, %parallel_loop3A_358 : i32
        %parallel_loop3A_360 = arith.extui %parallel_loop3A_359 : i1 to i32
        %parallel_loop3A_361 = arith.subi %parallel_loop3A_357, %parallel_loop3A_360 : i32
        %parallel_loop3A_362 = arith.cmpi ne, %parallel_loop3A_354, %parallel_loop3A_361 : i32
        %parallel_loop3A_363 = arith.remsi %parallel_loop3A_338, %parallel_loop3A_346 : i32
        %parallel_loop3A_364 = arith.constant 0 : i32
        %parallel_loop3A_365 = arith.cmpi ne, %parallel_loop3A_363, %parallel_loop3A_364 : i32
        %parallel_loop3A_366 = arith.andi %parallel_loop3A_362, %parallel_loop3A_365 : i1
        %parallel_loop3A_367 = arith.constant 1 : i32
        %parallel_loop3A_368 = arith.subi %parallel_loop3A_347, %parallel_loop3A_367 : i32
        %parallel_loop3A_369 = arith.select %parallel_loop3A_366, %parallel_loop3A_368, %parallel_loop3A_347 : i32
        %parallel_loop3A_370 = arith.constant 8 : i32
        %parallel_loop3A_371 = arith.constant 0 : i32
        %parallel_loop3A_372 = arith.cmpi eq, %parallel_loop3A_370, %parallel_loop3A_371 : i32
        %parallel_loop3A_373 = arith.constant 1 : i32
        %parallel_loop3A_374 = arith.select %parallel_loop3A_372, %parallel_loop3A_373, %parallel_loop3A_370 : i32
        %parallel_loop3A_375 = arith.remsi %parallel_loop3A_338, %parallel_loop3A_374 : i32
        %parallel_loop3A_376 = arith.constant 0 : i32
        %parallel_loop3A_377 = arith.cmpi ne, %parallel_loop3A_375, %parallel_loop3A_376 : i32
        %parallel_loop3A_378 = arith.constant 0 : i32
        %parallel_loop3A_379 = arith.cmpi slt, %parallel_loop3A_375, %parallel_loop3A_378 : i32
        %parallel_loop3A_380 = arith.constant 0 : i32
        %parallel_loop3A_381 = arith.cmpi slt, %parallel_loop3A_374, %parallel_loop3A_380 : i32
        %parallel_loop3A_382 = arith.xori %parallel_loop3A_379, %parallel_loop3A_381 : i1
        %parallel_loop3A_383 = arith.andi %parallel_loop3A_382, %parallel_loop3A_377 : i1
        %parallel_loop3A_384 = arith.addi %parallel_loop3A_375, %parallel_loop3A_374 : i32
        %parallel_loop3A_385 = arith.select %parallel_loop3A_383, %parallel_loop3A_384, %parallel_loop3A_375 : i32
        %parallel_loop3A_386 = arith.constant 16 : i32
        %parallel_loop3A_387 = arith.muli %parallel_loop3A_385, %parallel_loop3A_386 : i32
        %parallel_loop3A_388 = arith.constant 0 : i32
        %parallel_loop3A_389 = arith.constant 32 : i32
        %parallel_loop3A_390 = arith.constant 1 : i32
        scf.for %parallel_loop3A_391 = %parallel_loop3A_388 to %parallel_loop3A_389 step %parallel_loop3A_390  : i32 {
          %parallel_loop3A_392 = vector.broadcast %parallel_loop3A_391 : i32 to vector<16xi32>
          %parallel_loop3A_393 = tpu.vector_load_idx %arg7[%parallel_loop3A_392, %parallel_loop3A_345] : memref<32x150xf32, #tpu.memory_space<vmem>>[vector<16xi32>, vector<16xi32>], vector<16xf32>,
          %parallel_loop3A_394 = arith.constant 8 : i32
          %parallel_loop3A_395 = arith.divsi %parallel_loop3A_391, %parallel_loop3A_394 : i32
          %parallel_loop3A_396 = arith.constant 0 : i32
          %parallel_loop3A_397 = arith.cmpi sgt, %parallel_loop3A_391, %parallel_loop3A_396 : i32
          %parallel_loop3A_398 = arith.extui %parallel_loop3A_397 : i1 to i32
          %parallel_loop3A_399 = arith.constant 0 : i32
          %parallel_loop3A_400 = arith.cmpi slt, %parallel_loop3A_391, %parallel_loop3A_399 : i32
          %parallel_loop3A_401 = arith.extui %parallel_loop3A_400 : i1 to i32
          %parallel_loop3A_402 = arith.subi %parallel_loop3A_398, %parallel_loop3A_401 : i32
          %parallel_loop3A_403 = arith.constant 0 : i32
          %parallel_loop3A_404 = arith.cmpi sgt, %parallel_loop3A_394, %parallel_loop3A_403 : i32
          %parallel_loop3A_405 = arith.extui %parallel_loop3A_404 : i1 to i32
          %parallel_loop3A_406 = arith.constant 0 : i32
          %parallel_loop3A_407 = arith.cmpi slt, %parallel_loop3A_394, %parallel_loop3A_406 : i32
          %parallel_loop3A_408 = arith.extui %parallel_loop3A_407 : i1 to i32
          %parallel_loop3A_409 = arith.subi %parallel_loop3A_405, %parallel_loop3A_408 : i32
          %parallel_loop3A_410 = arith.cmpi ne, %parallel_loop3A_402, %parallel_loop3A_409 : i32
          %parallel_loop3A_411 = arith.remsi %parallel_loop3A_391, %parallel_loop3A_394 : i32
          %parallel_loop3A_412 = arith.constant 0 : i32
          %parallel_loop3A_413 = arith.cmpi ne, %parallel_loop3A_411, %parallel_loop3A_412 : i32
          %parallel_loop3A_414 = arith.andi %parallel_loop3A_410, %parallel_loop3A_413 : i1
          %parallel_loop3A_415 = arith.constant 1 : i32
          %parallel_loop3A_416 = arith.subi %parallel_loop3A_395, %parallel_loop3A_415 : i32
          %parallel_loop3A_417 = arith.select %parallel_loop3A_414, %parallel_loop3A_416, %parallel_loop3A_395 : i32
          %parallel_loop3A_418 = arith.constant 8 : i32
          %parallel_loop3A_419 = arith.constant 0 : i32
          %parallel_loop3A_420 = arith.cmpi eq, %parallel_loop3A_418, %parallel_loop3A_419 : i32
          %parallel_loop3A_421 = arith.constant 1 : i32
          %parallel_loop3A_422 = arith.select %parallel_loop3A_420, %parallel_loop3A_421, %parallel_loop3A_418 : i32
          %parallel_loop3A_423 = arith.remsi %parallel_loop3A_391, %parallel_loop3A_422 : i32
          %parallel_loop3A_424 = arith.constant 0 : i32
          %parallel_loop3A_425 = arith.cmpi ne, %parallel_loop3A_423, %parallel_loop3A_424 : i32
          %parallel_loop3A_426 = arith.constant 0 : i32
          %parallel_loop3A_427 = arith.cmpi slt, %parallel_loop3A_423, %parallel_loop3A_426 : i32
          %parallel_loop3A_428 = arith.constant 0 : i32
          %parallel_loop3A_429 = arith.cmpi slt, %parallel_loop3A_422, %parallel_loop3A_428 : i32
          %parallel_loop3A_430 = arith.xori %parallel_loop3A_427, %parallel_loop3A_429 : i1
          %parallel_loop3A_431 = arith.andi %parallel_loop3A_430, %parallel_loop3A_425 : i1
          %parallel_loop3A_432 = arith.addi %parallel_loop3A_423, %parallel_loop3A_422 : i32
          %parallel_loop3A_433 = arith.select %parallel_loop3A_431, %parallel_loop3A_432, %parallel_loop3A_423 : i32
          %parallel_loop3A_434 = arith.constant 0 : i32
          %parallel_loop3A_435 = arith.constant 0 : i32
          %parallel_loop3A_436 = arith.constant 0 : i32
          %parallel_loop3A_437 = arith.constant 0 : i32
          %parallel_loop3A_438 = tpu.memref_slice %arg6[%parallel_loop3A_310, %parallel_loop3A_434, %parallel_loop3A_435, %parallel_loop3A_436, %parallel_loop3A_437] : memref<2x4x4x8x128xf32, #tpu.memory_space<vmem>> -> memref<1x4x4x8x128xf32, #tpu.memory_space<vmem>>
          %parallel_loop3A_439 = tpu.memref_squeeze %parallel_loop3A_438 : memref<1x4x4x8x128xf32, #tpu.memory_space<vmem>> -> memref<4x4x8x128xf32, #tpu.memory_space<vmem>>
          %parallel_loop3A_440 = arith.index_cast %parallel_loop3A_417 : i32 to index
          %parallel_loop3A_441 = arith.index_cast %parallel_loop3A_369 : i32 to index
          %parallel_loop3A_442 = arith.index_cast %parallel_loop3A_433 : i32 to index
          %parallel_loop3A_443 = arith.index_cast %parallel_loop3A_387 : i32 to index
          %parallel_loop3A_444 = tpu.vector_load %parallel_loop3A_439[%parallel_loop3A_440, %parallel_loop3A_441, %parallel_loop3A_442, %parallel_loop3A_443] {strides = array<i32>} : memref<4x4x8x128xf32, #tpu.memory_space<vmem>>, vector<16xf32>,
          tpu.vector_store %parallel_loop3A_439[%parallel_loop3A_440, %parallel_loop3A_441, %parallel_loop3A_442, %parallel_loop3A_443], %parallel_loop3A_393 {strides = array<i32>} : memref<4x4x8x128xf32, #tpu.memory_space<vmem>>, vector<16xf32>,
        } {sc.loop_unroll_factor = 8 : i64, sc.parallel_access}
      } {sc.loop_unroll_factor = 4 : i64, sc.parallel_access}
      %add3A_311 = arith.constant 1 : i32
      %add3A_312 = arith.addi %add3A_216, %add3A_311 : i32
      %mul3A_313 = arith.constant 4 : i32
      %mul3A_314 = arith.muli %add3A, %mul3A_313 : i32
      %dma_start3A_315 = arith.constant 1 : i32
      %dma_start3A_316 = arith.constant 0 : i32
      %dma_start3A_317 = arith.constant 0 : i32
      %dma_start3A_318 = arith.constant 0 : i32
      %dma_start3A_319 = arith.constant 0 : i32
      %dma_start3A_320 = tpu.memref_slice %arg6[%dma_start3A_315, %dma_start3A_316, %dma_start3A_317, %dma_start3A_318, %dma_start3A_319] : memref<2x4x4x8x128xf32, #tpu.memory_space<vmem>> -> memref<1x4x4x8x128xf32, #tpu.memory_space<vmem>>
      %dma_start3A_321 = tpu.memref_squeeze %dma_start3A_320 : memref<1x4x4x8x128xf32, #tpu.memory_space<vmem>> -> memref<4x4x8x128xf32, #tpu.memory_space<vmem>>
      %dma_start3A_322 = arith.constant 0 : i32
      %dma_start3A_323 = arith.constant 0 : i32
      %dma_start3A_324 = arith.constant 0 : i32
      %dma_start3A_325 = tpu.memref_slice %arg4[%add3A_312, %dma_start3A_322, %mul3A_314, %dma_start3A_323, %dma_start3A_324] : memref<200x4x128x8x128xf32, #tpu.memory_space<hbm>> -> memref<1x4x4x8x128xf32, #tpu.memory_space<hbm>>
      %dma_start3A_326 = tpu.memref_squeeze %dma_start3A_325 : memref<1x4x4x8x128xf32, #tpu.memory_space<hbm>> -> memref<4x4x8x128xf32, #tpu.memory_space<hbm>>
      %dma_start3A_327 = arith.constant 0 : i32
      %dma_start3A_328 = arith.constant 0 : i32
      %dma_start3A_329 = arith.constant 0 : i32
      %dma_start3A_330 = tpu.memref_slice %arg4[%add3A_312, %dma_start3A_327, %mul3A_314, %dma_start3A_328, %dma_start3A_329] : memref<200x4x128x8x128xf32, #tpu.memory_space<hbm>> -> memref<1x4x4x8x128xf32, #tpu.memory_space<hbm>>
      %dma_start3A_331 = tpu.memref_squeeze %dma_start3A_330 : memref<1x4x4x8x128xf32, #tpu.memory_space<hbm>> -> memref<4x4x8x128xf32, #tpu.memory_space<hbm>>
      %dma_start3A_332 = arith.constant 0 : i32
      %dma_start3A_333 = arith.constant 0 : i32
      %dma_start3A_334 = arith.constant 0 : i32
      %dma_start3A_335 = arith.constant 0 : i32
      %dma_start3A_336 = tpu.memref_slice %arg6[%dma_start3A_315, %dma_start3A_332, %dma_start3A_333, %dma_start3A_334, %dma_start3A_335] : memref<2x4x4x8x128xf32, #tpu.memory_space<vmem>> -> memref<1x4x4x8x128xf32, #tpu.memory_space<vmem>>
      %dma_start3A_337 = tpu.memref_squeeze %dma_start3A_336 : memref<1x4x4x8x128xf32, #tpu.memory_space<vmem>> -> memref<4x4x8x128xf32, #tpu.memory_space<vmem>>
      tpu.enqueue_dma source(%dma_start3A_337 : memref<4x4x8x128xf32, #tpu.memory_space<vmem>>) target(%dma_start3A_331 : memref<4x4x8x128xf32, #tpu.memory_space<hbm>>) target_semaphore(%arg11 : memref<!tpu.dma_semaphore, #tpu.memory_space<semaphore_mem>>)
    }
    %scan3A_108 = arith.constant 20 : i32
    %dma_wait3A_109 = arith.constant 1 : i32
    %dma_wait3A_110 = arith.constant 0 : i32
    %dma_wait3A_111 = arith.constant 0 : i32
    %dma_wait3A_112 = tpu.memref_slice %arg5[%dma_wait3A_109, %dma_wait3A_110, %dma_wait3A_111] : memref<2x40x512xi32, #tpu.memory_space<vmem>> -> memref<1x40x512xi32, #tpu.memory_space<vmem>>
    %dma_wait3A_113 = tpu.memref_squeeze %dma_wait3A_112 : memref<1x40x512xi32, #tpu.memory_space<vmem>> -> memref<40x512xi32, #tpu.memory_space<vmem>>
    %dma_wait3A_114 = arith.constant 0 : i32
    %dma_wait3A_115 = tpu.memref_slice %arg2[%dma_wait3A_114, %mul3A_2] : memref<200x16384xi32, #tpu.memory_space<hbm>> -> memref<40x512xi32, #tpu.memory_space<hbm>>
    %dma_wait3A_116 = arith.constant 0 : i32
    %dma_wait3A_117 = arith.constant 0 : i32
    %dma_wait3A_118 = tpu.memref_slice %arg5[%dma_wait3A_109, %dma_wait3A_116, %dma_wait3A_117] : memref<2x40x512xi32, #tpu.memory_space<vmem>> -> memref<1x40x512xi32, #tpu.memory_space<vmem>>
    %dma_wait3A_119 = tpu.memref_squeeze %dma_wait3A_118 : memref<1x40x512xi32, #tpu.memory_space<vmem>> -> memref<40x512xi32, #tpu.memory_space<vmem>>
    %dma_wait3A_120 = arith.constant 0 : i32
    %dma_wait3A_121 = tpu.memref_slice %arg2[%dma_wait3A_120, %mul3A_2] : memref<200x16384xi32, #tpu.memory_space<hbm>> -> memref<40x512xi32, #tpu.memory_space<hbm>>
    tpu.wait_dma2 semaphore(%arg9 : memref<!tpu.dma_semaphore, #tpu.memory_space<semaphore_mem>>) src(%dma_wait3A_121 : memref<40x512xi32, #tpu.memory_space<hbm>>) dst(%dma_wait3A_119 : memref<40x512xi32, #tpu.memory_space<vmem>>)
    %dma_start3A_122 = arith.constant 0 : i32
    %dma_start3A_123 = arith.constant 0 : i32
    %dma_start3A_124 = arith.constant 0 : i32
    %dma_start3A_125 = tpu.memref_slice %arg5[%dma_start3A_122, %dma_start3A_123, %dma_start3A_124] : memref<2x40x512xi32, #tpu.memory_space<vmem>> -> memref<1x40x512xi32, #tpu.memory_space<vmem>>
    %dma_start3A_126 = tpu.memref_squeeze %dma_start3A_125 : memref<1x40x512xi32, #tpu.memory_space<vmem>> -> memref<40x512xi32, #tpu.memory_space<vmem>>
    %dma_start3A_127 = arith.constant 160 : i32
    %dma_start3A_128 = tpu.memref_slice %arg2[%dma_start3A_127, %mul3A_2] : memref<200x16384xi32, #tpu.memory_space<hbm>> -> memref<40x512xi32, #tpu.memory_space<hbm>>
    %dma_start3A_129 = arith.constant 0 : i32
    %dma_start3A_130 = arith.constant 0 : i32
    %dma_start3A_131 = tpu.memref_slice %arg5[%dma_start3A_122, %dma_start3A_129, %dma_start3A_130] : memref<2x40x512xi32, #tpu.memory_space<vmem>> -> memref<1x40x512xi32, #tpu.memory_space<vmem>>
    %dma_start3A_132 = tpu.memref_squeeze %dma_start3A_131 : memref<1x40x512xi32, #tpu.memory_space<vmem>> -> memref<40x512xi32, #tpu.memory_space<vmem>>
    %dma_start3A_133 = arith.constant 160 : i32
    %dma_start3A_134 = tpu.memref_slice %arg2[%dma_start3A_133, %mul3A_2] : memref<200x16384xi32, #tpu.memory_space<hbm>> -> memref<40x512xi32, #tpu.memory_space<hbm>>
    tpu.enqueue_dma source(%dma_start3A_134 : memref<40x512xi32, #tpu.memory_space<hbm>>) target(%dma_start3A_132 : memref<40x512xi32, #tpu.memory_space<vmem>>) target_semaphore(%arg8 : memref<!tpu.dma_semaphore, #tpu.memory_space<semaphore_mem>>)
    %scan3A_135 = arith.constant 0 : i32
    %scan3A_136 = arith.constant 0 : i32
    %scan3A_137 = arith.constant 20 : i32
    %scan3A_138 = arith.addi %scan3A_136, %scan3A_137 : i32
    %scan3A_139 = arith.constant 1 : i32
    scf.for %scan3A_212 = %scan3A_136 to %scan3A_138 step %scan3A_139  : i32 {
      %mul3A_213 = arith.constant 2 : i32
      %mul3A_214 = arith.muli %mul3A_213, %scan3A_212 : i32
      %add3A_215 = arith.constant 120 : i32
      %add3A_216 = arith.addi %add3A_215, %mul3A_214 : i32
      %mul3A_217 = arith.constant 4 : i32
      %mul3A_218 = arith.muli %add3A, %mul3A_217 : i32
      %dma_wait3A_219 = arith.constant 0 : i32
      %dma_wait3A_220 = arith.constant 0 : i32
      %dma_wait3A_221 = arith.constant 0 : i32
      %dma_wait3A_222 = arith.constant 0 : i32
      %dma_wait3A_223 = arith.constant 0 : i32
      %dma_wait3A_224 = arith.constant 0 : i32
      %dma_wait3A_225 = tpu.memref_slice %arg6[%dma_wait3A_219, %dma_wait3A_221, %dma_wait3A_222, %dma_wait3A_223, %dma_wait3A_224] : memref<2x4x4x8x128xf32, #tpu.memory_space<vmem>> -> memref<1x4x4x8x128xf32, #tpu.memory_space<vmem>>
      %dma_wait3A_226 = tpu.memref_squeeze %dma_wait3A_225 : memref<1x4x4x8x128xf32, #tpu.memory_space<vmem>> -> memref<4x4x8x128xf32, #tpu.memory_space<vmem>>
      %dma_wait3A_227 = arith.constant 0 : i32
      %dma_wait3A_228 = arith.constant 0 : i32
      %dma_wait3A_229 = arith.constant 0 : i32
      %dma_wait3A_230 = tpu.memref_slice %arg4[%dma_wait3A_220, %dma_wait3A_227, %mul3A_218, %dma_wait3A_228, %dma_wait3A_229] : memref<200x4x128x8x128xf32, #tpu.memory_space<hbm>> -> memref<1x4x4x8x128xf32, #tpu.memory_space<hbm>>
      %dma_wait3A_231 = tpu.memref_squeeze %dma_wait3A_230 : memref<1x4x4x8x128xf32, #tpu.memory_space<hbm>> -> memref<4x4x8x128xf32, #tpu.memory_space<hbm>>
      %dma_wait3A_232 = arith.constant 0 : i32
      %dma_wait3A_233 = arith.constant 0 : i32
      %dma_wait3A_234 = arith.constant 0 : i32
      %dma_wait3A_235 = tpu.memref_slice %arg4[%dma_wait3A_220, %dma_wait3A_232, %mul3A_218, %dma_wait3A_233, %dma_wait3A_234] : memref<200x4x128x8x128xf32, #tpu.memory_space<hbm>> -> memref<1x4x4x8x128xf32, #tpu.memory_space<hbm>>
      %dma_wait3A_236 = tpu.memref_squeeze %dma_wait3A_235 : memref<1x4x4x8x128xf32, #tpu.memory_space<hbm>> -> memref<4x4x8x128xf32, #tpu.memory_space<hbm>>
      %dma_wait3A_237 = arith.constant 0 : i32
      %dma_wait3A_238 = arith.constant 0 : i32
      %dma_wait3A_239 = arith.constant 0 : i32
      %dma_wait3A_240 = arith.constant 0 : i32
      %dma_wait3A_241 = tpu.memref_slice %arg6[%dma_wait3A_219, %dma_wait3A_237, %dma_wait3A_238, %dma_wait3A_239, %dma_wait3A_240] : memref<2x4x4x8x128xf32, #tpu.memory_space<vmem>> -> memref<1x4x4x8x128xf32, #tpu.memory_space<vmem>>
      %dma_wait3A_242 = tpu.memref_squeeze %dma_wait3A_241 : memref<1x4x4x8x128xf32, #tpu.memory_space<vmem>> -> memref<4x4x8x128xf32, #tpu.memory_space<vmem>>
      tpu.wait_dma2 semaphore(%arg10 : memref<!tpu.dma_semaphore, #tpu.memory_space<semaphore_mem>>) src(%dma_wait3A_242 : memref<4x4x8x128xf32, #tpu.memory_space<vmem>>) dst(%dma_wait3A_236 : memref<4x4x8x128xf32, #tpu.memory_space<hbm>>)
      %mul3A_243 = arith.constant 2 : i32
      %mul3A_244 = arith.muli %mul3A_243, %scan3A_212 : i32
      %add3A_245 = arith.constant 0 : i32
      %add3A_246 = arith.addi %mul3A_244, %add3A_245 : i32
      %parallel_loop3A = arith.constant 0 : i32
      %parallel_loop3A_247 = arith.constant 32 : i32
      %parallel_loop3A_248 = arith.constant 1 : i32
      %parallel_loop3A_249 = arith.constant 0 : i32
      scf.for %parallel_loop3A_338 = %parallel_loop3A to %parallel_loop3A_247 step %parallel_loop3A_248  : i32 {
        %parallel_loop3A_339 = arith.constant 16 : i32
        %parallel_loop3A_340 = arith.muli %parallel_loop3A_338, %parallel_loop3A_339 : i32
        %parallel_loop3A_341 = arith.constant 1 : i32
        %parallel_loop3A_342 = arith.index_cast %parallel_loop3A_341 : i32 to index
        %parallel_loop3A_343 = arith.index_cast %add3A_246 : i32 to index
        %parallel_loop3A_344 = arith.index_cast %parallel_loop3A_340 : i32 to index
        %parallel_loop3A_345 = tpu.vector_load %arg5[%parallel_loop3A_342, %parallel_loop3A_343, %parallel_loop3A_344] {strides = array<i32>} : memref<2x40x512xi32, #tpu.memory_space<vmem>>, vector<16xi32>,
        %parallel_loop3A_346 = arith.constant 8 : i32
        %parallel_loop3A_347 = arith.divsi %parallel_loop3A_338, %parallel_loop3A_346 : i32
        %parallel_loop3A_348 = arith.constant 0 : i32
        %parallel_loop3A_349 = arith.cmpi sgt, %parallel_loop3A_338, %parallel_loop3A_348 : i32
        %parallel_loop3A_350 = arith.extui %parallel_loop3A_349 : i1 to i32
        %parallel_loop3A_351 = arith.constant 0 : i32
        %parallel_loop3A_352 = arith.cmpi slt, %parallel_loop3A_338, %parallel_loop3A_351 : i32
        %parallel_loop3A_353 = arith.extui %parallel_loop3A_352 : i1 to i32
        %parallel_loop3A_354 = arith.subi %parallel_loop3A_350, %parallel_loop3A_353 : i32
        %parallel_loop3A_355 = arith.constant 0 : i32
        %parallel_loop3A_356 = arith.cmpi sgt, %parallel_loop3A_346, %parallel_loop3A_355 : i32
        %parallel_loop3A_357 = arith.extui %parallel_loop3A_356 : i1 to i32
        %parallel_loop3A_358 = arith.constant 0 : i32
        %parallel_loop3A_359 = arith.cmpi slt, %parallel_loop3A_346, %parallel_loop3A_358 : i32
        %parallel_loop3A_360 = arith.extui %parallel_loop3A_359 : i1 to i32
        %parallel_loop3A_361 = arith.subi %parallel_loop3A_357, %parallel_loop3A_360 : i32
        %parallel_loop3A_362 = arith.cmpi ne, %parallel_loop3A_354, %parallel_loop3A_361 : i32
        %parallel_loop3A_363 = arith.remsi %parallel_loop3A_338, %parallel_loop3A_346 : i32
        %parallel_loop3A_364 = arith.constant 0 : i32
        %parallel_loop3A_365 = arith.cmpi ne, %parallel_loop3A_363, %parallel_loop3A_364 : i32
        %parallel_loop3A_366 = arith.andi %parallel_loop3A_362, %parallel_loop3A_365 : i1
        %parallel_loop3A_367 = arith.constant 1 : i32
        %parallel_loop3A_368 = arith.subi %parallel_loop3A_347, %parallel_loop3A_367 : i32
        %parallel_loop3A_369 = arith.select %parallel_loop3A_366, %parallel_loop3A_368, %parallel_loop3A_347 : i32
        %parallel_loop3A_370 = arith.constant 8 : i32
        %parallel_loop3A_371 = arith.constant 0 : i32
        %parallel_loop3A_372 = arith.cmpi eq, %parallel_loop3A_370, %parallel_loop3A_371 : i32
        %parallel_loop3A_373 = arith.constant 1 : i32
        %parallel_loop3A_374 = arith.select %parallel_loop3A_372, %parallel_loop3A_373, %parallel_loop3A_370 : i32
        %parallel_loop3A_375 = arith.remsi %parallel_loop3A_338, %parallel_loop3A_374 : i32
        %parallel_loop3A_376 = arith.constant 0 : i32
        %parallel_loop3A_377 = arith.cmpi ne, %parallel_loop3A_375, %parallel_loop3A_376 : i32
        %parallel_loop3A_378 = arith.constant 0 : i32
        %parallel_loop3A_379 = arith.cmpi slt, %parallel_loop3A_375, %parallel_loop3A_378 : i32
        %parallel_loop3A_380 = arith.constant 0 : i32
        %parallel_loop3A_381 = arith.cmpi slt, %parallel_loop3A_374, %parallel_loop3A_380 : i32
        %parallel_loop3A_382 = arith.xori %parallel_loop3A_379, %parallel_loop3A_381 : i1
        %parallel_loop3A_383 = arith.andi %parallel_loop3A_382, %parallel_loop3A_377 : i1
        %parallel_loop3A_384 = arith.addi %parallel_loop3A_375, %parallel_loop3A_374 : i32
        %parallel_loop3A_385 = arith.select %parallel_loop3A_383, %parallel_loop3A_384, %parallel_loop3A_375 : i32
        %parallel_loop3A_386 = arith.constant 16 : i32
        %parallel_loop3A_387 = arith.muli %parallel_loop3A_385, %parallel_loop3A_386 : i32
        %parallel_loop3A_388 = arith.constant 0 : i32
        %parallel_loop3A_389 = arith.constant 32 : i32
        %parallel_loop3A_390 = arith.constant 1 : i32
        scf.for %parallel_loop3A_391 = %parallel_loop3A_388 to %parallel_loop3A_389 step %parallel_loop3A_390  : i32 {
          %parallel_loop3A_392 = vector.broadcast %parallel_loop3A_391 : i32 to vector<16xi32>
          %parallel_loop3A_393 = tpu.vector_load_idx %arg7[%parallel_loop3A_392, %parallel_loop3A_345] : memref<32x150xf32, #tpu.memory_space<vmem>>[vector<16xi32>, vector<16xi32>], vector<16xf32>,
          %parallel_loop3A_394 = arith.constant 8 : i32
          %parallel_loop3A_395 = arith.divsi %parallel_loop3A_391, %parallel_loop3A_394 : i32
          %parallel_loop3A_396 = arith.constant 0 : i32
          %parallel_loop3A_397 = arith.cmpi sgt, %parallel_loop3A_391, %parallel_loop3A_396 : i32
          %parallel_loop3A_398 = arith.extui %parallel_loop3A_397 : i1 to i32
          %parallel_loop3A_399 = arith.constant 0 : i32
          %parallel_loop3A_400 = arith.cmpi slt, %parallel_loop3A_391, %parallel_loop3A_399 : i32
          %parallel_loop3A_401 = arith.extui %parallel_loop3A_400 : i1 to i32
          %parallel_loop3A_402 = arith.subi %parallel_loop3A_398, %parallel_loop3A_401 : i32
          %parallel_loop3A_403 = arith.constant 0 : i32
          %parallel_loop3A_404 = arith.cmpi sgt, %parallel_loop3A_394, %parallel_loop3A_403 : i32
          %parallel_loop3A_405 = arith.extui %parallel_loop3A_404 : i1 to i32
          %parallel_loop3A_406 = arith.constant 0 : i32
          %parallel_loop3A_407 = arith.cmpi slt, %parallel_loop3A_394, %parallel_loop3A_406 : i32
          %parallel_loop3A_408 = arith.extui %parallel_loop3A_407 : i1 to i32
          %parallel_loop3A_409 = arith.subi %parallel_loop3A_405, %parallel_loop3A_408 : i32
          %parallel_loop3A_410 = arith.cmpi ne, %parallel_loop3A_402, %parallel_loop3A_409 : i32
          %parallel_loop3A_411 = arith.remsi %parallel_loop3A_391, %parallel_loop3A_394 : i32
          %parallel_loop3A_412 = arith.constant 0 : i32
          %parallel_loop3A_413 = arith.cmpi ne, %parallel_loop3A_411, %parallel_loop3A_412 : i32
          %parallel_loop3A_414 = arith.andi %parallel_loop3A_410, %parallel_loop3A_413 : i1
          %parallel_loop3A_415 = arith.constant 1 : i32
          %parallel_loop3A_416 = arith.subi %parallel_loop3A_395, %parallel_loop3A_415 : i32
          %parallel_loop3A_417 = arith.select %parallel_loop3A_414, %parallel_loop3A_416, %parallel_loop3A_395 : i32
          %parallel_loop3A_418 = arith.constant 8 : i32
          %parallel_loop3A_419 = arith.constant 0 : i32
          %parallel_loop3A_420 = arith.cmpi eq, %parallel_loop3A_418, %parallel_loop3A_419 : i32
          %parallel_loop3A_421 = arith.constant 1 : i32
          %parallel_loop3A_422 = arith.select %parallel_loop3A_420, %parallel_loop3A_421, %parallel_loop3A_418 : i32
          %parallel_loop3A_423 = arith.remsi %parallel_loop3A_391, %parallel_loop3A_422 : i32
          %parallel_loop3A_424 = arith.constant 0 : i32
          %parallel_loop3A_425 = arith.cmpi ne, %parallel_loop3A_423, %parallel_loop3A_424 : i32
          %parallel_loop3A_426 = arith.constant 0 : i32
          %parallel_loop3A_427 = arith.cmpi slt, %parallel_loop3A_423, %parallel_loop3A_426 : i32
          %parallel_loop3A_428 = arith.constant 0 : i32
          %parallel_loop3A_429 = arith.cmpi slt, %parallel_loop3A_422, %parallel_loop3A_428 : i32
          %parallel_loop3A_430 = arith.xori %parallel_loop3A_427, %parallel_loop3A_429 : i1
          %parallel_loop3A_431 = arith.andi %parallel_loop3A_430, %parallel_loop3A_425 : i1
          %parallel_loop3A_432 = arith.addi %parallel_loop3A_423, %parallel_loop3A_422 : i32
          %parallel_loop3A_433 = arith.select %parallel_loop3A_431, %parallel_loop3A_432, %parallel_loop3A_423 : i32
          %parallel_loop3A_434 = arith.constant 0 : i32
          %parallel_loop3A_435 = arith.constant 0 : i32
          %parallel_loop3A_436 = arith.constant 0 : i32
          %parallel_loop3A_437 = arith.constant 0 : i32
          %parallel_loop3A_438 = tpu.memref_slice %arg6[%parallel_loop3A_249, %parallel_loop3A_434, %parallel_loop3A_435, %parallel_loop3A_436, %parallel_loop3A_437] : memref<2x4x4x8x128xf32, #tpu.memory_space<vmem>> -> memref<1x4x4x8x128xf32, #tpu.memory_space<vmem>>
          %parallel_loop3A_439 = tpu.memref_squeeze %parallel_loop3A_438 : memref<1x4x4x8x128xf32, #tpu.memory_space<vmem>> -> memref<4x4x8x128xf32, #tpu.memory_space<vmem>>
          %parallel_loop3A_440 = arith.index_cast %parallel_loop3A_417 : i32 to index
          %parallel_loop3A_441 = arith.index_cast %parallel_loop3A_369 : i32 to index
          %parallel_loop3A_442 = arith.index_cast %parallel_loop3A_433 : i32 to index
          %parallel_loop3A_443 = arith.index_cast %parallel_loop3A_387 : i32 to index
          %parallel_loop3A_444 = tpu.vector_load %parallel_loop3A_439[%parallel_loop3A_440, %parallel_loop3A_441, %parallel_loop3A_442, %parallel_loop3A_443] {strides = array<i32>} : memref<4x4x8x128xf32, #tpu.memory_space<vmem>>, vector<16xf32>,
          tpu.vector_store %parallel_loop3A_439[%parallel_loop3A_440, %parallel_loop3A_441, %parallel_loop3A_442, %parallel_loop3A_443], %parallel_loop3A_393 {strides = array<i32>} : memref<4x4x8x128xf32, #tpu.memory_space<vmem>>, vector<16xf32>,
        } {sc.loop_unroll_factor = 8 : i64, sc.parallel_access}
      } {sc.loop_unroll_factor = 4 : i64, sc.parallel_access}
      %add3A_250 = arith.constant 0 : i32
      %add3A_251 = arith.addi %add3A_216, %add3A_250 : i32
      %mul3A_252 = arith.constant 4 : i32
      %mul3A_253 = arith.muli %add3A, %mul3A_252 : i32
      %dma_start3A_254 = arith.constant 0 : i32
      %dma_start3A_255 = arith.constant 0 : i32
      %dma_start3A_256 = arith.constant 0 : i32
      %dma_start3A_257 = arith.constant 0 : i32
      %dma_start3A_258 = arith.constant 0 : i32
      %dma_start3A_259 = tpu.memref_slice %arg6[%dma_start3A_254, %dma_start3A_255, %dma_start3A_256, %dma_start3A_257, %dma_start3A_258] : memref<2x4x4x8x128xf32, #tpu.memory_space<vmem>> -> memref<1x4x4x8x128xf32, #tpu.memory_space<vmem>>
      %dma_start3A_260 = tpu.memref_squeeze %dma_start3A_259 : memref<1x4x4x8x128xf32, #tpu.memory_space<vmem>> -> memref<4x4x8x128xf32, #tpu.memory_space<vmem>>
      %dma_start3A_261 = arith.constant 0 : i32
      %dma_start3A_262 = arith.constant 0 : i32
      %dma_start3A_263 = arith.constant 0 : i32
      %dma_start3A_264 = tpu.memref_slice %arg4[%add3A_251, %dma_start3A_261, %mul3A_253, %dma_start3A_262, %dma_start3A_263] : memref<200x4x128x8x128xf32, #tpu.memory_space<hbm>> -> memref<1x4x4x8x128xf32, #tpu.memory_space<hbm>>
      %dma_start3A_265 = tpu.memref_squeeze %dma_start3A_264 : memref<1x4x4x8x128xf32, #tpu.memory_space<hbm>> -> memref<4x4x8x128xf32, #tpu.memory_space<hbm>>
      %dma_start3A_266 = arith.constant 0 : i32
      %dma_start3A_267 = arith.constant 0 : i32
      %dma_start3A_268 = arith.constant 0 : i32
      %dma_start3A_269 = tpu.memref_slice %arg4[%add3A_251, %dma_start3A_266, %mul3A_253, %dma_start3A_267, %dma_start3A_268] : memref<200x4x128x8x128xf32, #tpu.memory_space<hbm>> -> memref<1x4x4x8x128xf32, #tpu.memory_space<hbm>>
      %dma_start3A_270 = tpu.memref_squeeze %dma_start3A_269 : memref<1x4x4x8x128xf32, #tpu.memory_space<hbm>> -> memref<4x4x8x128xf32, #tpu.memory_space<hbm>>
      %dma_start3A_271 = arith.constant 0 : i32
      %dma_start3A_272 = arith.constant 0 : i32
      %dma_start3A_273 = arith.constant 0 : i32
      %dma_start3A_274 = arith.constant 0 : i32
      %dma_start3A_275 = tpu.memref_slice %arg6[%dma_start3A_254, %dma_start3A_271, %dma_start3A_272, %dma_start3A_273, %dma_start3A_274] : memref<2x4x4x8x128xf32, #tpu.memory_space<vmem>> -> memref<1x4x4x8x128xf32, #tpu.memory_space<vmem>>
      %dma_start3A_276 = tpu.memref_squeeze %dma_start3A_275 : memref<1x4x4x8x128xf32, #tpu.memory_space<vmem>> -> memref<4x4x8x128xf32, #tpu.memory_space<vmem>>
      tpu.enqueue_dma source(%dma_start3A_276 : memref<4x4x8x128xf32, #tpu.memory_space<vmem>>) target(%dma_start3A_270 : memref<4x4x8x128xf32, #tpu.memory_space<hbm>>) target_semaphore(%arg10 : memref<!tpu.dma_semaphore, #tpu.memory_space<semaphore_mem>>)
      %mul3A_277 = arith.constant 4 : i32
      %mul3A_278 = arith.muli %add3A, %mul3A_277 : i32
      %dma_wait3A_279 = arith.constant 1 : i32
      %dma_wait3A_280 = arith.constant 0 : i32
      %dma_wait3A_281 = arith.constant 0 : i32
      %dma_wait3A_282 = arith.constant 0 : i32
      %dma_wait3A_283 = arith.constant 0 : i32
      %dma_wait3A_284 = arith.constant 0 : i32
      %dma_wait3A_285 = tpu.memref_slice %arg6[%dma_wait3A_279, %dma_wait3A_281, %dma_wait3A_282, %dma_wait3A_283, %dma_wait3A_284] : memref<2x4x4x8x128xf32, #tpu.memory_space<vmem>> -> memref<1x4x4x8x128xf32, #tpu.memory_space<vmem>>
      %dma_wait3A_286 = tpu.memref_squeeze %dma_wait3A_285 : memref<1x4x4x8x128xf32, #tpu.memory_space<vmem>> -> memref<4x4x8x128xf32, #tpu.memory_space<vmem>>
      %dma_wait3A_287 = arith.constant 0 : i32
      %dma_wait3A_288 = arith.constant 0 : i32
      %dma_wait3A_289 = arith.constant 0 : i32
      %dma_wait3A_290 = tpu.memref_slice %arg4[%dma_wait3A_280, %dma_wait3A_287, %mul3A_278, %dma_wait3A_288, %dma_wait3A_289] : memref<200x4x128x8x128xf32, #tpu.memory_space<hbm>> -> memref<1x4x4x8x128xf32, #tpu.memory_space<hbm>>
      %dma_wait3A_291 = tpu.memref_squeeze %dma_wait3A_290 : memref<1x4x4x8x128xf32, #tpu.memory_space<hbm>> -> memref<4x4x8x128xf32, #tpu.memory_space<hbm>>
      %dma_wait3A_292 = arith.constant 0 : i32
      %dma_wait3A_293 = arith.constant 0 : i32
      %dma_wait3A_294 = arith.constant 0 : i32
      %dma_wait3A_295 = tpu.memref_slice %arg4[%dma_wait3A_280, %dma_wait3A_292, %mul3A_278, %dma_wait3A_293, %dma_wait3A_294] : memref<200x4x128x8x128xf32, #tpu.memory_space<hbm>> -> memref<1x4x4x8x128xf32, #tpu.memory_space<hbm>>
      %dma_wait3A_296 = tpu.memref_squeeze %dma_wait3A_295 : memref<1x4x4x8x128xf32, #tpu.memory_space<hbm>> -> memref<4x4x8x128xf32, #tpu.memory_space<hbm>>
      %dma_wait3A_297 = arith.constant 0 : i32
      %dma_wait3A_298 = arith.constant 0 : i32
      %dma_wait3A_299 = arith.constant 0 : i32
      %dma_wait3A_300 = arith.constant 0 : i32
      %dma_wait3A_301 = tpu.memref_slice %arg6[%dma_wait3A_279, %dma_wait3A_297, %dma_wait3A_298, %dma_wait3A_299, %dma_wait3A_300] : memref<2x4x4x8x128xf32, #tpu.memory_space<vmem>> -> memref<1x4x4x8x128xf32, #tpu.memory_space<vmem>>
      %dma_wait3A_302 = tpu.memref_squeeze %dma_wait3A_301 : memref<1x4x4x8x128xf32, #tpu.memory_space<vmem>> -> memref<4x4x8x128xf32, #tpu.memory_space<vmem>>
      tpu.wait_dma2 semaphore(%arg11 : memref<!tpu.dma_semaphore, #tpu.memory_space<semaphore_mem>>) src(%dma_wait3A_302 : memref<4x4x8x128xf32, #tpu.memory_space<vmem>>) dst(%dma_wait3A_296 : memref<4x4x8x128xf32, #tpu.memory_space<hbm>>)
      %mul3A_303 = arith.constant 2 : i32
      %mul3A_304 = arith.muli %mul3A_303, %scan3A_212 : i32
      %add3A_305 = arith.constant 1 : i32
      %add3A_306 = arith.addi %mul3A_304, %add3A_305 : i32
      %parallel_loop3A_307 = arith.constant 0 : i32
      %parallel_loop3A_308 = arith.constant 32 : i32
      %parallel_loop3A_309 = arith.constant 1 : i32
      %parallel_loop3A_310 = arith.constant 1 : i32
      scf.for %parallel_loop3A_338 = %parallel_loop3A_307 to %parallel_loop3A_308 step %parallel_loop3A_309  : i32 {
        %parallel_loop3A_339 = arith.constant 16 : i32
        %parallel_loop3A_340 = arith.muli %parallel_loop3A_338, %parallel_loop3A_339 : i32
        %parallel_loop3A_341 = arith.constant 1 : i32
        %parallel_loop3A_342 = arith.index_cast %parallel_loop3A_341 : i32 to index
        %parallel_loop3A_343 = arith.index_cast %add3A_306 : i32 to index
        %parallel_loop3A_344 = arith.index_cast %parallel_loop3A_340 : i32 to index
        %parallel_loop3A_345 = tpu.vector_load %arg5[%parallel_loop3A_342, %parallel_loop3A_343, %parallel_loop3A_344] {strides = array<i32>} : memref<2x40x512xi32, #tpu.memory_space<vmem>>, vector<16xi32>,
        %parallel_loop3A_346 = arith.constant 8 : i32
        %parallel_loop3A_347 = arith.divsi %parallel_loop3A_338, %parallel_loop3A_346 : i32
        %parallel_loop3A_348 = arith.constant 0 : i32
        %parallel_loop3A_349 = arith.cmpi sgt, %parallel_loop3A_338, %parallel_loop3A_348 : i32
        %parallel_loop3A_350 = arith.extui %parallel_loop3A_349 : i1 to i32
        %parallel_loop3A_351 = arith.constant 0 : i32
        %parallel_loop3A_352 = arith.cmpi slt, %parallel_loop3A_338, %parallel_loop3A_351 : i32
        %parallel_loop3A_353 = arith.extui %parallel_loop3A_352 : i1 to i32
        %parallel_loop3A_354 = arith.subi %parallel_loop3A_350, %parallel_loop3A_353 : i32
        %parallel_loop3A_355 = arith.constant 0 : i32
        %parallel_loop3A_356 = arith.cmpi sgt, %parallel_loop3A_346, %parallel_loop3A_355 : i32
        %parallel_loop3A_357 = arith.extui %parallel_loop3A_356 : i1 to i32
        %parallel_loop3A_358 = arith.constant 0 : i32
        %parallel_loop3A_359 = arith.cmpi slt, %parallel_loop3A_346, %parallel_loop3A_358 : i32
        %parallel_loop3A_360 = arith.extui %parallel_loop3A_359 : i1 to i32
        %parallel_loop3A_361 = arith.subi %parallel_loop3A_357, %parallel_loop3A_360 : i32
        %parallel_loop3A_362 = arith.cmpi ne, %parallel_loop3A_354, %parallel_loop3A_361 : i32
        %parallel_loop3A_363 = arith.remsi %parallel_loop3A_338, %parallel_loop3A_346 : i32
        %parallel_loop3A_364 = arith.constant 0 : i32
        %parallel_loop3A_365 = arith.cmpi ne, %parallel_loop3A_363, %parallel_loop3A_364 : i32
        %parallel_loop3A_366 = arith.andi %parallel_loop3A_362, %parallel_loop3A_365 : i1
        %parallel_loop3A_367 = arith.constant 1 : i32
        %parallel_loop3A_368 = arith.subi %parallel_loop3A_347, %parallel_loop3A_367 : i32
        %parallel_loop3A_369 = arith.select %parallel_loop3A_366, %parallel_loop3A_368, %parallel_loop3A_347 : i32
        %parallel_loop3A_370 = arith.constant 8 : i32
        %parallel_loop3A_371 = arith.constant 0 : i32
        %parallel_loop3A_372 = arith.cmpi eq, %parallel_loop3A_370, %parallel_loop3A_371 : i32
        %parallel_loop3A_373 = arith.constant 1 : i32
        %parallel_loop3A_374 = arith.select %parallel_loop3A_372, %parallel_loop3A_373, %parallel_loop3A_370 : i32
        %parallel_loop3A_375 = arith.remsi %parallel_loop3A_338, %parallel_loop3A_374 : i32
        %parallel_loop3A_376 = arith.constant 0 : i32
        %parallel_loop3A_377 = arith.cmpi ne, %parallel_loop3A_375, %parallel_loop3A_376 : i32
        %parallel_loop3A_378 = arith.constant 0 : i32
        %parallel_loop3A_379 = arith.cmpi slt, %parallel_loop3A_375, %parallel_loop3A_378 : i32
        %parallel_loop3A_380 = arith.constant 0 : i32
        %parallel_loop3A_381 = arith.cmpi slt, %parallel_loop3A_374, %parallel_loop3A_380 : i32
        %parallel_loop3A_382 = arith.xori %parallel_loop3A_379, %parallel_loop3A_381 : i1
        %parallel_loop3A_383 = arith.andi %parallel_loop3A_382, %parallel_loop3A_377 : i1
        %parallel_loop3A_384 = arith.addi %parallel_loop3A_375, %parallel_loop3A_374 : i32
        %parallel_loop3A_385 = arith.select %parallel_loop3A_383, %parallel_loop3A_384, %parallel_loop3A_375 : i32
        %parallel_loop3A_386 = arith.constant 16 : i32
        %parallel_loop3A_387 = arith.muli %parallel_loop3A_385, %parallel_loop3A_386 : i32
        %parallel_loop3A_388 = arith.constant 0 : i32
        %parallel_loop3A_389 = arith.constant 32 : i32
        %parallel_loop3A_390 = arith.constant 1 : i32
        scf.for %parallel_loop3A_391 = %parallel_loop3A_388 to %parallel_loop3A_389 step %parallel_loop3A_390  : i32 {
          %parallel_loop3A_392 = vector.broadcast %parallel_loop3A_391 : i32 to vector<16xi32>
          %parallel_loop3A_393 = tpu.vector_load_idx %arg7[%parallel_loop3A_392, %parallel_loop3A_345] : memref<32x150xf32, #tpu.memory_space<vmem>>[vector<16xi32>, vector<16xi32>], vector<16xf32>,
          %parallel_loop3A_394 = arith.constant 8 : i32
          %parallel_loop3A_395 = arith.divsi %parallel_loop3A_391, %parallel_loop3A_394 : i32
          %parallel_loop3A_396 = arith.constant 0 : i32
          %parallel_loop3A_397 = arith.cmpi sgt, %parallel_loop3A_391, %parallel_loop3A_396 : i32
          %parallel_loop3A_398 = arith.extui %parallel_loop3A_397 : i1 to i32
          %parallel_loop3A_399 = arith.constant 0 : i32
          %parallel_loop3A_400 = arith.cmpi slt, %parallel_loop3A_391, %parallel_loop3A_399 : i32
          %parallel_loop3A_401 = arith.extui %parallel_loop3A_400 : i1 to i32
          %parallel_loop3A_402 = arith.subi %parallel_loop3A_398, %parallel_loop3A_401 : i32
          %parallel_loop3A_403 = arith.constant 0 : i32
          %parallel_loop3A_404 = arith.cmpi sgt, %parallel_loop3A_394, %parallel_loop3A_403 : i32
          %parallel_loop3A_405 = arith.extui %parallel_loop3A_404 : i1 to i32
          %parallel_loop3A_406 = arith.constant 0 : i32
          %parallel_loop3A_407 = arith.cmpi slt, %parallel_loop3A_394, %parallel_loop3A_406 : i32
          %parallel_loop3A_408 = arith.extui %parallel_loop3A_407 : i1 to i32
          %parallel_loop3A_409 = arith.subi %parallel_loop3A_405, %parallel_loop3A_408 : i32
          %parallel_loop3A_410 = arith.cmpi ne, %parallel_loop3A_402, %parallel_loop3A_409 : i32
          %parallel_loop3A_411 = arith.remsi %parallel_loop3A_391, %parallel_loop3A_394 : i32
          %parallel_loop3A_412 = arith.constant 0 : i32
          %parallel_loop3A_413 = arith.cmpi ne, %parallel_loop3A_411, %parallel_loop3A_412 : i32
          %parallel_loop3A_414 = arith.andi %parallel_loop3A_410, %parallel_loop3A_413 : i1
          %parallel_loop3A_415 = arith.constant 1 : i32
          %parallel_loop3A_416 = arith.subi %parallel_loop3A_395, %parallel_loop3A_415 : i32
          %parallel_loop3A_417 = arith.select %parallel_loop3A_414, %parallel_loop3A_416, %parallel_loop3A_395 : i32
          %parallel_loop3A_418 = arith.constant 8 : i32
          %parallel_loop3A_419 = arith.constant 0 : i32
          %parallel_loop3A_420 = arith.cmpi eq, %parallel_loop3A_418, %parallel_loop3A_419 : i32
          %parallel_loop3A_421 = arith.constant 1 : i32
          %parallel_loop3A_422 = arith.select %parallel_loop3A_420, %parallel_loop3A_421, %parallel_loop3A_418 : i32
          %parallel_loop3A_423 = arith.remsi %parallel_loop3A_391, %parallel_loop3A_422 : i32
          %parallel_loop3A_424 = arith.constant 0 : i32
          %parallel_loop3A_425 = arith.cmpi ne, %parallel_loop3A_423, %parallel_loop3A_424 : i32
          %parallel_loop3A_426 = arith.constant 0 : i32
          %parallel_loop3A_427 = arith.cmpi slt, %parallel_loop3A_423, %parallel_loop3A_426 : i32
          %parallel_loop3A_428 = arith.constant 0 : i32
          %parallel_loop3A_429 = arith.cmpi slt, %parallel_loop3A_422, %parallel_loop3A_428 : i32
          %parallel_loop3A_430 = arith.xori %parallel_loop3A_427, %parallel_loop3A_429 : i1
          %parallel_loop3A_431 = arith.andi %parallel_loop3A_430, %parallel_loop3A_425 : i1
          %parallel_loop3A_432 = arith.addi %parallel_loop3A_423, %parallel_loop3A_422 : i32
          %parallel_loop3A_433 = arith.select %parallel_loop3A_431, %parallel_loop3A_432, %parallel_loop3A_423 : i32
          %parallel_loop3A_434 = arith.constant 0 : i32
          %parallel_loop3A_435 = arith.constant 0 : i32
          %parallel_loop3A_436 = arith.constant 0 : i32
          %parallel_loop3A_437 = arith.constant 0 : i32
          %parallel_loop3A_438 = tpu.memref_slice %arg6[%parallel_loop3A_310, %parallel_loop3A_434, %parallel_loop3A_435, %parallel_loop3A_436, %parallel_loop3A_437] : memref<2x4x4x8x128xf32, #tpu.memory_space<vmem>> -> memref<1x4x4x8x128xf32, #tpu.memory_space<vmem>>
          %parallel_loop3A_439 = tpu.memref_squeeze %parallel_loop3A_438 : memref<1x4x4x8x128xf32, #tpu.memory_space<vmem>> -> memref<4x4x8x128xf32, #tpu.memory_space<vmem>>
          %parallel_loop3A_440 = arith.index_cast %parallel_loop3A_417 : i32 to index
          %parallel_loop3A_441 = arith.index_cast %parallel_loop3A_369 : i32 to index
          %parallel_loop3A_442 = arith.index_cast %parallel_loop3A_433 : i32 to index
          %parallel_loop3A_443 = arith.index_cast %parallel_loop3A_387 : i32 to index
          %parallel_loop3A_444 = tpu.vector_load %parallel_loop3A_439[%parallel_loop3A_440, %parallel_loop3A_441, %parallel_loop3A_442, %parallel_loop3A_443] {strides = array<i32>} : memref<4x4x8x128xf32, #tpu.memory_space<vmem>>, vector<16xf32>,
          tpu.vector_store %parallel_loop3A_439[%parallel_loop3A_440, %parallel_loop3A_441, %parallel_loop3A_442, %parallel_loop3A_443], %parallel_loop3A_393 {strides = array<i32>} : memref<4x4x8x128xf32, #tpu.memory_space<vmem>>, vector<16xf32>,
        } {sc.loop_unroll_factor = 8 : i64, sc.parallel_access}
      } {sc.loop_unroll_factor = 4 : i64, sc.parallel_access}
      %add3A_311 = arith.constant 1 : i32
      %add3A_312 = arith.addi %add3A_216, %add3A_311 : i32
      %mul3A_313 = arith.constant 4 : i32
      %mul3A_314 = arith.muli %add3A, %mul3A_313 : i32
      %dma_start3A_315 = arith.constant 1 : i32
      %dma_start3A_316 = arith.constant 0 : i32
      %dma_start3A_317 = arith.constant 0 : i32
      %dma_start3A_318 = arith.constant 0 : i32
      %dma_start3A_319 = arith.constant 0 : i32
      %dma_start3A_320 = tpu.memref_slice %arg6[%dma_start3A_315, %dma_start3A_316, %dma_start3A_317, %dma_start3A_318, %dma_start3A_319] : memref<2x4x4x8x128xf32, #tpu.memory_space<vmem>> -> memref<1x4x4x8x128xf32, #tpu.memory_space<vmem>>
      %dma_start3A_321 = tpu.memref_squeeze %dma_start3A_320 : memref<1x4x4x8x128xf32, #tpu.memory_space<vmem>> -> memref<4x4x8x128xf32, #tpu.memory_space<vmem>>
      %dma_start3A_322 = arith.constant 0 : i32
      %dma_start3A_323 = arith.constant 0 : i32
      %dma_start3A_324 = arith.constant 0 : i32
      %dma_start3A_325 = tpu.memref_slice %arg4[%add3A_312, %dma_start3A_322, %mul3A_314, %dma_start3A_323, %dma_start3A_324] : memref<200x4x128x8x128xf32, #tpu.memory_space<hbm>> -> memref<1x4x4x8x128xf32, #tpu.memory_space<hbm>>
      %dma_start3A_326 = tpu.memref_squeeze %dma_start3A_325 : memref<1x4x4x8x128xf32, #tpu.memory_space<hbm>> -> memref<4x4x8x128xf32, #tpu.memory_space<hbm>>
      %dma_start3A_327 = arith.constant 0 : i32
      %dma_start3A_328 = arith.constant 0 : i32
      %dma_start3A_329 = arith.constant 0 : i32
      %dma_start3A_330 = tpu.memref_slice %arg4[%add3A_312, %dma_start3A_327, %mul3A_314, %dma_start3A_328, %dma_start3A_329] : memref<200x4x128x8x128xf32, #tpu.memory_space<hbm>> -> memref<1x4x4x8x128xf32, #tpu.memory_space<hbm>>
      %dma_start3A_331 = tpu.memref_squeeze %dma_start3A_330 : memref<1x4x4x8x128xf32, #tpu.memory_space<hbm>> -> memref<4x4x8x128xf32, #tpu.memory_space<hbm>>
      %dma_start3A_332 = arith.constant 0 : i32
      %dma_start3A_333 = arith.constant 0 : i32
      %dma_start3A_334 = arith.constant 0 : i32
      %dma_start3A_335 = arith.constant 0 : i32
      %dma_start3A_336 = tpu.memref_slice %arg6[%dma_start3A_315, %dma_start3A_332, %dma_start3A_333, %dma_start3A_334, %dma_start3A_335] : memref<2x4x4x8x128xf32, #tpu.memory_space<vmem>> -> memref<1x4x4x8x128xf32, #tpu.memory_space<vmem>>
      %dma_start3A_337 = tpu.memref_squeeze %dma_start3A_336 : memref<1x4x4x8x128xf32, #tpu.memory_space<vmem>> -> memref<4x4x8x128xf32, #tpu.memory_space<vmem>>
      tpu.enqueue_dma source(%dma_start3A_337 : memref<4x4x8x128xf32, #tpu.memory_space<vmem>>) target(%dma_start3A_331 : memref<4x4x8x128xf32, #tpu.memory_space<hbm>>) target_semaphore(%arg11 : memref<!tpu.dma_semaphore, #tpu.memory_space<semaphore_mem>>)
    }
    %scan3A_140 = arith.constant 20 : i32
    %dma_wait3A_141 = arith.constant 0 : i32
    %dma_wait3A_142 = arith.constant 0 : i32
    %dma_wait3A_143 = arith.constant 0 : i32
    %dma_wait3A_144 = tpu.memref_slice %arg5[%dma_wait3A_141, %dma_wait3A_142, %dma_wait3A_143] : memref<2x40x512xi32, #tpu.memory_space<vmem>> -> memref<1x40x512xi32, #tpu.memory_space<vmem>>
    %dma_wait3A_145 = tpu.memref_squeeze %dma_wait3A_144 : memref<1x40x512xi32, #tpu.memory_space<vmem>> -> memref<40x512xi32, #tpu.memory_space<vmem>>
    %dma_wait3A_146 = arith.constant 0 : i32
    %dma_wait3A_147 = tpu.memref_slice %arg2[%dma_wait3A_146, %mul3A_2] : memref<200x16384xi32, #tpu.memory_space<hbm>> -> memref<40x512xi32, #tpu.memory_space<hbm>>
    %dma_wait3A_148 = arith.constant 0 : i32
    %dma_wait3A_149 = arith.constant 0 : i32
    %dma_wait3A_150 = tpu.memref_slice %arg5[%dma_wait3A_141, %dma_wait3A_148, %dma_wait3A_149] : memref<2x40x512xi32, #tpu.memory_space<vmem>> -> memref<1x40x512xi32, #tpu.memory_space<vmem>>
    %dma_wait3A_151 = tpu.memref_squeeze %dma_wait3A_150 : memref<1x40x512xi32, #tpu.memory_space<vmem>> -> memref<40x512xi32, #tpu.memory_space<vmem>>
    %dma_wait3A_152 = arith.constant 0 : i32
    %dma_wait3A_153 = tpu.memref_slice %arg2[%dma_wait3A_152, %mul3A_2] : memref<200x16384xi32, #tpu.memory_space<hbm>> -> memref<40x512xi32, #tpu.memory_space<hbm>>
    tpu.wait_dma2 semaphore(%arg8 : memref<!tpu.dma_semaphore, #tpu.memory_space<semaphore_mem>>) src(%dma_wait3A_153 : memref<40x512xi32, #tpu.memory_space<hbm>>) dst(%dma_wait3A_151 : memref<40x512xi32, #tpu.memory_space<vmem>>)
    %scan3A_154 = arith.constant 0 : i32
    %scan3A_155 = arith.constant 0 : i32
    %scan3A_156 = arith.constant 20 : i32
    %scan3A_157 = arith.addi %scan3A_155, %scan3A_156 : i32
    %scan3A_158 = arith.constant 1 : i32
    scf.for %scan3A_212 = %scan3A_155 to %scan3A_157 step %scan3A_158  : i32 {
      %mul3A_213 = arith.constant 2 : i32
      %mul3A_214 = arith.muli %mul3A_213, %scan3A_212 : i32
      %add3A_215 = arith.constant 160 : i32
      %add3A_216 = arith.addi %add3A_215, %mul3A_214 : i32
      %mul3A_217 = arith.constant 4 : i32
      %mul3A_218 = arith.muli %add3A, %mul3A_217 : i32
      %dma_wait3A_219 = arith.constant 0 : i32
      %dma_wait3A_220 = arith.constant 0 : i32
      %dma_wait3A_221 = arith.constant 0 : i32
      %dma_wait3A_222 = arith.constant 0 : i32
      %dma_wait3A_223 = arith.constant 0 : i32
      %dma_wait3A_224 = arith.constant 0 : i32
      %dma_wait3A_225 = tpu.memref_slice %arg6[%dma_wait3A_219, %dma_wait3A_221, %dma_wait3A_222, %dma_wait3A_223, %dma_wait3A_224] : memref<2x4x4x8x128xf32, #tpu.memory_space<vmem>> -> memref<1x4x4x8x128xf32, #tpu.memory_space<vmem>>
      %dma_wait3A_226 = tpu.memref_squeeze %dma_wait3A_225 : memref<1x4x4x8x128xf32, #tpu.memory_space<vmem>> -> memref<4x4x8x128xf32, #tpu.memory_space<vmem>>
      %dma_wait3A_227 = arith.constant 0 : i32
      %dma_wait3A_228 = arith.constant 0 : i32
      %dma_wait3A_229 = arith.constant 0 : i32
      %dma_wait3A_230 = tpu.memref_slice %arg4[%dma_wait3A_220, %dma_wait3A_227, %mul3A_218, %dma_wait3A_228, %dma_wait3A_229] : memref<200x4x128x8x128xf32, #tpu.memory_space<hbm>> -> memref<1x4x4x8x128xf32, #tpu.memory_space<hbm>>
      %dma_wait3A_231 = tpu.memref_squeeze %dma_wait3A_230 : memref<1x4x4x8x128xf32, #tpu.memory_space<hbm>> -> memref<4x4x8x128xf32, #tpu.memory_space<hbm>>
      %dma_wait3A_232 = arith.constant 0 : i32
      %dma_wait3A_233 = arith.constant 0 : i32
      %dma_wait3A_234 = arith.constant 0 : i32
      %dma_wait3A_235 = tpu.memref_slice %arg4[%dma_wait3A_220, %dma_wait3A_232, %mul3A_218, %dma_wait3A_233, %dma_wait3A_234] : memref<200x4x128x8x128xf32, #tpu.memory_space<hbm>> -> memref<1x4x4x8x128xf32, #tpu.memory_space<hbm>>
      %dma_wait3A_236 = tpu.memref_squeeze %dma_wait3A_235 : memref<1x4x4x8x128xf32, #tpu.memory_space<hbm>> -> memref<4x4x8x128xf32, #tpu.memory_space<hbm>>
      %dma_wait3A_237 = arith.constant 0 : i32
      %dma_wait3A_238 = arith.constant 0 : i32
      %dma_wait3A_239 = arith.constant 0 : i32
      %dma_wait3A_240 = arith.constant 0 : i32
      %dma_wait3A_241 = tpu.memref_slice %arg6[%dma_wait3A_219, %dma_wait3A_237, %dma_wait3A_238, %dma_wait3A_239, %dma_wait3A_240] : memref<2x4x4x8x128xf32, #tpu.memory_space<vmem>> -> memref<1x4x4x8x128xf32, #tpu.memory_space<vmem>>
      %dma_wait3A_242 = tpu.memref_squeeze %dma_wait3A_241 : memref<1x4x4x8x128xf32, #tpu.memory_space<vmem>> -> memref<4x4x8x128xf32, #tpu.memory_space<vmem>>
      tpu.wait_dma2 semaphore(%arg10 : memref<!tpu.dma_semaphore, #tpu.memory_space<semaphore_mem>>) src(%dma_wait3A_242 : memref<4x4x8x128xf32, #tpu.memory_space<vmem>>) dst(%dma_wait3A_236 : memref<4x4x8x128xf32, #tpu.memory_space<hbm>>)
      %mul3A_243 = arith.constant 2 : i32
      %mul3A_244 = arith.muli %mul3A_243, %scan3A_212 : i32
      %add3A_245 = arith.constant 0 : i32
      %add3A_246 = arith.addi %mul3A_244, %add3A_245 : i32
      %parallel_loop3A = arith.constant 0 : i32
      %parallel_loop3A_247 = arith.constant 32 : i32
      %parallel_loop3A_248 = arith.constant 1 : i32
      %parallel_loop3A_249 = arith.constant 0 : i32
      scf.for %parallel_loop3A_338 = %parallel_loop3A to %parallel_loop3A_247 step %parallel_loop3A_248  : i32 {
        %parallel_loop3A_339 = arith.constant 16 : i32
        %parallel_loop3A_340 = arith.muli %parallel_loop3A_338, %parallel_loop3A_339 : i32
        %parallel_loop3A_341 = arith.constant 0 : i32
        %parallel_loop3A_342 = arith.index_cast %parallel_loop3A_341 : i32 to index
        %parallel_loop3A_343 = arith.index_cast %add3A_246 : i32 to index
        %parallel_loop3A_344 = arith.index_cast %parallel_loop3A_340 : i32 to index
        %parallel_loop3A_345 = tpu.vector_load %arg5[%parallel_loop3A_342, %parallel_loop3A_343, %parallel_loop3A_344] {strides = array<i32>} : memref<2x40x512xi32, #tpu.memory_space<vmem>>, vector<16xi32>,
        %parallel_loop3A_346 = arith.constant 8 : i32
        %parallel_loop3A_347 = arith.divsi %parallel_loop3A_338, %parallel_loop3A_346 : i32
        %parallel_loop3A_348 = arith.constant 0 : i32
        %parallel_loop3A_349 = arith.cmpi sgt, %parallel_loop3A_338, %parallel_loop3A_348 : i32
        %parallel_loop3A_350 = arith.extui %parallel_loop3A_349 : i1 to i32
        %parallel_loop3A_351 = arith.constant 0 : i32
        %parallel_loop3A_352 = arith.cmpi slt, %parallel_loop3A_338, %parallel_loop3A_351 : i32
        %parallel_loop3A_353 = arith.extui %parallel_loop3A_352 : i1 to i32
        %parallel_loop3A_354 = arith.subi %parallel_loop3A_350, %parallel_loop3A_353 : i32
        %parallel_loop3A_355 = arith.constant 0 : i32
        %parallel_loop3A_356 = arith.cmpi sgt, %parallel_loop3A_346, %parallel_loop3A_355 : i32
        %parallel_loop3A_357 = arith.extui %parallel_loop3A_356 : i1 to i32
        %parallel_loop3A_358 = arith.constant 0 : i32
        %parallel_loop3A_359 = arith.cmpi slt, %parallel_loop3A_346, %parallel_loop3A_358 : i32
        %parallel_loop3A_360 = arith.extui %parallel_loop3A_359 : i1 to i32
        %parallel_loop3A_361 = arith.subi %parallel_loop3A_357, %parallel_loop3A_360 : i32
        %parallel_loop3A_362 = arith.cmpi ne, %parallel_loop3A_354, %parallel_loop3A_361 : i32
        %parallel_loop3A_363 = arith.remsi %parallel_loop3A_338, %parallel_loop3A_346 : i32
        %parallel_loop3A_364 = arith.constant 0 : i32
        %parallel_loop3A_365 = arith.cmpi ne, %parallel_loop3A_363, %parallel_loop3A_364 : i32
        %parallel_loop3A_366 = arith.andi %parallel_loop3A_362, %parallel_loop3A_365 : i1
        %parallel_loop3A_367 = arith.constant 1 : i32
        %parallel_loop3A_368 = arith.subi %parallel_loop3A_347, %parallel_loop3A_367 : i32
        %parallel_loop3A_369 = arith.select %parallel_loop3A_366, %parallel_loop3A_368, %parallel_loop3A_347 : i32
        %parallel_loop3A_370 = arith.constant 8 : i32
        %parallel_loop3A_371 = arith.constant 0 : i32
        %parallel_loop3A_372 = arith.cmpi eq, %parallel_loop3A_370, %parallel_loop3A_371 : i32
        %parallel_loop3A_373 = arith.constant 1 : i32
        %parallel_loop3A_374 = arith.select %parallel_loop3A_372, %parallel_loop3A_373, %parallel_loop3A_370 : i32
        %parallel_loop3A_375 = arith.remsi %parallel_loop3A_338, %parallel_loop3A_374 : i32
        %parallel_loop3A_376 = arith.constant 0 : i32
        %parallel_loop3A_377 = arith.cmpi ne, %parallel_loop3A_375, %parallel_loop3A_376 : i32
        %parallel_loop3A_378 = arith.constant 0 : i32
        %parallel_loop3A_379 = arith.cmpi slt, %parallel_loop3A_375, %parallel_loop3A_378 : i32
        %parallel_loop3A_380 = arith.constant 0 : i32
        %parallel_loop3A_381 = arith.cmpi slt, %parallel_loop3A_374, %parallel_loop3A_380 : i32
        %parallel_loop3A_382 = arith.xori %parallel_loop3A_379, %parallel_loop3A_381 : i1
        %parallel_loop3A_383 = arith.andi %parallel_loop3A_382, %parallel_loop3A_377 : i1
        %parallel_loop3A_384 = arith.addi %parallel_loop3A_375, %parallel_loop3A_374 : i32
        %parallel_loop3A_385 = arith.select %parallel_loop3A_383, %parallel_loop3A_384, %parallel_loop3A_375 : i32
        %parallel_loop3A_386 = arith.constant 16 : i32
        %parallel_loop3A_387 = arith.muli %parallel_loop3A_385, %parallel_loop3A_386 : i32
        %parallel_loop3A_388 = arith.constant 0 : i32
        %parallel_loop3A_389 = arith.constant 32 : i32
        %parallel_loop3A_390 = arith.constant 1 : i32
        scf.for %parallel_loop3A_391 = %parallel_loop3A_388 to %parallel_loop3A_389 step %parallel_loop3A_390  : i32 {
          %parallel_loop3A_392 = vector.broadcast %parallel_loop3A_391 : i32 to vector<16xi32>
          %parallel_loop3A_393 = tpu.vector_load_idx %arg7[%parallel_loop3A_392, %parallel_loop3A_345] : memref<32x150xf32, #tpu.memory_space<vmem>>[vector<16xi32>, vector<16xi32>], vector<16xf32>,
          %parallel_loop3A_394 = arith.constant 8 : i32
          %parallel_loop3A_395 = arith.divsi %parallel_loop3A_391, %parallel_loop3A_394 : i32
          %parallel_loop3A_396 = arith.constant 0 : i32
          %parallel_loop3A_397 = arith.cmpi sgt, %parallel_loop3A_391, %parallel_loop3A_396 : i32
          %parallel_loop3A_398 = arith.extui %parallel_loop3A_397 : i1 to i32
          %parallel_loop3A_399 = arith.constant 0 : i32
          %parallel_loop3A_400 = arith.cmpi slt, %parallel_loop3A_391, %parallel_loop3A_399 : i32
          %parallel_loop3A_401 = arith.extui %parallel_loop3A_400 : i1 to i32
          %parallel_loop3A_402 = arith.subi %parallel_loop3A_398, %parallel_loop3A_401 : i32
          %parallel_loop3A_403 = arith.constant 0 : i32
          %parallel_loop3A_404 = arith.cmpi sgt, %parallel_loop3A_394, %parallel_loop3A_403 : i32
          %parallel_loop3A_405 = arith.extui %parallel_loop3A_404 : i1 to i32
          %parallel_loop3A_406 = arith.constant 0 : i32
          %parallel_loop3A_407 = arith.cmpi slt, %parallel_loop3A_394, %parallel_loop3A_406 : i32
          %parallel_loop3A_408 = arith.extui %parallel_loop3A_407 : i1 to i32
          %parallel_loop3A_409 = arith.subi %parallel_loop3A_405, %parallel_loop3A_408 : i32
          %parallel_loop3A_410 = arith.cmpi ne, %parallel_loop3A_402, %parallel_loop3A_409 : i32
          %parallel_loop3A_411 = arith.remsi %parallel_loop3A_391, %parallel_loop3A_394 : i32
          %parallel_loop3A_412 = arith.constant 0 : i32
          %parallel_loop3A_413 = arith.cmpi ne, %parallel_loop3A_411, %parallel_loop3A_412 : i32
          %parallel_loop3A_414 = arith.andi %parallel_loop3A_410, %parallel_loop3A_413 : i1
          %parallel_loop3A_415 = arith.constant 1 : i32
          %parallel_loop3A_416 = arith.subi %parallel_loop3A_395, %parallel_loop3A_415 : i32
          %parallel_loop3A_417 = arith.select %parallel_loop3A_414, %parallel_loop3A_416, %parallel_loop3A_395 : i32
          %parallel_loop3A_418 = arith.constant 8 : i32
          %parallel_loop3A_419 = arith.constant 0 : i32
          %parallel_loop3A_420 = arith.cmpi eq, %parallel_loop3A_418, %parallel_loop3A_419 : i32
          %parallel_loop3A_421 = arith.constant 1 : i32
          %parallel_loop3A_422 = arith.select %parallel_loop3A_420, %parallel_loop3A_421, %parallel_loop3A_418 : i32
          %parallel_loop3A_423 = arith.remsi %parallel_loop3A_391, %parallel_loop3A_422 : i32
          %parallel_loop3A_424 = arith.constant 0 : i32
          %parallel_loop3A_425 = arith.cmpi ne, %parallel_loop3A_423, %parallel_loop3A_424 : i32
          %parallel_loop3A_426 = arith.constant 0 : i32
          %parallel_loop3A_427 = arith.cmpi slt, %parallel_loop3A_423, %parallel_loop3A_426 : i32
          %parallel_loop3A_428 = arith.constant 0 : i32
          %parallel_loop3A_429 = arith.cmpi slt, %parallel_loop3A_422, %parallel_loop3A_428 : i32
          %parallel_loop3A_430 = arith.xori %parallel_loop3A_427, %parallel_loop3A_429 : i1
          %parallel_loop3A_431 = arith.andi %parallel_loop3A_430, %parallel_loop3A_425 : i1
          %parallel_loop3A_432 = arith.addi %parallel_loop3A_423, %parallel_loop3A_422 : i32
          %parallel_loop3A_433 = arith.select %parallel_loop3A_431, %parallel_loop3A_432, %parallel_loop3A_423 : i32
          %parallel_loop3A_434 = arith.constant 0 : i32
          %parallel_loop3A_435 = arith.constant 0 : i32
          %parallel_loop3A_436 = arith.constant 0 : i32
          %parallel_loop3A_437 = arith.constant 0 : i32
          %parallel_loop3A_438 = tpu.memref_slice %arg6[%parallel_loop3A_249, %parallel_loop3A_434, %parallel_loop3A_435, %parallel_loop3A_436, %parallel_loop3A_437] : memref<2x4x4x8x128xf32, #tpu.memory_space<vmem>> -> memref<1x4x4x8x128xf32, #tpu.memory_space<vmem>>
          %parallel_loop3A_439 = tpu.memref_squeeze %parallel_loop3A_438 : memref<1x4x4x8x128xf32, #tpu.memory_space<vmem>> -> memref<4x4x8x128xf32, #tpu.memory_space<vmem>>
          %parallel_loop3A_440 = arith.index_cast %parallel_loop3A_417 : i32 to index
          %parallel_loop3A_441 = arith.index_cast %parallel_loop3A_369 : i32 to index
          %parallel_loop3A_442 = arith.index_cast %parallel_loop3A_433 : i32 to index
          %parallel_loop3A_443 = arith.index_cast %parallel_loop3A_387 : i32 to index
          %parallel_loop3A_444 = tpu.vector_load %parallel_loop3A_439[%parallel_loop3A_440, %parallel_loop3A_441, %parallel_loop3A_442, %parallel_loop3A_443] {strides = array<i32>} : memref<4x4x8x128xf32, #tpu.memory_space<vmem>>, vector<16xf32>,
          tpu.vector_store %parallel_loop3A_439[%parallel_loop3A_440, %parallel_loop3A_441, %parallel_loop3A_442, %parallel_loop3A_443], %parallel_loop3A_393 {strides = array<i32>} : memref<4x4x8x128xf32, #tpu.memory_space<vmem>>, vector<16xf32>,
        } {sc.loop_unroll_factor = 8 : i64, sc.parallel_access}
      } {sc.loop_unroll_factor = 4 : i64, sc.parallel_access}
      %add3A_250 = arith.constant 0 : i32
      %add3A_251 = arith.addi %add3A_216, %add3A_250 : i32
      %mul3A_252 = arith.constant 4 : i32
      %mul3A_253 = arith.muli %add3A, %mul3A_252 : i32
      %dma_start3A_254 = arith.constant 0 : i32
      %dma_start3A_255 = arith.constant 0 : i32
      %dma_start3A_256 = arith.constant 0 : i32
      %dma_start3A_257 = arith.constant 0 : i32
      %dma_start3A_258 = arith.constant 0 : i32
      %dma_start3A_259 = tpu.memref_slice %arg6[%dma_start3A_254, %dma_start3A_255, %dma_start3A_256, %dma_start3A_257, %dma_start3A_258] : memref<2x4x4x8x128xf32, #tpu.memory_space<vmem>> -> memref<1x4x4x8x128xf32, #tpu.memory_space<vmem>>
      %dma_start3A_260 = tpu.memref_squeeze %dma_start3A_259 : memref<1x4x4x8x128xf32, #tpu.memory_space<vmem>> -> memref<4x4x8x128xf32, #tpu.memory_space<vmem>>
      %dma_start3A_261 = arith.constant 0 : i32
      %dma_start3A_262 = arith.constant 0 : i32
      %dma_start3A_263 = arith.constant 0 : i32
      %dma_start3A_264 = tpu.memref_slice %arg4[%add3A_251, %dma_start3A_261, %mul3A_253, %dma_start3A_262, %dma_start3A_263] : memref<200x4x128x8x128xf32, #tpu.memory_space<hbm>> -> memref<1x4x4x8x128xf32, #tpu.memory_space<hbm>>
      %dma_start3A_265 = tpu.memref_squeeze %dma_start3A_264 : memref<1x4x4x8x128xf32, #tpu.memory_space<hbm>> -> memref<4x4x8x128xf32, #tpu.memory_space<hbm>>
      %dma_start3A_266 = arith.constant 0 : i32
      %dma_start3A_267 = arith.constant 0 : i32
      %dma_start3A_268 = arith.constant 0 : i32
      %dma_start3A_269 = tpu.memref_slice %arg4[%add3A_251, %dma_start3A_266, %mul3A_253, %dma_start3A_267, %dma_start3A_268] : memref<200x4x128x8x128xf32, #tpu.memory_space<hbm>> -> memref<1x4x4x8x128xf32, #tpu.memory_space<hbm>>
      %dma_start3A_270 = tpu.memref_squeeze %dma_start3A_269 : memref<1x4x4x8x128xf32, #tpu.memory_space<hbm>> -> memref<4x4x8x128xf32, #tpu.memory_space<hbm>>
      %dma_start3A_271 = arith.constant 0 : i32
      %dma_start3A_272 = arith.constant 0 : i32
      %dma_start3A_273 = arith.constant 0 : i32
      %dma_start3A_274 = arith.constant 0 : i32
      %dma_start3A_275 = tpu.memref_slice %arg6[%dma_start3A_254, %dma_start3A_271, %dma_start3A_272, %dma_start3A_273, %dma_start3A_274] : memref<2x4x4x8x128xf32, #tpu.memory_space<vmem>> -> memref<1x4x4x8x128xf32, #tpu.memory_space<vmem>>
      %dma_start3A_276 = tpu.memref_squeeze %dma_start3A_275 : memref<1x4x4x8x128xf32, #tpu.memory_space<vmem>> -> memref<4x4x8x128xf32, #tpu.memory_space<vmem>>
      tpu.enqueue_dma source(%dma_start3A_276 : memref<4x4x8x128xf32, #tpu.memory_space<vmem>>) target(%dma_start3A_270 : memref<4x4x8x128xf32, #tpu.memory_space<hbm>>) target_semaphore(%arg10 : memref<!tpu.dma_semaphore, #tpu.memory_space<semaphore_mem>>)
      %mul3A_277 = arith.constant 4 : i32
      %mul3A_278 = arith.muli %add3A, %mul3A_277 : i32
      %dma_wait3A_279 = arith.constant 1 : i32
      %dma_wait3A_280 = arith.constant 0 : i32
      %dma_wait3A_281 = arith.constant 0 : i32
      %dma_wait3A_282 = arith.constant 0 : i32
      %dma_wait3A_283 = arith.constant 0 : i32
      %dma_wait3A_284 = arith.constant 0 : i32
      %dma_wait3A_285 = tpu.memref_slice %arg6[%dma_wait3A_279, %dma_wait3A_281, %dma_wait3A_282, %dma_wait3A_283, %dma_wait3A_284] : memref<2x4x4x8x128xf32, #tpu.memory_space<vmem>> -> memref<1x4x4x8x128xf32, #tpu.memory_space<vmem>>
      %dma_wait3A_286 = tpu.memref_squeeze %dma_wait3A_285 : memref<1x4x4x8x128xf32, #tpu.memory_space<vmem>> -> memref<4x4x8x128xf32, #tpu.memory_space<vmem>>
      %dma_wait3A_287 = arith.constant 0 : i32
      %dma_wait3A_288 = arith.constant 0 : i32
      %dma_wait3A_289 = arith.constant 0 : i32
      %dma_wait3A_290 = tpu.memref_slice %arg4[%dma_wait3A_280, %dma_wait3A_287, %mul3A_278, %dma_wait3A_288, %dma_wait3A_289] : memref<200x4x128x8x128xf32, #tpu.memory_space<hbm>> -> memref<1x4x4x8x128xf32, #tpu.memory_space<hbm>>
      %dma_wait3A_291 = tpu.memref_squeeze %dma_wait3A_290 : memref<1x4x4x8x128xf32, #tpu.memory_space<hbm>> -> memref<4x4x8x128xf32, #tpu.memory_space<hbm>>
      %dma_wait3A_292 = arith.constant 0 : i32
      %dma_wait3A_293 = arith.constant 0 : i32
      %dma_wait3A_294 = arith.constant 0 : i32
      %dma_wait3A_295 = tpu.memref_slice %arg4[%dma_wait3A_280, %dma_wait3A_292, %mul3A_278, %dma_wait3A_293, %dma_wait3A_294] : memref<200x4x128x8x128xf32, #tpu.memory_space<hbm>> -> memref<1x4x4x8x128xf32, #tpu.memory_space<hbm>>
      %dma_wait3A_296 = tpu.memref_squeeze %dma_wait3A_295 : memref<1x4x4x8x128xf32, #tpu.memory_space<hbm>> -> memref<4x4x8x128xf32, #tpu.memory_space<hbm>>
      %dma_wait3A_297 = arith.constant 0 : i32
      %dma_wait3A_298 = arith.constant 0 : i32
      %dma_wait3A_299 = arith.constant 0 : i32
      %dma_wait3A_300 = arith.constant 0 : i32
      %dma_wait3A_301 = tpu.memref_slice %arg6[%dma_wait3A_279, %dma_wait3A_297, %dma_wait3A_298, %dma_wait3A_299, %dma_wait3A_300] : memref<2x4x4x8x128xf32, #tpu.memory_space<vmem>> -> memref<1x4x4x8x128xf32, #tpu.memory_space<vmem>>
      %dma_wait3A_302 = tpu.memref_squeeze %dma_wait3A_301 : memref<1x4x4x8x128xf32, #tpu.memory_space<vmem>> -> memref<4x4x8x128xf32, #tpu.memory_space<vmem>>
      tpu.wait_dma2 semaphore(%arg11 : memref<!tpu.dma_semaphore, #tpu.memory_space<semaphore_mem>>) src(%dma_wait3A_302 : memref<4x4x8x128xf32, #tpu.memory_space<vmem>>) dst(%dma_wait3A_296 : memref<4x4x8x128xf32, #tpu.memory_space<hbm>>)
      %mul3A_303 = arith.constant 2 : i32
      %mul3A_304 = arith.muli %mul3A_303, %scan3A_212 : i32
      %add3A_305 = arith.constant 1 : i32
      %add3A_306 = arith.addi %mul3A_304, %add3A_305 : i32
      %parallel_loop3A_307 = arith.constant 0 : i32
      %parallel_loop3A_308 = arith.constant 32 : i32
      %parallel_loop3A_309 = arith.constant 1 : i32
      %parallel_loop3A_310 = arith.constant 1 : i32
      scf.for %parallel_loop3A_338 = %parallel_loop3A_307 to %parallel_loop3A_308 step %parallel_loop3A_309  : i32 {
        %parallel_loop3A_339 = arith.constant 16 : i32
        %parallel_loop3A_340 = arith.muli %parallel_loop3A_338, %parallel_loop3A_339 : i32
        %parallel_loop3A_341 = arith.constant 0 : i32
        %parallel_loop3A_342 = arith.index_cast %parallel_loop3A_341 : i32 to index
        %parallel_loop3A_343 = arith.index_cast %add3A_306 : i32 to index
        %parallel_loop3A_344 = arith.index_cast %parallel_loop3A_340 : i32 to index
        %parallel_loop3A_345 = tpu.vector_load %arg5[%parallel_loop3A_342, %parallel_loop3A_343, %parallel_loop3A_344] {strides = array<i32>} : memref<2x40x512xi32, #tpu.memory_space<vmem>>, vector<16xi32>,
        %parallel_loop3A_346 = arith.constant 8 : i32
        %parallel_loop3A_347 = arith.divsi %parallel_loop3A_338, %parallel_loop3A_346 : i32
        %parallel_loop3A_348 = arith.constant 0 : i32
        %parallel_loop3A_349 = arith.cmpi sgt, %parallel_loop3A_338, %parallel_loop3A_348 : i32
        %parallel_loop3A_350 = arith.extui %parallel_loop3A_349 : i1 to i32
        %parallel_loop3A_351 = arith.constant 0 : i32
        %parallel_loop3A_352 = arith.cmpi slt, %parallel_loop3A_338, %parallel_loop3A_351 : i32
        %parallel_loop3A_353 = arith.extui %parallel_loop3A_352 : i1 to i32
        %parallel_loop3A_354 = arith.subi %parallel_loop3A_350, %parallel_loop3A_353 : i32
        %parallel_loop3A_355 = arith.constant 0 : i32
        %parallel_loop3A_356 = arith.cmpi sgt, %parallel_loop3A_346, %parallel_loop3A_355 : i32
        %parallel_loop3A_357 = arith.extui %parallel_loop3A_356 : i1 to i32
        %parallel_loop3A_358 = arith.constant 0 : i32
        %parallel_loop3A_359 = arith.cmpi slt, %parallel_loop3A_346, %parallel_loop3A_358 : i32
        %parallel_loop3A_360 = arith.extui %parallel_loop3A_359 : i1 to i32
        %parallel_loop3A_361 = arith.subi %parallel_loop3A_357, %parallel_loop3A_360 : i32
        %parallel_loop3A_362 = arith.cmpi ne, %parallel_loop3A_354, %parallel_loop3A_361 : i32
        %parallel_loop3A_363 = arith.remsi %parallel_loop3A_338, %parallel_loop3A_346 : i32
        %parallel_loop3A_364 = arith.constant 0 : i32
        %parallel_loop3A_365 = arith.cmpi ne, %parallel_loop3A_363, %parallel_loop3A_364 : i32
        %parallel_loop3A_366 = arith.andi %parallel_loop3A_362, %parallel_loop3A_365 : i1
        %parallel_loop3A_367 = arith.constant 1 : i32
        %parallel_loop3A_368 = arith.subi %parallel_loop3A_347, %parallel_loop3A_367 : i32
        %parallel_loop3A_369 = arith.select %parallel_loop3A_366, %parallel_loop3A_368, %parallel_loop3A_347 : i32
        %parallel_loop3A_370 = arith.constant 8 : i32
        %parallel_loop3A_371 = arith.constant 0 : i32
        %parallel_loop3A_372 = arith.cmpi eq, %parallel_loop3A_370, %parallel_loop3A_371 : i32
        %parallel_loop3A_373 = arith.constant 1 : i32
        %parallel_loop3A_374 = arith.select %parallel_loop3A_372, %parallel_loop3A_373, %parallel_loop3A_370 : i32
        %parallel_loop3A_375 = arith.remsi %parallel_loop3A_338, %parallel_loop3A_374 : i32
        %parallel_loop3A_376 = arith.constant 0 : i32
        %parallel_loop3A_377 = arith.cmpi ne, %parallel_loop3A_375, %parallel_loop3A_376 : i32
        %parallel_loop3A_378 = arith.constant 0 : i32
        %parallel_loop3A_379 = arith.cmpi slt, %parallel_loop3A_375, %parallel_loop3A_378 : i32
        %parallel_loop3A_380 = arith.constant 0 : i32
        %parallel_loop3A_381 = arith.cmpi slt, %parallel_loop3A_374, %parallel_loop3A_380 : i32
        %parallel_loop3A_382 = arith.xori %parallel_loop3A_379, %parallel_loop3A_381 : i1
        %parallel_loop3A_383 = arith.andi %parallel_loop3A_382, %parallel_loop3A_377 : i1
        %parallel_loop3A_384 = arith.addi %parallel_loop3A_375, %parallel_loop3A_374 : i32
        %parallel_loop3A_385 = arith.select %parallel_loop3A_383, %parallel_loop3A_384, %parallel_loop3A_375 : i32
        %parallel_loop3A_386 = arith.constant 16 : i32
        %parallel_loop3A_387 = arith.muli %parallel_loop3A_385, %parallel_loop3A_386 : i32
        %parallel_loop3A_388 = arith.constant 0 : i32
        %parallel_loop3A_389 = arith.constant 32 : i32
        %parallel_loop3A_390 = arith.constant 1 : i32
        scf.for %parallel_loop3A_391 = %parallel_loop3A_388 to %parallel_loop3A_389 step %parallel_loop3A_390  : i32 {
          %parallel_loop3A_392 = vector.broadcast %parallel_loop3A_391 : i32 to vector<16xi32>
          %parallel_loop3A_393 = tpu.vector_load_idx %arg7[%parallel_loop3A_392, %parallel_loop3A_345] : memref<32x150xf32, #tpu.memory_space<vmem>>[vector<16xi32>, vector<16xi32>], vector<16xf32>,
          %parallel_loop3A_394 = arith.constant 8 : i32
          %parallel_loop3A_395 = arith.divsi %parallel_loop3A_391, %parallel_loop3A_394 : i32
          %parallel_loop3A_396 = arith.constant 0 : i32
          %parallel_loop3A_397 = arith.cmpi sgt, %parallel_loop3A_391, %parallel_loop3A_396 : i32
          %parallel_loop3A_398 = arith.extui %parallel_loop3A_397 : i1 to i32
          %parallel_loop3A_399 = arith.constant 0 : i32
          %parallel_loop3A_400 = arith.cmpi slt, %parallel_loop3A_391, %parallel_loop3A_399 : i32
          %parallel_loop3A_401 = arith.extui %parallel_loop3A_400 : i1 to i32
          %parallel_loop3A_402 = arith.subi %parallel_loop3A_398, %parallel_loop3A_401 : i32
          %parallel_loop3A_403 = arith.constant 0 : i32
          %parallel_loop3A_404 = arith.cmpi sgt, %parallel_loop3A_394, %parallel_loop3A_403 : i32
          %parallel_loop3A_405 = arith.extui %parallel_loop3A_404 : i1 to i32
          %parallel_loop3A_406 = arith.constant 0 : i32
          %parallel_loop3A_407 = arith.cmpi slt, %parallel_loop3A_394, %parallel_loop3A_406 : i32
          %parallel_loop3A_408 = arith.extui %parallel_loop3A_407 : i1 to i32
          %parallel_loop3A_409 = arith.subi %parallel_loop3A_405, %parallel_loop3A_408 : i32
          %parallel_loop3A_410 = arith.cmpi ne, %parallel_loop3A_402, %parallel_loop3A_409 : i32
          %parallel_loop3A_411 = arith.remsi %parallel_loop3A_391, %parallel_loop3A_394 : i32
          %parallel_loop3A_412 = arith.constant 0 : i32
          %parallel_loop3A_413 = arith.cmpi ne, %parallel_loop3A_411, %parallel_loop3A_412 : i32
          %parallel_loop3A_414 = arith.andi %parallel_loop3A_410, %parallel_loop3A_413 : i1
          %parallel_loop3A_415 = arith.constant 1 : i32
          %parallel_loop3A_416 = arith.subi %parallel_loop3A_395, %parallel_loop3A_415 : i32
          %parallel_loop3A_417 = arith.select %parallel_loop3A_414, %parallel_loop3A_416, %parallel_loop3A_395 : i32
          %parallel_loop3A_418 = arith.constant 8 : i32
          %parallel_loop3A_419 = arith.constant 0 : i32
          %parallel_loop3A_420 = arith.cmpi eq, %parallel_loop3A_418, %parallel_loop3A_419 : i32
          %parallel_loop3A_421 = arith.constant 1 : i32
          %parallel_loop3A_422 = arith.select %parallel_loop3A_420, %parallel_loop3A_421, %parallel_loop3A_418 : i32
          %parallel_loop3A_423 = arith.remsi %parallel_loop3A_391, %parallel_loop3A_422 : i32
          %parallel_loop3A_424 = arith.constant 0 : i32
          %parallel_loop3A_425 = arith.cmpi ne, %parallel_loop3A_423, %parallel_loop3A_424 : i32
          %parallel_loop3A_426 = arith.constant 0 : i32
          %parallel_loop3A_427 = arith.cmpi slt, %parallel_loop3A_423, %parallel_loop3A_426 : i32
          %parallel_loop3A_428 = arith.constant 0 : i32
          %parallel_loop3A_429 = arith.cmpi slt, %parallel_loop3A_422, %parallel_loop3A_428 : i32
          %parallel_loop3A_430 = arith.xori %parallel_loop3A_427, %parallel_loop3A_429 : i1
          %parallel_loop3A_431 = arith.andi %parallel_loop3A_430, %parallel_loop3A_425 : i1
          %parallel_loop3A_432 = arith.addi %parallel_loop3A_423, %parallel_loop3A_422 : i32
          %parallel_loop3A_433 = arith.select %parallel_loop3A_431, %parallel_loop3A_432, %parallel_loop3A_423 : i32
          %parallel_loop3A_434 = arith.constant 0 : i32
          %parallel_loop3A_435 = arith.constant 0 : i32
          %parallel_loop3A_436 = arith.constant 0 : i32
          %parallel_loop3A_437 = arith.constant 0 : i32
          %parallel_loop3A_438 = tpu.memref_slice %arg6[%parallel_loop3A_310, %parallel_loop3A_434, %parallel_loop3A_435, %parallel_loop3A_436, %parallel_loop3A_437] : memref<2x4x4x8x128xf32, #tpu.memory_space<vmem>> -> memref<1x4x4x8x128xf32, #tpu.memory_space<vmem>>
          %parallel_loop3A_439 = tpu.memref_squeeze %parallel_loop3A_438 : memref<1x4x4x8x128xf32, #tpu.memory_space<vmem>> -> memref<4x4x8x128xf32, #tpu.memory_space<vmem>>
          %parallel_loop3A_440 = arith.index_cast %parallel_loop3A_417 : i32 to index
          %parallel_loop3A_441 = arith.index_cast %parallel_loop3A_369 : i32 to index
          %parallel_loop3A_442 = arith.index_cast %parallel_loop3A_433 : i32 to index
          %parallel_loop3A_443 = arith.index_cast %parallel_loop3A_387 : i32 to index
          %parallel_loop3A_444 = tpu.vector_load %parallel_loop3A_439[%parallel_loop3A_440, %parallel_loop3A_441, %parallel_loop3A_442, %parallel_loop3A_443] {strides = array<i32>} : memref<4x4x8x128xf32, #tpu.memory_space<vmem>>, vector<16xf32>,
          tpu.vector_store %parallel_loop3A_439[%parallel_loop3A_440, %parallel_loop3A_441, %parallel_loop3A_442, %parallel_loop3A_443], %parallel_loop3A_393 {strides = array<i32>} : memref<4x4x8x128xf32, #tpu.memory_space<vmem>>, vector<16xf32>,
        } {sc.loop_unroll_factor = 8 : i64, sc.parallel_access}
      } {sc.loop_unroll_factor = 4 : i64, sc.parallel_access}
      %add3A_311 = arith.constant 1 : i32
      %add3A_312 = arith.addi %add3A_216, %add3A_311 : i32
      %mul3A_313 = arith.constant 4 : i32
      %mul3A_314 = arith.muli %add3A, %mul3A_313 : i32
      %dma_start3A_315 = arith.constant 1 : i32
      %dma_start3A_316 = arith.constant 0 : i32
      %dma_start3A_317 = arith.constant 0 : i32
      %dma_start3A_318 = arith.constant 0 : i32
      %dma_start3A_319 = arith.constant 0 : i32
      %dma_start3A_320 = tpu.memref_slice %arg6[%dma_start3A_315, %dma_start3A_316, %dma_start3A_317, %dma_start3A_318, %dma_start3A_319] : memref<2x4x4x8x128xf32, #tpu.memory_space<vmem>> -> memref<1x4x4x8x128xf32, #tpu.memory_space<vmem>>
      %dma_start3A_321 = tpu.memref_squeeze %dma_start3A_320 : memref<1x4x4x8x128xf32, #tpu.memory_space<vmem>> -> memref<4x4x8x128xf32, #tpu.memory_space<vmem>>
      %dma_start3A_322 = arith.constant 0 : i32
      %dma_start3A_323 = arith.constant 0 : i32
      %dma_start3A_324 = arith.constant 0 : i32
      %dma_start3A_325 = tpu.memref_slice %arg4[%add3A_312, %dma_start3A_322, %mul3A_314, %dma_start3A_323, %dma_start3A_324] : memref<200x4x128x8x128xf32, #tpu.memory_space<hbm>> -> memref<1x4x4x8x128xf32, #tpu.memory_space<hbm>>
      %dma_start3A_326 = tpu.memref_squeeze %dma_start3A_325 : memref<1x4x4x8x128xf32, #tpu.memory_space<hbm>> -> memref<4x4x8x128xf32, #tpu.memory_space<hbm>>
      %dma_start3A_327 = arith.constant 0 : i32
      %dma_start3A_328 = arith.constant 0 : i32
      %dma_start3A_329 = arith.constant 0 : i32
      %dma_start3A_330 = tpu.memref_slice %arg4[%add3A_312, %dma_start3A_327, %mul3A_314, %dma_start3A_328, %dma_start3A_329] : memref<200x4x128x8x128xf32, #tpu.memory_space<hbm>> -> memref<1x4x4x8x128xf32, #tpu.memory_space<hbm>>
      %dma_start3A_331 = tpu.memref_squeeze %dma_start3A_330 : memref<1x4x4x8x128xf32, #tpu.memory_space<hbm>> -> memref<4x4x8x128xf32, #tpu.memory_space<hbm>>
      %dma_start3A_332 = arith.constant 0 : i32
      %dma_start3A_333 = arith.constant 0 : i32
      %dma_start3A_334 = arith.constant 0 : i32
      %dma_start3A_335 = arith.constant 0 : i32
      %dma_start3A_336 = tpu.memref_slice %arg6[%dma_start3A_315, %dma_start3A_332, %dma_start3A_333, %dma_start3A_334, %dma_start3A_335] : memref<2x4x4x8x128xf32, #tpu.memory_space<vmem>> -> memref<1x4x4x8x128xf32, #tpu.memory_space<vmem>>
      %dma_start3A_337 = tpu.memref_squeeze %dma_start3A_336 : memref<1x4x4x8x128xf32, #tpu.memory_space<vmem>> -> memref<4x4x8x128xf32, #tpu.memory_space<vmem>>
      tpu.enqueue_dma source(%dma_start3A_337 : memref<4x4x8x128xf32, #tpu.memory_space<vmem>>) target(%dma_start3A_331 : memref<4x4x8x128xf32, #tpu.memory_space<hbm>>) target_semaphore(%arg11 : memref<!tpu.dma_semaphore, #tpu.memory_space<semaphore_mem>>)
    }
    %scan3A_159 = arith.constant 20 : i32
    %mul3A_160 = arith.constant 4 : i32
    %mul3A_161 = arith.muli %add3A, %mul3A_160 : i32
    %dma_wait3A_162 = arith.constant 0 : i32
    %dma_wait3A_163 = arith.constant 0 : i32
    %dma_wait3A_164 = arith.constant 0 : i32
    %dma_wait3A_165 = arith.constant 0 : i32
    %dma_wait3A_166 = arith.constant 0 : i32
    %dma_wait3A_167 = arith.constant 0 : i32
    %dma_wait3A_168 = tpu.memref_slice %arg6[%dma_wait3A_162, %dma_wait3A_164, %dma_wait3A_165, %dma_wait3A_166, %dma_wait3A_167] : memref<2x4x4x8x128xf32, #tpu.memory_space<vmem>> -> memref<1x4x4x8x128xf32, #tpu.memory_space<vmem>>
    %dma_wait3A_169 = tpu.memref_squeeze %dma_wait3A_168 : memref<1x4x4x8x128xf32, #tpu.memory_space<vmem>> -> memref<4x4x8x128xf32, #tpu.memory_space<vmem>>
    %dma_wait3A_170 = arith.constant 0 : i32
    %dma_wait3A_171 = arith.constant 0 : i32
    %dma_wait3A_172 = arith.constant 0 : i32
    %dma_wait3A_173 = tpu.memref_slice %arg4[%dma_wait3A_163, %dma_wait3A_170, %mul3A_161, %dma_wait3A_171, %dma_wait3A_172] : memref<200x4x128x8x128xf32, #tpu.memory_space<hbm>> -> memref<1x4x4x8x128xf32, #tpu.memory_space<hbm>>
    %dma_wait3A_174 = tpu.memref_squeeze %dma_wait3A_173 : memref<1x4x4x8x128xf32, #tpu.memory_space<hbm>> -> memref<4x4x8x128xf32, #tpu.memory_space<hbm>>
    %dma_wait3A_175 = arith.constant 0 : i32
    %dma_wait3A_176 = arith.constant 0 : i32
    %dma_wait3A_177 = arith.constant 0 : i32
    %dma_wait3A_178 = tpu.memref_slice %arg4[%dma_wait3A_163, %dma_wait3A_175, %mul3A_161, %dma_wait3A_176, %dma_wait3A_177] : memref<200x4x128x8x128xf32, #tpu.memory_space<hbm>> -> memref<1x4x4x8x128xf32, #tpu.memory_space<hbm>>
    %dma_wait3A_179 = tpu.memref_squeeze %dma_wait3A_178 : memref<1x4x4x8x128xf32, #tpu.memory_space<hbm>> -> memref<4x4x8x128xf32, #tpu.memory_space<hbm>>
    %dma_wait3A_180 = arith.constant 0 : i32
    %dma_wait3A_181 = arith.constant 0 : i32
    %dma_wait3A_182 = arith.constant 0 : i32
    %dma_wait3A_183 = arith.constant 0 : i32
    %dma_wait3A_184 = tpu.memref_slice %arg6[%dma_wait3A_162, %dma_wait3A_180, %dma_wait3A_181, %dma_wait3A_182, %dma_wait3A_183] : memref<2x4x4x8x128xf32, #tpu.memory_space<vmem>> -> memref<1x4x4x8x128xf32, #tpu.memory_space<vmem>>
    %dma_wait3A_185 = tpu.memref_squeeze %dma_wait3A_184 : memref<1x4x4x8x128xf32, #tpu.memory_space<vmem>> -> memref<4x4x8x128xf32, #tpu.memory_space<vmem>>
    tpu.wait_dma2 semaphore(%arg10 : memref<!tpu.dma_semaphore, #tpu.memory_space<semaphore_mem>>) src(%dma_wait3A_185 : memref<4x4x8x128xf32, #tpu.memory_space<vmem>>) dst(%dma_wait3A_179 : memref<4x4x8x128xf32, #tpu.memory_space<hbm>>)
    %mul3A_186 = arith.constant 4 : i32
    %mul3A_187 = arith.muli %add3A, %mul3A_186 : i32
    %dma_wait3A_188 = arith.constant 1 : i32
    %dma_wait3A_189 = arith.constant 0 : i32
    %dma_wait3A_190 = arith.constant 0 : i32
    %dma_wait3A_191 = arith.constant 0 : i32
    %dma_wait3A_192 = arith.constant 0 : i32
    %dma_wait3A_193 = arith.constant 0 : i32
    %dma_wait3A_194 = tpu.memref_slice %arg6[%dma_wait3A_188, %dma_wait3A_190, %dma_wait3A_191, %dma_wait3A_192, %dma_wait3A_193] : memref<2x4x4x8x128xf32, #tpu.memory_space<vmem>> -> memref<1x4x4x8x128xf32, #tpu.memory_space<vmem>>
    %dma_wait3A_195 = tpu.memref_squeeze %dma_wait3A_194 : memref<1x4x4x8x128xf32, #tpu.memory_space<vmem>> -> memref<4x4x8x128xf32, #tpu.memory_space<vmem>>
    %dma_wait3A_196 = arith.constant 0 : i32
    %dma_wait3A_197 = arith.constant 0 : i32
    %dma_wait3A_198 = arith.constant 0 : i32
    %dma_wait3A_199 = tpu.memref_slice %arg4[%dma_wait3A_189, %dma_wait3A_196, %mul3A_187, %dma_wait3A_197, %dma_wait3A_198] : memref<200x4x128x8x128xf32, #tpu.memory_space<hbm>> -> memref<1x4x4x8x128xf32, #tpu.memory_space<hbm>>
    %dma_wait3A_200 = tpu.memref_squeeze %dma_wait3A_199 : memref<1x4x4x8x128xf32, #tpu.memory_space<hbm>> -> memref<4x4x8x128xf32, #tpu.memory_space<hbm>>
    %dma_wait3A_201 = arith.constant 0 : i32
    %dma_wait3A_202 = arith.constant 0 : i32
    %dma_wait3A_203 = arith.constant 0 : i32
    %dma_wait3A_204 = tpu.memref_slice %arg4[%dma_wait3A_189, %dma_wait3A_201, %mul3A_187, %dma_wait3A_202, %dma_wait3A_203] : memref<200x4x128x8x128xf32, #tpu.memory_space<hbm>> -> memref<1x4x4x8x128xf32, #tpu.memory_space<hbm>>
    %dma_wait3A_205 = tpu.memref_squeeze %dma_wait3A_204 : memref<1x4x4x8x128xf32, #tpu.memory_space<hbm>> -> memref<4x4x8x128xf32, #tpu.memory_space<hbm>>
    %dma_wait3A_206 = arith.constant 0 : i32
    %dma_wait3A_207 = arith.constant 0 : i32
    %dma_wait3A_208 = arith.constant 0 : i32
    %dma_wait3A_209 = arith.constant 0 : i32
    %dma_wait3A_210 = tpu.memref_slice %arg6[%dma_wait3A_188, %dma_wait3A_206, %dma_wait3A_207, %dma_wait3A_208, %dma_wait3A_209] : memref<2x4x4x8x128xf32, #tpu.memory_space<vmem>> -> memref<1x4x4x8x128xf32, #tpu.memory_space<vmem>>
    %dma_wait3A_211 = tpu.memref_squeeze %dma_wait3A_210 : memref<1x4x4x8x128xf32, #tpu.memory_space<vmem>> -> memref<4x4x8x128xf32, #tpu.memory_space<vmem>>
    tpu.wait_dma2 semaphore(%arg11 : memref<!tpu.dma_semaphore, #tpu.memory_space<semaphore_mem>>) src(%dma_wait3A_211 : memref<4x4x8x128xf32, #tpu.memory_space<vmem>>) dst(%dma_wait3A_205 : memref<4x4x8x128xf32, #tpu.memory_space<hbm>>)
    return
  }
}

</mosaic_0001>

<sc_bundles>
// kernel: kernel.3.cloned.1.call-start
scs
__scs_entry_jumppad:
0x0: {  	(pc) =	sbr.rel $0x88, $3  }
0x1: {  	(tag) =	ssettag $0x0;
	lr =	simm.s32 $0x1  }
0x2: {  	[smem:$0x3F9F] =	sst lr;
	_ =	strace $0xD0000000  }
0x3: {  	_ = 	snop  }
0x4: {  	_ = 	snop  }
0x5: {  	_ = 	snop  }
0x6: {  	_ = 	snop  }
0x7: {  	_ = 	snop  }
__scs_overlays_trampoline_lowered:
0x8: {  	[smem:$0x3FAE] =	sst s0  }
0x9: {  	[smem:$0x3FAF] =	sst s1  }
0xa: {  	[smem:$0x3FB0] =	sst s2  }
0xb: {  	[smem:$0x3FB1] =	sst s3  }
0xc: {  	[smem:$0x3FB2] =	sst s4  }
0xd: {  	[smem:$0x3FB3] =	sst s5  }
0xe: {  	[smem:$0x3FB4] =	sst s6  }
0xf: {  	[smem:$0x3FB5] =	sst s7  }
0x10: {  	[smem:$0x3FB6] =	sst s8  }
0x11: {  	[smem:$0x3FB7] =	sst s9;
	s0 =	simm.s32 @!p0 $0x0  }
0x12: {  	s1 =	sld [smem:$0x3F9D];
	s0 =	simm.s32 @p0 $0x1  }
0x13: {  	[smem:$0x3FB8] =	sst s0;
	s0 =	simm.s32 @!p1 $0x0  }
0x14: {  	s2 =	sld [smem:$0x3F9C];
	s0 =	simm.s32 @p1 $0x1  }
0x15: {  	[smem:$0x3FB9] =	sst s0;
	s0 =	simm.s32 @!p2 $0x0  }
0x16: {  	s3 =	sld [smem:$0x3FDB];
	s0 =	simm.s32 @p2 $0x1  }
0x17: {  	s4 =	simm.s32 $0x1BF5;
	[smem:$0x3FBB] =	sst s0  }
0x18: {  	s0 =	sld [smem:$0x3F9E];
	_ =	swait.ge [sflag:s4], $0x0  }
0x19: {  	s7 =	sld [smem:$0x3F9F]  }
0x1a: {  	s8 =	sadd.s32 $0xFFFFE003, lr  }
0x1b: {  	s9 =	sadd.s32 $0xFFFFFEF7, lr;
	s5 =	simm.s32 $0xFFFFFFFF;
	p2 =	slt.u32 s8, $0xFFFFF086  }
0x1c: {  	p1 =	slt.u32 s9, $0xF7A;
	s5 =	simm.s32 @!p2 $0x0  }
0x1d: {  	s5 =	simm.s32 @p1 $0x1;
	p0 =	seq.s32 s7, s2  }
0x1e: {  	s7 =	smul.u32 @!p0 $0xF7A, s2;
	p2 =	seq.s32 @!p0 s5, $0x0  }
0x1f: {  	s9 =	smul.u32 $0xF7A, s1;
	s8 =	simm.s32 @!p0 $0x1BF5;
	p2 =	por !p2, p0  }
0x20: {  	[sflag:s8] =	ssyncset.s32 @!p0 $0xFFFFF086;
	s6 =	sadd.s32 @!p0 s3, s7;
	s7 =	simm.s32 @!p0 $0x108  }
0x21: {  	s3 =	sadd.s32 s3, s9;
	s6 =	sadd.s32 @!p0 $0x88, s6;
	s7 =	simm.s32 @p2 $0x1082  }
0x22: {  	[simem:s7], [sflag:s8] =	dma.local @!p0 [hbm:s6], $0xF7A  }
0x23: {  	s9 =	sor.u32 $0xD0000000, s2;
	s6 =	simm.s32 $0x108;
	_ =	swait.ge @!p0 [sflag:s8], $0x0  }
0x24: {  	s3 =	sadd.s32 $0x88, s3;
	s6 =	simm.s32 @!p1 $0x1082;
	[sflag:s4] =	ssyncset.s32 $0xFFFFF086  }
0x25: {  	[simem:s6], [sflag:s4] =	dma.local [hbm:s3], $0xF7A  }
0x26: {  	[smem:$0x3F9F] =	sst s1;
	(tag) =	ssettag s2;
	_ =	strace s9  }
0x27: {  	s1 =	sld [smem:$0x3FAF]  }
0x28: {  	s2 =	sld [smem:$0x3FB0]  }
0x29: {  	s4 =	sld [smem:$0x3FB2]  }
0x2a: {  	p0 =	seq.s32 s5, $0x0;
	s5 =	sld [smem:$0x3FB3]  }
0x2b: {  	s6 =	sld [smem:$0x3FB4]  }
0x2c: {  	s7 =	sld [smem:$0x3FB5]  }
0x2d: {  	s3 =	simm.s32 $0x108;
	s8 =	sld [smem:$0x3FB6]  }
0x2e: {  	s3 =	simm.s32 @!p0 $0x1082;
	s9 =	sld [smem:$0x3FB7]  }
0x2f: {  	lr =	sadd.s32 s0, s3;
	s0 =	sld [smem:$0x3FAE]  }
0x30: {  	s3 =	sld [smem:$0x3FB1]  }
0x31: {  	[smem:$0x3FBA] =	sst s10  }
0x32: {  	s10 =	sld [smem:$0x3FB8];
	_ =	sdelay $0x3  }
0x33: {  	p0 =	seq.s32 s10, $0x1;
	s10 =	sld [smem:$0x3FBA];
	_ =	sdelay $0x3  }
0x34: {  	[smem:$0x3FBA] =	sst s10  }
0x35: {  	s10 =	sld [smem:$0x3FB9];
	_ =	sdelay $0x3  }
0x36: {  	p1 =	seq.s32 s10, $0x1;
	s10 =	sld [smem:$0x3FBA];
	_ =	sdelay $0x3  }
0x37: {  	[smem:$0x3FBA] =	sst s10  }
0x38: {  	s10 =	sld [smem:$0x3FBB]  }
0x39: {  	_ = 	snop;
	(pc) =	sbr.ind lr, $3  }
0x3a: {  	_ = 	snop  }
0x3b: {  	_ = 	snop  }
0x3c: {  	p2 =	seq.s32 s10, $0x1;
	s10 =	sld [smem:$0x3FBA]  }
0x3d: {  	_ =	shalt  }
0x3e: {  	_ =	shalt  }
0x3f: {  	_ =	shalt  }
0x40: {  	_ =	shalt  }
0x41: {  	_ =	shalt  }
0x42: {  	_ =	shalt  }
0x43: {  	_ =	shalt  }
0x44: {  	_ =	shalt  }
0x45: {  	_ =	shalt  }
0x46: {  	_ =	shalt  }
0x47: {  	_ =	shalt  }
0x48: {  	_ =	shalt  }
0x49: {  	_ =	shalt  }
0x4a: {  	_ =	shalt  }
0x4b: {  	_ =	shalt  }
0x4c: {  	_ =	shalt  }
0x4d: {  	_ =	shalt  }
0x4e: {  	_ =	shalt  }
0x4f: {  	_ =	shalt  }
0x50: {  	_ =	shalt  }
0x51: {  	_ =	shalt  }
0x52: {  	_ =	shalt  }
0x53: {  	_ =	shalt  }
0x54: {  	_ =	shalt  }
0x55: {  	_ =	shalt  }
0x56: {  	_ =	shalt  }
0x57: {  	_ =	shalt  }
0x58: {  	_ =	shalt  }
0x59: {  	_ =	shalt  }
0x5a: {  	_ =	shalt  }
0x5b: {  	_ =	shalt  }
0x5c: {  	_ =	shalt  }
0x5d: {  	_ =	shalt  }
0x5e: {  	_ =	shalt  }
0x5f: {  	_ =	shalt  }
0x60: {  	_ =	shalt  }
0x61: {  	_ =	shalt  }
0x62: {  	_ =	shalt  }
0x63: {  	_ =	shalt  }
0x64: {  	_ =	shalt  }
0x65: {  	_ =	shalt  }
0x66: {  	_ =	shalt  }
0x67: {  	_ =	shalt  }
0x68: {  	_ =	shalt  }
0x69: {  	_ =	shalt  }
0x6a: {  	_ =	shalt  }
0x6b: {  	_ =	shalt  }
0x6c: {  	_ =	shalt  }
0x6d: {  	_ =	shalt  }
0x6e: {  	_ =	shalt  }
0x6f: {  	_ =	shalt  }
0x70: {  	_ =	shalt  }
0x71: {  	_ =	shalt  }
0x72: {  	_ =	shalt  }
0x73: {  	_ =	shalt  }
0x74: {  	_ =	shalt  }
0x75: {  	_ =	shalt  }
0x76: {  	_ =	shalt  }
0x77: {  	_ =	shalt  }
0x78: {  	_ =	shalt  }
0x79: {  	_ =	shalt  }
0x7a: {  	_ =	shalt  }
0x7b: {  	_ =	shalt  }
0x7c: {  	_ =	shalt  }
0x7d: {  	_ =	shalt  }
0x7e: {  	_ =	shalt  }
0x7f: {  	_ =	shalt  }
0x80: {  	_ =	shalt  }
0x81: {  	_ =	shalt  }
0x82: {  	_ =	shalt  }
0x83: {  	_ =	shalt  }
0x84: {  	_ =	shalt  }
0x85: {  	_ =	shalt  }
0x86: {  	_ =	shalt  }
0x87: {  	_ =	shalt  }
.Lfunc_end0:
.L_simem_size_0:
called_computation_lowered:
.L_overlay_start_0:
0x88: {  	s2 =	sld [smem:$0x3FD9]  }
0x89: {  	s3 =	sld [smem:$0x3FFE];
	_ =	sdelay $0x1  }
0x8a: {  	s1 =	srdreg.scid  }
0x8b: {  	s0 =	sand.u32 $0x1, s1  }
0x8c: {  	s18 =	sshll.u32 s0, $0xA;
	s2 =	sadd.s32 s3, s2  }
0x8d: {  	s2 =	sadd.s32 s2, s18  }
0x8e: {  	[smem:$0x3FC6] =	sst s2  }
0x8f: {  	_ = 	snop  }
0x90: {  	s2 =	sld [smem:$0x3FC9]  }
0x91: {  	s19 =	sld [smem:$0x3FC8]  }
0x92: {  	s4 =	sld [smem:$0x3FD0];
	(tm) =	ssettm $0x1  }
0x93: {  	s5 =	sld [smem:$0x3FFB];
	_ =	sdelay $0x3  }
0x94: {  	_ =	strace s5  }
0x95: {  	s5 =	sld [smem:$0x3FFC];
	_ =	sdelay $0x3  }
0x96: {  	_ =	strace s5  }
0x97: {  	s5 =	sld [smem:$0x3FFD];
	_ =	sdelay $0x3  }
0x98: {  	_ =	strace s5  }
0x99: {  	_ =	strace $0x8FFFFFFF  }
0x9a: {  	s20 =	sld [smem:$0x3FDB];
	_ =	sdelay $0x1  }
0x9b: {  	s6 =	simm.s32 $_scs_section_size  }
0x9c: {  	s7 =	simm.s32 $_size__tile_overlayer_lowered;
	s8 =	simm.s32 $_tile_overlayer_lowered  }
0x9d: {  	s23 =	simm.s32 $0x1BFF;
	s22 =	sshll.u32 s8, $0x1;
	s5 =	sadd.s32 s6, s20  }
0x9e: {  	s9 =	simm.s32 $0x0;
	s21 =	sshll.u32 s7, $0x1;
	s7 =	sadd.s32 s22, s5  }
0x9f: {  	[timem:s9], [sflag:s23] =	dma.local [hbm:s7], s21  }
0xa0: {  	_ =	swait.ge [sflag:s23], s21  }
0xa1: {  	s6 =	ssub.s32 $0x0, s21;
	[sflag:s23] =	ssyncset.done $0x0  }
0xa2: {  	[sflag:s23] =	ssyncadd.s32 s6;
	_ =	sdelay $0x1  }
0xa3: {  	s24 =	simm.s32 $0x1B8B  }
0xa4: {  	_ =	swait.ge [sflag:s24], $0x1  }
0xa5: {  	[sflag:s24] =	ssyncset.done $0x0  }
0xa6: {  	s25 =	simm.s32 $0x1B8E;
	[sflag:s24] =	ssyncadd.s32 $0xFFFFFFFF  }
0xa7: {  	s26 =	simm.s32 $execute0_lowered;
	[smem:$0x3FD2] =	sst s25  }
0xa8: {  	s6 =	sshll.u32 s26, $0x1;
	_ =	strace $0x80000046;
	[dreg:$0x1] =	wrdreg $0xFFFFFFFF  }
0xa9: {  	s28 =	simm.s32 $_size_execute0_lowered;
	s5 =	sadd.s32 s5, s6;
	[dreg:$0x0] =	wrdreg $0x0  }
0xaa: {  	s6 =	sshll.u32 s28, $0x1;
	[dreg:$0x2] =	wrdreg s5  }
0xab: {  	[dreg:$0x3] =	wrdreg s6  }
0xac: {  	[dreg:$0x4] =	wrdreg $0xC0  }
0xad: {  	_ =	task [dreg:s9], $0x5FFFF  }
0xae: {  	[dreg:$0x1] =	wrdreg $0xFFFFFFFF  }
0xaf: {  	[dreg:$0x0] =	wrdreg $0x60  }
0xb0: {  	[dreg:$0x2] =	wrdreg s2  }
0xb1: {  	[dreg:$0x3] =	wrdreg s19  }
0xb2: {  	[dreg:$0x4] =	wrdreg s4  }
0xb3: {  	[dreg:$0x5] =	wrdreg $0x9  }
0xb4: {  	_ =	task.clear_ibuf [dreg:s9], $0x6FFFF;
	_ =	strace $0x90000046  }
0xb5: {  	s29 =	simm.s32 $0x9;
	_ =	strace $0x80000048  }
0xb6: {  	_ =	swait.ge [sflag:s29], $0x1  }
0xb7: {  	[sflag:s29] =	ssyncadd.s32 $0xFFFFFFFF  }
0xb8: {  	_ =	strace $0x90000048  }
0xb9: {  	_ =	sfence  }
0xba: {  	s30 =	sld [smem:$0x0];
	_ =	sdelay $0x2  }
0xbb: {  	s31 =	sshll.u32 s1, $0xD;
	s1 =	sshrl.u32 s1, $0x2  }
0xbc: {  	s3 =	sand.u32 $0x4000, s31;
	s1 =	sadd.s32 s1, s30  }
0xbd: {  	s0 =	sor.u32 s3, s0;
	s1 =	sshll.u32 s1, $0x11  }
0xbe: {  	s0 =	sor.u32 s1, s0  }
0xbf: {  	s0 =	sadd.s32 $0x8F2B, s0  }
0xc0: {  	[sflag:s0] =	ssyncadd.remote.s32 $0x1  }
0xc1: {  	_ =	sfence.sel $0xFFFF  }
0xc2: {  	[dreg:$0x0] =	wrdreg $0xFFFFFFFF;
	(pc) =	sbr.abs _section_cstart, $3  }
0xc3: {  	[dreg:$0x1] =	wrdreg $0xFFFFFFFF  }
0xc4: {  	_ =	task.clear_ibuf [dreg:s9], $0x2FFFF;
	_ =	strace $0x9FFFFFFF  }
0xc5: {  	(tm) =	ssettm $0x7FFFFFFF  }
tec
execute0_lowered:
.L_overlay_start_1:
0x0: {  	(tag) =	ssettag $0x1  }
0x1: {  	s0 =	rddreg [dreg:$0x0];
	s1 =	srdreg.scid  }
0x2: {  	s2 =	stileid.u32;
	s3 =	rddreg [dreg:$0x2];
	s4 =	simm.s32 $0x0  }
0x3: {  	s20 =	simm.s32 $0x12000;
	s28 =	simm.s32 $0xE000;
	s30 =	simm.s32 $0x3  }
0x4: {  	s31 =	simm.s32 $0x4;
	s1 =	sand.u32 $0x1, s1;
	s2 =	sshll.u32 s2, $0x1  }
0x5: {  	[smem:$0x7FF] =	sst s4;
	s2 =	sor.u32 s1, s2;
	s1 =	ssub.s32 $0x2, s1  }
0x6: {  	_ =	strace $0x80000047;
	s22 =	sshll.u32 s2, $0x9;
	s5 =	sshrl.u32 s1, $0x1  }
0x7: {  	s6 =	sshll.u32 s2, $0xC;
	s4 =	sadd.s32 s0, s22;
	s23 =	ssub.s32 s1, s5  }
0x8: {  	s9 =	sor.u32 $0x1400000, s6;
	s10 =	sor.u32 $0x1480000, s6;
	s12 =	sor.u32 $0x2800000, s6  }
0x9: {  	s13 =	sor.u32 $0x2880000, s6;
	s15 =	sor.u32 $0x3C00000, s6;
	s16 =	sor.u32 $0x3C80000, s6  }
0xa: {  	s17 =	sor.u32 $0x5000000, s6;
	s24 =	sadd.s32 $0x14000, s4;
	[dreg:$0x4] =	wrdreg s4  }
0xb: {  	s18 =	sor.u32 $0x5080000, s6;
	s25 =	sadd.s32 $0x28000, s4;
	[dreg:$0x5] =	wrdreg s24  }
0xc: {  	s22 =	simm.s32 $0x1000;
	s26 =	sadd.s32 $0x3C000, s4;
	[dreg:$0x6] =	wrdreg s25  }
0xd: {  	s1 =	simm.s32 $0x0;
	s29 =	sadd.s32 $0x50000, s4;
	[dreg:$0x7] =	wrdreg s26  }
0xe: {  	s0 =	smax.u32 s23, $0x1;
	s23 =	simm.s32 $0x20000;
	[dreg:$0x8] =	wrdreg s29  }
0xf: {  	[dreg:$0x9] =	wrdreg s0;
	s24 =	simm.s32 $0x1;
	s26 =	simm.s32 $0xA000  }
.LBB2_1:
0x10: {  	s0 =	rddreg [dreg:$0x1];
	s2 =	simm.s32 $0x0;
	s19 =	simm.s32 $0x5  }
0x11: {  	[tilespmem:s20], [sflag:$0x5] =	stream.linear.gather [hbm4b:s0+s2], $0x2000, $0x38;
	[tilespmem:$0x14000] =	vst v63  }
0x12: {  	_ =	swait.ge [sflag:s19], $0x2000  }
0x13: {  	[sflag:s19] =	ssyncset.done $0x0  }
0x14: {  	s21 =	rddreg [dreg:$0x4];
	[sflag:s19] =	ssyncadd.s32 $0xFFFFE000  }
0x15: {  	[tilespmem:s2], [sflag:$0x1] =	stream.strided.gather [hbm4b:s21+s22], $0x5000, s23, s22, $0x38;
	[tilespmem:$0x14000] =	vst v63  }
0x16: {  	_ =	swait.ge [sflag:s24], $0x5000  }
0x17: {  	s29 =	simm.s32 $0x5000;
	[sflag:s24] =	ssyncset.done $0x0  }
0x18: {  	s0 =	simm.s32 $0x0;
	s25 =	rddreg [dreg:$0x5];
	[sflag:s24] =	ssyncadd.s32 $0xFFFFB000  }
0x19: {  	[tilespmem:s29], [sflag:$0x2] =	stream.strided.gather [hbm4b:s25+s22], $0x5000, s23, s22, $0x38;
	[tilespmem:$0x14000] =	vst v63  }
.LBB2_2:
0x1a: {  	p0 =	seq.s32 s0, $0x0  }
0x1b: {  	s2 =	simm.s32 @!p0 $0x3  }
0x1c: {  	s25 =	sshll.u32 s0, $0x1;
	_ =	swait.ge @!p0 [sflag:s2], $0x4000  }
0x1d: {  	s4 =	sshll.u32 s0, $0xA;
	s5 =	sshll.u32 s0, $0x8;
	[sflag:s2] =	ssyncset.done @!p0 $0x0  }
0x1e: {  	[sflag:s2] =	ssyncadd.s32 @!p0 $0xFFFFC000;
	s2 =	sand.u32 $0x7000, s4;
	s4 =	sand.u32 $0x300, s5  }
0x1f: {  	s8 =	simm.s32 $0x0;
	p1 =	por $0x0, $0x0;
	s7 =	simm.s32 $0x0;
	v0 =	vmov s4  }
.LBB2_3:
0x20: {  	s5 =	sshll.u32 s8, $0x7  }
0x21: {  	s11 =	sshll.u32 s8, $0x4;
	s5 =	sand.u32 $0xC00, s5  }
0x22: {  	s11 =	sand.u32 $0x40, s11;
	s5 =	sadd.s32 s5, s2  }
0x23: {  	s19 =	sadd.s32 s11, s5  }
0x24: {  	v1 =	vld.idx.msk [tilespmem:v0+s19+$0x0 ss:$0x1], $0xffff;
	_ =	sdelay $0x1  }
0x25: {  	s11 =	simm.s32 $0x0  }
0x26: {  	v2 =	vmov s11  }
0x27: {  	v2 =	vshrl.u32 v2, $0x3  }
0x28: {  	v2 =	vshll.u32 v2, $0xB;
	v3 =	vshll.u32 v1, $0x3  }
0x29: {  	v9 =	vbroadcast v2, $0x0;
	v1 =	vand.u32 $0x7F, v1;
	v3 =	vand.u32 $0xFFFFFC00, v3  }
0x2a: {  	v6 =	vor.u32 v1, v3  }
0x2b: {  	v7 =	vor.u32 $0x80, v6;
	v1 =	vadd.s32 v6, v9  }
0x2c: {  	s14 =	simm.s32 $0x8;
	v8 =	vor.u32 $0x100, v6;
	v10 =	vadd.s32 v7, v9  }
0x2d: {  	v4 =	vmov s14;
	v5 =	vor.u32 $0x180, v6;
	v11 =	vadd.s32 v8, v9  }
0x2e: {  	v13 =	vshrl.u32 v4, $0x3;
	v2 =	vor.u32 $0x200, v6;
	v12 =	vadd.s32 v5, v9  }
0x2f: {  	v13 =	vshll.u32 v13, $0xB;
	v3 =	vor.u32 $0x280, v6;
	v14 =	vadd.s32 v2, v9  }
0x30: {  	s5 =	simm.s32 $0x1;
	v17 =	vbroadcast v13, $0x0;
	v4 =	vor.u32 $0x300, v6;
	v16 =	vadd.s32 v3, v9;
	v15 =	vld.idx.msk [tilespmem:v1+s20+$0x0], $0xffff  }
0x31: {  	s21 =	sshll.u32 s7, $0x2;
	s5 =	simm.s32 @!p1 $0x0;
	v13 =	vadd.s32 v4, v9;
	v10 =	vld.idx.msk [tilespmem:v10+s20+$0x0], $0xffff  }
0x32: {  	s11 =	sand.u32 $0xFFFFF000, s21;
	s5 =	sshll.u32 s5, $0x8;
	v18 =	vadd.s32 v6, v17;
	v1 =	vor.u32 $0x380, v6;
	v11 =	vld.idx.msk [tilespmem:v11+s20+$0x0], $0xffff  }
0x33: {  	s5 =	sor.u32 s5, s11;
	v9 =	vadd.s32 v1, v9;
	v12 =	vld.idx.msk [tilespmem:v12+s20+$0x0], $0xffff  }
0x34: {  	s5 =	sshrl.u32 s5, $0x2;
	v19 =	vadd.s32 v7, v17;
	v14 =	vld.idx.msk [tilespmem:v14+s20+$0x0], $0xffff  }
0x35: {  	s29 =	simm.s32 $0x10;
	s21 =	sadd.s32 $0xA200, s5;
	v20 =	vadd.s32 v8, v17;
	v22 =	vld.idx.msk [tilespmem:v16+s20+$0x0], $0xffff  }
0x36: {  	v23 =	vadd.s32 v5, v17;
	v16 =	vmov s29;
	v24 =	vld.idx.msk [tilespmem:v13+s20+$0x0], $0xffff;
	[tilespmem:s21+$0xFFFFFE00] =	vst v15  }
0x37: {  	v25 =	vadd.s32 v2, v17;
	v13 =	vshrl.u32 v16, $0x3;
	v15 =	vld.idx.msk [tilespmem:v18+s20+$0x0], $0xffff;
	[tilespmem:s21+$0xFFFFFE80] =	vst v10  }
0x38: {  	v21 =	vadd.s32 v3, v17;
	v16 =	vld.idx.msk [tilespmem:v9+s20+$0x0], $0xffff;
	v9 =	vshll.u32 v13, $0xB;
	[tilespmem:s21+$0xFFFFFF00] =	vst v11  }
0x39: {  	v13 =	vld.idx.msk [tilespmem:v19+s20+$0x0], $0xffff;
	[tilespmem:s21+$0xFFFFFF80] =	vst v12;
	v19 =	vadd.s32 v4, v17;
	v9 =	vbroadcast v9, $0x0  }
0x3a: {  	v18 =	vadd.s32 v1, v17;
	v11 =	vld.idx.msk [tilespmem:v20+s20+$0x0], $0xffff;
	[tilespmem:s21+$0x0] =	vst v14  }
0x3b: {  	s19 =	sadd.s32 s4, s19;
	v12 =	vld.idx.msk [tilespmem:v23+s20+$0x0], $0xffff;
	[tilespmem:s21+$0x80] =	vst v22;
	v17 =	vadd.s32 v6, v9  }
0x3c: {  	s11 =	sadd.s32 $0xA230, s5;
	s14 =	sadd.s32 $0xA220, s5;
	s5 =	sadd.s32 $0xA210, s5;
	v14 =	vld.idx.msk [tilespmem:v25+s20+$0x0], $0xffff;
	[tilespmem:s21+$0x100] =	vst v24;
	v10 =	vadd.s32 v8, v9;
	v20 =	vadd.s32 v7, v9  }
.LBB2_4:
0x3d: {  	s29 =	sadd.s32 $0x8, s29;
	v22 =	vld.idx.msk [tilespmem:v21+s20+$0x0], $0xffff;
	[tilespmem:s21+$0x180] =	vst v16;
	s21 =	sadd.s32 $0x1000, s21  }
0x3e: {  	v23 =	vadd.s32 v5, v9;
	v16 =	vmov s29;
	p2 =	slt.u32 s29, $0x18;
	[tilespmem:s21+$0xFFFFFE00] =	vst v15;
	v24 =	vld.idx.msk [tilespmem:v19+s20+$0x0], $0xffff  }
0x3f: {  	v25 =	vadd.s32 v2, v9;
	v15 =	vshrl.u32 v16, $0x3;
	[tilespmem:s21+$0xFFFFFE80] =	vst v13;
	v16 =	vld.idx.msk [tilespmem:v18+s20+$0x0], $0xffff  }
.Ltmp0:
0x40: {  	v21 =	vadd.s32 v3, v9;
	v13 =	vshll.u32 v15, $0xB;
	v15 =	vld.idx.msk [tilespmem:v17+s20+$0x0], $0xffff;
	[tilespmem:s21+$0xFFFFFF00] =	vst v11;
	(pc) =	sbr.rel @p2 .LBB2_4-.Ltmp0, $4  }
0x41: {  	v19 =	vadd.s32 v4, v9;
	v26 =	vbroadcast v13, $0x0;
	v13 =	vld.idx.msk [tilespmem:v20+s20+$0x0], $0xffff;
	[tilespmem:s21+$0xFFFFFF80] =	vst v12  }
0x42: {  	v18 =	vadd.s32 v1, v9;
	v11 =	vld.idx.msk [tilespmem:v10+s20+$0x0], $0xffff;
	[tilespmem:s21+$0x0] =	vst v14  }
0x43: {  	v17 =	vadd.s32 v6, v26;
	v10 =	vadd.s32 v8, v26;
	v12 =	vld.idx.msk [tilespmem:v23+s20+$0x0], $0xffff;
	[tilespmem:s21+$0x80] =	vst v22;
	v9 =	vmov v26  }
0x44: {  	v20 =	vadd.s32 v7, v9;
	v14 =	vld.idx.msk [tilespmem:v25+s20+$0x0], $0xffff;
	[tilespmem:s21+$0x100] =	vst v24  }
0x45: {  	_ =	sdelay $0x1  }
0x46: {  	v6 =	vld [tilespmem:s19+$0x10]  }
0x47: {  	[tilespmem:s21+$0x180] =	vst v16;
	s21 =	sadd.s32 $0x1000, s21  }
0x48: {  	v7 =	vld.idx.msk [tilespmem:v21+s20+$0x0], $0xffff;
	s29 =	simm.s32 $0x0;
	[tilespmem:s21+$0xFFFFFE00] =	vst v15  }
0x49: {  	v5 =	vadd.s32 v5, v9;
	v8 =	vld.idx.msk [tilespmem:v19+s20+$0x0], $0xffff;
	v15 =	vmov s29;
	[tilespmem:s21+$0xFFFFFE80] =	vst v13  }
0x4a: {  	v16 =	vadd.s32 v2, v9;
	v3 =	vadd.s32 v3, v9;
	v13 =	vld.idx.msk [tilespmem:v18+s20+$0x0], $0xffff;
	v2 =	vshrl.u32 v15, $0x3;
	[tilespmem:s21+$0xFFFFFF00] =	vst v11  }
0x4b: {  	v15 =	vld.idx.msk [tilespmem:v17+s20+$0x0], $0xffff;
	v11 =	vadd.s32 v4, v9;
	v2 =	vshll.u32 v2, $0xB;
	[tilespmem:s21+$0xFFFFFF80] =	vst v12;
	v4 =	vshll.u32 v6, $0x3  }
0x4c: {  	v10 =	vld.idx.msk [tilespmem:v10+s20+$0x0], $0xffff;
	v12 =	vbroadcast v2, $0x0;
	[tilespmem:s21+$0x0] =	vst v14;
	v6 =	vand.u32 $0x7F, v6;
	v4 =	vand.u32 $0xFFFFFC00, v4  }
0x4d: {  	v17 =	vld.idx.msk [tilespmem:v20+s20+$0x0], $0xffff;
	v9 =	vadd.s32 v1, v9;
	[tilespmem:s21+$0x80] =	vst v7;
	v1 =	vor.u32 v6, v4  }
0x4e: {  	s29 =	simm.s32 $0x8;
	v14 =	vld.idx.msk [tilespmem:v5+s20+$0x0], $0xffff;
	[tilespmem:s21+$0x100] =	vst v8;
	v2 =	vor.u32 $0x80, v1;
	v18 =	vadd.s32 v1, v12  }
0x4f: {  	v20 =	vld.idx.msk [tilespmem:v3+s20+$0x0], $0xffff;
	v3 =	vmov s29;
	[tilespmem:s21+$0x180] =	vst v13;
	s21 =	sadd.s32 $0x1000, s21;
	v5 =	vor.u32 $0x100, v1;
	v19 =	vadd.s32 v2, v12  }
0x50: {  	v16 =	vld.idx.msk [tilespmem:v16+s20+$0x0], $0xffff;
	v3 =	vshrl.u32 v3, $0x3;
	[tilespmem:s21+$0xFFFFFE00] =	vst v15;
	v4 =	vor.u32 $0x180, v1;
	v13 =	vadd.s32 v5, v12  }
0x51: {  	v11 =	vld.idx.msk [tilespmem:v11+s20+$0x0], $0xffff;
	[tilespmem:s21+$0xFFFFFF00] =	vst v10;
	v10 =	vshll.u32 v3, $0xB;
	v6 =	vor.u32 $0x200, v1;
	v15 =	vadd.s32 v4, v12  }
0x52: {  	[tilespmem:s21+$0xFFFFFE80] =	vst v17;
	v9 =	vld.idx.msk [tilespmem:v9+s20+$0x0], $0xffff;
	v7 =	vor.u32 $0x280, v1;
	v10 =	vbroadcast v10, $0x0;
	v17 =	vadd.s32 v6, v12  }
0x53: {  	v21 =	vadd.s32 v7, v12;
	[tilespmem:s21+$0xFFFFFF80] =	vst v14;
	v18 =	vld.idx.msk [tilespmem:v18+s20+$0x0], $0xffff  }
0x54: {  	v8 =	vor.u32 $0x300, v1;
	[tilespmem:s21+$0x80] =	vst v20;
	v20 =	vadd.s32 v1, v10;
	v14 =	vld.idx.msk [tilespmem:v19+s20+$0x0], $0xffff  }
0x55: {  	v3 =	vor.u32 $0x380, v1;
	v19 =	vadd.s32 v8, v12;
	v13 =	vld.idx.msk [tilespmem:v13+s20+$0x0], $0xffff  }
0x56: {  	[tilespmem:s21+$0x0] =	vst v16;
	v12 =	vadd.s32 v3, v12;
	v22 =	vld.idx.msk [tilespmem:v15+s20+$0x0], $0xffff  }
0x57: {  	[tilespmem:s21+$0x100] =	vst v11;
	v11 =	vadd.s32 v2, v10;
	v17 =	vld.idx.msk [tilespmem:v17+s20+$0x0], $0xffff  }
0x58: {  	v23 =	vadd.s32 v5, v10;
	[tilespmem:s21+$0x180] =	vst v9;
	s21 =	simm.s32 $0x10;
	v24 =	vld.idx.msk [tilespmem:v21+s20+$0x0], $0xffff  }
0x59: {  	v25 =	vadd.s32 v4, v10;
	v9 =	vmov s21;
	v15 =	vld.idx.msk [tilespmem:v20+s20+$0x0], $0xffff;
	[tilespmem:s5+$0xFFFFFE00] =	vst v18  }
0x5a: {  	v27 =	vadd.s32 v6, v10;
	v9 =	vshrl.u32 v9, $0x3;
	v26 =	vld.idx.msk [tilespmem:v19+s20+$0x0], $0xffff;
	[tilespmem:s5+$0xFFFFFE80] =	vst v14  }
0x5b: {  	v21 =	vadd.s32 v7, v10;
	v9 =	vshll.u32 v9, $0xB;
	v16 =	vld.idx.msk [tilespmem:v12+s20+$0x0], $0xffff;
	[tilespmem:s5+$0xFFFFFF00] =	vst v13  }
0x5c: {  	v20 =	vadd.s32 v8, v10;
	v9 =	vbroadcast v9, $0x0;
	v14 =	vld.idx.msk [tilespmem:v11+s20+$0x0], $0xffff;
	[tilespmem:s5+$0xFFFFFF80] =	vst v22  }
0x5d: {  	v12 =	vld.idx.msk [tilespmem:v23+s20+$0x0], $0xffff;
	[tilespmem:s5+$0x0] =	vst v17;
	v19 =	vadd.s32 v3, v10  }
0x5e: {  	v17 =	vadd.s32 v1, v9;
	v13 =	vld.idx.msk [tilespmem:v25+s20+$0x0], $0xffff;
	[tilespmem:s5+$0x80] =	vst v24  }
0x5f: {  	v18 =	vadd.s32 v2, v9;
	v10 =	vadd.s32 v5, v9;
	v11 =	vld.idx.msk [tilespmem:v27+s20+$0x0], $0xffff;
	[tilespmem:s5+$0x100] =	vst v26  }
.LBB2_6:
0x60: {  	s21 =	sadd.s32 $0x8, s21;
	v22 =	vld.idx.msk [tilespmem:v21+s20+$0x0], $0xffff;
	[tilespmem:s5+$0x180] =	vst v16;
	s5 =	sadd.s32 $0x1000, s5  }
0x61: {  	v23 =	vadd.s32 v4, v9;
	v16 =	vmov s21;
	p2 =	slt.u32 s21, $0x18;
	[tilespmem:s5+$0xFFFFFE00] =	vst v15;
	v24 =	vld.idx.msk [tilespmem:v20+s20+$0x0], $0xffff  }
0x62: {  	v25 =	vadd.s32 v6, v9;
	v15 =	vshrl.u32 v16, $0x3;
	[tilespmem:s5+$0xFFFFFE80] =	vst v14;
	v16 =	vld.idx.msk [tilespmem:v19+s20+$0x0], $0xffff  }
.Ltmp1:
0x63: {  	v21 =	vadd.s32 v7, v9;
	v14 =	vshll.u32 v15, $0xB;
	v15 =	vld.idx.msk [tilespmem:v17+s20+$0x0], $0xffff;
	[tilespmem:s5+$0xFFFFFF00] =	vst v12;
	(pc) =	sbr.rel @p2 .LBB2_6-.Ltmp1, $4  }
0x64: {  	v20 =	vadd.s32 v8, v9;
	v26 =	vbroadcast v14, $0x0;
	v14 =	vld.idx.msk [tilespmem:v18+s20+$0x0], $0xffff;
	[tilespmem:s5+$0xFFFFFF80] =	vst v13  }
0x65: {  	v19 =	vadd.s32 v3, v9;
	v12 =	vld.idx.msk [tilespmem:v10+s20+$0x0], $0xffff;
	[tilespmem:s5+$0x0] =	vst v11  }
0x66: {  	v17 =	vadd.s32 v1, v26;
	v10 =	vadd.s32 v5, v26;
	v13 =	vld.idx.msk [tilespmem:v23+s20+$0x0], $0xffff;
	[tilespmem:s5+$0x80] =	vst v22;
	v9 =	vmov v26  }
0x67: {  	v18 =	vadd.s32 v2, v9;
	v11 =	vld.idx.msk [tilespmem:v25+s20+$0x0], $0xffff;
	[tilespmem:s5+$0x100] =	vst v24  }
0x68: {  	_ =	sdelay $0x1  }
0x69: {  	v1 =	vld [tilespmem:s19+$0x20];
	_ =	sdelay $0x1  }
0x6a: {  	v2 =	vld.idx.msk [tilespmem:v21+s20+$0x0], $0xffff;
	[tilespmem:s5+$0x180] =	vst v16;
	s29 =	sadd.s32 $0x1000, s5;
	s21 =	simm.s32 $0x0  }
0x6b: {  	v4 =	vadd.s32 v4, v9;
	v5 =	vld.idx.msk [tilespmem:v20+s20+$0x0], $0xffff;
	[tilespmem:s29+$0xFFFFFE00] =	vst v15;
	v15 =	vmov s21  }
0x6c: {  	v6 =	vadd.s32 v6, v9;
	v7 =	vadd.s32 v7, v9;
	v16 =	vld.idx.msk [tilespmem:v17+s20+$0x0], $0xffff;
	[tilespmem:s29+$0xFFFFFE80] =	vst v14;
	v15 =	vshrl.u32 v15, $0x3  }
0x6d: {  	v8 =	vadd.s32 v8, v9;
	v14 =	vld.idx.msk [tilespmem:v19+s20+$0x0], $0xffff;
	[tilespmem:s29+$0xFFFFFF00] =	vst v12;
	v15 =	vshll.u32 v15, $0xB;
	v12 =	vshll.u32 v1, $0x3  }
0x6e: {  	v17 =	vld.idx.msk [tilespmem:v18+s20+$0x0], $0xffff;
	[tilespmem:s29+$0xFFFFFF80] =	vst v13;
	v13 =	vbroadcast v15, $0x0;
	v1 =	vand.u32 $0x7F, v1;
	v12 =	vand.u32 $0xFFFFFC00, v12  }
0x6f: {  	v10 =	vld.idx.msk [tilespmem:v10+s20+$0x0], $0xffff;
	v3 =	vadd.s32 v3, v9;
	[tilespmem:s29+$0x0] =	vst v11;
	v1 =	vor.u32 v1, v12  }
0x70: {  	v9 =	vld.idx.msk [tilespmem:v4+s20+$0x0], $0xffff;
	[tilespmem:s29+$0x80] =	vst v2;
	v2 =	vor.u32 $0x80, v1;
	v11 =	vadd.s32 v1, v13  }
0x71: {  	[tilespmem:s29+$0x100] =	vst v5;
	v18 =	vld.idx.msk [tilespmem:v7+s20+$0x0], $0xffff;
	v5 =	vor.u32 $0x100, v1;
	v15 =	vadd.s32 v2, v13  }
0x72: {  	s5 =	sadd.s32 $0x1000, s29;
	[tilespmem:s29+$0x180] =	vst v14;
	s29 =	simm.s32 $0x8;
	v12 =	vld.idx.msk [tilespmem:v6+s20+$0x0], $0xffff;
	v4 =	vor.u32 $0x180, v1;
	v14 =	vadd.s32 v5, v13  }
0x73: {  	[tilespmem:s5+$0xFFFFFE00] =	vst v16;
	v16 =	vld.idx.msk [tilespmem:v8+s20+$0x0], $0xffff;
	v19 =	vmov s29;
	v6 =	vor.u32 $0x200, v1;
	v20 =	vadd.s32 v4, v13  }
0x74: {  	[tilespmem:s5+$0xFFFFFE80] =	vst v17;
	v17 =	vld.idx.msk [tilespmem:v3+s20+$0x0], $0xffff;
	v7 =	vor.u32 $0x280, v1;
	v3 =	vshrl.u32 v19, $0x3;
	v19 =	vadd.s32 v6, v13  }
0x75: {  	[tilespmem:s5+$0xFFFFFF00] =	vst v10;
	v8 =	vor.u32 $0x300, v1;
	v10 =	vshll.u32 v3, $0xB;
	v21 =	vadd.s32 v7, v13;
	v11 =	vld.idx.msk [tilespmem:v11+s20+$0x0], $0xffff  }
0x76: {  	v3 =	vor.u32 $0x380, v1;
	[tilespmem:s5+$0xFFFFFF80] =	vst v9;
	v10 =	vbroadcast v10, $0x0;
	v9 =	vld.idx.msk [tilespmem:v15+s20+$0x0], $0xffff;
	v15 =	vadd.s32 v8, v13  }
0x77: {  	[tilespmem:s5+$0x0] =	vst v12;
	v12 =	vld.idx.msk [tilespmem:v14+s20+$0x0], $0xffff;
	v13 =	vadd.s32 v3, v13  }
0x78: {  	[tilespmem:s5+$0x80] =	vst v18;
	v14 =	vadd.s32 v1, v10;
	v18 =	vld.idx.msk [tilespmem:v20+s20+$0x0], $0xffff  }
0x79: {  	[tilespmem:s5+$0x100] =	vst v16;
	v20 =	vadd.s32 v2, v10;
	v19 =	vld.idx.msk [tilespmem:v19+s20+$0x0], $0xffff  }
0x7a: {  	[tilespmem:s5+$0x180] =	vst v17;
	v17 =	vadd.s32 v5, v10;
	s5 =	simm.s32 $0x10;
	v22 =	vld.idx.msk [tilespmem:v21+s20+$0x0], $0xffff  }
0x7b: {  	v23 =	vadd.s32 v4, v10;
	v16 =	vmov s5;
	[tilespmem:s14+$0xFFFFFE00] =	vst v11;
	v24 =	vld.idx.msk [tilespmem:v15+s20+$0x0], $0xffff  }
0x7c: {  	v25 =	vadd.s32 v6, v10;
	v11 =	vshrl.u32 v16, $0x3;
	[tilespmem:s14+$0xFFFFFE80] =	vst v9;
	v16 =	vld.idx.msk [tilespmem:v13+s20+$0x0], $0xffff  }
0x7d: {  	v21 =	vadd.s32 v7, v10;
	v9 =	vshll.u32 v11, $0xB;
	v15 =	vld.idx.msk [tilespmem:v14+s20+$0x0], $0xffff;
	[tilespmem:s14+$0xFFFFFF00] =	vst v12  }
0x7e: {  	v14 =	vld.idx.msk [tilespmem:v20+s20+$0x0], $0xffff;
	[tilespmem:s14+$0xFFFFFF80] =	vst v18;
	v20 =	vadd.s32 v8, v10;
	v9 =	vbroadcast v9, $0x0  }
0x7f: {  	v12 =	vld.idx.msk [tilespmem:v17+s20+$0x0], $0xffff;
	[tilespmem:s14+$0x0] =	vst v19;
	v19 =	vadd.s32 v3, v10  }
0x80: {  	v13 =	vld.idx.msk [tilespmem:v23+s20+$0x0], $0xffff;
	[tilespmem:s14+$0x80] =	vst v22;
	v17 =	vadd.s32 v1, v9  }
0x81: {  	v11 =	vld.idx.msk [tilespmem:v25+s20+$0x0], $0xffff;
	v10 =	vadd.s32 v5, v9;
	v18 =	vadd.s32 v2, v9;
	[tilespmem:s14+$0x100] =	vst v24  }
.LBB2_8:
0x82: {  	s5 =	sadd.s32 $0x8, s5;
	v22 =	vld.idx.msk [tilespmem:v21+s20+$0x0], $0xffff;
	[tilespmem:s14+$0x180] =	vst v16;
	s14 =	sadd.s32 $0x1000, s14  }
0x83: {  	v23 =	vadd.s32 v4, v9;
	v16 =	vmov s5;
	p2 =	slt.u32 s5, $0x18;
	[tilespmem:s14+$0xFFFFFE00] =	vst v15;
	v24 =	vld.idx.msk [tilespmem:v20+s20+$0x0], $0xffff  }
0x84: {  	v25 =	vadd.s32 v6, v9;
	v15 =	vshrl.u32 v16, $0x3;
	[tilespmem:s14+$0xFFFFFE80] =	vst v14;
	v16 =	vld.idx.msk [tilespmem:v19+s20+$0x0], $0xffff  }
.Ltmp2:
0x85: {  	v21 =	vadd.s32 v7, v9;
	v14 =	vshll.u32 v15, $0xB;
	v15 =	vld.idx.msk [tilespmem:v17+s20+$0x0], $0xffff;
	[tilespmem:s14+$0xFFFFFF00] =	vst v12;
	(pc) =	sbr.rel @p2 .LBB2_8-.Ltmp2, $4  }
0x86: {  	v20 =	vadd.s32 v8, v9;
	v26 =	vbroadcast v14, $0x0;
	v14 =	vld.idx.msk [tilespmem:v18+s20+$0x0], $0xffff;
	[tilespmem:s14+$0xFFFFFF80] =	vst v13  }
0x87: {  	v19 =	vadd.s32 v3, v9;
	v12 =	vld.idx.msk [tilespmem:v10+s20+$0x0], $0xffff;
	[tilespmem:s14+$0x0] =	vst v11  }
0x88: {  	v17 =	vadd.s32 v1, v26;
	v10 =	vadd.s32 v5, v26;
	v13 =	vld.idx.msk [tilespmem:v23+s20+$0x0], $0xffff;
	[tilespmem:s14+$0x80] =	vst v22;
	v9 =	vmov v26  }
0x89: {  	v18 =	vadd.s32 v2, v9;
	v11 =	vld.idx.msk [tilespmem:v25+s20+$0x0], $0xffff;
	[tilespmem:s14+$0x100] =	vst v24  }
0x8a: {  	_ =	sdelay $0x2  }
0x8b: {  	v1 =	vld [tilespmem:s19+$0x30]  }
0x8c: {  	v2 =	vld.idx.msk [tilespmem:v21+s20+$0x0], $0xffff;
	[tilespmem:s14+$0x180] =	vst v16;
	s5 =	sadd.s32 $0x1000, s14  }
0x8d: {  	s21 =	simm.s32 $0x0;
	v4 =	vadd.s32 v4, v9;
	v5 =	vld.idx.msk [tilespmem:v20+s20+$0x0], $0xffff;
	[tilespmem:s5+$0xFFFFFE00] =	vst v15  }
0x8e: {  	v6 =	vadd.s32 v6, v9;
	v16 =	vld.idx.msk [tilespmem:v17+s20+$0x0], $0xffff;
	v15 =	vmov s21;
	[tilespmem:s5+$0xFFFFFE80] =	vst v14  }
0x8f: {  	v7 =	vadd.s32 v7, v9;
	v14 =	vld.idx.msk [tilespmem:v19+s20+$0x0], $0xffff;
	v15 =	vshrl.u32 v15, $0x3;
	[tilespmem:s5+$0xFFFFFF00] =	vst v12  }
0x90: {  	v8 =	vadd.s32 v8, v9;
	v17 =	vld.idx.msk [tilespmem:v18+s20+$0x0], $0xffff;
	v15 =	vshll.u32 v15, $0xB;
	[tilespmem:s5+$0xFFFFFF80] =	vst v13;
	v12 =	vshll.u32 v1, $0x3  }
0x91: {  	v10 =	vld.idx.msk [tilespmem:v10+s20+$0x0], $0xffff;
	v13 =	vbroadcast v15, $0x0;
	[tilespmem:s5+$0x0] =	vst v11;
	v1 =	vand.u32 $0x7F, v1;
	v12 =	vand.u32 $0xFFFFFC00, v12  }
0x92: {  	v9 =	vadd.s32 v3, v9;
	v11 =	vld.idx.msk [tilespmem:v4+s20+$0x0], $0xffff;
	[tilespmem:s5+$0x80] =	vst v2;
	v1 =	vor.u32 v1, v12  }
0x93: {  	s29 =	simm.s32 $0x8;
	v15 =	vld.idx.msk [tilespmem:v6+s20+$0x0], $0xffff;
	[tilespmem:s5+$0x100] =	vst v5;
	v2 =	vor.u32 $0x80, v1;
	v12 =	vadd.s32 v1, v13  }
0x94: {  	v19 =	vld.idx.msk [tilespmem:v7+s20+$0x0], $0xffff;
	v7 =	vmov s29;
	[tilespmem:s5+$0x180] =	vst v14;
	s5 =	sadd.s32 $0x1000, s5;
	v4 =	vor.u32 $0x100, v1;
	v18 =	vadd.s32 v2, v13  }
0x95: {  	[tilespmem:s5+$0xFFFFFE00] =	vst v16;
	v16 =	vld.idx.msk [tilespmem:v8+s20+$0x0], $0xffff;
	v8 =	vshrl.u32 v7, $0x3;
	v3 =	vor.u32 $0x180, v1;
	v14 =	vadd.s32 v4, v13  }
0x96: {  	[tilespmem:s5+$0xFFFFFF00] =	vst v10;
	v5 =	vor.u32 $0x200, v1;
	v10 =	vshll.u32 v8, $0xB;
	v20 =	vadd.s32 v3, v13  }
0x97: {  	v9 =	vld.idx.msk [tilespmem:v9+s20+$0x0], $0xffff;
	[tilespmem:s5+$0xFFFFFE80] =	vst v17;
	v6 =	vor.u32 $0x280, v1;
	v17 =	vadd.s32 v5, v13;
	v10 =	vbroadcast v10, $0x0  }
0x98: {  	v21 =	vadd.s32 v6, v13;
	[tilespmem:s5+$0xFFFFFF80] =	vst v11;
	v12 =	vld.idx.msk [tilespmem:v12+s20+$0x0], $0xffff  }
0x99: {  	v7 =	vor.u32 $0x300, v1;
	[tilespmem:s5+$0x0] =	vst v15;
	v15 =	vadd.s32 v1, v10;
	v11 =	vld.idx.msk [tilespmem:v18+s20+$0x0], $0xffff  }
0x9a: {  	v8 =	vor.u32 $0x380, v1;
	v18 =	vadd.s32 v7, v13;
	v14 =	vld.idx.msk [tilespmem:v14+s20+$0x0], $0xffff  }
0x9b: {  	[tilespmem:s5+$0x80] =	vst v19;
	v13 =	vadd.s32 v8, v13;
	v19 =	vld.idx.msk [tilespmem:v20+s20+$0x0], $0xffff  }
0x9c: {  	[tilespmem:s5+$0x180] =	vst v9;
	v26 =	vadd.s32 v5, v10;
	v17 =	vld.idx.msk [tilespmem:v17+s20+$0x0], $0xffff  }
0x9d: {  	[tilespmem:s5+$0x100] =	vst v16;
	s5 =	simm.s32 $0x10;
	v20 =	vadd.s32 v2, v10;
	v23 =	vld.idx.msk [tilespmem:v21+s20+$0x0], $0xffff  }
0x9e: {  	v22 =	vadd.s32 v4, v10;
	v9 =	vmov s5;
	[tilespmem:s11+$0xFFFFFE00] =	vst v12;
	v12 =	vld.idx.msk [tilespmem:v15+s20+$0x0], $0xffff  }
0x9f: {  	v24 =	vadd.s32 v3, v10;
	v9 =	vshrl.u32 v9, $0x3;
	v25 =	vld.idx.msk [tilespmem:v18+s20+$0x0], $0xffff;
	[tilespmem:s11+$0xFFFFFE80] =	vst v11  }
0xa0: {  	v21 =	vadd.s32 v6, v10;
	v9 =	vshll.u32 v9, $0xB;
	v16 =	vld.idx.msk [tilespmem:v13+s20+$0x0], $0xffff;
	[tilespmem:s11+$0xFFFFFF00] =	vst v14  }
0xa1: {  	v9 =	vbroadcast v9, $0x0;
	v15 =	vld.idx.msk [tilespmem:v26+s20+$0x0], $0xffff;
	[tilespmem:s11+$0xFFFFFF80] =	vst v19;
	v19 =	vadd.s32 v7, v10  }
0xa2: {  	v13 =	vld.idx.msk [tilespmem:v20+s20+$0x0], $0xffff;
	[tilespmem:s11+$0x0] =	vst v17;
	v18 =	vadd.s32 v8, v10  }
0xa3: {  	v11 =	vld.idx.msk [tilespmem:v22+s20+$0x0], $0xffff;
	v17 =	vadd.s32 v1, v9;
	[tilespmem:s11+$0x80] =	vst v23  }
0xa4: {  	v14 =	vld.idx.msk [tilespmem:v24+s20+$0x0], $0xffff;
	v10 =	vadd.s32 v4, v9;
	v20 =	vadd.s32 v2, v9;
	[tilespmem:s11+$0x100] =	vst v25  }
.LBB2_10:
0xa5: {  	s5 =	sadd.s32 $0x8, s5;
	v22 =	vld.idx.msk [tilespmem:v21+s20+$0x0], $0xffff;
	[tilespmem:s11+$0x180] =	vst v16;
	s11 =	sadd.s32 $0x1000, s11  }
0xa6: {  	v23 =	vadd.s32 v3, v9;
	v16 =	vmov s5;
	p2 =	slt.u32 s5, $0x18;
	[tilespmem:s11+$0xFFFFFE00] =	vst v12;
	v24 =	vld.idx.msk [tilespmem:v19+s20+$0x0], $0xffff  }
0xa7: {  	v25 =	vadd.s32 v5, v9;
	v12 =	vshrl.u32 v16, $0x3;
	[tilespmem:s11+$0xFFFFFE80] =	vst v13;
	v16 =	vld.idx.msk [tilespmem:v18+s20+$0x0], $0xffff  }
.Ltmp3:
0xa8: {  	v21 =	vadd.s32 v6, v9;
	v13 =	vshll.u32 v12, $0xB;
	v12 =	vld.idx.msk [tilespmem:v17+s20+$0x0], $0xffff;
	[tilespmem:s11+$0xFFFFFF00] =	vst v11;
	(pc) =	sbr.rel @p2 .LBB2_10-.Ltmp3, $4  }
0xa9: {  	v19 =	vadd.s32 v7, v9;
	v26 =	vbroadcast v13, $0x0;
	v13 =	vld.idx.msk [tilespmem:v20+s20+$0x0], $0xffff;
	[tilespmem:s11+$0xFFFFFF80] =	vst v14  }
0xaa: {  	v18 =	vadd.s32 v8, v9;
	v11 =	vld.idx.msk [tilespmem:v10+s20+$0x0], $0xffff;
	[tilespmem:s11+$0x0] =	vst v15  }
0xab: {  	v17 =	vadd.s32 v1, v26;
	v10 =	vadd.s32 v4, v26;
	v14 =	vld.idx.msk [tilespmem:v23+s20+$0x0], $0xffff;
	[tilespmem:s11+$0x80] =	vst v22;
	v9 =	vmov v26  }
0xac: {  	v20 =	vadd.s32 v2, v9;
	v15 =	vld.idx.msk [tilespmem:v25+s20+$0x0], $0xffff;
	[tilespmem:s11+$0x100] =	vst v24  }
0xad: {  	_ =	sdelay $0x2  }
0xae: {  	[tilespmem:s11+$0x180] =	vst v16;
	s5 =	sadd.s32 $0x1000, s11  }
0xaf: {  	v1 =	vld.idx.msk [tilespmem:v21+s20+$0x0], $0xffff;
	[tilespmem:s5+$0xFFFFFE00] =	vst v12  }
0xb0: {  	v2 =	vadd.s32 v3, v9;
	v3 =	vld.idx.msk [tilespmem:v19+s20+$0x0], $0xffff;
	[tilespmem:s5+$0xFFFFFE80] =	vst v13  }
0xb1: {  	v4 =	vadd.s32 v5, v9;
	v59 =	vld.idx.msk [tilespmem:v18+s20+$0x0], $0xffff;
	[tilespmem:s5+$0xFFFFFF00] =	vst v11  }
0xb2: {  	v60 =	vld.idx.msk [tilespmem:v17+s20+$0x0], $0xffff;
	v6 =	vadd.s32 v6, v9;
	[tilespmem:s5+$0xFFFFFF80] =	vst v14  }
0xb3: {  	v61 =	vld.idx.msk [tilespmem:v20+s20+$0x0], $0xffff;
	v7 =	vadd.s32 v7, v9;
	[tilespmem:s5+$0x0] =	vst v15  }
0xb4: {  	v10 =	vld.idx.msk [tilespmem:v10+s20+$0x0], $0xffff;
	v8 =	vadd.s32 v8, v9;
	[tilespmem:s5+$0x80] =	vst v1  }
0xb5: {  	v1 =	vld.idx.msk [tilespmem:v2+s20+$0x0], $0xffff;
	[tilespmem:s5+$0x100] =	vst v3  }
0xb6: {  	v2 =	vld.idx.msk [tilespmem:v4+s20+$0x0], $0xffff;
	[tilespmem:s5+$0x180] =	vst v59;
	s5 =	sadd.s32 $0x1000, s5  }
0xb7: {  	v3 =	vld.idx.msk [tilespmem:v6+s20+$0x0], $0xffff;
	[tilespmem:s5+$0xFFFFFE00] =	vst v60  }
0xb8: {  	v62 =	vld.idx.msk [tilespmem:v7+s20+$0x0], $0xffff;
	[tilespmem:s5+$0xFFFFFE80] =	vst v61  }
0xb9: {  	p2 =	slt.u32 s8, $0x1C;
	v63 =	vld.idx.msk [tilespmem:v8+s20+$0x0], $0xffff;
	[tilespmem:s5+$0xFFFFFF00] =	vst v10  }
.Ltmp4:
0xba: {  	[tilespmem:s5+$0xFFFFFF80] =	vst v1;
	(pc) =	sbr.rel @p2 .LBB2_3-.Ltmp4, $4  }
0xbb: {  	[tilespmem:s5+$0x0] =	vst v2  }
0xbc: {  	[tilespmem:s5+$0x80] =	vst v3  }
0xbd: {  	[tilespmem:s5+$0x100] =	vst v62  }
0xbe: {  	s8 =	sadd.s32 $0x4, s8;
	s7 =	sadd.s32 $0x200, s7;
	p1 =	por !p1, !p1;
	[tilespmem:s5+$0x180] =	vst v63  }
0xbf: {  	s4 =	sshll.u32 s0, $0x14  }
0xc0: {  	s4 =	sor.u32 s6, s4  }
0xc1: {  	s4 =	sshrl.u32 s4, $0x3  }
0xc2: {  	s4 =	sadd.s32 s3, s4  }
0xc3: {  	[hbm4b:s4+s22] =	stream.strided.scatter [tilespmem:s26], [sflag:$0x3], $0x4000, s23, s22, $0x38;
	[tilespmem:$0x14000] =	vst v63  }
0xc4: {  	s5 =	simm.s32 @!p0 $0x4;
	s4 =	sor.u32 $0x1, s25  }
0xc5: {  	_ =	swait.ge @!p0 [sflag:s5], $0x4000;
	s7 =	sshll.u32 s4, $0x7  }
0xc6: {  	s8 =	simm.s32 $0x0;
	[sflag:s5] =	ssyncset.done @!p0 $0x0;
	s25 =	sand.u32 $0x380, s7  }
0xc7: {  	s7 =	simm.s32 $0x0;
	[sflag:s5] =	ssyncadd.s32 @!p0 $0xFFFFC000;
	p0 =	por $0x0, $0x0;
	v0 =	vmov s25  }
.LBB2_13:
0xc8: {  	s5 =	sshll.u32 s8, $0x7  }
0xc9: {  	s11 =	sshll.u32 s8, $0x4;
	s5 =	sand.u32 $0xC00, s5  }
0xca: {  	s11 =	sand.u32 $0x40, s11;
	s5 =	sadd.s32 s5, s2  }
0xcb: {  	s19 =	sadd.s32 s11, s5  }
0xcc: {  	v1 =	vld.idx.msk [tilespmem:v0+s19+$0x0 ss:$0x1], $0xffff;
	_ =	sdelay $0x1  }
0xcd: {  	s11 =	simm.s32 $0x0  }
0xce: {  	v2 =	vmov s11  }
0xcf: {  	v2 =	vshrl.u32 v2, $0x3  }
0xd0: {  	v2 =	vshll.u32 v2, $0xB;
	v3 =	vshll.u32 v1, $0x3  }
0xd1: {  	v9 =	vbroadcast v2, $0x0;
	v1 =	vand.u32 $0x7F, v1;
	v3 =	vand.u32 $0xFFFFFC00, v3  }
0xd2: {  	v6 =	vor.u32 v1, v3  }
0xd3: {  	v7 =	vor.u32 $0x80, v6;
	v1 =	vadd.s32 v6, v9  }
0xd4: {  	s14 =	simm.s32 $0x8;
	v8 =	vor.u32 $0x100, v6;
	v10 =	vadd.s32 v7, v9  }
0xd5: {  	v4 =	vmov s14;
	v5 =	vor.u32 $0x180, v6;
	v11 =	vadd.s32 v8, v9  }
0xd6: {  	v13 =	vshrl.u32 v4, $0x3;
	v2 =	vor.u32 $0x200, v6;
	v12 =	vadd.s32 v5, v9  }
0xd7: {  	v13 =	vshll.u32 v13, $0xB;
	v3 =	vor.u32 $0x280, v6;
	v14 =	vadd.s32 v2, v9  }
0xd8: {  	s5 =	simm.s32 $0x1;
	v17 =	vbroadcast v13, $0x0;
	v4 =	vor.u32 $0x300, v6;
	v16 =	vadd.s32 v3, v9;
	v15 =	vld.idx.msk [tilespmem:v1+s20+$0x0], $0xffff  }
0xd9: {  	s21 =	sshll.u32 s7, $0x2;
	s5 =	simm.s32 @!p0 $0x0;
	v13 =	vadd.s32 v4, v9;
	v10 =	vld.idx.msk [tilespmem:v10+s20+$0x0], $0xffff  }
0xda: {  	s11 =	sand.u32 $0xFFFFF000, s21;
	s5 =	sshll.u32 s5, $0x8;
	v18 =	vadd.s32 v6, v17;
	v1 =	vor.u32 $0x380, v6;
	v11 =	vld.idx.msk [tilespmem:v11+s20+$0x0], $0xffff  }
0xdb: {  	s5 =	sor.u32 s5, s11;
	v9 =	vadd.s32 v1, v9;
	v12 =	vld.idx.msk [tilespmem:v12+s20+$0x0], $0xffff  }
0xdc: {  	s5 =	sshrl.u32 s5, $0x2;
	v19 =	vadd.s32 v7, v17;
	v14 =	vld.idx.msk [tilespmem:v14+s20+$0x0], $0xffff  }
0xdd: {  	s29 =	simm.s32 $0x10;
	s21 =	sadd.s32 $0xE000, s5;
	v20 =	vadd.s32 v8, v17;
	v22 =	vld.idx.msk [tilespmem:v16+s20+$0x0], $0xffff  }
0xde: {  	v23 =	vadd.s32 v5, v17;
	v16 =	vmov s29;
	v24 =	vld.idx.msk [tilespmem:v13+s20+$0x0], $0xffff;
	[tilespmem:s21+$0x0] =	vst v15  }
0xdf: {  	v25 =	vadd.s32 v2, v17;
	v13 =	vshrl.u32 v16, $0x3;
	v15 =	vld.idx.msk [tilespmem:v18+s20+$0x0], $0xffff;
	[tilespmem:s21+$0x80] =	vst v10  }
0xe0: {  	v21 =	vadd.s32 v3, v17;
	v16 =	vld.idx.msk [tilespmem:v9+s20+$0x0], $0xffff;
	v9 =	vshll.u32 v13, $0xB;
	[tilespmem:s21+$0x100] =	vst v11  }
0xe1: {  	v13 =	vld.idx.msk [tilespmem:v19+s20+$0x0], $0xffff;
	[tilespmem:s21+$0x180] =	vst v12;
	v19 =	vadd.s32 v4, v17;
	v9 =	vbroadcast v9, $0x0  }
0xe2: {  	v18 =	vadd.s32 v1, v17;
	v11 =	vld.idx.msk [tilespmem:v20+s20+$0x0], $0xffff;
	[tilespmem:s21+$0x200] =	vst v14  }
0xe3: {  	s19 =	sadd.s32 s25, s19;
	v12 =	vld.idx.msk [tilespmem:v23+s20+$0x0], $0xffff;
	[tilespmem:s21+$0x280] =	vst v22;
	v17 =	vadd.s32 v6, v9  }
0xe4: {  	s11 =	sadd.s32 $0xE030, s5;
	s14 =	sadd.s32 $0xE020, s5;
	s5 =	sadd.s32 $0xE010, s5;
	v14 =	vld.idx.msk [tilespmem:v25+s20+$0x0], $0xffff;
	[tilespmem:s21+$0x300] =	vst v24;
	v10 =	vadd.s32 v8, v9;
	v20 =	vadd.s32 v7, v9  }
.LBB2_14:
0xe5: {  	s29 =	sadd.s32 $0x8, s29;
	v22 =	vld.idx.msk [tilespmem:v21+s20+$0x0], $0xffff;
	[tilespmem:s21+$0x380] =	vst v16;
	s21 =	sadd.s32 $0x1000, s21  }
0xe6: {  	v23 =	vadd.s32 v5, v9;
	v16 =	vmov s29;
	p1 =	slt.u32 s29, $0x18;
	[tilespmem:s21+$0x0] =	vst v15;
	v24 =	vld.idx.msk [tilespmem:v19+s20+$0x0], $0xffff  }
0xe7: {  	v25 =	vadd.s32 v2, v9;
	v15 =	vshrl.u32 v16, $0x3;
	[tilespmem:s21+$0x80] =	vst v13;
	v16 =	vld.idx.msk [tilespmem:v18+s20+$0x0], $0xffff  }
.Ltmp5:
0xe8: {  	v21 =	vadd.s32 v3, v9;
	v13 =	vshll.u32 v15, $0xB;
	v15 =	vld.idx.msk [tilespmem:v17+s20+$0x0], $0xffff;
	[tilespmem:s21+$0x100] =	vst v11;
	(pc) =	sbr.rel @p1 .LBB2_14-.Ltmp5, $4  }
0xe9: {  	v19 =	vadd.s32 v4, v9;
	v26 =	vbroadcast v13, $0x0;
	v13 =	vld.idx.msk [tilespmem:v20+s20+$0x0], $0xffff;
	[tilespmem:s21+$0x180] =	vst v12  }
0xea: {  	v18 =	vadd.s32 v1, v9;
	v11 =	vld.idx.msk [tilespmem:v10+s20+$0x0], $0xffff;
	[tilespmem:s21+$0x200] =	vst v14  }
0xeb: {  	v17 =	vadd.s32 v6, v26;
	v10 =	vadd.s32 v8, v26;
	v12 =	vld.idx.msk [tilespmem:v23+s20+$0x0], $0xffff;
	[tilespmem:s21+$0x280] =	vst v22;
	v9 =	vmov v26  }
0xec: {  	v20 =	vadd.s32 v7, v9;
	v14 =	vld.idx.msk [tilespmem:v25+s20+$0x0], $0xffff;
	[tilespmem:s21+$0x300] =	vst v24  }
0xed: {  	_ =	sdelay $0x1  }
0xee: {  	v6 =	vld [tilespmem:s19+$0x10]  }
0xef: {  	[tilespmem:s21+$0x380] =	vst v16;
	s21 =	sadd.s32 $0x1000, s21  }
0xf0: {  	v7 =	vld.idx.msk [tilespmem:v21+s20+$0x0], $0xffff;
	s29 =	simm.s32 $0x0;
	[tilespmem:s21+$0x0] =	vst v15  }
0xf1: {  	v5 =	vadd.s32 v5, v9;
	v8 =	vld.idx.msk [tilespmem:v19+s20+$0x0], $0xffff;
	v15 =	vmov s29;
	[tilespmem:s21+$0x80] =	vst v13  }
0xf2: {  	v16 =	vadd.s32 v2, v9;
	v3 =	vadd.s32 v3, v9;
	v13 =	vld.idx.msk [tilespmem:v18+s20+$0x0], $0xffff;
	v2 =	vshrl.u32 v15, $0x3;
	[tilespmem:s21+$0x100] =	vst v11  }
0xf3: {  	v15 =	vld.idx.msk [tilespmem:v17+s20+$0x0], $0xffff;
	v11 =	vadd.s32 v4, v9;
	v2 =	vshll.u32 v2, $0xB;
	[tilespmem:s21+$0x180] =	vst v12;
	v4 =	vshll.u32 v6, $0x3  }
0xf4: {  	v10 =	vld.idx.msk [tilespmem:v10+s20+$0x0], $0xffff;
	v12 =	vbroadcast v2, $0x0;
	[tilespmem:s21+$0x200] =	vst v14;
	v6 =	vand.u32 $0x7F, v6;
	v4 =	vand.u32 $0xFFFFFC00, v4  }
0xf5: {  	v17 =	vld.idx.msk [tilespmem:v20+s20+$0x0], $0xffff;
	v9 =	vadd.s32 v1, v9;
	[tilespmem:s21+$0x280] =	vst v7;
	v1 =	vor.u32 v6, v4  }
0xf6: {  	s29 =	simm.s32 $0x8;
	v14 =	vld.idx.msk [tilespmem:v5+s20+$0x0], $0xffff;
	[tilespmem:s21+$0x300] =	vst v8;
	v2 =	vor.u32 $0x80, v1;
	v18 =	vadd.s32 v1, v12  }
0xf7: {  	v20 =	vld.idx.msk [tilespmem:v3+s20+$0x0], $0xffff;
	v3 =	vmov s29;
	[tilespmem:s21+$0x380] =	vst v13;
	s21 =	sadd.s32 $0x1000, s21;
	v5 =	vor.u32 $0x100, v1;
	v19 =	vadd.s32 v2, v12  }
0xf8: {  	v16 =	vld.idx.msk [tilespmem:v16+s20+$0x0], $0xffff;
	v3 =	vshrl.u32 v3, $0x3;
	[tilespmem:s21+$0x0] =	vst v15;
	v4 =	vor.u32 $0x180, v1;
	v13 =	vadd.s32 v5, v12  }
0xf9: {  	v11 =	vld.idx.msk [tilespmem:v11+s20+$0x0], $0xffff;
	[tilespmem:s21+$0x100] =	vst v10;
	v10 =	vshll.u32 v3, $0xB;
	v6 =	vor.u32 $0x200, v1;
	v15 =	vadd.s32 v4, v12  }
0xfa: {  	[tilespmem:s21+$0x80] =	vst v17;
	v9 =	vld.idx.msk [tilespmem:v9+s20+$0x0], $0xffff;
	v7 =	vor.u32 $0x280, v1;
	v10 =	vbroadcast v10, $0x0;
	v17 =	vadd.s32 v6, v12  }
0xfb: {  	v21 =	vadd.s32 v7, v12;
	[tilespmem:s21+$0x180] =	vst v14;
	v18 =	vld.idx.msk [tilespmem:v18+s20+$0x0], $0xffff  }
0xfc: {  	v8 =	vor.u32 $0x300, v1;
	[tilespmem:s21+$0x280] =	vst v20;
	v20 =	vadd.s32 v1, v10;
	v14 =	vld.idx.msk [tilespmem:v19+s20+$0x0], $0xffff  }
0xfd: {  	v3 =	vor.u32 $0x380, v1;
	v19 =	vadd.s32 v8, v12;
	v13 =	vld.idx.msk [tilespmem:v13+s20+$0x0], $0xffff  }
0xfe: {  	[tilespmem:s21+$0x200] =	vst v16;
	v12 =	vadd.s32 v3, v12;
	v22 =	vld.idx.msk [tilespmem:v15+s20+$0x0], $0xffff  }
0xff: {  	[tilespmem:s21+$0x300] =	vst v11;
	v11 =	vadd.s32 v2, v10;
	v17 =	vld.idx.msk [tilespmem:v17+s20+$0x0], $0xffff  }
0x100: {  	v23 =	vadd.s32 v5, v10;
	[tilespmem:s21+$0x380] =	vst v9;
	s21 =	simm.s32 $0x10;
	v24 =	vld.idx.msk [tilespmem:v21+s20+$0x0], $0xffff  }
0x101: {  	v25 =	vadd.s32 v4, v10;
	v9 =	vmov s21;
	v15 =	vld.idx.msk [tilespmem:v20+s20+$0x0], $0xffff;
	[tilespmem:s5+$0x0] =	vst v18  }
0x102: {  	v27 =	vadd.s32 v6, v10;
	v9 =	vshrl.u32 v9, $0x3;
	v26 =	vld.idx.msk [tilespmem:v19+s20+$0x0], $0xffff;
	[tilespmem:s5+$0x80] =	vst v14  }
0x103: {  	v21 =	vadd.s32 v7, v10;
	v9 =	vshll.u32 v9, $0xB;
	v16 =	vld.idx.msk [tilespmem:v12+s20+$0x0], $0xffff;
	[tilespmem:s5+$0x100] =	vst v13  }
0x104: {  	v20 =	vadd.s32 v8, v10;
	v9 =	vbroadcast v9, $0x0;
	v14 =	vld.idx.msk [tilespmem:v11+s20+$0x0], $0xffff;
	[tilespmem:s5+$0x180] =	vst v22  }
0x105: {  	v12 =	vld.idx.msk [tilespmem:v23+s20+$0x0], $0xffff;
	[tilespmem:s5+$0x200] =	vst v17;
	v19 =	vadd.s32 v3, v10  }
0x106: {  	v17 =	vadd.s32 v1, v9;
	v13 =	vld.idx.msk [tilespmem:v25+s20+$0x0], $0xffff;
	[tilespmem:s5+$0x280] =	vst v24  }
0x107: {  	v18 =	vadd.s32 v2, v9;
	v10 =	vadd.s32 v5, v9;
	v11 =	vld.idx.msk [tilespmem:v27+s20+$0x0], $0xffff;
	[tilespmem:s5+$0x300] =	vst v26  }
.LBB2_16:
0x108: {  	s21 =	sadd.s32 $0x8, s21;
	v22 =	vld.idx.msk [tilespmem:v21+s20+$0x0], $0xffff;
	[tilespmem:s5+$0x380] =	vst v16;
	s5 =	sadd.s32 $0x1000, s5  }
0x109: {  	v23 =	vadd.s32 v4, v9;
	v16 =	vmov s21;
	p1 =	slt.u32 s21, $0x18;
	[tilespmem:s5+$0x0] =	vst v15;
	v24 =	vld.idx.msk [tilespmem:v20+s20+$0x0], $0xffff  }
0x10a: {  	v25 =	vadd.s32 v6, v9;
	v15 =	vshrl.u32 v16, $0x3;
	[tilespmem:s5+$0x80] =	vst v14;
	v16 =	vld.idx.msk [tilespmem:v19+s20+$0x0], $0xffff  }
.Ltmp6:
0x10b: {  	v21 =	vadd.s32 v7, v9;
	v14 =	vshll.u32 v15, $0xB;
	v15 =	vld.idx.msk [tilespmem:v17+s20+$0x0], $0xffff;
	[tilespmem:s5+$0x100] =	vst v12;
	(pc) =	sbr.rel @p1 .LBB2_16-.Ltmp6, $4  }
0x10c: {  	v20 =	vadd.s32 v8, v9;
	v26 =	vbroadcast v14, $0x0;
	v14 =	vld.idx.msk [tilespmem:v18+s20+$0x0], $0xffff;
	[tilespmem:s5+$0x180] =	vst v13  }
0x10d: {  	v19 =	vadd.s32 v3, v9;
	v12 =	vld.idx.msk [tilespmem:v10+s20+$0x0], $0xffff;
	[tilespmem:s5+$0x200] =	vst v11  }
0x10e: {  	v17 =	vadd.s32 v1, v26;
	v10 =	vadd.s32 v5, v26;
	v13 =	vld.idx.msk [tilespmem:v23+s20+$0x0], $0xffff;
	[tilespmem:s5+$0x280] =	vst v22;
	v9 =	vmov v26  }
0x10f: {  	v18 =	vadd.s32 v2, v9;
	v11 =	vld.idx.msk [tilespmem:v25+s20+$0x0], $0xffff;
	[tilespmem:s5+$0x300] =	vst v24  }
0x110: {  	_ =	sdelay $0x1  }
0x111: {  	v1 =	vld [tilespmem:s19+$0x20];
	_ =	sdelay $0x1  }
0x112: {  	v2 =	vld.idx.msk [tilespmem:v21+s20+$0x0], $0xffff;
	[tilespmem:s5+$0x380] =	vst v16;
	s29 =	sadd.s32 $0x1000, s5;
	s21 =	simm.s32 $0x0  }
0x113: {  	v4 =	vadd.s32 v4, v9;
	v5 =	vld.idx.msk [tilespmem:v20+s20+$0x0], $0xffff;
	[tilespmem:s29+$0x0] =	vst v15;
	v15 =	vmov s21  }
0x114: {  	v6 =	vadd.s32 v6, v9;
	v7 =	vadd.s32 v7, v9;
	v16 =	vld.idx.msk [tilespmem:v17+s20+$0x0], $0xffff;
	[tilespmem:s29+$0x80] =	vst v14;
	v15 =	vshrl.u32 v15, $0x3  }
0x115: {  	v8 =	vadd.s32 v8, v9;
	v14 =	vld.idx.msk [tilespmem:v19+s20+$0x0], $0xffff;
	[tilespmem:s29+$0x100] =	vst v12;
	v15 =	vshll.u32 v15, $0xB;
	v12 =	vshll.u32 v1, $0x3  }
0x116: {  	v17 =	vld.idx.msk [tilespmem:v18+s20+$0x0], $0xffff;
	[tilespmem:s29+$0x180] =	vst v13;
	v13 =	vbroadcast v15, $0x0;
	v1 =	vand.u32 $0x7F, v1;
	v12 =	vand.u32 $0xFFFFFC00, v12  }
0x117: {  	v10 =	vld.idx.msk [tilespmem:v10+s20+$0x0], $0xffff;
	v3 =	vadd.s32 v3, v9;
	[tilespmem:s29+$0x200] =	vst v11;
	v1 =	vor.u32 v1, v12  }
0x118: {  	v9 =	vld.idx.msk [tilespmem:v4+s20+$0x0], $0xffff;
	[tilespmem:s29+$0x280] =	vst v2;
	v2 =	vor.u32 $0x80, v1;
	v11 =	vadd.s32 v1, v13  }
0x119: {  	[tilespmem:s29+$0x300] =	vst v5;
	v18 =	vld.idx.msk [tilespmem:v7+s20+$0x0], $0xffff;
	v5 =	vor.u32 $0x100, v1;
	v15 =	vadd.s32 v2, v13  }
0x11a: {  	s5 =	sadd.s32 $0x1000, s29;
	[tilespmem:s29+$0x380] =	vst v14;
	s29 =	simm.s32 $0x8;
	v12 =	vld.idx.msk [tilespmem:v6+s20+$0x0], $0xffff;
	v4 =	vor.u32 $0x180, v1;
	v14 =	vadd.s32 v5, v13  }
0x11b: {  	[tilespmem:s5+$0x0] =	vst v16;
	v16 =	vld.idx.msk [tilespmem:v8+s20+$0x0], $0xffff;
	v19 =	vmov s29;
	v6 =	vor.u32 $0x200, v1;
	v20 =	vadd.s32 v4, v13  }
0x11c: {  	[tilespmem:s5+$0x80] =	vst v17;
	v17 =	vld.idx.msk [tilespmem:v3+s20+$0x0], $0xffff;
	v7 =	vor.u32 $0x280, v1;
	v3 =	vshrl.u32 v19, $0x3;
	v19 =	vadd.s32 v6, v13  }
0x11d: {  	[tilespmem:s5+$0x100] =	vst v10;
	v8 =	vor.u32 $0x300, v1;
	v10 =	vshll.u32 v3, $0xB;
	v21 =	vadd.s32 v7, v13;
	v11 =	vld.idx.msk [tilespmem:v11+s20+$0x0], $0xffff  }
0x11e: {  	v3 =	vor.u32 $0x380, v1;
	[tilespmem:s5+$0x180] =	vst v9;
	v10 =	vbroadcast v10, $0x0;
	v9 =	vld.idx.msk [tilespmem:v15+s20+$0x0], $0xffff;
	v15 =	vadd.s32 v8, v13  }
0x11f: {  	[tilespmem:s5+$0x200] =	vst v12;
	v12 =	vld.idx.msk [tilespmem:v14+s20+$0x0], $0xffff;
	v13 =	vadd.s32 v3, v13  }
0x120: {  	[tilespmem:s5+$0x280] =	vst v18;
	v14 =	vadd.s32 v1, v10;
	v18 =	vld.idx.msk [tilespmem:v20+s20+$0x0], $0xffff  }
0x121: {  	[tilespmem:s5+$0x300] =	vst v16;
	v20 =	vadd.s32 v2, v10;
	v19 =	vld.idx.msk [tilespmem:v19+s20+$0x0], $0xffff  }
0x122: {  	[tilespmem:s5+$0x380] =	vst v17;
	v17 =	vadd.s32 v5, v10;
	s5 =	simm.s32 $0x10;
	v22 =	vld.idx.msk [tilespmem:v21+s20+$0x0], $0xffff  }
0x123: {  	v23 =	vadd.s32 v4, v10;
	v16 =	vmov s5;
	[tilespmem:s14+$0x0] =	vst v11;
	v24 =	vld.idx.msk [tilespmem:v15+s20+$0x0], $0xffff  }
0x124: {  	v25 =	vadd.s32 v6, v10;
	v11 =	vshrl.u32 v16, $0x3;
	[tilespmem:s14+$0x80] =	vst v9;
	v16 =	vld.idx.msk [tilespmem:v13+s20+$0x0], $0xffff  }
0x125: {  	v21 =	vadd.s32 v7, v10;
	v9 =	vshll.u32 v11, $0xB;
	v15 =	vld.idx.msk [tilespmem:v14+s20+$0x0], $0xffff;
	[tilespmem:s14+$0x100] =	vst v12  }
0x126: {  	v14 =	vld.idx.msk [tilespmem:v20+s20+$0x0], $0xffff;
	[tilespmem:s14+$0x180] =	vst v18;
	v20 =	vadd.s32 v8, v10;
	v9 =	vbroadcast v9, $0x0  }
0x127: {  	v12 =	vld.idx.msk [tilespmem:v17+s20+$0x0], $0xffff;
	[tilespmem:s14+$0x200] =	vst v19;
	v19 =	vadd.s32 v3, v10  }
0x128: {  	v13 =	vld.idx.msk [tilespmem:v23+s20+$0x0], $0xffff;
	[tilespmem:s14+$0x280] =	vst v22;
	v17 =	vadd.s32 v1, v9  }
0x129: {  	v11 =	vld.idx.msk [tilespmem:v25+s20+$0x0], $0xffff;
	v10 =	vadd.s32 v5, v9;
	v18 =	vadd.s32 v2, v9;
	[tilespmem:s14+$0x300] =	vst v24  }
.LBB2_18:
0x12a: {  	s5 =	sadd.s32 $0x8, s5;
	v22 =	vld.idx.msk [tilespmem:v21+s20+$0x0], $0xffff;
	[tilespmem:s14+$0x380] =	vst v16;
	s14 =	sadd.s32 $0x1000, s14  }
0x12b: {  	v23 =	vadd.s32 v4, v9;
	v16 =	vmov s5;
	p1 =	slt.u32 s5, $0x18;
	[tilespmem:s14+$0x0] =	vst v15;
	v24 =	vld.idx.msk [tilespmem:v20+s20+$0x0], $0xffff  }
0x12c: {  	v25 =	vadd.s32 v6, v9;
	v15 =	vshrl.u32 v16, $0x3;
	[tilespmem:s14+$0x80] =	vst v14;
	v16 =	vld.idx.msk [tilespmem:v19+s20+$0x0], $0xffff  }
.Ltmp7:
0x12d: {  	v21 =	vadd.s32 v7, v9;
	v14 =	vshll.u32 v15, $0xB;
	v15 =	vld.idx.msk [tilespmem:v17+s20+$0x0], $0xffff;
	[tilespmem:s14+$0x100] =	vst v12;
	(pc) =	sbr.rel @p1 .LBB2_18-.Ltmp7, $4  }
0x12e: {  	v20 =	vadd.s32 v8, v9;
	v26 =	vbroadcast v14, $0x0;
	v14 =	vld.idx.msk [tilespmem:v18+s20+$0x0], $0xffff;
	[tilespmem:s14+$0x180] =	vst v13  }
0x12f: {  	v19 =	vadd.s32 v3, v9;
	v12 =	vld.idx.msk [tilespmem:v10+s20+$0x0], $0xffff;
	[tilespmem:s14+$0x200] =	vst v11  }
0x130: {  	v17 =	vadd.s32 v1, v26;
	v10 =	vadd.s32 v5, v26;
	v13 =	vld.idx.msk [tilespmem:v23+s20+$0x0], $0xffff;
	[tilespmem:s14+$0x280] =	vst v22;
	v9 =	vmov v26  }
0x131: {  	v18 =	vadd.s32 v2, v9;
	v11 =	vld.idx.msk [tilespmem:v25+s20+$0x0], $0xffff;
	[tilespmem:s14+$0x300] =	vst v24  }
0x132: {  	_ =	sdelay $0x2  }
0x133: {  	v1 =	vld [tilespmem:s19+$0x30]  }
0x134: {  	v2 =	vld.idx.msk [tilespmem:v21+s20+$0x0], $0xffff;
	[tilespmem:s14+$0x380] =	vst v16;
	s5 =	sadd.s32 $0x1000, s14  }
0x135: {  	s21 =	simm.s32 $0x0;
	v4 =	vadd.s32 v4, v9;
	v5 =	vld.idx.msk [tilespmem:v20+s20+$0x0], $0xffff;
	[tilespmem:s5+$0x0] =	vst v15  }
0x136: {  	v6 =	vadd.s32 v6, v9;
	v16 =	vld.idx.msk [tilespmem:v17+s20+$0x0], $0xffff;
	v15 =	vmov s21;
	[tilespmem:s5+$0x80] =	vst v14  }
0x137: {  	v7 =	vadd.s32 v7, v9;
	v14 =	vld.idx.msk [tilespmem:v19+s20+$0x0], $0xffff;
	v15 =	vshrl.u32 v15, $0x3;
	[tilespmem:s5+$0x100] =	vst v12  }
0x138: {  	v8 =	vadd.s32 v8, v9;
	v17 =	vld.idx.msk [tilespmem:v18+s20+$0x0], $0xffff;
	v15 =	vshll.u32 v15, $0xB;
	[tilespmem:s5+$0x180] =	vst v13;
	v12 =	vshll.u32 v1, $0x3  }
0x139: {  	v10 =	vld.idx.msk [tilespmem:v10+s20+$0x0], $0xffff;
	v13 =	vbroadcast v15, $0x0;
	[tilespmem:s5+$0x200] =	vst v11;
	v1 =	vand.u32 $0x7F, v1;
	v12 =	vand.u32 $0xFFFFFC00, v12  }
0x13a: {  	v9 =	vadd.s32 v3, v9;
	v11 =	vld.idx.msk [tilespmem:v4+s20+$0x0], $0xffff;
	[tilespmem:s5+$0x280] =	vst v2;
	v1 =	vor.u32 v1, v12  }
0x13b: {  	s29 =	simm.s32 $0x8;
	v15 =	vld.idx.msk [tilespmem:v6+s20+$0x0], $0xffff;
	[tilespmem:s5+$0x300] =	vst v5;
	v2 =	vor.u32 $0x80, v1;
	v12 =	vadd.s32 v1, v13  }
0x13c: {  	v19 =	vld.idx.msk [tilespmem:v7+s20+$0x0], $0xffff;
	v7 =	vmov s29;
	[tilespmem:s5+$0x380] =	vst v14;
	s5 =	sadd.s32 $0x1000, s5;
	v4 =	vor.u32 $0x100, v1;
	v18 =	vadd.s32 v2, v13  }
0x13d: {  	[tilespmem:s5+$0x0] =	vst v16;
	v16 =	vld.idx.msk [tilespmem:v8+s20+$0x0], $0xffff;
	v8 =	vshrl.u32 v7, $0x3;
	v3 =	vor.u32 $0x180, v1;
	v14 =	vadd.s32 v4, v13  }
0x13e: {  	[tilespmem:s5+$0x100] =	vst v10;
	v5 =	vor.u32 $0x200, v1;
	v10 =	vshll.u32 v8, $0xB;
	v20 =	vadd.s32 v3, v13  }
0x13f: {  	v9 =	vld.idx.msk [tilespmem:v9+s20+$0x0], $0xffff;
	[tilespmem:s5+$0x80] =	vst v17;
	v6 =	vor.u32 $0x280, v1;
	v17 =	vadd.s32 v5, v13;
	v10 =	vbroadcast v10, $0x0  }
0x140: {  	v21 =	vadd.s32 v6, v13;
	[tilespmem:s5+$0x180] =	vst v11;
	v12 =	vld.idx.msk [tilespmem:v12+s20+$0x0], $0xffff  }
0x141: {  	v7 =	vor.u32 $0x300, v1;
	[tilespmem:s5+$0x200] =	vst v15;
	v15 =	vadd.s32 v1, v10;
	v11 =	vld.idx.msk [tilespmem:v18+s20+$0x0], $0xffff  }
0x142: {  	v8 =	vor.u32 $0x380, v1;
	v18 =	vadd.s32 v7, v13;
	v14 =	vld.idx.msk [tilespmem:v14+s20+$0x0], $0xffff  }
0x143: {  	[tilespmem:s5+$0x280] =	vst v19;
	v13 =	vadd.s32 v8, v13;
	v19 =	vld.idx.msk [tilespmem:v20+s20+$0x0], $0xffff  }
0x144: {  	[tilespmem:s5+$0x380] =	vst v9;
	v26 =	vadd.s32 v5, v10;
	v17 =	vld.idx.msk [tilespmem:v17+s20+$0x0], $0xffff  }
0x145: {  	[tilespmem:s5+$0x300] =	vst v16;
	s5 =	simm.s32 $0x10;
	v20 =	vadd.s32 v2, v10;
	v23 =	vld.idx.msk [tilespmem:v21+s20+$0x0], $0xffff  }
0x146: {  	v22 =	vadd.s32 v4, v10;
	v9 =	vmov s5;
	[tilespmem:s11+$0x0] =	vst v12;
	v12 =	vld.idx.msk [tilespmem:v15+s20+$0x0], $0xffff  }
0x147: {  	v24 =	vadd.s32 v3, v10;
	v9 =	vshrl.u32 v9, $0x3;
	v25 =	vld.idx.msk [tilespmem:v18+s20+$0x0], $0xffff;
	[tilespmem:s11+$0x80] =	vst v11  }
0x148: {  	v21 =	vadd.s32 v6, v10;
	v9 =	vshll.u32 v9, $0xB;
	v16 =	vld.idx.msk [tilespmem:v13+s20+$0x0], $0xffff;
	[tilespmem:s11+$0x100] =	vst v14  }
0x149: {  	v9 =	vbroadcast v9, $0x0;
	v15 =	vld.idx.msk [tilespmem:v26+s20+$0x0], $0xffff;
	[tilespmem:s11+$0x180] =	vst v19;
	v19 =	vadd.s32 v7, v10  }
0x14a: {  	v13 =	vld.idx.msk [tilespmem:v20+s20+$0x0], $0xffff;
	[tilespmem:s11+$0x200] =	vst v17;
	v18 =	vadd.s32 v8, v10  }
0x14b: {  	v11 =	vld.idx.msk [tilespmem:v22+s20+$0x0], $0xffff;
	v17 =	vadd.s32 v1, v9;
	[tilespmem:s11+$0x280] =	vst v23  }
0x14c: {  	v14 =	vld.idx.msk [tilespmem:v24+s20+$0x0], $0xffff;
	v10 =	vadd.s32 v4, v9;
	v20 =	vadd.s32 v2, v9;
	[tilespmem:s11+$0x300] =	vst v25  }
.LBB2_20:
0x14d: {  	s5 =	sadd.s32 $0x8, s5;
	v22 =	vld.idx.msk [tilespmem:v21+s20+$0x0], $0xffff;
	[tilespmem:s11+$0x380] =	vst v16;
	s11 =	sadd.s32 $0x1000, s11  }
0x14e: {  	v23 =	vadd.s32 v3, v9;
	v16 =	vmov s5;
	p1 =	slt.u32 s5, $0x18;
	[tilespmem:s11+$0x0] =	vst v12;
	v24 =	vld.idx.msk [tilespmem:v19+s20+$0x0], $0xffff  }
0x14f: {  	v25 =	vadd.s32 v5, v9;
	v12 =	vshrl.u32 v16, $0x3;
	[tilespmem:s11+$0x80] =	vst v13;
	v16 =	vld.idx.msk [tilespmem:v18+s20+$0x0], $0xffff  }
.Ltmp8:
0x150: {  	v21 =	vadd.s32 v6, v9;
	v13 =	vshll.u32 v12, $0xB;
	v12 =	vld.idx.msk [tilespmem:v17+s20+$0x0], $0xffff;
	[tilespmem:s11+$0x100] =	vst v11;
	(pc) =	sbr.rel @p1 .LBB2_20-.Ltmp8, $4  }
0x151: {  	v19 =	vadd.s32 v7, v9;
	v26 =	vbroadcast v13, $0x0;
	v13 =	vld.idx.msk [tilespmem:v20+s20+$0x0], $0xffff;
	[tilespmem:s11+$0x180] =	vst v14  }
0x152: {  	v18 =	vadd.s32 v8, v9;
	v11 =	vld.idx.msk [tilespmem:v10+s20+$0x0], $0xffff;
	[tilespmem:s11+$0x200] =	vst v15  }
0x153: {  	v17 =	vadd.s32 v1, v26;
	v10 =	vadd.s32 v4, v26;
	v14 =	vld.idx.msk [tilespmem:v23+s20+$0x0], $0xffff;
	[tilespmem:s11+$0x280] =	vst v22;
	v9 =	vmov v26  }
0x154: {  	v20 =	vadd.s32 v2, v9;
	v15 =	vld.idx.msk [tilespmem:v25+s20+$0x0], $0xffff;
	[tilespmem:s11+$0x300] =	vst v24  }
0x155: {  	_ =	sdelay $0x2  }
0x156: {  	[tilespmem:s11+$0x380] =	vst v16;
	s5 =	sadd.s32 $0x1000, s11  }
0x157: {  	v1 =	vld.idx.msk [tilespmem:v21+s20+$0x0], $0xffff;
	[tilespmem:s5+$0x0] =	vst v12  }
0x158: {  	v2 =	vadd.s32 v3, v9;
	v3 =	vld.idx.msk [tilespmem:v19+s20+$0x0], $0xffff;
	[tilespmem:s5+$0x80] =	vst v13  }
0x159: {  	v4 =	vadd.s32 v5, v9;
	v59 =	vld.idx.msk [tilespmem:v18+s20+$0x0], $0xffff;
	[tilespmem:s5+$0x100] =	vst v11  }
0x15a: {  	v60 =	vld.idx.msk [tilespmem:v17+s20+$0x0], $0xffff;
	v6 =	vadd.s32 v6, v9;
	[tilespmem:s5+$0x180] =	vst v14  }
0x15b: {  	v61 =	vld.idx.msk [tilespmem:v20+s20+$0x0], $0xffff;
	v7 =	vadd.s32 v7, v9;
	[tilespmem:s5+$0x200] =	vst v15  }
0x15c: {  	v10 =	vld.idx.msk [tilespmem:v10+s20+$0x0], $0xffff;
	v8 =	vadd.s32 v8, v9;
	[tilespmem:s5+$0x280] =	vst v1  }
0x15d: {  	v1 =	vld.idx.msk [tilespmem:v2+s20+$0x0], $0xffff;
	[tilespmem:s5+$0x300] =	vst v3  }
0x15e: {  	v2 =	vld.idx.msk [tilespmem:v4+s20+$0x0], $0xffff;
	[tilespmem:s5+$0x380] =	vst v59;
	s5 =	sadd.s32 $0x1000, s5  }
0x15f: {  	v3 =	vld.idx.msk [tilespmem:v6+s20+$0x0], $0xffff;
	[tilespmem:s5+$0x0] =	vst v60  }
0x160: {  	v62 =	vld.idx.msk [tilespmem:v7+s20+$0x0], $0xffff;
	[tilespmem:s5+$0x80] =	vst v61  }
0x161: {  	p1 =	slt.u32 s8, $0x1C;
	v63 =	vld.idx.msk [tilespmem:v8+s20+$0x0], $0xffff;
	[tilespmem:s5+$0x100] =	vst v10  }
.Ltmp9:
0x162: {  	[tilespmem:s5+$0x180] =	vst v1;
	(pc) =	sbr.rel @p1 .LBB2_13-.Ltmp9, $4  }
0x163: {  	[tilespmem:s5+$0x200] =	vst v2  }
0x164: {  	[tilespmem:s5+$0x280] =	vst v3  }
0x165: {  	[tilespmem:s5+$0x300] =	vst v62  }
0x166: {  	s8 =	sadd.s32 $0x4, s8;
	s7 =	sadd.s32 $0x200, s7;
	p0 =	por !p0, !p0;
	[tilespmem:s5+$0x380] =	vst v63  }
0x167: {  	s0 =	sadd.s32 $0x1, s0  }
0x168: {  	p0 =	sne.s32 s0, $0x14  }
.Ltmp10:
0x169: {  	s2 =	sshll.u32 s4, $0x13;
	(pc) =	sbr.rel @p0 .LBB2_2-.Ltmp10, $4  }
0x16a: {  	s2 =	sor.u32 s6, s2  }
0x16b: {  	s2 =	sshrl.u32 s2, $0x3  }
0x16c: {  	s2 =	sadd.s32 s3, s2  }
0x16d: {  	[hbm4b:s2+s22] =	stream.strided.scatter [tilespmem:s28], [sflag:$0x4], $0x4000, s23, s22, $0x38;
	[tilespmem:$0x14000] =	vst v63  }
0x16e: {  	s0 =	simm.s32 $0x2  }
0x16f: {  	_ =	swait.ge [sflag:s0], $0x5000  }
0x170: {  	[sflag:s0] =	ssyncset.done $0x0  }
0x171: {  	s2 =	rddreg [dreg:$0x6];
	[sflag:s0] =	ssyncadd.s32 $0xFFFFB000;
	s0 =	simm.s32 $0x0  }
0x172: {  	[tilespmem:s0], [sflag:$0x1] =	stream.strided.gather [hbm4b:s2+s22], $0x5000, s23, s22, $0x38;
	[tilespmem:$0x14000] =	vst v63  }
.LBB2_24:
0x173: {  	_ =	swait.ge [sflag:s30], $0x4000;
	s2 =	sshll.u32 s0, $0xA  }
0x174: {  	s4 =	sshll.u32 s0, $0x8;
	p0 =	por $0x0, $0x0;
	s7 =	simm.s32 $0x0  }
0x175: {  	[sflag:s30] =	ssyncset.done $0x0;
	s2 =	sand.u32 $0x7000, s2;
	s25 =	sand.u32 $0x300, s4  }
0x176: {  	s4 =	simm.s32 $0x0;
	[sflag:s30] =	ssyncadd.s32 $0xFFFFC000;
	s2 =	sadd.s32 $0x5000, s2;
	v0 =	vmov s25  }
.LBB2_25:
0x177: {  	s5 =	sshll.u32 s7, $0x7  }
0x178: {  	s8 =	sshll.u32 s7, $0x4;
	s5 =	sand.u32 $0xC00, s5  }
0x179: {  	s8 =	sand.u32 $0x40, s8;
	s5 =	sadd.s32 s5, s2  }
0x17a: {  	s14 =	sadd.s32 s8, s5  }
0x17b: {  	v1 =	vld.idx.msk [tilespmem:v0+s14+$0x0 ss:$0x1], $0xffff;
	_ =	sdelay $0x1  }
0x17c: {  	s19 =	simm.s32 $0x0  }
0x17d: {  	v2 =	vmov s19  }
0x17e: {  	v2 =	vshrl.u32 v2, $0x3  }
0x17f: {  	v2 =	vshll.u32 v2, $0xB;
	v3 =	vshll.u32 v1, $0x3  }
0x180: {  	v9 =	vbroadcast v2, $0x0;
	v1 =	vand.u32 $0x7F, v1;
	v3 =	vand.u32 $0xFFFFFC00, v3  }
0x181: {  	v6 =	vor.u32 v1, v3  }
0x182: {  	v7 =	vor.u32 $0x80, v6;
	v1 =	vadd.s32 v6, v9  }
0x183: {  	s21 =	simm.s32 $0x8;
	v8 =	vor.u32 $0x100, v6;
	v10 =	vadd.s32 v7, v9  }
0x184: {  	v4 =	vmov s21;
	v5 =	vor.u32 $0x180, v6;
	v11 =	vadd.s32 v8, v9  }
0x185: {  	v13 =	vshrl.u32 v4, $0x3;
	v2 =	vor.u32 $0x200, v6;
	v12 =	vadd.s32 v5, v9  }
0x186: {  	v13 =	vshll.u32 v13, $0xB;
	v3 =	vor.u32 $0x280, v6;
	v14 =	vadd.s32 v2, v9  }
0x187: {  	s5 =	simm.s32 $0x1;
	v17 =	vbroadcast v13, $0x0;
	v4 =	vor.u32 $0x300, v6;
	v16 =	vadd.s32 v3, v9;
	v15 =	vld.idx.msk [tilespmem:v1+s20+$0x0], $0xffff  }
0x188: {  	s29 =	sshll.u32 s4, $0x2;
	s5 =	simm.s32 @!p0 $0x0;
	v13 =	vadd.s32 v4, v9;
	v10 =	vld.idx.msk [tilespmem:v10+s20+$0x0], $0xffff  }
0x189: {  	s8 =	sand.u32 $0xFFFFF000, s29;
	s5 =	sshll.u32 s5, $0x8;
	v18 =	vadd.s32 v6, v17;
	v1 =	vor.u32 $0x380, v6;
	v11 =	vld.idx.msk [tilespmem:v11+s20+$0x0], $0xffff  }
0x18a: {  	s5 =	sor.u32 s5, s8;
	v9 =	vadd.s32 v1, v9;
	v12 =	vld.idx.msk [tilespmem:v12+s20+$0x0], $0xffff  }
0x18b: {  	s5 =	sshrl.u32 s5, $0x2;
	v19 =	vadd.s32 v7, v17;
	v14 =	vld.idx.msk [tilespmem:v14+s20+$0x0], $0xffff  }
0x18c: {  	s21 =	simm.s32 $0x10;
	s19 =	sadd.s32 $0xA200, s5;
	v20 =	vadd.s32 v8, v17;
	v22 =	vld.idx.msk [tilespmem:v16+s20+$0x0], $0xffff  }
0x18d: {  	v23 =	vadd.s32 v5, v17;
	v16 =	vmov s21;
	v24 =	vld.idx.msk [tilespmem:v13+s20+$0x0], $0xffff;
	[tilespmem:s19+$0xFFFFFE00] =	vst v15  }
0x18e: {  	v25 =	vadd.s32 v2, v17;
	v13 =	vshrl.u32 v16, $0x3;
	v15 =	vld.idx.msk [tilespmem:v18+s20+$0x0], $0xffff;
	[tilespmem:s19+$0xFFFFFE80] =	vst v10  }
0x18f: {  	v21 =	vadd.s32 v3, v17;
	v16 =	vld.idx.msk [tilespmem:v9+s20+$0x0], $0xffff;
	v9 =	vshll.u32 v13, $0xB;
	[tilespmem:s19+$0xFFFFFF00] =	vst v11  }
0x190: {  	v13 =	vld.idx.msk [tilespmem:v19+s20+$0x0], $0xffff;
	[tilespmem:s19+$0xFFFFFF80] =	vst v12;
	v19 =	vadd.s32 v4, v17;
	v9 =	vbroadcast v9, $0x0  }
0x191: {  	v18 =	vadd.s32 v1, v17;
	v11 =	vld.idx.msk [tilespmem:v20+s20+$0x0], $0xffff;
	[tilespmem:s19+$0x0] =	vst v14  }
0x192: {  	s14 =	sadd.s32 s25, s14;
	v12 =	vld.idx.msk [tilespmem:v23+s20+$0x0], $0xffff;
	[tilespmem:s19+$0x80] =	vst v22;
	v17 =	vadd.s32 v6, v9  }
0x193: {  	s8 =	sadd.s32 $0xA230, s5;
	s11 =	sadd.s32 $0xA220, s5;
	s5 =	sadd.s32 $0xA210, s5;
	v14 =	vld.idx.msk [tilespmem:v25+s20+$0x0], $0xffff;
	[tilespmem:s19+$0x100] =	vst v24;
	v10 =	vadd.s32 v8, v9;
	v20 =	vadd.s32 v7, v9  }
.LBB2_26:
0x194: {  	s21 =	sadd.s32 $0x8, s21;
	v22 =	vld.idx.msk [tilespmem:v21+s20+$0x0], $0xffff;
	[tilespmem:s19+$0x180] =	vst v16;
	s19 =	sadd.s32 $0x1000, s19  }
0x195: {  	v23 =	vadd.s32 v5, v9;
	v16 =	vmov s21;
	p1 =	slt.u32 s21, $0x18;
	[tilespmem:s19+$0xFFFFFE00] =	vst v15;
	v24 =	vld.idx.msk [tilespmem:v19+s20+$0x0], $0xffff  }
0x196: {  	v25 =	vadd.s32 v2, v9;
	v15 =	vshrl.u32 v16, $0x3;
	[tilespmem:s19+$0xFFFFFE80] =	vst v13;
	v16 =	vld.idx.msk [tilespmem:v18+s20+$0x0], $0xffff  }
.Ltmp11:
0x197: {  	v21 =	vadd.s32 v3, v9;
	v13 =	vshll.u32 v15, $0xB;
	v15 =	vld.idx.msk [tilespmem:v17+s20+$0x0], $0xffff;
	[tilespmem:s19+$0xFFFFFF00] =	vst v11;
	(pc) =	sbr.rel @p1 .LBB2_26-.Ltmp11, $4  }
0x198: {  	v19 =	vadd.s32 v4, v9;
	v26 =	vbroadcast v13, $0x0;
	v13 =	vld.idx.msk [tilespmem:v20+s20+$0x0], $0xffff;
	[tilespmem:s19+$0xFFFFFF80] =	vst v12  }
0x199: {  	v18 =	vadd.s32 v1, v9;
	v11 =	vld.idx.msk [tilespmem:v10+s20+$0x0], $0xffff;
	[tilespmem:s19+$0x0] =	vst v14  }
0x19a: {  	v17 =	vadd.s32 v6, v26;
	v10 =	vadd.s32 v8, v26;
	v12 =	vld.idx.msk [tilespmem:v23+s20+$0x0], $0xffff;
	[tilespmem:s19+$0x80] =	vst v22;
	v9 =	vmov v26  }
0x19b: {  	v20 =	vadd.s32 v7, v9;
	v14 =	vld.idx.msk [tilespmem:v25+s20+$0x0], $0xffff;
	[tilespmem:s19+$0x100] =	vst v24  }
0x19c: {  	_ =	sdelay $0x2  }
0x19d: {  	v6 =	vld [tilespmem:s14+$0x10];
	[tilespmem:s19+$0x180] =	vst v16;
	s29 =	sadd.s32 $0x1000, s19  }
0x19e: {  	v7 =	vld.idx.msk [tilespmem:v21+s20+$0x0], $0xffff;
	[tilespmem:s29+$0xFFFFFE00] =	vst v15  }
0x19f: {  	s21 =	simm.s32 $0x0;
	v8 =	vld.idx.msk [tilespmem:v19+s20+$0x0], $0xffff;
	[tilespmem:s29+$0xFFFFFE80] =	vst v13  }
0x1a0: {  	v5 =	vadd.s32 v5, v9;
	v15 =	vmov s21;
	v13 =	vld.idx.msk [tilespmem:v18+s20+$0x0], $0xffff;
	[tilespmem:s29+$0xFFFFFF00] =	vst v11  }
0x1a1: {  	v16 =	vadd.s32 v2, v9;
	v3 =	vadd.s32 v3, v9;
	v2 =	vshrl.u32 v15, $0x3;
	[tilespmem:s29+$0xFFFFFF80] =	vst v12  }
0x1a2: {  	v10 =	vld.idx.msk [tilespmem:v10+s20+$0x0], $0xffff;
	v11 =	vadd.s32 v4, v9;
	v2 =	vshll.u32 v2, $0xB;
	[tilespmem:s29+$0x0] =	vst v14;
	v4 =	vshll.u32 v6, $0x3  }
0x1a3: {  	v15 =	vld.idx.msk [tilespmem:v17+s20+$0x0], $0xffff;
	v12 =	vbroadcast v2, $0x0;
	v6 =	vand.u32 $0x7F, v6;
	[tilespmem:s29+$0x80] =	vst v7;
	v4 =	vand.u32 $0xFFFFFC00, v4  }
0x1a4: {  	v17 =	vld.idx.msk [tilespmem:v20+s20+$0x0], $0xffff;
	v9 =	vadd.s32 v1, v9;
	[tilespmem:s29+$0x100] =	vst v8;
	v1 =	vor.u32 v6, v4  }
0x1a5: {  	s19 =	sadd.s32 $0x1000, s29;
	v14 =	vld.idx.msk [tilespmem:v5+s20+$0x0], $0xffff;
	[tilespmem:s29+$0x180] =	vst v13;
	s29 =	simm.s32 $0x8;
	v2 =	vor.u32 $0x80, v1;
	v18 =	vadd.s32 v1, v12  }
0x1a6: {  	v20 =	vld.idx.msk [tilespmem:v3+s20+$0x0], $0xffff;
	v3 =	vmov s29;
	v5 =	vor.u32 $0x100, v1;
	v19 =	vadd.s32 v2, v12  }
0x1a7: {  	v16 =	vld.idx.msk [tilespmem:v16+s20+$0x0], $0xffff;
	[tilespmem:s19+$0xFFFFFF00] =	vst v10;
	v4 =	vor.u32 $0x180, v1;
	v3 =	vshrl.u32 v3, $0x3;
	v13 =	vadd.s32 v5, v12  }
0x1a8: {  	[tilespmem:s19+$0xFFFFFE00] =	vst v15;
	v11 =	vld.idx.msk [tilespmem:v11+s20+$0x0], $0xffff;
	v6 =	vor.u32 $0x200, v1;
	v15 =	vadd.s32 v4, v12;
	v10 =	vshll.u32 v3, $0xB  }
0x1a9: {  	[tilespmem:s19+$0xFFFFFE80] =	vst v17;
	v9 =	vld.idx.msk [tilespmem:v9+s20+$0x0], $0xffff;
	v7 =	vor.u32 $0x280, v1;
	v17 =	vadd.s32 v6, v12;
	v10 =	vbroadcast v10, $0x0  }
0x1aa: {  	v21 =	vadd.s32 v7, v12;
	[tilespmem:s19+$0xFFFFFF80] =	vst v14;
	v18 =	vld.idx.msk [tilespmem:v18+s20+$0x0], $0xffff  }
0x1ab: {  	v8 =	vor.u32 $0x300, v1;
	[tilespmem:s19+$0x80] =	vst v20;
	v20 =	vadd.s32 v1, v10;
	v14 =	vld.idx.msk [tilespmem:v19+s20+$0x0], $0xffff  }
0x1ac: {  	v3 =	vor.u32 $0x380, v1;
	v19 =	vadd.s32 v8, v12;
	v13 =	vld.idx.msk [tilespmem:v13+s20+$0x0], $0xffff  }
0x1ad: {  	[tilespmem:s19+$0x0] =	vst v16;
	v12 =	vadd.s32 v3, v12;
	v22 =	vld.idx.msk [tilespmem:v15+s20+$0x0], $0xffff  }
0x1ae: {  	[tilespmem:s19+$0x100] =	vst v11;
	v11 =	vadd.s32 v2, v10;
	v17 =	vld.idx.msk [tilespmem:v17+s20+$0x0], $0xffff  }
0x1af: {  	[tilespmem:s19+$0x180] =	vst v9;
	v23 =	vadd.s32 v5, v10;
	s19 =	simm.s32 $0x10;
	v24 =	vld.idx.msk [tilespmem:v21+s20+$0x0], $0xffff  }
0x1b0: {  	v25 =	vadd.s32 v4, v10;
	v9 =	vmov s19;
	v15 =	vld.idx.msk [tilespmem:v20+s20+$0x0], $0xffff;
	[tilespmem:s5+$0xFFFFFE00] =	vst v18  }
0x1b1: {  	v27 =	vadd.s32 v6, v10;
	v9 =	vshrl.u32 v9, $0x3;
	v26 =	vld.idx.msk [tilespmem:v19+s20+$0x0], $0xffff;
	[tilespmem:s5+$0xFFFFFE80] =	vst v14  }
0x1b2: {  	v21 =	vadd.s32 v7, v10;
	v9 =	vshll.u32 v9, $0xB;
	v16 =	vld.idx.msk [tilespmem:v12+s20+$0x0], $0xffff;
	[tilespmem:s5+$0xFFFFFF00] =	vst v13  }
0x1b3: {  	v9 =	vbroadcast v9, $0x0;
	v20 =	vadd.s32 v8, v10;
	v14 =	vld.idx.msk [tilespmem:v11+s20+$0x0], $0xffff;
	[tilespmem:s5+$0xFFFFFF80] =	vst v22  }
0x1b4: {  	v12 =	vld.idx.msk [tilespmem:v23+s20+$0x0], $0xffff;
	[tilespmem:s5+$0x0] =	vst v17;
	v19 =	vadd.s32 v3, v10  }
0x1b5: {  	v17 =	vadd.s32 v1, v9;
	v13 =	vld.idx.msk [tilespmem:v25+s20+$0x0], $0xffff;
	[tilespmem:s5+$0x80] =	vst v24  }
0x1b6: {  	v18 =	vadd.s32 v2, v9;
	v10 =	vadd.s32 v5, v9;
	v11 =	vld.idx.msk [tilespmem:v27+s20+$0x0], $0xffff;
	[tilespmem:s5+$0x100] =	vst v26  }
.LBB2_28:
0x1b7: {  	s19 =	sadd.s32 $0x8, s19;
	v22 =	vld.idx.msk [tilespmem:v21+s20+$0x0], $0xffff;
	[tilespmem:s5+$0x180] =	vst v16;
	s5 =	sadd.s32 $0x1000, s5  }
0x1b8: {  	v23 =	vadd.s32 v4, v9;
	v16 =	vmov s19;
	p1 =	slt.u32 s19, $0x18;
	[tilespmem:s5+$0xFFFFFE00] =	vst v15;
	v24 =	vld.idx.msk [tilespmem:v20+s20+$0x0], $0xffff  }
0x1b9: {  	v25 =	vadd.s32 v6, v9;
	v15 =	vshrl.u32 v16, $0x3;
	[tilespmem:s5+$0xFFFFFE80] =	vst v14;
	v16 =	vld.idx.msk [tilespmem:v19+s20+$0x0], $0xffff  }
.Ltmp12:
0x1ba: {  	v21 =	vadd.s32 v7, v9;
	v14 =	vshll.u32 v15, $0xB;
	v15 =	vld.idx.msk [tilespmem:v17+s20+$0x0], $0xffff;
	[tilespmem:s5+$0xFFFFFF00] =	vst v12;
	(pc) =	sbr.rel @p1 .LBB2_28-.Ltmp12, $4  }
0x1bb: {  	v20 =	vadd.s32 v8, v9;
	v26 =	vbroadcast v14, $0x0;
	v14 =	vld.idx.msk [tilespmem:v18+s20+$0x0], $0xffff;
	[tilespmem:s5+$0xFFFFFF80] =	vst v13  }
0x1bc: {  	v19 =	vadd.s32 v3, v9;
	v12 =	vld.idx.msk [tilespmem:v10+s20+$0x0], $0xffff;
	[tilespmem:s5+$0x0] =	vst v11  }
0x1bd: {  	v17 =	vadd.s32 v1, v26;
	v10 =	vadd.s32 v5, v26;
	v13 =	vld.idx.msk [tilespmem:v23+s20+$0x0], $0xffff;
	[tilespmem:s5+$0x80] =	vst v22;
	v9 =	vmov v26  }
0x1be: {  	v18 =	vadd.s32 v2, v9;
	v11 =	vld.idx.msk [tilespmem:v25+s20+$0x0], $0xffff;
	[tilespmem:s5+$0x100] =	vst v24  }
0x1bf: {  	_ =	sdelay $0x1  }
0x1c0: {  	v1 =	vld [tilespmem:s14+$0x20];
	_ =	sdelay $0x1  }
0x1c1: {  	v2 =	vld.idx.msk [tilespmem:v21+s20+$0x0], $0xffff;
	[tilespmem:s5+$0x180] =	vst v16;
	s21 =	sadd.s32 $0x1000, s5;
	s19 =	simm.s32 $0x0  }
0x1c2: {  	v4 =	vadd.s32 v4, v9;
	v5 =	vld.idx.msk [tilespmem:v20+s20+$0x0], $0xffff;
	[tilespmem:s21+$0xFFFFFE00] =	vst v15;
	v15 =	vmov s19  }
0x1c3: {  	v6 =	vadd.s32 v6, v9;
	v7 =	vadd.s32 v7, v9;
	v16 =	vld.idx.msk [tilespmem:v17+s20+$0x0], $0xffff;
	[tilespmem:s21+$0xFFFFFE80] =	vst v14;
	v15 =	vshrl.u32 v15, $0x3  }
0x1c4: {  	v8 =	vadd.s32 v8, v9;
	v14 =	vld.idx.msk [tilespmem:v19+s20+$0x0], $0xffff;
	[tilespmem:s21+$0xFFFFFF00] =	vst v12;
	v15 =	vshll.u32 v15, $0xB;
	v12 =	vshll.u32 v1, $0x3  }
0x1c5: {  	v17 =	vld.idx.msk [tilespmem:v18+s20+$0x0], $0xffff;
	[tilespmem:s21+$0xFFFFFF80] =	vst v13;
	v13 =	vbroadcast v15, $0x0;
	v1 =	vand.u32 $0x7F, v1;
	v12 =	vand.u32 $0xFFFFFC00, v12  }
0x1c6: {  	v10 =	vld.idx.msk [tilespmem:v10+s20+$0x0], $0xffff;
	v3 =	vadd.s32 v3, v9;
	[tilespmem:s21+$0x0] =	vst v11;
	v1 =	vor.u32 v1, v12  }
0x1c7: {  	v9 =	vld.idx.msk [tilespmem:v4+s20+$0x0], $0xffff;
	[tilespmem:s21+$0x80] =	vst v2;
	v2 =	vor.u32 $0x80, v1;
	v11 =	vadd.s32 v1, v13  }
0x1c8: {  	[tilespmem:s21+$0x100] =	vst v5;
	v18 =	vld.idx.msk [tilespmem:v7+s20+$0x0], $0xffff;
	v5 =	vor.u32 $0x100, v1;
	v15 =	vadd.s32 v2, v13  }
0x1c9: {  	s29 =	simm.s32 $0x8;
	s5 =	sadd.s32 $0x1000, s21;
	[tilespmem:s21+$0x180] =	vst v14;
	v12 =	vld.idx.msk [tilespmem:v6+s20+$0x0], $0xffff;
	v4 =	vor.u32 $0x180, v1;
	v14 =	vadd.s32 v5, v13  }
0x1ca: {  	v19 =	vmov s29;
	[tilespmem:s5+$0xFFFFFE00] =	vst v16;
	v16 =	vld.idx.msk [tilespmem:v8+s20+$0x0], $0xffff;
	v6 =	vor.u32 $0x200, v1;
	v20 =	vadd.s32 v4, v13  }
0x1cb: {  	[tilespmem:s5+$0xFFFFFE80] =	vst v17;
	v17 =	vld.idx.msk [tilespmem:v3+s20+$0x0], $0xffff;
	v3 =	vshrl.u32 v19, $0x3;
	v7 =	vor.u32 $0x280, v1;
	v19 =	vadd.s32 v6, v13  }
0x1cc: {  	[tilespmem:s5+$0xFFFFFF00] =	vst v10;
	v10 =	vshll.u32 v3, $0xB;
	v8 =	vor.u32 $0x300, v1;
	v21 =	vadd.s32 v7, v13;
	v11 =	vld.idx.msk [tilespmem:v11+s20+$0x0], $0xffff  }
0x1cd: {  	v10 =	vbroadcast v10, $0x0;
	v3 =	vor.u32 $0x380, v1;
	[tilespmem:s5+$0xFFFFFF80] =	vst v9;
	v9 =	vld.idx.msk [tilespmem:v15+s20+$0x0], $0xffff;
	v15 =	vadd.s32 v8, v13  }
0x1ce: {  	[tilespmem:s5+$0x0] =	vst v12;
	v12 =	vld.idx.msk [tilespmem:v14+s20+$0x0], $0xffff;
	v13 =	vadd.s32 v3, v13  }
0x1cf: {  	[tilespmem:s5+$0x80] =	vst v18;
	v14 =	vadd.s32 v1, v10;
	v18 =	vld.idx.msk [tilespmem:v20+s20+$0x0], $0xffff  }
0x1d0: {  	[tilespmem:s5+$0x100] =	vst v16;
	v20 =	vadd.s32 v2, v10;
	v19 =	vld.idx.msk [tilespmem:v19+s20+$0x0], $0xffff  }
0x1d1: {  	[tilespmem:s5+$0x180] =	vst v17;
	v17 =	vadd.s32 v5, v10;
	s5 =	simm.s32 $0x10;
	v22 =	vld.idx.msk [tilespmem:v21+s20+$0x0], $0xffff  }
0x1d2: {  	v23 =	vadd.s32 v4, v10;
	v16 =	vmov s5;
	[tilespmem:s11+$0xFFFFFE00] =	vst v11;
	v24 =	vld.idx.msk [tilespmem:v15+s20+$0x0], $0xffff  }
0x1d3: {  	v25 =	vadd.s32 v6, v10;
	v11 =	vshrl.u32 v16, $0x3;
	[tilespmem:s11+$0xFFFFFE80] =	vst v9;
	v16 =	vld.idx.msk [tilespmem:v13+s20+$0x0], $0xffff  }
0x1d4: {  	v21 =	vadd.s32 v7, v10;
	v9 =	vshll.u32 v11, $0xB;
	v15 =	vld.idx.msk [tilespmem:v14+s20+$0x0], $0xffff;
	[tilespmem:s11+$0xFFFFFF00] =	vst v12  }
0x1d5: {  	v14 =	vld.idx.msk [tilespmem:v20+s20+$0x0], $0xffff;
	[tilespmem:s11+$0xFFFFFF80] =	vst v18;
	v20 =	vadd.s32 v8, v10;
	v9 =	vbroadcast v9, $0x0  }
0x1d6: {  	v12 =	vld.idx.msk [tilespmem:v17+s20+$0x0], $0xffff;
	[tilespmem:s11+$0x0] =	vst v19;
	v19 =	vadd.s32 v3, v10  }
0x1d7: {  	v13 =	vld.idx.msk [tilespmem:v23+s20+$0x0], $0xffff;
	[tilespmem:s11+$0x80] =	vst v22;
	v17 =	vadd.s32 v1, v9  }
0x1d8: {  	v11 =	vld.idx.msk [tilespmem:v25+s20+$0x0], $0xffff;
	v10 =	vadd.s32 v5, v9;
	v18 =	vadd.s32 v2, v9;
	[tilespmem:s11+$0x100] =	vst v24  }
.LBB2_30:
0x1d9: {  	s5 =	sadd.s32 $0x8, s5;
	v22 =	vld.idx.msk [tilespmem:v21+s20+$0x0], $0xffff;
	[tilespmem:s11+$0x180] =	vst v16;
	s11 =	sadd.s32 $0x1000, s11  }
0x1da: {  	v23 =	vadd.s32 v4, v9;
	v16 =	vmov s5;
	p1 =	slt.u32 s5, $0x18;
	[tilespmem:s11+$0xFFFFFE00] =	vst v15;
	v24 =	vld.idx.msk [tilespmem:v20+s20+$0x0], $0xffff  }
0x1db: {  	v25 =	vadd.s32 v6, v9;
	v15 =	vshrl.u32 v16, $0x3;
	[tilespmem:s11+$0xFFFFFE80] =	vst v14;
	v16 =	vld.idx.msk [tilespmem:v19+s20+$0x0], $0xffff  }
.Ltmp13:
0x1dc: {  	v21 =	vadd.s32 v7, v9;
	v14 =	vshll.u32 v15, $0xB;
	v15 =	vld.idx.msk [tilespmem:v17+s20+$0x0], $0xffff;
	[tilespmem:s11+$0xFFFFFF00] =	vst v12;
	(pc) =	sbr.rel @p1 .LBB2_30-.Ltmp13, $4  }
0x1dd: {  	v20 =	vadd.s32 v8, v9;
	v26 =	vbroadcast v14, $0x0;
	v14 =	vld.idx.msk [tilespmem:v18+s20+$0x0], $0xffff;
	[tilespmem:s11+$0xFFFFFF80] =	vst v13  }
0x1de: {  	v19 =	vadd.s32 v3, v9;
	v12 =	vld.idx.msk [tilespmem:v10+s20+$0x0], $0xffff;
	[tilespmem:s11+$0x0] =	vst v11  }
0x1df: {  	v17 =	vadd.s32 v1, v26;
	v10 =	vadd.s32 v5, v26;
	v13 =	vld.idx.msk [tilespmem:v23+s20+$0x0], $0xffff;
	[tilespmem:s11+$0x80] =	vst v22;
	v9 =	vmov v26  }
0x1e0: {  	v18 =	vadd.s32 v2, v9;
	v11 =	vld.idx.msk [tilespmem:v25+s20+$0x0], $0xffff;
	[tilespmem:s11+$0x100] =	vst v24  }
0x1e1: {  	_ =	sdelay $0x2  }
0x1e2: {  	v1 =	vld [tilespmem:s14+$0x30]  }
0x1e3: {  	v2 =	vld.idx.msk [tilespmem:v21+s20+$0x0], $0xffff;
	[tilespmem:s11+$0x180] =	vst v16;
	s5 =	sadd.s32 $0x1000, s11  }
0x1e4: {  	s21 =	simm.s32 $0x0;
	v4 =	vadd.s32 v4, v9;
	v5 =	vld.idx.msk [tilespmem:v20+s20+$0x0], $0xffff;
	[tilespmem:s5+$0xFFFFFE00] =	vst v15  }
0x1e5: {  	v6 =	vadd.s32 v6, v9;
	v16 =	vld.idx.msk [tilespmem:v17+s20+$0x0], $0xffff;
	v15 =	vmov s21;
	[tilespmem:s5+$0xFFFFFE80] =	vst v14  }
0x1e6: {  	v7 =	vadd.s32 v7, v9;
	v14 =	vld.idx.msk [tilespmem:v19+s20+$0x0], $0xffff;
	v15 =	vshrl.u32 v15, $0x3;
	[tilespmem:s5+$0xFFFFFF00] =	vst v12  }
0x1e7: {  	v8 =	vadd.s32 v8, v9;
	v17 =	vld.idx.msk [tilespmem:v18+s20+$0x0], $0xffff;
	v15 =	vshll.u32 v15, $0xB;
	[tilespmem:s5+$0xFFFFFF80] =	vst v13;
	v12 =	vshll.u32 v1, $0x3  }
0x1e8: {  	v10 =	vld.idx.msk [tilespmem:v10+s20+$0x0], $0xffff;
	v13 =	vbroadcast v15, $0x0;
	[tilespmem:s5+$0x0] =	vst v11;
	v1 =	vand.u32 $0x7F, v1;
	v12 =	vand.u32 $0xFFFFFC00, v12  }
0x1e9: {  	v9 =	vadd.s32 v3, v9;
	v11 =	vld.idx.msk [tilespmem:v4+s20+$0x0], $0xffff;
	[tilespmem:s5+$0x80] =	vst v2;
	v1 =	vor.u32 v1, v12  }
0x1ea: {  	s29 =	simm.s32 $0x8;
	v15 =	vld.idx.msk [tilespmem:v6+s20+$0x0], $0xffff;
	[tilespmem:s5+$0x100] =	vst v5;
	v2 =	vor.u32 $0x80, v1;
	v12 =	vadd.s32 v1, v13  }
0x1eb: {  	v19 =	vld.idx.msk [tilespmem:v7+s20+$0x0], $0xffff;
	v7 =	vmov s29;
	[tilespmem:s5+$0x180] =	vst v14;
	s5 =	sadd.s32 $0x1000, s5;
	v4 =	vor.u32 $0x100, v1;
	v18 =	vadd.s32 v2, v13  }
0x1ec: {  	[tilespmem:s5+$0xFFFFFE00] =	vst v16;
	v16 =	vld.idx.msk [tilespmem:v8+s20+$0x0], $0xffff;
	v8 =	vshrl.u32 v7, $0x3;
	v3 =	vor.u32 $0x180, v1;
	v14 =	vadd.s32 v4, v13  }
0x1ed: {  	[tilespmem:s5+$0xFFFFFF00] =	vst v10;
	v5 =	vor.u32 $0x200, v1;
	v10 =	vshll.u32 v8, $0xB;
	v20 =	vadd.s32 v3, v13  }
0x1ee: {  	v9 =	vld.idx.msk [tilespmem:v9+s20+$0x0], $0xffff;
	[tilespmem:s5+$0xFFFFFE80] =	vst v17;
	v6 =	vor.u32 $0x280, v1;
	v17 =	vadd.s32 v5, v13;
	v10 =	vbroadcast v10, $0x0  }
0x1ef: {  	v21 =	vadd.s32 v6, v13;
	[tilespmem:s5+$0xFFFFFF80] =	vst v11;
	v12 =	vld.idx.msk [tilespmem:v12+s20+$0x0], $0xffff  }
0x1f0: {  	v7 =	vor.u32 $0x300, v1;
	[tilespmem:s5+$0x0] =	vst v15;
	v15 =	vadd.s32 v1, v10;
	v11 =	vld.idx.msk [tilespmem:v18+s20+$0x0], $0xffff  }
0x1f1: {  	v8 =	vor.u32 $0x380, v1;
	v18 =	vadd.s32 v7, v13;
	v14 =	vld.idx.msk [tilespmem:v14+s20+$0x0], $0xffff  }
0x1f2: {  	[tilespmem:s5+$0x80] =	vst v19;
	v13 =	vadd.s32 v8, v13;
	v19 =	vld.idx.msk [tilespmem:v20+s20+$0x0], $0xffff  }
0x1f3: {  	[tilespmem:s5+$0x180] =	vst v9;
	v26 =	vadd.s32 v5, v10;
	v17 =	vld.idx.msk [tilespmem:v17+s20+$0x0], $0xffff  }
0x1f4: {  	[tilespmem:s5+$0x100] =	vst v16;
	s5 =	simm.s32 $0x10;
	v20 =	vadd.s32 v2, v10;
	v23 =	vld.idx.msk [tilespmem:v21+s20+$0x0], $0xffff  }
0x1f5: {  	v22 =	vadd.s32 v4, v10;
	v9 =	vmov s5;
	[tilespmem:s8+$0xFFFFFE00] =	vst v12;
	v12 =	vld.idx.msk [tilespmem:v15+s20+$0x0], $0xffff  }
0x1f6: {  	v24 =	vadd.s32 v3, v10;
	v9 =	vshrl.u32 v9, $0x3;
	v25 =	vld.idx.msk [tilespmem:v18+s20+$0x0], $0xffff;
	[tilespmem:s8+$0xFFFFFE80] =	vst v11  }
0x1f7: {  	v21 =	vadd.s32 v6, v10;
	v9 =	vshll.u32 v9, $0xB;
	v16 =	vld.idx.msk [tilespmem:v13+s20+$0x0], $0xffff;
	[tilespmem:s8+$0xFFFFFF00] =	vst v14  }
0x1f8: {  	v9 =	vbroadcast v9, $0x0;
	v15 =	vld.idx.msk [tilespmem:v26+s20+$0x0], $0xffff;
	[tilespmem:s8+$0xFFFFFF80] =	vst v19;
	v19 =	vadd.s32 v7, v10  }
0x1f9: {  	v13 =	vld.idx.msk [tilespmem:v20+s20+$0x0], $0xffff;
	[tilespmem:s8+$0x0] =	vst v17;
	v18 =	vadd.s32 v8, v10  }
0x1fa: {  	v11 =	vld.idx.msk [tilespmem:v22+s20+$0x0], $0xffff;
	v17 =	vadd.s32 v1, v9;
	[tilespmem:s8+$0x80] =	vst v23  }
0x1fb: {  	v14 =	vld.idx.msk [tilespmem:v24+s20+$0x0], $0xffff;
	v10 =	vadd.s32 v4, v9;
	v20 =	vadd.s32 v2, v9;
	[tilespmem:s8+$0x100] =	vst v25  }
.LBB2_32:
0x1fc: {  	s5 =	sadd.s32 $0x8, s5;
	v22 =	vld.idx.msk [tilespmem:v21+s20+$0x0], $0xffff;
	[tilespmem:s8+$0x180] =	vst v16;
	s8 =	sadd.s32 $0x1000, s8  }
0x1fd: {  	v23 =	vadd.s32 v3, v9;
	v16 =	vmov s5;
	p1 =	slt.u32 s5, $0x18;
	[tilespmem:s8+$0xFFFFFE00] =	vst v12;
	v24 =	vld.idx.msk [tilespmem:v19+s20+$0x0], $0xffff  }
0x1fe: {  	v25 =	vadd.s32 v5, v9;
	v12 =	vshrl.u32 v16, $0x3;
	[tilespmem:s8+$0xFFFFFE80] =	vst v13;
	v16 =	vld.idx.msk [tilespmem:v18+s20+$0x0], $0xffff  }
.Ltmp14:
0x1ff: {  	v21 =	vadd.s32 v6, v9;
	v13 =	vshll.u32 v12, $0xB;
	v12 =	vld.idx.msk [tilespmem:v17+s20+$0x0], $0xffff;
	[tilespmem:s8+$0xFFFFFF00] =	vst v11;
	(pc) =	sbr.rel @p1 .LBB2_32-.Ltmp14, $4  }
0x200: {  	v19 =	vadd.s32 v7, v9;
	v26 =	vbroadcast v13, $0x0;
	v13 =	vld.idx.msk [tilespmem:v20+s20+$0x0], $0xffff;
	[tilespmem:s8+$0xFFFFFF80] =	vst v14  }
0x201: {  	v18 =	vadd.s32 v8, v9;
	v11 =	vld.idx.msk [tilespmem:v10+s20+$0x0], $0xffff;
	[tilespmem:s8+$0x0] =	vst v15  }
0x202: {  	v17 =	vadd.s32 v1, v26;
	v10 =	vadd.s32 v4, v26;
	v14 =	vld.idx.msk [tilespmem:v23+s20+$0x0], $0xffff;
	[tilespmem:s8+$0x80] =	vst v22;
	v9 =	vmov v26  }
0x203: {  	v20 =	vadd.s32 v2, v9;
	v15 =	vld.idx.msk [tilespmem:v25+s20+$0x0], $0xffff;
	[tilespmem:s8+$0x100] =	vst v24  }
0x204: {  	_ =	sdelay $0x2  }
0x205: {  	[tilespmem:s8+$0x180] =	vst v16;
	s5 =	sadd.s32 $0x1000, s8  }
0x206: {  	v1 =	vld.idx.msk [tilespmem:v21+s20+$0x0], $0xffff;
	[tilespmem:s5+$0xFFFFFE00] =	vst v12  }
0x207: {  	v2 =	vadd.s32 v3, v9;
	v3 =	vld.idx.msk [tilespmem:v19+s20+$0x0], $0xffff;
	[tilespmem:s5+$0xFFFFFE80] =	vst v13  }
0x208: {  	v4 =	vadd.s32 v5, v9;
	v59 =	vld.idx.msk [tilespmem:v18+s20+$0x0], $0xffff;
	[tilespmem:s5+$0xFFFFFF00] =	vst v11  }
0x209: {  	v60 =	vld.idx.msk [tilespmem:v17+s20+$0x0], $0xffff;
	v6 =	vadd.s32 v6, v9;
	[tilespmem:s5+$0xFFFFFF80] =	vst v14  }
0x20a: {  	v61 =	vld.idx.msk [tilespmem:v20+s20+$0x0], $0xffff;
	v7 =	vadd.s32 v7, v9;
	[tilespmem:s5+$0x0] =	vst v15  }
0x20b: {  	v10 =	vld.idx.msk [tilespmem:v10+s20+$0x0], $0xffff;
	v8 =	vadd.s32 v8, v9;
	[tilespmem:s5+$0x80] =	vst v1  }
0x20c: {  	v1 =	vld.idx.msk [tilespmem:v2+s20+$0x0], $0xffff;
	[tilespmem:s5+$0x100] =	vst v3  }
0x20d: {  	v2 =	vld.idx.msk [tilespmem:v4+s20+$0x0], $0xffff;
	[tilespmem:s5+$0x180] =	vst v59;
	s5 =	sadd.s32 $0x1000, s5  }
0x20e: {  	v3 =	vld.idx.msk [tilespmem:v6+s20+$0x0], $0xffff;
	[tilespmem:s5+$0xFFFFFE00] =	vst v60  }
0x20f: {  	v62 =	vld.idx.msk [tilespmem:v7+s20+$0x0], $0xffff;
	[tilespmem:s5+$0xFFFFFE80] =	vst v61  }
0x210: {  	p1 =	slt.u32 s7, $0x1C;
	v63 =	vld.idx.msk [tilespmem:v8+s20+$0x0], $0xffff;
	[tilespmem:s5+$0xFFFFFF00] =	vst v10  }
.Ltmp15:
0x211: {  	[tilespmem:s5+$0xFFFFFF80] =	vst v1;
	(pc) =	sbr.rel @p1 .LBB2_25-.Ltmp15, $4  }
0x212: {  	[tilespmem:s5+$0x0] =	vst v2  }
0x213: {  	[tilespmem:s5+$0x80] =	vst v3  }
0x214: {  	[tilespmem:s5+$0x100] =	vst v62  }
0x215: {  	s7 =	sadd.s32 $0x4, s7;
	s4 =	sadd.s32 $0x200, s4;
	p0 =	por !p0, !p0;
	[tilespmem:s5+$0x180] =	vst v63  }
0x216: {  	s4 =	sshll.u32 s0, $0x14  }
0x217: {  	s5 =	sadd.s32 s9, s4  }
0x218: {  	s5 =	sshrl.u32 s5, $0x3  }
0x219: {  	s5 =	sadd.s32 s3, s5  }
0x21a: {  	[hbm4b:s5+s22] =	stream.strided.scatter [tilespmem:s26], [sflag:$0x3], $0x4000, s23, s22, $0x38;
	[tilespmem:$0x14000] =	vst v63  }
0x21b: {  	_ =	swait.ge [sflag:s31], $0x4000  }
0x21c: {  	s25 =	sor.u32 $0x80, s25;
	s8 =	simm.s32 $0x0;
	[sflag:s31] =	ssyncset.done $0x0  }
0x21d: {  	p0 =	por $0x0, $0x0;
	s7 =	simm.s32 $0x0;
	v0 =	vmov s25;
	[sflag:s31] =	ssyncadd.s32 $0xFFFFC000  }
.LBB2_35:
0x21e: {  	s5 =	sshll.u32 s8, $0x7  }
0x21f: {  	s11 =	sshll.u32 s8, $0x4;
	s5 =	sand.u32 $0xC00, s5  }
0x220: {  	s11 =	sand.u32 $0x40, s11;
	s5 =	sadd.s32 s5, s2  }
0x221: {  	s19 =	sadd.s32 s11, s5  }
0x222: {  	v1 =	vld.idx.msk [tilespmem:v0+s19+$0x0 ss:$0x1], $0xffff;
	_ =	sdelay $0x1  }
0x223: {  	s11 =	simm.s32 $0x0  }
0x224: {  	v2 =	vmov s11  }
0x225: {  	v2 =	vshrl.u32 v2, $0x3  }
0x226: {  	v2 =	vshll.u32 v2, $0xB;
	v3 =	vshll.u32 v1, $0x3  }
0x227: {  	v9 =	vbroadcast v2, $0x0;
	v1 =	vand.u32 $0x7F, v1;
	v3 =	vand.u32 $0xFFFFFC00, v3  }
0x228: {  	v6 =	vor.u32 v1, v3  }
0x229: {  	v7 =	vor.u32 $0x80, v6;
	v1 =	vadd.s32 v6, v9  }
0x22a: {  	s14 =	simm.s32 $0x8;
	v8 =	vor.u32 $0x100, v6;
	v10 =	vadd.s32 v7, v9  }
0x22b: {  	v4 =	vmov s14;
	v5 =	vor.u32 $0x180, v6;
	v11 =	vadd.s32 v8, v9  }
0x22c: {  	v13 =	vshrl.u32 v4, $0x3;
	v2 =	vor.u32 $0x200, v6;
	v12 =	vadd.s32 v5, v9  }
0x22d: {  	v13 =	vshll.u32 v13, $0xB;
	v3 =	vor.u32 $0x280, v6;
	v14 =	vadd.s32 v2, v9  }
0x22e: {  	s5 =	simm.s32 $0x1;
	v17 =	vbroadcast v13, $0x0;
	v4 =	vor.u32 $0x300, v6;
	v16 =	vadd.s32 v3, v9;
	v15 =	vld.idx.msk [tilespmem:v1+s20+$0x0], $0xffff  }
0x22f: {  	s21 =	sshll.u32 s7, $0x2;
	s5 =	simm.s32 @!p0 $0x0;
	v13 =	vadd.s32 v4, v9;
	v10 =	vld.idx.msk [tilespmem:v10+s20+$0x0], $0xffff  }
0x230: {  	s11 =	sand.u32 $0xFFFFF000, s21;
	s5 =	sshll.u32 s5, $0x8;
	v18 =	vadd.s32 v6, v17;
	v1 =	vor.u32 $0x380, v6;
	v11 =	vld.idx.msk [tilespmem:v11+s20+$0x0], $0xffff  }
0x231: {  	s5 =	sor.u32 s5, s11;
	v9 =	vadd.s32 v1, v9;
	v12 =	vld.idx.msk [tilespmem:v12+s20+$0x0], $0xffff  }
0x232: {  	s5 =	sshrl.u32 s5, $0x2;
	v19 =	vadd.s32 v7, v17;
	v14 =	vld.idx.msk [tilespmem:v14+s20+$0x0], $0xffff  }
0x233: {  	s29 =	simm.s32 $0x10;
	s21 =	sadd.s32 $0xE000, s5;
	v20 =	vadd.s32 v8, v17;
	v22 =	vld.idx.msk [tilespmem:v16+s20+$0x0], $0xffff  }
0x234: {  	v23 =	vadd.s32 v5, v17;
	v16 =	vmov s29;
	v24 =	vld.idx.msk [tilespmem:v13+s20+$0x0], $0xffff;
	[tilespmem:s21+$0x0] =	vst v15  }
0x235: {  	v25 =	vadd.s32 v2, v17;
	v13 =	vshrl.u32 v16, $0x3;
	v15 =	vld.idx.msk [tilespmem:v18+s20+$0x0], $0xffff;
	[tilespmem:s21+$0x80] =	vst v10  }
0x236: {  	v21 =	vadd.s32 v3, v17;
	v16 =	vld.idx.msk [tilespmem:v9+s20+$0x0], $0xffff;
	v9 =	vshll.u32 v13, $0xB;
	[tilespmem:s21+$0x100] =	vst v11  }
0x237: {  	v13 =	vld.idx.msk [tilespmem:v19+s20+$0x0], $0xffff;
	[tilespmem:s21+$0x180] =	vst v12;
	v19 =	vadd.s32 v4, v17;
	v9 =	vbroadcast v9, $0x0  }
0x238: {  	v18 =	vadd.s32 v1, v17;
	v11 =	vld.idx.msk [tilespmem:v20+s20+$0x0], $0xffff;
	[tilespmem:s21+$0x200] =	vst v14  }
0x239: {  	s19 =	sadd.s32 s25, s19;
	v12 =	vld.idx.msk [tilespmem:v23+s20+$0x0], $0xffff;
	[tilespmem:s21+$0x280] =	vst v22;
	v17 =	vadd.s32 v6, v9  }
0x23a: {  	s11 =	sadd.s32 $0xE030, s5;
	s14 =	sadd.s32 $0xE020, s5;
	s5 =	sadd.s32 $0xE010, s5;
	v14 =	vld.idx.msk [tilespmem:v25+s20+$0x0], $0xffff;
	[tilespmem:s21+$0x300] =	vst v24;
	v10 =	vadd.s32 v8, v9;
	v20 =	vadd.s32 v7, v9  }
.LBB2_36:
0x23b: {  	s29 =	sadd.s32 $0x8, s29;
	v22 =	vld.idx.msk [tilespmem:v21+s20+$0x0], $0xffff;
	[tilespmem:s21+$0x380] =	vst v16;
	s21 =	sadd.s32 $0x1000, s21  }
0x23c: {  	v23 =	vadd.s32 v5, v9;
	v16 =	vmov s29;
	p1 =	slt.u32 s29, $0x18;
	[tilespmem:s21+$0x0] =	vst v15;
	v24 =	vld.idx.msk [tilespmem:v19+s20+$0x0], $0xffff  }
0x23d: {  	v25 =	vadd.s32 v2, v9;
	v15 =	vshrl.u32 v16, $0x3;
	[tilespmem:s21+$0x80] =	vst v13;
	v16 =	vld.idx.msk [tilespmem:v18+s20+$0x0], $0xffff  }
.Ltmp16:
0x23e: {  	v21 =	vadd.s32 v3, v9;
	v13 =	vshll.u32 v15, $0xB;
	v15 =	vld.idx.msk [tilespmem:v17+s20+$0x0], $0xffff;
	[tilespmem:s21+$0x100] =	vst v11;
	(pc) =	sbr.rel @p1 .LBB2_36-.Ltmp16, $4  }
0x23f: {  	v19 =	vadd.s32 v4, v9;
	v26 =	vbroadcast v13, $0x0;
	v13 =	vld.idx.msk [tilespmem:v20+s20+$0x0], $0xffff;
	[tilespmem:s21+$0x180] =	vst v12  }
0x240: {  	v18 =	vadd.s32 v1, v9;
	v11 =	vld.idx.msk [tilespmem:v10+s20+$0x0], $0xffff;
	[tilespmem:s21+$0x200] =	vst v14  }
0x241: {  	v17 =	vadd.s32 v6, v26;
	v10 =	vadd.s32 v8, v26;
	v12 =	vld.idx.msk [tilespmem:v23+s20+$0x0], $0xffff;
	[tilespmem:s21+$0x280] =	vst v22;
	v9 =	vmov v26  }
0x242: {  	v20 =	vadd.s32 v7, v9;
	v14 =	vld.idx.msk [tilespmem:v25+s20+$0x0], $0xffff;
	[tilespmem:s21+$0x300] =	vst v24  }
0x243: {  	_ =	sdelay $0x1  }
0x244: {  	v6 =	vld [tilespmem:s19+$0x10]  }
0x245: {  	[tilespmem:s21+$0x380] =	vst v16;
	s21 =	sadd.s32 $0x1000, s21  }
0x246: {  	v7 =	vld.idx.msk [tilespmem:v21+s20+$0x0], $0xffff;
	s29 =	simm.s32 $0x0;
	[tilespmem:s21+$0x0] =	vst v15  }
0x247: {  	v5 =	vadd.s32 v5, v9;
	v8 =	vld.idx.msk [tilespmem:v19+s20+$0x0], $0xffff;
	v15 =	vmov s29;
	[tilespmem:s21+$0x80] =	vst v13  }
0x248: {  	v16 =	vadd.s32 v2, v9;
	v3 =	vadd.s32 v3, v9;
	v13 =	vld.idx.msk [tilespmem:v18+s20+$0x0], $0xffff;
	v2 =	vshrl.u32 v15, $0x3;
	[tilespmem:s21+$0x100] =	vst v11  }
0x249: {  	v15 =	vld.idx.msk [tilespmem:v17+s20+$0x0], $0xffff;
	v11 =	vadd.s32 v4, v9;
	v2 =	vshll.u32 v2, $0xB;
	[tilespmem:s21+$0x180] =	vst v12;
	v4 =	vshll.u32 v6, $0x3  }
0x24a: {  	v10 =	vld.idx.msk [tilespmem:v10+s20+$0x0], $0xffff;
	v12 =	vbroadcast v2, $0x0;
	[tilespmem:s21+$0x200] =	vst v14;
	v6 =	vand.u32 $0x7F, v6;
	v4 =	vand.u32 $0xFFFFFC00, v4  }
0x24b: {  	v17 =	vld.idx.msk [tilespmem:v20+s20+$0x0], $0xffff;
	v9 =	vadd.s32 v1, v9;
	[tilespmem:s21+$0x280] =	vst v7;
	v1 =	vor.u32 v6, v4  }
0x24c: {  	s29 =	simm.s32 $0x8;
	v14 =	vld.idx.msk [tilespmem:v5+s20+$0x0], $0xffff;
	[tilespmem:s21+$0x300] =	vst v8;
	v2 =	vor.u32 $0x80, v1;
	v18 =	vadd.s32 v1, v12  }
0x24d: {  	v20 =	vld.idx.msk [tilespmem:v3+s20+$0x0], $0xffff;
	v3 =	vmov s29;
	[tilespmem:s21+$0x380] =	vst v13;
	s21 =	sadd.s32 $0x1000, s21;
	v5 =	vor.u32 $0x100, v1;
	v19 =	vadd.s32 v2, v12  }
0x24e: {  	v16 =	vld.idx.msk [tilespmem:v16+s20+$0x0], $0xffff;
	v3 =	vshrl.u32 v3, $0x3;
	[tilespmem:s21+$0x0] =	vst v15;
	v4 =	vor.u32 $0x180, v1;
	v13 =	vadd.s32 v5, v12  }
0x24f: {  	v11 =	vld.idx.msk [tilespmem:v11+s20+$0x0], $0xffff;
	[tilespmem:s21+$0x100] =	vst v10;
	v10 =	vshll.u32 v3, $0xB;
	v6 =	vor.u32 $0x200, v1;
	v15 =	vadd.s32 v4, v12  }
0x250: {  	[tilespmem:s21+$0x80] =	vst v17;
	v9 =	vld.idx.msk [tilespmem:v9+s20+$0x0], $0xffff;
	v7 =	vor.u32 $0x280, v1;
	v10 =	vbroadcast v10, $0x0;
	v17 =	vadd.s32 v6, v12  }
0x251: {  	v21 =	vadd.s32 v7, v12;
	[tilespmem:s21+$0x180] =	vst v14;
	v18 =	vld.idx.msk [tilespmem:v18+s20+$0x0], $0xffff  }
0x252: {  	v8 =	vor.u32 $0x300, v1;
	[tilespmem:s21+$0x280] =	vst v20;
	v20 =	vadd.s32 v1, v10;
	v14 =	vld.idx.msk [tilespmem:v19+s20+$0x0], $0xffff  }
0x253: {  	v3 =	vor.u32 $0x380, v1;
	v19 =	vadd.s32 v8, v12;
	v13 =	vld.idx.msk [tilespmem:v13+s20+$0x0], $0xffff  }
0x254: {  	[tilespmem:s21+$0x200] =	vst v16;
	v12 =	vadd.s32 v3, v12;
	v22 =	vld.idx.msk [tilespmem:v15+s20+$0x0], $0xffff  }
0x255: {  	[tilespmem:s21+$0x300] =	vst v11;
	v11 =	vadd.s32 v2, v10;
	v17 =	vld.idx.msk [tilespmem:v17+s20+$0x0], $0xffff  }
0x256: {  	v23 =	vadd.s32 v5, v10;
	[tilespmem:s21+$0x380] =	vst v9;
	s21 =	simm.s32 $0x10;
	v24 =	vld.idx.msk [tilespmem:v21+s20+$0x0], $0xffff  }
0x257: {  	v25 =	vadd.s32 v4, v10;
	v9 =	vmov s21;
	v15 =	vld.idx.msk [tilespmem:v20+s20+$0x0], $0xffff;
	[tilespmem:s5+$0x0] =	vst v18  }
0x258: {  	v27 =	vadd.s32 v6, v10;
	v9 =	vshrl.u32 v9, $0x3;
	v26 =	vld.idx.msk [tilespmem:v19+s20+$0x0], $0xffff;
	[tilespmem:s5+$0x80] =	vst v14  }
0x259: {  	v21 =	vadd.s32 v7, v10;
	v9 =	vshll.u32 v9, $0xB;
	v16 =	vld.idx.msk [tilespmem:v12+s20+$0x0], $0xffff;
	[tilespmem:s5+$0x100] =	vst v13  }
0x25a: {  	v20 =	vadd.s32 v8, v10;
	v9 =	vbroadcast v9, $0x0;
	v14 =	vld.idx.msk [tilespmem:v11+s20+$0x0], $0xffff;
	[tilespmem:s5+$0x180] =	vst v22  }
0x25b: {  	v12 =	vld.idx.msk [tilespmem:v23+s20+$0x0], $0xffff;
	[tilespmem:s5+$0x200] =	vst v17;
	v19 =	vadd.s32 v3, v10  }
0x25c: {  	v17 =	vadd.s32 v1, v9;
	v13 =	vld.idx.msk [tilespmem:v25+s20+$0x0], $0xffff;
	[tilespmem:s5+$0x280] =	vst v24  }
0x25d: {  	v18 =	vadd.s32 v2, v9;
	v10 =	vadd.s32 v5, v9;
	v11 =	vld.idx.msk [tilespmem:v27+s20+$0x0], $0xffff;
	[tilespmem:s5+$0x300] =	vst v26  }
.LBB2_38:
0x25e: {  	s21 =	sadd.s32 $0x8, s21;
	v22 =	vld.idx.msk [tilespmem:v21+s20+$0x0], $0xffff;
	[tilespmem:s5+$0x380] =	vst v16;
	s5 =	sadd.s32 $0x1000, s5  }
0x25f: {  	v23 =	vadd.s32 v4, v9;
	v16 =	vmov s21;
	p1 =	slt.u32 s21, $0x18;
	[tilespmem:s5+$0x0] =	vst v15;
	v24 =	vld.idx.msk [tilespmem:v20+s20+$0x0], $0xffff  }
0x260: {  	v25 =	vadd.s32 v6, v9;
	v15 =	vshrl.u32 v16, $0x3;
	[tilespmem:s5+$0x80] =	vst v14;
	v16 =	vld.idx.msk [tilespmem:v19+s20+$0x0], $0xffff  }
.Ltmp17:
0x261: {  	v21 =	vadd.s32 v7, v9;
	v14 =	vshll.u32 v15, $0xB;
	v15 =	vld.idx.msk [tilespmem:v17+s20+$0x0], $0xffff;
	[tilespmem:s5+$0x100] =	vst v12;
	(pc) =	sbr.rel @p1 .LBB2_38-.Ltmp17, $4  }
0x262: {  	v20 =	vadd.s32 v8, v9;
	v26 =	vbroadcast v14, $0x0;
	v14 =	vld.idx.msk [tilespmem:v18+s20+$0x0], $0xffff;
	[tilespmem:s5+$0x180] =	vst v13  }
0x263: {  	v19 =	vadd.s32 v3, v9;
	v12 =	vld.idx.msk [tilespmem:v10+s20+$0x0], $0xffff;
	[tilespmem:s5+$0x200] =	vst v11  }
0x264: {  	v17 =	vadd.s32 v1, v26;
	v10 =	vadd.s32 v5, v26;
	v13 =	vld.idx.msk [tilespmem:v23+s20+$0x0], $0xffff;
	[tilespmem:s5+$0x280] =	vst v22;
	v9 =	vmov v26  }
0x265: {  	v18 =	vadd.s32 v2, v9;
	v11 =	vld.idx.msk [tilespmem:v25+s20+$0x0], $0xffff;
	[tilespmem:s5+$0x300] =	vst v24  }
0x266: {  	_ =	sdelay $0x1  }
0x267: {  	v1 =	vld [tilespmem:s19+$0x20];
	_ =	sdelay $0x1  }
0x268: {  	v2 =	vld.idx.msk [tilespmem:v21+s20+$0x0], $0xffff;
	[tilespmem:s5+$0x380] =	vst v16;
	s29 =	sadd.s32 $0x1000, s5;
	s21 =	simm.s32 $0x0  }
0x269: {  	v4 =	vadd.s32 v4, v9;
	v5 =	vld.idx.msk [tilespmem:v20+s20+$0x0], $0xffff;
	[tilespmem:s29+$0x0] =	vst v15;
	v15 =	vmov s21  }
0x26a: {  	v6 =	vadd.s32 v6, v9;
	v7 =	vadd.s32 v7, v9;
	v16 =	vld.idx.msk [tilespmem:v17+s20+$0x0], $0xffff;
	[tilespmem:s29+$0x80] =	vst v14;
	v15 =	vshrl.u32 v15, $0x3  }
0x26b: {  	v8 =	vadd.s32 v8, v9;
	v14 =	vld.idx.msk [tilespmem:v19+s20+$0x0], $0xffff;
	[tilespmem:s29+$0x100] =	vst v12;
	v15 =	vshll.u32 v15, $0xB;
	v12 =	vshll.u32 v1, $0x3  }
0x26c: {  	v17 =	vld.idx.msk [tilespmem:v18+s20+$0x0], $0xffff;
	[tilespmem:s29+$0x180] =	vst v13;
	v13 =	vbroadcast v15, $0x0;
	v1 =	vand.u32 $0x7F, v1;
	v12 =	vand.u32 $0xFFFFFC00, v12  }
0x26d: {  	v10 =	vld.idx.msk [tilespmem:v10+s20+$0x0], $0xffff;
	v3 =	vadd.s32 v3, v9;
	[tilespmem:s29+$0x200] =	vst v11;
	v1 =	vor.u32 v1, v12  }
0x26e: {  	v9 =	vld.idx.msk [tilespmem:v4+s20+$0x0], $0xffff;
	[tilespmem:s29+$0x280] =	vst v2;
	v2 =	vor.u32 $0x80, v1;
	v11 =	vadd.s32 v1, v13  }
0x26f: {  	[tilespmem:s29+$0x300] =	vst v5;
	v18 =	vld.idx.msk [tilespmem:v7+s20+$0x0], $0xffff;
	v5 =	vor.u32 $0x100, v1;
	v15 =	vadd.s32 v2, v13  }
0x270: {  	s5 =	sadd.s32 $0x1000, s29;
	[tilespmem:s29+$0x380] =	vst v14;
	s29 =	simm.s32 $0x8;
	v12 =	vld.idx.msk [tilespmem:v6+s20+$0x0], $0xffff;
	v4 =	vor.u32 $0x180, v1;
	v14 =	vadd.s32 v5, v13  }
0x271: {  	[tilespmem:s5+$0x0] =	vst v16;
	v16 =	vld.idx.msk [tilespmem:v8+s20+$0x0], $0xffff;
	v19 =	vmov s29;
	v6 =	vor.u32 $0x200, v1;
	v20 =	vadd.s32 v4, v13  }
0x272: {  	[tilespmem:s5+$0x80] =	vst v17;
	v17 =	vld.idx.msk [tilespmem:v3+s20+$0x0], $0xffff;
	v7 =	vor.u32 $0x280, v1;
	v3 =	vshrl.u32 v19, $0x3;
	v19 =	vadd.s32 v6, v13  }
0x273: {  	[tilespmem:s5+$0x100] =	vst v10;
	v8 =	vor.u32 $0x300, v1;
	v10 =	vshll.u32 v3, $0xB;
	v21 =	vadd.s32 v7, v13;
	v11 =	vld.idx.msk [tilespmem:v11+s20+$0x0], $0xffff  }
0x274: {  	v3 =	vor.u32 $0x380, v1;
	[tilespmem:s5+$0x180] =	vst v9;
	v10 =	vbroadcast v10, $0x0;
	v9 =	vld.idx.msk [tilespmem:v15+s20+$0x0], $0xffff;
	v15 =	vadd.s32 v8, v13  }
0x275: {  	[tilespmem:s5+$0x200] =	vst v12;
	v12 =	vld.idx.msk [tilespmem:v14+s20+$0x0], $0xffff;
	v13 =	vadd.s32 v3, v13  }
0x276: {  	[tilespmem:s5+$0x280] =	vst v18;
	v14 =	vadd.s32 v1, v10;
	v18 =	vld.idx.msk [tilespmem:v20+s20+$0x0], $0xffff  }
0x277: {  	[tilespmem:s5+$0x300] =	vst v16;
	v20 =	vadd.s32 v2, v10;
	v19 =	vld.idx.msk [tilespmem:v19+s20+$0x0], $0xffff  }
0x278: {  	[tilespmem:s5+$0x380] =	vst v17;
	v17 =	vadd.s32 v5, v10;
	s5 =	simm.s32 $0x10;
	v22 =	vld.idx.msk [tilespmem:v21+s20+$0x0], $0xffff  }
0x279: {  	v23 =	vadd.s32 v4, v10;
	v16 =	vmov s5;
	[tilespmem:s14+$0x0] =	vst v11;
	v24 =	vld.idx.msk [tilespmem:v15+s20+$0x0], $0xffff  }
0x27a: {  	v25 =	vadd.s32 v6, v10;
	v11 =	vshrl.u32 v16, $0x3;
	[tilespmem:s14+$0x80] =	vst v9;
	v16 =	vld.idx.msk [tilespmem:v13+s20+$0x0], $0xffff  }
0x27b: {  	v21 =	vadd.s32 v7, v10;
	v9 =	vshll.u32 v11, $0xB;
	v15 =	vld.idx.msk [tilespmem:v14+s20+$0x0], $0xffff;
	[tilespmem:s14+$0x100] =	vst v12  }
0x27c: {  	v14 =	vld.idx.msk [tilespmem:v20+s20+$0x0], $0xffff;
	[tilespmem:s14+$0x180] =	vst v18;
	v20 =	vadd.s32 v8, v10;
	v9 =	vbroadcast v9, $0x0  }
0x27d: {  	v12 =	vld.idx.msk [tilespmem:v17+s20+$0x0], $0xffff;
	[tilespmem:s14+$0x200] =	vst v19;
	v19 =	vadd.s32 v3, v10  }
0x27e: {  	v13 =	vld.idx.msk [tilespmem:v23+s20+$0x0], $0xffff;
	[tilespmem:s14+$0x280] =	vst v22;
	v17 =	vadd.s32 v1, v9  }
0x27f: {  	v11 =	vld.idx.msk [tilespmem:v25+s20+$0x0], $0xffff;
	v10 =	vadd.s32 v5, v9;
	v18 =	vadd.s32 v2, v9;
	[tilespmem:s14+$0x300] =	vst v24  }
.LBB2_40:
0x280: {  	s5 =	sadd.s32 $0x8, s5;
	v22 =	vld.idx.msk [tilespmem:v21+s20+$0x0], $0xffff;
	[tilespmem:s14+$0x380] =	vst v16;
	s14 =	sadd.s32 $0x1000, s14  }
0x281: {  	v23 =	vadd.s32 v4, v9;
	v16 =	vmov s5;
	p1 =	slt.u32 s5, $0x18;
	[tilespmem:s14+$0x0] =	vst v15;
	v24 =	vld.idx.msk [tilespmem:v20+s20+$0x0], $0xffff  }
0x282: {  	v25 =	vadd.s32 v6, v9;
	v15 =	vshrl.u32 v16, $0x3;
	[tilespmem:s14+$0x80] =	vst v14;
	v16 =	vld.idx.msk [tilespmem:v19+s20+$0x0], $0xffff  }
.Ltmp18:
0x283: {  	v21 =	vadd.s32 v7, v9;
	v14 =	vshll.u32 v15, $0xB;
	v15 =	vld.idx.msk [tilespmem:v17+s20+$0x0], $0xffff;
	[tilespmem:s14+$0x100] =	vst v12;
	(pc) =	sbr.rel @p1 .LBB2_40-.Ltmp18, $4  }
0x284: {  	v20 =	vadd.s32 v8, v9;
	v26 =	vbroadcast v14, $0x0;
	v14 =	vld.idx.msk [tilespmem:v18+s20+$0x0], $0xffff;
	[tilespmem:s14+$0x180] =	vst v13  }
0x285: {  	v19 =	vadd.s32 v3, v9;
	v12 =	vld.idx.msk [tilespmem:v10+s20+$0x0], $0xffff;
	[tilespmem:s14+$0x200] =	vst v11  }
0x286: {  	v17 =	vadd.s32 v1, v26;
	v10 =	vadd.s32 v5, v26;
	v13 =	vld.idx.msk [tilespmem:v23+s20+$0x0], $0xffff;
	[tilespmem:s14+$0x280] =	vst v22;
	v9 =	vmov v26  }
0x287: {  	v18 =	vadd.s32 v2, v9;
	v11 =	vld.idx.msk [tilespmem:v25+s20+$0x0], $0xffff;
	[tilespmem:s14+$0x300] =	vst v24  }
0x288: {  	_ =	sdelay $0x2  }
0x289: {  	v1 =	vld [tilespmem:s19+$0x30]  }
0x28a: {  	v2 =	vld.idx.msk [tilespmem:v21+s20+$0x0], $0xffff;
	[tilespmem:s14+$0x380] =	vst v16;
	s5 =	sadd.s32 $0x1000, s14  }
0x28b: {  	s21 =	simm.s32 $0x0;
	v4 =	vadd.s32 v4, v9;
	v5 =	vld.idx.msk [tilespmem:v20+s20+$0x0], $0xffff;
	[tilespmem:s5+$0x0] =	vst v15  }
0x28c: {  	v6 =	vadd.s32 v6, v9;
	v16 =	vld.idx.msk [tilespmem:v17+s20+$0x0], $0xffff;
	v15 =	vmov s21;
	[tilespmem:s5+$0x80] =	vst v14  }
0x28d: {  	v7 =	vadd.s32 v7, v9;
	v14 =	vld.idx.msk [tilespmem:v19+s20+$0x0], $0xffff;
	v15 =	vshrl.u32 v15, $0x3;
	[tilespmem:s5+$0x100] =	vst v12  }
0x28e: {  	v8 =	vadd.s32 v8, v9;
	v17 =	vld.idx.msk [tilespmem:v18+s20+$0x0], $0xffff;
	v15 =	vshll.u32 v15, $0xB;
	[tilespmem:s5+$0x180] =	vst v13;
	v12 =	vshll.u32 v1, $0x3  }
0x28f: {  	v10 =	vld.idx.msk [tilespmem:v10+s20+$0x0], $0xffff;
	v13 =	vbroadcast v15, $0x0;
	[tilespmem:s5+$0x200] =	vst v11;
	v1 =	vand.u32 $0x7F, v1;
	v12 =	vand.u32 $0xFFFFFC00, v12  }
0x290: {  	v9 =	vadd.s32 v3, v9;
	v11 =	vld.idx.msk [tilespmem:v4+s20+$0x0], $0xffff;
	[tilespmem:s5+$0x280] =	vst v2;
	v1 =	vor.u32 v1, v12  }
0x291: {  	s29 =	simm.s32 $0x8;
	v15 =	vld.idx.msk [tilespmem:v6+s20+$0x0], $0xffff;
	[tilespmem:s5+$0x300] =	vst v5;
	v2 =	vor.u32 $0x80, v1;
	v12 =	vadd.s32 v1, v13  }
0x292: {  	v19 =	vld.idx.msk [tilespmem:v7+s20+$0x0], $0xffff;
	v7 =	vmov s29;
	[tilespmem:s5+$0x380] =	vst v14;
	s5 =	sadd.s32 $0x1000, s5;
	v4 =	vor.u32 $0x100, v1;
	v18 =	vadd.s32 v2, v13  }
0x293: {  	[tilespmem:s5+$0x0] =	vst v16;
	v16 =	vld.idx.msk [tilespmem:v8+s20+$0x0], $0xffff;
	v8 =	vshrl.u32 v7, $0x3;
	v3 =	vor.u32 $0x180, v1;
	v14 =	vadd.s32 v4, v13  }
0x294: {  	[tilespmem:s5+$0x100] =	vst v10;
	v5 =	vor.u32 $0x200, v1;
	v10 =	vshll.u32 v8, $0xB;
	v20 =	vadd.s32 v3, v13  }
0x295: {  	v9 =	vld.idx.msk [tilespmem:v9+s20+$0x0], $0xffff;
	[tilespmem:s5+$0x80] =	vst v17;
	v6 =	vor.u32 $0x280, v1;
	v17 =	vadd.s32 v5, v13;
	v10 =	vbroadcast v10, $0x0  }
0x296: {  	v21 =	vadd.s32 v6, v13;
	[tilespmem:s5+$0x180] =	vst v11;
	v12 =	vld.idx.msk [tilespmem:v12+s20+$0x0], $0xffff  }
0x297: {  	v7 =	vor.u32 $0x300, v1;
	[tilespmem:s5+$0x200] =	vst v15;
	v15 =	vadd.s32 v1, v10;
	v11 =	vld.idx.msk [tilespmem:v18+s20+$0x0], $0xffff  }
0x298: {  	v8 =	vor.u32 $0x380, v1;
	v18 =	vadd.s32 v7, v13;
	v14 =	vld.idx.msk [tilespmem:v14+s20+$0x0], $0xffff  }
0x299: {  	[tilespmem:s5+$0x280] =	vst v19;
	v13 =	vadd.s32 v8, v13;
	v19 =	vld.idx.msk [tilespmem:v20+s20+$0x0], $0xffff  }
0x29a: {  	[tilespmem:s5+$0x380] =	vst v9;
	v26 =	vadd.s32 v5, v10;
	v17 =	vld.idx.msk [tilespmem:v17+s20+$0x0], $0xffff  }
0x29b: {  	[tilespmem:s5+$0x300] =	vst v16;
	s5 =	simm.s32 $0x10;
	v20 =	vadd.s32 v2, v10;
	v23 =	vld.idx.msk [tilespmem:v21+s20+$0x0], $0xffff  }
0x29c: {  	v22 =	vadd.s32 v4, v10;
	v9 =	vmov s5;
	[tilespmem:s11+$0x0] =	vst v12;
	v12 =	vld.idx.msk [tilespmem:v15+s20+$0x0], $0xffff  }
0x29d: {  	v24 =	vadd.s32 v3, v10;
	v9 =	vshrl.u32 v9, $0x3;
	v25 =	vld.idx.msk [tilespmem:v18+s20+$0x0], $0xffff;
	[tilespmem:s11+$0x80] =	vst v11  }
0x29e: {  	v21 =	vadd.s32 v6, v10;
	v9 =	vshll.u32 v9, $0xB;
	v16 =	vld.idx.msk [tilespmem:v13+s20+$0x0], $0xffff;
	[tilespmem:s11+$0x100] =	vst v14  }
0x29f: {  	v9 =	vbroadcast v9, $0x0;
	v15 =	vld.idx.msk [tilespmem:v26+s20+$0x0], $0xffff;
	[tilespmem:s11+$0x180] =	vst v19;
	v19 =	vadd.s32 v7, v10  }
0x2a0: {  	v13 =	vld.idx.msk [tilespmem:v20+s20+$0x0], $0xffff;
	[tilespmem:s11+$0x200] =	vst v17;
	v18 =	vadd.s32 v8, v10  }
0x2a1: {  	v11 =	vld.idx.msk [tilespmem:v22+s20+$0x0], $0xffff;
	v17 =	vadd.s32 v1, v9;
	[tilespmem:s11+$0x280] =	vst v23  }
0x2a2: {  	v14 =	vld.idx.msk [tilespmem:v24+s20+$0x0], $0xffff;
	v10 =	vadd.s32 v4, v9;
	v20 =	vadd.s32 v2, v9;
	[tilespmem:s11+$0x300] =	vst v25  }
.LBB2_42:
0x2a3: {  	s5 =	sadd.s32 $0x8, s5;
	v22 =	vld.idx.msk [tilespmem:v21+s20+$0x0], $0xffff;
	[tilespmem:s11+$0x380] =	vst v16;
	s11 =	sadd.s32 $0x1000, s11  }
0x2a4: {  	v23 =	vadd.s32 v3, v9;
	v16 =	vmov s5;
	p1 =	slt.u32 s5, $0x18;
	[tilespmem:s11+$0x0] =	vst v12;
	v24 =	vld.idx.msk [tilespmem:v19+s20+$0x0], $0xffff  }
0x2a5: {  	v25 =	vadd.s32 v5, v9;
	v12 =	vshrl.u32 v16, $0x3;
	[tilespmem:s11+$0x80] =	vst v13;
	v16 =	vld.idx.msk [tilespmem:v18+s20+$0x0], $0xffff  }
.Ltmp19:
0x2a6: {  	v21 =	vadd.s32 v6, v9;
	v13 =	vshll.u32 v12, $0xB;
	v12 =	vld.idx.msk [tilespmem:v17+s20+$0x0], $0xffff;
	[tilespmem:s11+$0x100] =	vst v11;
	(pc) =	sbr.rel @p1 .LBB2_42-.Ltmp19, $4  }
0x2a7: {  	v19 =	vadd.s32 v7, v9;
	v26 =	vbroadcast v13, $0x0;
	v13 =	vld.idx.msk [tilespmem:v20+s20+$0x0], $0xffff;
	[tilespmem:s11+$0x180] =	vst v14  }
0x2a8: {  	v18 =	vadd.s32 v8, v9;
	v11 =	vld.idx.msk [tilespmem:v10+s20+$0x0], $0xffff;
	[tilespmem:s11+$0x200] =	vst v15  }
0x2a9: {  	v17 =	vadd.s32 v1, v26;
	v10 =	vadd.s32 v4, v26;
	v14 =	vld.idx.msk [tilespmem:v23+s20+$0x0], $0xffff;
	[tilespmem:s11+$0x280] =	vst v22;
	v9 =	vmov v26  }
0x2aa: {  	v20 =	vadd.s32 v2, v9;
	v15 =	vld.idx.msk [tilespmem:v25+s20+$0x0], $0xffff;
	[tilespmem:s11+$0x300] =	vst v24  }
0x2ab: {  	_ =	sdelay $0x2  }
0x2ac: {  	[tilespmem:s11+$0x380] =	vst v16;
	s5 =	sadd.s32 $0x1000, s11  }
0x2ad: {  	v1 =	vld.idx.msk [tilespmem:v21+s20+$0x0], $0xffff;
	[tilespmem:s5+$0x0] =	vst v12  }
0x2ae: {  	v2 =	vadd.s32 v3, v9;
	v3 =	vld.idx.msk [tilespmem:v19+s20+$0x0], $0xffff;
	[tilespmem:s5+$0x80] =	vst v13  }
0x2af: {  	v4 =	vadd.s32 v5, v9;
	v59 =	vld.idx.msk [tilespmem:v18+s20+$0x0], $0xffff;
	[tilespmem:s5+$0x100] =	vst v11  }
0x2b0: {  	v60 =	vld.idx.msk [tilespmem:v17+s20+$0x0], $0xffff;
	v6 =	vadd.s32 v6, v9;
	[tilespmem:s5+$0x180] =	vst v14  }
0x2b1: {  	v61 =	vld.idx.msk [tilespmem:v20+s20+$0x0], $0xffff;
	v7 =	vadd.s32 v7, v9;
	[tilespmem:s5+$0x200] =	vst v15  }
0x2b2: {  	v10 =	vld.idx.msk [tilespmem:v10+s20+$0x0], $0xffff;
	v8 =	vadd.s32 v8, v9;
	[tilespmem:s5+$0x280] =	vst v1  }
0x2b3: {  	v1 =	vld.idx.msk [tilespmem:v2+s20+$0x0], $0xffff;
	[tilespmem:s5+$0x300] =	vst v3  }
0x2b4: {  	v2 =	vld.idx.msk [tilespmem:v4+s20+$0x0], $0xffff;
	[tilespmem:s5+$0x380] =	vst v59;
	s5 =	sadd.s32 $0x1000, s5  }
0x2b5: {  	v3 =	vld.idx.msk [tilespmem:v6+s20+$0x0], $0xffff;
	[tilespmem:s5+$0x0] =	vst v60  }
0x2b6: {  	v62 =	vld.idx.msk [tilespmem:v7+s20+$0x0], $0xffff;
	[tilespmem:s5+$0x80] =	vst v61  }
0x2b7: {  	p1 =	slt.u32 s8, $0x1C;
	v63 =	vld.idx.msk [tilespmem:v8+s20+$0x0], $0xffff;
	[tilespmem:s5+$0x100] =	vst v10  }
.Ltmp20:
0x2b8: {  	[tilespmem:s5+$0x180] =	vst v1;
	(pc) =	sbr.rel @p1 .LBB2_35-.Ltmp20, $4  }
0x2b9: {  	[tilespmem:s5+$0x200] =	vst v2  }
0x2ba: {  	[tilespmem:s5+$0x280] =	vst v3  }
0x2bb: {  	[tilespmem:s5+$0x300] =	vst v62  }
0x2bc: {  	s8 =	sadd.s32 $0x4, s8;
	s7 =	sadd.s32 $0x200, s7;
	p0 =	por !p0, !p0;
	[tilespmem:s5+$0x380] =	vst v63  }
0x2bd: {  	s0 =	sadd.s32 $0x1, s0  }
0x2be: {  	p0 =	sne.s32 s0, $0x14  }
.Ltmp21:
0x2bf: {  	_ = 	snop;
	(pc) =	sbr.rel @p0 .LBB2_24-.Ltmp21, $4  }
0x2c0: {  	s2 =	sadd.s32 s10, s4  }
0x2c1: {  	s2 =	sshrl.u32 s2, $0x3  }
0x2c2: {  	s2 =	sadd.s32 s3, s2  }
0x2c3: {  	[hbm4b:s2+s22] =	stream.strided.scatter [tilespmem:s28], [sflag:$0x4], $0x4000, s23, s22, $0x38;
	[tilespmem:$0x14000] =	vst v63  }
0x2c4: {  	_ =	swait.ge [sflag:s24], $0x5000  }
0x2c5: {  	[sflag:s24] =	ssyncset.done $0x0  }
0x2c6: {  	s2 =	simm.s32 $0x5000;
	s0 =	rddreg [dreg:$0x7];
	[sflag:s24] =	ssyncadd.s32 $0xFFFFB000  }
0x2c7: {  	[tilespmem:s2], [sflag:$0x2] =	stream.strided.gather [hbm4b:s0+s22], $0x5000, s23, s22, $0x38;
	[tilespmem:$0x14000] =	vst v63  }
0x2c8: {  	s0 =	simm.s32 $0x0  }
.LBB2_46:
0x2c9: {  	_ =	swait.ge [sflag:s30], $0x4000  }
0x2ca: {  	s2 =	sshll.u32 s0, $0x8;
	s4 =	sshll.u32 s0, $0xA;
	p0 =	por $0x0, $0x0  }
0x2cb: {  	s7 =	simm.s32 $0x0;
	[sflag:s30] =	ssyncset.done $0x0;
	s25 =	sand.u32 $0x300, s2  }
0x2cc: {  	s2 =	sand.u32 $0x7000, s4;
	s4 =	simm.s32 $0x0;
	[sflag:s30] =	ssyncadd.s32 $0xFFFFC000;
	v0 =	vmov s25  }
.LBB2_47:
0x2cd: {  	s5 =	sshll.u32 s7, $0x7  }
0x2ce: {  	s8 =	sshll.u32 s7, $0x4;
	s5 =	sand.u32 $0xC00, s5  }
0x2cf: {  	s8 =	sand.u32 $0x40, s8;
	s5 =	sadd.s32 s5, s2  }
0x2d0: {  	s14 =	sadd.s32 s8, s5  }
0x2d1: {  	v1 =	vld.idx.msk [tilespmem:v0+s14+$0x0 ss:$0x1], $0xffff;
	_ =	sdelay $0x1  }
0x2d2: {  	s19 =	simm.s32 $0x0  }
0x2d3: {  	v2 =	vmov s19  }
0x2d4: {  	v2 =	vshrl.u32 v2, $0x3  }
0x2d5: {  	v2 =	vshll.u32 v2, $0xB;
	v3 =	vshll.u32 v1, $0x3  }
0x2d6: {  	v9 =	vbroadcast v2, $0x0;
	v1 =	vand.u32 $0x7F, v1;
	v3 =	vand.u32 $0xFFFFFC00, v3  }
0x2d7: {  	v6 =	vor.u32 v1, v3  }
0x2d8: {  	v7 =	vor.u32 $0x80, v6;
	v1 =	vadd.s32 v6, v9  }
0x2d9: {  	s21 =	simm.s32 $0x8;
	v8 =	vor.u32 $0x100, v6;
	v10 =	vadd.s32 v7, v9  }
0x2da: {  	v4 =	vmov s21;
	v5 =	vor.u32 $0x180, v6;
	v11 =	vadd.s32 v8, v9  }
0x2db: {  	v13 =	vshrl.u32 v4, $0x3;
	v2 =	vor.u32 $0x200, v6;
	v12 =	vadd.s32 v5, v9  }
0x2dc: {  	v13 =	vshll.u32 v13, $0xB;
	v3 =	vor.u32 $0x280, v6;
	v14 =	vadd.s32 v2, v9  }
0x2dd: {  	s5 =	simm.s32 $0x1;
	v17 =	vbroadcast v13, $0x0;
	v4 =	vor.u32 $0x300, v6;
	v16 =	vadd.s32 v3, v9;
	v15 =	vld.idx.msk [tilespmem:v1+s20+$0x0], $0xffff  }
0x2de: {  	s29 =	sshll.u32 s4, $0x2;
	s5 =	simm.s32 @!p0 $0x0;
	v13 =	vadd.s32 v4, v9;
	v10 =	vld.idx.msk [tilespmem:v10+s20+$0x0], $0xffff  }
0x2df: {  	s8 =	sand.u32 $0xFFFFF000, s29;
	s5 =	sshll.u32 s5, $0x8;
	v18 =	vadd.s32 v6, v17;
	v1 =	vor.u32 $0x380, v6;
	v11 =	vld.idx.msk [tilespmem:v11+s20+$0x0], $0xffff  }
0x2e0: {  	s5 =	sor.u32 s5, s8;
	v9 =	vadd.s32 v1, v9;
	v12 =	vld.idx.msk [tilespmem:v12+s20+$0x0], $0xffff  }
0x2e1: {  	s5 =	sshrl.u32 s5, $0x2;
	v19 =	vadd.s32 v7, v17;
	v14 =	vld.idx.msk [tilespmem:v14+s20+$0x0], $0xffff  }
0x2e2: {  	s21 =	simm.s32 $0x10;
	s19 =	sadd.s32 $0xA200, s5;
	v20 =	vadd.s32 v8, v17;
	v22 =	vld.idx.msk [tilespmem:v16+s20+$0x0], $0xffff  }
0x2e3: {  	v23 =	vadd.s32 v5, v17;
	v16 =	vmov s21;
	v24 =	vld.idx.msk [tilespmem:v13+s20+$0x0], $0xffff;
	[tilespmem:s19+$0xFFFFFE00] =	vst v15  }
0x2e4: {  	v25 =	vadd.s32 v2, v17;
	v13 =	vshrl.u32 v16, $0x3;
	v15 =	vld.idx.msk [tilespmem:v18+s20+$0x0], $0xffff;
	[tilespmem:s19+$0xFFFFFE80] =	vst v10  }
0x2e5: {  	v21 =	vadd.s32 v3, v17;
	v16 =	vld.idx.msk [tilespmem:v9+s20+$0x0], $0xffff;
	v9 =	vshll.u32 v13, $0xB;
	[tilespmem:s19+$0xFFFFFF00] =	vst v11  }
0x2e6: {  	v13 =	vld.idx.msk [tilespmem:v19+s20+$0x0], $0xffff;
	[tilespmem:s19+$0xFFFFFF80] =	vst v12;
	v19 =	vadd.s32 v4, v17;
	v9 =	vbroadcast v9, $0x0  }
0x2e7: {  	v18 =	vadd.s32 v1, v17;
	v11 =	vld.idx.msk [tilespmem:v20+s20+$0x0], $0xffff;
	[tilespmem:s19+$0x0] =	vst v14  }
0x2e8: {  	s14 =	sadd.s32 s25, s14;
	v12 =	vld.idx.msk [tilespmem:v23+s20+$0x0], $0xffff;
	[tilespmem:s19+$0x80] =	vst v22;
	v17 =	vadd.s32 v6, v9  }
0x2e9: {  	s8 =	sadd.s32 $0xA230, s5;
	s11 =	sadd.s32 $0xA220, s5;
	s5 =	sadd.s32 $0xA210, s5;
	v14 =	vld.idx.msk [tilespmem:v25+s20+$0x0], $0xffff;
	[tilespmem:s19+$0x100] =	vst v24;
	v10 =	vadd.s32 v8, v9;
	v20 =	vadd.s32 v7, v9  }
.LBB2_48:
0x2ea: {  	s21 =	sadd.s32 $0x8, s21;
	v22 =	vld.idx.msk [tilespmem:v21+s20+$0x0], $0xffff;
	[tilespmem:s19+$0x180] =	vst v16;
	s19 =	sadd.s32 $0x1000, s19  }
0x2eb: {  	v23 =	vadd.s32 v5, v9;
	v16 =	vmov s21;
	p1 =	slt.u32 s21, $0x18;
	[tilespmem:s19+$0xFFFFFE00] =	vst v15;
	v24 =	vld.idx.msk [tilespmem:v19+s20+$0x0], $0xffff  }
0x2ec: {  	v25 =	vadd.s32 v2, v9;
	v15 =	vshrl.u32 v16, $0x3;
	[tilespmem:s19+$0xFFFFFE80] =	vst v13;
	v16 =	vld.idx.msk [tilespmem:v18+s20+$0x0], $0xffff  }
.Ltmp22:
0x2ed: {  	v21 =	vadd.s32 v3, v9;
	v13 =	vshll.u32 v15, $0xB;
	v15 =	vld.idx.msk [tilespmem:v17+s20+$0x0], $0xffff;
	[tilespmem:s19+$0xFFFFFF00] =	vst v11;
	(pc) =	sbr.rel @p1 .LBB2_48-.Ltmp22, $4  }
0x2ee: {  	v19 =	vadd.s32 v4, v9;
	v26 =	vbroadcast v13, $0x0;
	v13 =	vld.idx.msk [tilespmem:v20+s20+$0x0], $0xffff;
	[tilespmem:s19+$0xFFFFFF80] =	vst v12  }
0x2ef: {  	v18 =	vadd.s32 v1, v9;
	v11 =	vld.idx.msk [tilespmem:v10+s20+$0x0], $0xffff;
	[tilespmem:s19+$0x0] =	vst v14  }
0x2f0: {  	v17 =	vadd.s32 v6, v26;
	v10 =	vadd.s32 v8, v26;
	v12 =	vld.idx.msk [tilespmem:v23+s20+$0x0], $0xffff;
	[tilespmem:s19+$0x80] =	vst v22;
	v9 =	vmov v26  }
0x2f1: {  	v20 =	vadd.s32 v7, v9;
	v14 =	vld.idx.msk [tilespmem:v25+s20+$0x0], $0xffff;
	[tilespmem:s19+$0x100] =	vst v24  }
0x2f2: {  	_ =	sdelay $0x2  }
0x2f3: {  	v6 =	vld [tilespmem:s14+$0x10];
	[tilespmem:s19+$0x180] =	vst v16;
	s29 =	sadd.s32 $0x1000, s19  }
0x2f4: {  	v7 =	vld.idx.msk [tilespmem:v21+s20+$0x0], $0xffff;
	[tilespmem:s29+$0xFFFFFE00] =	vst v15  }
0x2f5: {  	s21 =	simm.s32 $0x0;
	v8 =	vld.idx.msk [tilespmem:v19+s20+$0x0], $0xffff;
	[tilespmem:s29+$0xFFFFFE80] =	vst v13  }
0x2f6: {  	v5 =	vadd.s32 v5, v9;
	v15 =	vmov s21;
	v13 =	vld.idx.msk [tilespmem:v18+s20+$0x0], $0xffff;
	[tilespmem:s29+$0xFFFFFF00] =	vst v11  }
0x2f7: {  	v16 =	vadd.s32 v2, v9;
	v3 =	vadd.s32 v3, v9;
	v2 =	vshrl.u32 v15, $0x3;
	[tilespmem:s29+$0xFFFFFF80] =	vst v12  }
0x2f8: {  	v10 =	vld.idx.msk [tilespmem:v10+s20+$0x0], $0xffff;
	v11 =	vadd.s32 v4, v9;
	v2 =	vshll.u32 v2, $0xB;
	[tilespmem:s29+$0x0] =	vst v14;
	v4 =	vshll.u32 v6, $0x3  }
0x2f9: {  	v15 =	vld.idx.msk [tilespmem:v17+s20+$0x0], $0xffff;
	v12 =	vbroadcast v2, $0x0;
	v6 =	vand.u32 $0x7F, v6;
	[tilespmem:s29+$0x80] =	vst v7;
	v4 =	vand.u32 $0xFFFFFC00, v4  }
0x2fa: {  	v17 =	vld.idx.msk [tilespmem:v20+s20+$0x0], $0xffff;
	v9 =	vadd.s32 v1, v9;
	[tilespmem:s29+$0x100] =	vst v8;
	v1 =	vor.u32 v6, v4  }
0x2fb: {  	s19 =	sadd.s32 $0x1000, s29;
	v14 =	vld.idx.msk [tilespmem:v5+s20+$0x0], $0xffff;
	[tilespmem:s29+$0x180] =	vst v13;
	s29 =	simm.s32 $0x8;
	v2 =	vor.u32 $0x80, v1;
	v18 =	vadd.s32 v1, v12  }
0x2fc: {  	v20 =	vld.idx.msk [tilespmem:v3+s20+$0x0], $0xffff;
	v3 =	vmov s29;
	v5 =	vor.u32 $0x100, v1;
	v19 =	vadd.s32 v2, v12  }
0x2fd: {  	v16 =	vld.idx.msk [tilespmem:v16+s20+$0x0], $0xffff;
	[tilespmem:s19+$0xFFFFFF00] =	vst v10;
	v4 =	vor.u32 $0x180, v1;
	v3 =	vshrl.u32 v3, $0x3;
	v13 =	vadd.s32 v5, v12  }
0x2fe: {  	[tilespmem:s19+$0xFFFFFE00] =	vst v15;
	v11 =	vld.idx.msk [tilespmem:v11+s20+$0x0], $0xffff;
	v6 =	vor.u32 $0x200, v1;
	v15 =	vadd.s32 v4, v12;
	v10 =	vshll.u32 v3, $0xB  }
0x2ff: {  	[tilespmem:s19+$0xFFFFFE80] =	vst v17;
	v9 =	vld.idx.msk [tilespmem:v9+s20+$0x0], $0xffff;
	v7 =	vor.u32 $0x280, v1;
	v17 =	vadd.s32 v6, v12;
	v10 =	vbroadcast v10, $0x0  }
0x300: {  	v21 =	vadd.s32 v7, v12;
	[tilespmem:s19+$0xFFFFFF80] =	vst v14;
	v18 =	vld.idx.msk [tilespmem:v18+s20+$0x0], $0xffff  }
0x301: {  	v8 =	vor.u32 $0x300, v1;
	[tilespmem:s19+$0x80] =	vst v20;
	v20 =	vadd.s32 v1, v10;
	v14 =	vld.idx.msk [tilespmem:v19+s20+$0x0], $0xffff  }
0x302: {  	v3 =	vor.u32 $0x380, v1;
	v19 =	vadd.s32 v8, v12;
	v13 =	vld.idx.msk [tilespmem:v13+s20+$0x0], $0xffff  }
0x303: {  	[tilespmem:s19+$0x0] =	vst v16;
	v12 =	vadd.s32 v3, v12;
	v22 =	vld.idx.msk [tilespmem:v15+s20+$0x0], $0xffff  }
0x304: {  	[tilespmem:s19+$0x100] =	vst v11;
	v11 =	vadd.s32 v2, v10;
	v17 =	vld.idx.msk [tilespmem:v17+s20+$0x0], $0xffff  }
0x305: {  	[tilespmem:s19+$0x180] =	vst v9;
	v23 =	vadd.s32 v5, v10;
	s19 =	simm.s32 $0x10;
	v24 =	vld.idx.msk [tilespmem:v21+s20+$0x0], $0xffff  }
0x306: {  	v25 =	vadd.s32 v4, v10;
	v9 =	vmov s19;
	v15 =	vld.idx.msk [tilespmem:v20+s20+$0x0], $0xffff;
	[tilespmem:s5+$0xFFFFFE00] =	vst v18  }
0x307: {  	v27 =	vadd.s32 v6, v10;
	v9 =	vshrl.u32 v9, $0x3;
	v26 =	vld.idx.msk [tilespmem:v19+s20+$0x0], $0xffff;
	[tilespmem:s5+$0xFFFFFE80] =	vst v14  }
0x308: {  	v21 =	vadd.s32 v7, v10;
	v9 =	vshll.u32 v9, $0xB;
	v16 =	vld.idx.msk [tilespmem:v12+s20+$0x0], $0xffff;
	[tilespmem:s5+$0xFFFFFF00] =	vst v13  }
0x309: {  	v9 =	vbroadcast v9, $0x0;
	v20 =	vadd.s32 v8, v10;
	v14 =	vld.idx.msk [tilespmem:v11+s20+$0x0], $0xffff;
	[tilespmem:s5+$0xFFFFFF80] =	vst v22  }
0x30a: {  	v12 =	vld.idx.msk [tilespmem:v23+s20+$0x0], $0xffff;
	[tilespmem:s5+$0x0] =	vst v17;
	v19 =	vadd.s32 v3, v10  }
0x30b: {  	v17 =	vadd.s32 v1, v9;
	v13 =	vld.idx.msk [tilespmem:v25+s20+$0x0], $0xffff;
	[tilespmem:s5+$0x80] =	vst v24  }
0x30c: {  	v18 =	vadd.s32 v2, v9;
	v10 =	vadd.s32 v5, v9;
	v11 =	vld.idx.msk [tilespmem:v27+s20+$0x0], $0xffff;
	[tilespmem:s5+$0x100] =	vst v26  }
.LBB2_50:
0x30d: {  	s19 =	sadd.s32 $0x8, s19;
	v22 =	vld.idx.msk [tilespmem:v21+s20+$0x0], $0xffff;
	[tilespmem:s5+$0x180] =	vst v16;
	s5 =	sadd.s32 $0x1000, s5  }
0x30e: {  	v23 =	vadd.s32 v4, v9;
	v16 =	vmov s19;
	p1 =	slt.u32 s19, $0x18;
	[tilespmem:s5+$0xFFFFFE00] =	vst v15;
	v24 =	vld.idx.msk [tilespmem:v20+s20+$0x0], $0xffff  }
0x30f: {  	v25 =	vadd.s32 v6, v9;
	v15 =	vshrl.u32 v16, $0x3;
	[tilespmem:s5+$0xFFFFFE80] =	vst v14;
	v16 =	vld.idx.msk [tilespmem:v19+s20+$0x0], $0xffff  }
.Ltmp23:
0x310: {  	v21 =	vadd.s32 v7, v9;
	v14 =	vshll.u32 v15, $0xB;
	v15 =	vld.idx.msk [tilespmem:v17+s20+$0x0], $0xffff;
	[tilespmem:s5+$0xFFFFFF00] =	vst v12;
	(pc) =	sbr.rel @p1 .LBB2_50-.Ltmp23, $4  }
0x311: {  	v20 =	vadd.s32 v8, v9;
	v26 =	vbroadcast v14, $0x0;
	v14 =	vld.idx.msk [tilespmem:v18+s20+$0x0], $0xffff;
	[tilespmem:s5+$0xFFFFFF80] =	vst v13  }
0x312: {  	v19 =	vadd.s32 v3, v9;
	v12 =	vld.idx.msk [tilespmem:v10+s20+$0x0], $0xffff;
	[tilespmem:s5+$0x0] =	vst v11  }
0x313: {  	v17 =	vadd.s32 v1, v26;
	v10 =	vadd.s32 v5, v26;
	v13 =	vld.idx.msk [tilespmem:v23+s20+$0x0], $0xffff;
	[tilespmem:s5+$0x80] =	vst v22;
	v9 =	vmov v26  }
0x314: {  	v18 =	vadd.s32 v2, v9;
	v11 =	vld.idx.msk [tilespmem:v25+s20+$0x0], $0xffff;
	[tilespmem:s5+$0x100] =	vst v24  }
0x315: {  	_ =	sdelay $0x1  }
0x316: {  	v1 =	vld [tilespmem:s14+$0x20];
	_ =	sdelay $0x1  }
0x317: {  	v2 =	vld.idx.msk [tilespmem:v21+s20+$0x0], $0xffff;
	[tilespmem:s5+$0x180] =	vst v16;
	s21 =	sadd.s32 $0x1000, s5;
	s19 =	simm.s32 $0x0  }
0x318: {  	v4 =	vadd.s32 v4, v9;
	v5 =	vld.idx.msk [tilespmem:v20+s20+$0x0], $0xffff;
	[tilespmem:s21+$0xFFFFFE00] =	vst v15;
	v15 =	vmov s19  }
0x319: {  	v6 =	vadd.s32 v6, v9;
	v7 =	vadd.s32 v7, v9;
	v16 =	vld.idx.msk [tilespmem:v17+s20+$0x0], $0xffff;
	[tilespmem:s21+$0xFFFFFE80] =	vst v14;
	v15 =	vshrl.u32 v15, $0x3  }
0x31a: {  	v8 =	vadd.s32 v8, v9;
	v14 =	vld.idx.msk [tilespmem:v19+s20+$0x0], $0xffff;
	[tilespmem:s21+$0xFFFFFF00] =	vst v12;
	v15 =	vshll.u32 v15, $0xB;
	v12 =	vshll.u32 v1, $0x3  }
0x31b: {  	v17 =	vld.idx.msk [tilespmem:v18+s20+$0x0], $0xffff;
	[tilespmem:s21+$0xFFFFFF80] =	vst v13;
	v13 =	vbroadcast v15, $0x0;
	v1 =	vand.u32 $0x7F, v1;
	v12 =	vand.u32 $0xFFFFFC00, v12  }
0x31c: {  	v10 =	vld.idx.msk [tilespmem:v10+s20+$0x0], $0xffff;
	v3 =	vadd.s32 v3, v9;
	[tilespmem:s21+$0x0] =	vst v11;
	v1 =	vor.u32 v1, v12  }
0x31d: {  	v9 =	vld.idx.msk [tilespmem:v4+s20+$0x0], $0xffff;
	[tilespmem:s21+$0x80] =	vst v2;
	v2 =	vor.u32 $0x80, v1;
	v11 =	vadd.s32 v1, v13  }
0x31e: {  	[tilespmem:s21+$0x100] =	vst v5;
	v18 =	vld.idx.msk [tilespmem:v7+s20+$0x0], $0xffff;
	v5 =	vor.u32 $0x100, v1;
	v15 =	vadd.s32 v2, v13  }
0x31f: {  	s29 =	simm.s32 $0x8;
	s5 =	sadd.s32 $0x1000, s21;
	[tilespmem:s21+$0x180] =	vst v14;
	v12 =	vld.idx.msk [tilespmem:v6+s20+$0x0], $0xffff;
	v4 =	vor.u32 $0x180, v1;
	v14 =	vadd.s32 v5, v13  }
0x320: {  	v19 =	vmov s29;
	[tilespmem:s5+$0xFFFFFE00] =	vst v16;
	v16 =	vld.idx.msk [tilespmem:v8+s20+$0x0], $0xffff;
	v6 =	vor.u32 $0x200, v1;
	v20 =	vadd.s32 v4, v13  }
0x321: {  	[tilespmem:s5+$0xFFFFFE80] =	vst v17;
	v17 =	vld.idx.msk [tilespmem:v3+s20+$0x0], $0xffff;
	v3 =	vshrl.u32 v19, $0x3;
	v7 =	vor.u32 $0x280, v1;
	v19 =	vadd.s32 v6, v13  }
0x322: {  	[tilespmem:s5+$0xFFFFFF00] =	vst v10;
	v10 =	vshll.u32 v3, $0xB;
	v8 =	vor.u32 $0x300, v1;
	v21 =	vadd.s32 v7, v13;
	v11 =	vld.idx.msk [tilespmem:v11+s20+$0x0], $0xffff  }
0x323: {  	v10 =	vbroadcast v10, $0x0;
	v3 =	vor.u32 $0x380, v1;
	[tilespmem:s5+$0xFFFFFF80] =	vst v9;
	v9 =	vld.idx.msk [tilespmem:v15+s20+$0x0], $0xffff;
	v15 =	vadd.s32 v8, v13  }
0x324: {  	[tilespmem:s5+$0x0] =	vst v12;
	v12 =	vld.idx.msk [tilespmem:v14+s20+$0x0], $0xffff;
	v13 =	vadd.s32 v3, v13  }
0x325: {  	[tilespmem:s5+$0x80] =	vst v18;
	v14 =	vadd.s32 v1, v10;
	v18 =	vld.idx.msk [tilespmem:v20+s20+$0x0], $0xffff  }
0x326: {  	[tilespmem:s5+$0x100] =	vst v16;
	v20 =	vadd.s32 v2, v10;
	v19 =	vld.idx.msk [tilespmem:v19+s20+$0x0], $0xffff  }
0x327: {  	[tilespmem:s5+$0x180] =	vst v17;
	v17 =	vadd.s32 v5, v10;
	s5 =	simm.s32 $0x10;
	v22 =	vld.idx.msk [tilespmem:v21+s20+$0x0], $0xffff  }
0x328: {  	v23 =	vadd.s32 v4, v10;
	v16 =	vmov s5;
	[tilespmem:s11+$0xFFFFFE00] =	vst v11;
	v24 =	vld.idx.msk [tilespmem:v15+s20+$0x0], $0xffff  }
0x329: {  	v25 =	vadd.s32 v6, v10;
	v11 =	vshrl.u32 v16, $0x3;
	[tilespmem:s11+$0xFFFFFE80] =	vst v9;
	v16 =	vld.idx.msk [tilespmem:v13+s20+$0x0], $0xffff  }
0x32a: {  	v21 =	vadd.s32 v7, v10;
	v9 =	vshll.u32 v11, $0xB;
	v15 =	vld.idx.msk [tilespmem:v14+s20+$0x0], $0xffff;
	[tilespmem:s11+$0xFFFFFF00] =	vst v12  }
0x32b: {  	v14 =	vld.idx.msk [tilespmem:v20+s20+$0x0], $0xffff;
	[tilespmem:s11+$0xFFFFFF80] =	vst v18;
	v20 =	vadd.s32 v8, v10;
	v9 =	vbroadcast v9, $0x0  }
0x32c: {  	v12 =	vld.idx.msk [tilespmem:v17+s20+$0x0], $0xffff;
	[tilespmem:s11+$0x0] =	vst v19;
	v19 =	vadd.s32 v3, v10  }
0x32d: {  	v13 =	vld.idx.msk [tilespmem:v23+s20+$0x0], $0xffff;
	[tilespmem:s11+$0x80] =	vst v22;
	v17 =	vadd.s32 v1, v9  }
0x32e: {  	v11 =	vld.idx.msk [tilespmem:v25+s20+$0x0], $0xffff;
	v10 =	vadd.s32 v5, v9;
	v18 =	vadd.s32 v2, v9;
	[tilespmem:s11+$0x100] =	vst v24  }
.LBB2_52:
0x32f: {  	s5 =	sadd.s32 $0x8, s5;
	v22 =	vld.idx.msk [tilespmem:v21+s20+$0x0], $0xffff;
	[tilespmem:s11+$0x180] =	vst v16;
	s11 =	sadd.s32 $0x1000, s11  }
0x330: {  	v23 =	vadd.s32 v4, v9;
	v16 =	vmov s5;
	p1 =	slt.u32 s5, $0x18;
	[tilespmem:s11+$0xFFFFFE00] =	vst v15;
	v24 =	vld.idx.msk [tilespmem:v20+s20+$0x0], $0xffff  }
0x331: {  	v25 =	vadd.s32 v6, v9;
	v15 =	vshrl.u32 v16, $0x3;
	[tilespmem:s11+$0xFFFFFE80] =	vst v14;
	v16 =	vld.idx.msk [tilespmem:v19+s20+$0x0], $0xffff  }
.Ltmp24:
0x332: {  	v21 =	vadd.s32 v7, v9;
	v14 =	vshll.u32 v15, $0xB;
	v15 =	vld.idx.msk [tilespmem:v17+s20+$0x0], $0xffff;
	[tilespmem:s11+$0xFFFFFF00] =	vst v12;
	(pc) =	sbr.rel @p1 .LBB2_52-.Ltmp24, $4  }
0x333: {  	v20 =	vadd.s32 v8, v9;
	v26 =	vbroadcast v14, $0x0;
	v14 =	vld.idx.msk [tilespmem:v18+s20+$0x0], $0xffff;
	[tilespmem:s11+$0xFFFFFF80] =	vst v13  }
0x334: {  	v19 =	vadd.s32 v3, v9;
	v12 =	vld.idx.msk [tilespmem:v10+s20+$0x0], $0xffff;
	[tilespmem:s11+$0x0] =	vst v11  }
0x335: {  	v17 =	vadd.s32 v1, v26;
	v10 =	vadd.s32 v5, v26;
	v13 =	vld.idx.msk [tilespmem:v23+s20+$0x0], $0xffff;
	[tilespmem:s11+$0x80] =	vst v22;
	v9 =	vmov v26  }
0x336: {  	v18 =	vadd.s32 v2, v9;
	v11 =	vld.idx.msk [tilespmem:v25+s20+$0x0], $0xffff;
	[tilespmem:s11+$0x100] =	vst v24  }
0x337: {  	_ =	sdelay $0x2  }
0x338: {  	v1 =	vld [tilespmem:s14+$0x30]  }
0x339: {  	v2 =	vld.idx.msk [tilespmem:v21+s20+$0x0], $0xffff;
	[tilespmem:s11+$0x180] =	vst v16;
	s5 =	sadd.s32 $0x1000, s11  }
0x33a: {  	s21 =	simm.s32 $0x0;
	v4 =	vadd.s32 v4, v9;
	v5 =	vld.idx.msk [tilespmem:v20+s20+$0x0], $0xffff;
	[tilespmem:s5+$0xFFFFFE00] =	vst v15  }
0x33b: {  	v6 =	vadd.s32 v6, v9;
	v16 =	vld.idx.msk [tilespmem:v17+s20+$0x0], $0xffff;
	v15 =	vmov s21;
	[tilespmem:s5+$0xFFFFFE80] =	vst v14  }
0x33c: {  	v7 =	vadd.s32 v7, v9;
	v14 =	vld.idx.msk [tilespmem:v19+s20+$0x0], $0xffff;
	v15 =	vshrl.u32 v15, $0x3;
	[tilespmem:s5+$0xFFFFFF00] =	vst v12  }
0x33d: {  	v8 =	vadd.s32 v8, v9;
	v17 =	vld.idx.msk [tilespmem:v18+s20+$0x0], $0xffff;
	v15 =	vshll.u32 v15, $0xB;
	[tilespmem:s5+$0xFFFFFF80] =	vst v13;
	v12 =	vshll.u32 v1, $0x3  }
0x33e: {  	v10 =	vld.idx.msk [tilespmem:v10+s20+$0x0], $0xffff;
	v13 =	vbroadcast v15, $0x0;
	[tilespmem:s5+$0x0] =	vst v11;
	v1 =	vand.u32 $0x7F, v1;
	v12 =	vand.u32 $0xFFFFFC00, v12  }
0x33f: {  	v9 =	vadd.s32 v3, v9;
	v11 =	vld.idx.msk [tilespmem:v4+s20+$0x0], $0xffff;
	[tilespmem:s5+$0x80] =	vst v2;
	v1 =	vor.u32 v1, v12  }
0x340: {  	s29 =	simm.s32 $0x8;
	v15 =	vld.idx.msk [tilespmem:v6+s20+$0x0], $0xffff;
	[tilespmem:s5+$0x100] =	vst v5;
	v2 =	vor.u32 $0x80, v1;
	v12 =	vadd.s32 v1, v13  }
0x341: {  	v19 =	vld.idx.msk [tilespmem:v7+s20+$0x0], $0xffff;
	v7 =	vmov s29;
	[tilespmem:s5+$0x180] =	vst v14;
	s5 =	sadd.s32 $0x1000, s5;
	v4 =	vor.u32 $0x100, v1;
	v18 =	vadd.s32 v2, v13  }
0x342: {  	[tilespmem:s5+$0xFFFFFE00] =	vst v16;
	v16 =	vld.idx.msk [tilespmem:v8+s20+$0x0], $0xffff;
	v8 =	vshrl.u32 v7, $0x3;
	v3 =	vor.u32 $0x180, v1;
	v14 =	vadd.s32 v4, v13  }
0x343: {  	[tilespmem:s5+$0xFFFFFF00] =	vst v10;
	v5 =	vor.u32 $0x200, v1;
	v10 =	vshll.u32 v8, $0xB;
	v20 =	vadd.s32 v3, v13  }
0x344: {  	v9 =	vld.idx.msk [tilespmem:v9+s20+$0x0], $0xffff;
	[tilespmem:s5+$0xFFFFFE80] =	vst v17;
	v6 =	vor.u32 $0x280, v1;
	v17 =	vadd.s32 v5, v13;
	v10 =	vbroadcast v10, $0x0  }
0x345: {  	v21 =	vadd.s32 v6, v13;
	[tilespmem:s5+$0xFFFFFF80] =	vst v11;
	v12 =	vld.idx.msk [tilespmem:v12+s20+$0x0], $0xffff  }
0x346: {  	v7 =	vor.u32 $0x300, v1;
	[tilespmem:s5+$0x0] =	vst v15;
	v15 =	vadd.s32 v1, v10;
	v11 =	vld.idx.msk [tilespmem:v18+s20+$0x0], $0xffff  }
0x347: {  	v8 =	vor.u32 $0x380, v1;
	v18 =	vadd.s32 v7, v13;
	v14 =	vld.idx.msk [tilespmem:v14+s20+$0x0], $0xffff  }
0x348: {  	[tilespmem:s5+$0x80] =	vst v19;
	v13 =	vadd.s32 v8, v13;
	v19 =	vld.idx.msk [tilespmem:v20+s20+$0x0], $0xffff  }
0x349: {  	[tilespmem:s5+$0x180] =	vst v9;
	v26 =	vadd.s32 v5, v10;
	v17 =	vld.idx.msk [tilespmem:v17+s20+$0x0], $0xffff  }
0x34a: {  	[tilespmem:s5+$0x100] =	vst v16;
	s5 =	simm.s32 $0x10;
	v20 =	vadd.s32 v2, v10;
	v23 =	vld.idx.msk [tilespmem:v21+s20+$0x0], $0xffff  }
0x34b: {  	v22 =	vadd.s32 v4, v10;
	v9 =	vmov s5;
	[tilespmem:s8+$0xFFFFFE00] =	vst v12;
	v12 =	vld.idx.msk [tilespmem:v15+s20+$0x0], $0xffff  }
0x34c: {  	v24 =	vadd.s32 v3, v10;
	v9 =	vshrl.u32 v9, $0x3;
	v25 =	vld.idx.msk [tilespmem:v18+s20+$0x0], $0xffff;
	[tilespmem:s8+$0xFFFFFE80] =	vst v11  }
0x34d: {  	v21 =	vadd.s32 v6, v10;
	v9 =	vshll.u32 v9, $0xB;
	v16 =	vld.idx.msk [tilespmem:v13+s20+$0x0], $0xffff;
	[tilespmem:s8+$0xFFFFFF00] =	vst v14  }
0x34e: {  	v9 =	vbroadcast v9, $0x0;
	v15 =	vld.idx.msk [tilespmem:v26+s20+$0x0], $0xffff;
	[tilespmem:s8+$0xFFFFFF80] =	vst v19;
	v19 =	vadd.s32 v7, v10  }
0x34f: {  	v13 =	vld.idx.msk [tilespmem:v20+s20+$0x0], $0xffff;
	[tilespmem:s8+$0x0] =	vst v17;
	v18 =	vadd.s32 v8, v10  }
0x350: {  	v11 =	vld.idx.msk [tilespmem:v22+s20+$0x0], $0xffff;
	v17 =	vadd.s32 v1, v9;
	[tilespmem:s8+$0x80] =	vst v23  }
0x351: {  	v14 =	vld.idx.msk [tilespmem:v24+s20+$0x0], $0xffff;
	v10 =	vadd.s32 v4, v9;
	v20 =	vadd.s32 v2, v9;
	[tilespmem:s8+$0x100] =	vst v25  }
.LBB2_54:
0x352: {  	s5 =	sadd.s32 $0x8, s5;
	v22 =	vld.idx.msk [tilespmem:v21+s20+$0x0], $0xffff;
	[tilespmem:s8+$0x180] =	vst v16;
	s8 =	sadd.s32 $0x1000, s8  }
0x353: {  	v23 =	vadd.s32 v3, v9;
	v16 =	vmov s5;
	p1 =	slt.u32 s5, $0x18;
	[tilespmem:s8+$0xFFFFFE00] =	vst v12;
	v24 =	vld.idx.msk [tilespmem:v19+s20+$0x0], $0xffff  }
0x354: {  	v25 =	vadd.s32 v5, v9;
	v12 =	vshrl.u32 v16, $0x3;
	[tilespmem:s8+$0xFFFFFE80] =	vst v13;
	v16 =	vld.idx.msk [tilespmem:v18+s20+$0x0], $0xffff  }
.Ltmp25:
0x355: {  	v21 =	vadd.s32 v6, v9;
	v13 =	vshll.u32 v12, $0xB;
	v12 =	vld.idx.msk [tilespmem:v17+s20+$0x0], $0xffff;
	[tilespmem:s8+$0xFFFFFF00] =	vst v11;
	(pc) =	sbr.rel @p1 .LBB2_54-.Ltmp25, $4  }
0x356: {  	v19 =	vadd.s32 v7, v9;
	v26 =	vbroadcast v13, $0x0;
	v13 =	vld.idx.msk [tilespmem:v20+s20+$0x0], $0xffff;
	[tilespmem:s8+$0xFFFFFF80] =	vst v14  }
0x357: {  	v18 =	vadd.s32 v8, v9;
	v11 =	vld.idx.msk [tilespmem:v10+s20+$0x0], $0xffff;
	[tilespmem:s8+$0x0] =	vst v15  }
0x358: {  	v17 =	vadd.s32 v1, v26;
	v10 =	vadd.s32 v4, v26;
	v14 =	vld.idx.msk [tilespmem:v23+s20+$0x0], $0xffff;
	[tilespmem:s8+$0x80] =	vst v22;
	v9 =	vmov v26  }
0x359: {  	v20 =	vadd.s32 v2, v9;
	v15 =	vld.idx.msk [tilespmem:v25+s20+$0x0], $0xffff;
	[tilespmem:s8+$0x100] =	vst v24  }
0x35a: {  	_ =	sdelay $0x2  }
0x35b: {  	[tilespmem:s8+$0x180] =	vst v16;
	s5 =	sadd.s32 $0x1000, s8  }
0x35c: {  	v1 =	vld.idx.msk [tilespmem:v21+s20+$0x0], $0xffff;
	[tilespmem:s5+$0xFFFFFE00] =	vst v12  }
0x35d: {  	v2 =	vadd.s32 v3, v9;
	v3 =	vld.idx.msk [tilespmem:v19+s20+$0x0], $0xffff;
	[tilespmem:s5+$0xFFFFFE80] =	vst v13  }
0x35e: {  	v4 =	vadd.s32 v5, v9;
	v59 =	vld.idx.msk [tilespmem:v18+s20+$0x0], $0xffff;
	[tilespmem:s5+$0xFFFFFF00] =	vst v11  }
0x35f: {  	v60 =	vld.idx.msk [tilespmem:v17+s20+$0x0], $0xffff;
	v6 =	vadd.s32 v6, v9;
	[tilespmem:s5+$0xFFFFFF80] =	vst v14  }
0x360: {  	v61 =	vld.idx.msk [tilespmem:v20+s20+$0x0], $0xffff;
	v7 =	vadd.s32 v7, v9;
	[tilespmem:s5+$0x0] =	vst v15  }
0x361: {  	v10 =	vld.idx.msk [tilespmem:v10+s20+$0x0], $0xffff;
	v8 =	vadd.s32 v8, v9;
	[tilespmem:s5+$0x80] =	vst v1  }
0x362: {  	v1 =	vld.idx.msk [tilespmem:v2+s20+$0x0], $0xffff;
	[tilespmem:s5+$0x100] =	vst v3  }
0x363: {  	v2 =	vld.idx.msk [tilespmem:v4+s20+$0x0], $0xffff;
	[tilespmem:s5+$0x180] =	vst v59;
	s5 =	sadd.s32 $0x1000, s5  }
0x364: {  	v3 =	vld.idx.msk [tilespmem:v6+s20+$0x0], $0xffff;
	[tilespmem:s5+$0xFFFFFE00] =	vst v60  }
0x365: {  	v62 =	vld.idx.msk [tilespmem:v7+s20+$0x0], $0xffff;
	[tilespmem:s5+$0xFFFFFE80] =	vst v61  }
0x366: {  	p1 =	slt.u32 s7, $0x1C;
	v63 =	vld.idx.msk [tilespmem:v8+s20+$0x0], $0xffff;
	[tilespmem:s5+$0xFFFFFF00] =	vst v10  }
.Ltmp26:
0x367: {  	[tilespmem:s5+$0xFFFFFF80] =	vst v1;
	(pc) =	sbr.rel @p1 .LBB2_47-.Ltmp26, $4  }
0x368: {  	[tilespmem:s5+$0x0] =	vst v2  }
0x369: {  	[tilespmem:s5+$0x80] =	vst v3  }
0x36a: {  	[tilespmem:s5+$0x100] =	vst v62  }
0x36b: {  	s7 =	sadd.s32 $0x4, s7;
	s4 =	sadd.s32 $0x200, s4;
	p0 =	por !p0, !p0;
	[tilespmem:s5+$0x180] =	vst v63  }
0x36c: {  	s4 =	sshll.u32 s0, $0x14  }
0x36d: {  	s5 =	sadd.s32 s12, s4  }
0x36e: {  	s5 =	sshrl.u32 s5, $0x3  }
0x36f: {  	s5 =	sadd.s32 s3, s5  }
0x370: {  	[hbm4b:s5+s22] =	stream.strided.scatter [tilespmem:s26], [sflag:$0x3], $0x4000, s23, s22, $0x38;
	[tilespmem:$0x14000] =	vst v63  }
0x371: {  	_ =	swait.ge [sflag:s31], $0x4000  }
0x372: {  	s25 =	sor.u32 $0x80, s25;
	s8 =	simm.s32 $0x0;
	[sflag:s31] =	ssyncset.done $0x0  }
0x373: {  	p0 =	por $0x0, $0x0;
	s7 =	simm.s32 $0x0;
	v0 =	vmov s25;
	[sflag:s31] =	ssyncadd.s32 $0xFFFFC000  }
.LBB2_57:
0x374: {  	s5 =	sshll.u32 s8, $0x7  }
0x375: {  	s11 =	sshll.u32 s8, $0x4;
	s5 =	sand.u32 $0xC00, s5  }
0x376: {  	s11 =	sand.u32 $0x40, s11;
	s5 =	sadd.s32 s5, s2  }
0x377: {  	s19 =	sadd.s32 s11, s5  }
0x378: {  	v1 =	vld.idx.msk [tilespmem:v0+s19+$0x0 ss:$0x1], $0xffff;
	_ =	sdelay $0x1  }
0x379: {  	s11 =	simm.s32 $0x0  }
0x37a: {  	v2 =	vmov s11  }
0x37b: {  	v2 =	vshrl.u32 v2, $0x3  }
0x37c: {  	v2 =	vshll.u32 v2, $0xB;
	v3 =	vshll.u32 v1, $0x3  }
0x37d: {  	v9 =	vbroadcast v2, $0x0;
	v1 =	vand.u32 $0x7F, v1;
	v3 =	vand.u32 $0xFFFFFC00, v3  }
0x37e: {  	v6 =	vor.u32 v1, v3  }
0x37f: {  	v7 =	vor.u32 $0x80, v6;
	v1 =	vadd.s32 v6, v9  }
0x380: {  	s14 =	simm.s32 $0x8;
	v8 =	vor.u32 $0x100, v6;
	v10 =	vadd.s32 v7, v9  }
0x381: {  	v4 =	vmov s14;
	v5 =	vor.u32 $0x180, v6;
	v11 =	vadd.s32 v8, v9  }
0x382: {  	v13 =	vshrl.u32 v4, $0x3;
	v2 =	vor.u32 $0x200, v6;
	v12 =	vadd.s32 v5, v9  }
0x383: {  	v13 =	vshll.u32 v13, $0xB;
	v3 =	vor.u32 $0x280, v6;
	v14 =	vadd.s32 v2, v9  }
0x384: {  	s5 =	simm.s32 $0x1;
	v17 =	vbroadcast v13, $0x0;
	v4 =	vor.u32 $0x300, v6;
	v16 =	vadd.s32 v3, v9;
	v15 =	vld.idx.msk [tilespmem:v1+s20+$0x0], $0xffff  }
0x385: {  	s21 =	sshll.u32 s7, $0x2;
	s5 =	simm.s32 @!p0 $0x0;
	v13 =	vadd.s32 v4, v9;
	v10 =	vld.idx.msk [tilespmem:v10+s20+$0x0], $0xffff  }
0x386: {  	s11 =	sand.u32 $0xFFFFF000, s21;
	s5 =	sshll.u32 s5, $0x8;
	v18 =	vadd.s32 v6, v17;
	v1 =	vor.u32 $0x380, v6;
	v11 =	vld.idx.msk [tilespmem:v11+s20+$0x0], $0xffff  }
0x387: {  	s5 =	sor.u32 s5, s11;
	v9 =	vadd.s32 v1, v9;
	v12 =	vld.idx.msk [tilespmem:v12+s20+$0x0], $0xffff  }
0x388: {  	s5 =	sshrl.u32 s5, $0x2;
	v19 =	vadd.s32 v7, v17;
	v14 =	vld.idx.msk [tilespmem:v14+s20+$0x0], $0xffff  }
0x389: {  	s29 =	simm.s32 $0x10;
	s21 =	sadd.s32 $0xE000, s5;
	v20 =	vadd.s32 v8, v17;
	v22 =	vld.idx.msk [tilespmem:v16+s20+$0x0], $0xffff  }
0x38a: {  	v23 =	vadd.s32 v5, v17;
	v16 =	vmov s29;
	v24 =	vld.idx.msk [tilespmem:v13+s20+$0x0], $0xffff;
	[tilespmem:s21+$0x0] =	vst v15  }
0x38b: {  	v25 =	vadd.s32 v2, v17;
	v13 =	vshrl.u32 v16, $0x3;
	v15 =	vld.idx.msk [tilespmem:v18+s20+$0x0], $0xffff;
	[tilespmem:s21+$0x80] =	vst v10  }
0x38c: {  	v21 =	vadd.s32 v3, v17;
	v16 =	vld.idx.msk [tilespmem:v9+s20+$0x0], $0xffff;
	v9 =	vshll.u32 v13, $0xB;
	[tilespmem:s21+$0x100] =	vst v11  }
0x38d: {  	v13 =	vld.idx.msk [tilespmem:v19+s20+$0x0], $0xffff;
	[tilespmem:s21+$0x180] =	vst v12;
	v19 =	vadd.s32 v4, v17;
	v9 =	vbroadcast v9, $0x0  }
0x38e: {  	v18 =	vadd.s32 v1, v17;
	v11 =	vld.idx.msk [tilespmem:v20+s20+$0x0], $0xffff;
	[tilespmem:s21+$0x200] =	vst v14  }
0x38f: {  	s19 =	sadd.s32 s25, s19;
	v12 =	vld.idx.msk [tilespmem:v23+s20+$0x0], $0xffff;
	[tilespmem:s21+$0x280] =	vst v22;
	v17 =	vadd.s32 v6, v9  }
0x390: {  	s11 =	sadd.s32 $0xE030, s5;
	s14 =	sadd.s32 $0xE020, s5;
	s5 =	sadd.s32 $0xE010, s5;
	v14 =	vld.idx.msk [tilespmem:v25+s20+$0x0], $0xffff;
	[tilespmem:s21+$0x300] =	vst v24;
	v10 =	vadd.s32 v8, v9;
	v20 =	vadd.s32 v7, v9  }
.LBB2_58:
0x391: {  	s29 =	sadd.s32 $0x8, s29;
	v22 =	vld.idx.msk [tilespmem:v21+s20+$0x0], $0xffff;
	[tilespmem:s21+$0x380] =	vst v16;
	s21 =	sadd.s32 $0x1000, s21  }
0x392: {  	v23 =	vadd.s32 v5, v9;
	v16 =	vmov s29;
	p1 =	slt.u32 s29, $0x18;
	[tilespmem:s21+$0x0] =	vst v15;
	v24 =	vld.idx.msk [tilespmem:v19+s20+$0x0], $0xffff  }
0x393: {  	v25 =	vadd.s32 v2, v9;
	v15 =	vshrl.u32 v16, $0x3;
	[tilespmem:s21+$0x80] =	vst v13;
	v16 =	vld.idx.msk [tilespmem:v18+s20+$0x0], $0xffff  }
.Ltmp27:
0x394: {  	v21 =	vadd.s32 v3, v9;
	v13 =	vshll.u32 v15, $0xB;
	v15 =	vld.idx.msk [tilespmem:v17+s20+$0x0], $0xffff;
	[tilespmem:s21+$0x100] =	vst v11;
	(pc) =	sbr.rel @p1 .LBB2_58-.Ltmp27, $4  }
0x395: {  	v19 =	vadd.s32 v4, v9;
	v26 =	vbroadcast v13, $0x0;
	v13 =	vld.idx.msk [tilespmem:v20+s20+$0x0], $0xffff;
	[tilespmem:s21+$0x180] =	vst v12  }
0x396: {  	v18 =	vadd.s32 v1, v9;
	v11 =	vld.idx.msk [tilespmem:v10+s20+$0x0], $0xffff;
	[tilespmem:s21+$0x200] =	vst v14  }
0x397: {  	v17 =	vadd.s32 v6, v26;
	v10 =	vadd.s32 v8, v26;
	v12 =	vld.idx.msk [tilespmem:v23+s20+$0x0], $0xffff;
	[tilespmem:s21+$0x280] =	vst v22;
	v9 =	vmov v26  }
0x398: {  	v20 =	vadd.s32 v7, v9;
	v14 =	vld.idx.msk [tilespmem:v25+s20+$0x0], $0xffff;
	[tilespmem:s21+$0x300] =	vst v24  }
0x399: {  	_ =	sdelay $0x1  }
0x39a: {  	v6 =	vld [tilespmem:s19+$0x10]  }
0x39b: {  	[tilespmem:s21+$0x380] =	vst v16;
	s21 =	sadd.s32 $0x1000, s21  }
0x39c: {  	v7 =	vld.idx.msk [tilespmem:v21+s20+$0x0], $0xffff;
	s29 =	simm.s32 $0x0;
	[tilespmem:s21+$0x0] =	vst v15  }
0x39d: {  	v5 =	vadd.s32 v5, v9;
	v8 =	vld.idx.msk [tilespmem:v19+s20+$0x0], $0xffff;
	v15 =	vmov s29;
	[tilespmem:s21+$0x80] =	vst v13  }
0x39e: {  	v16 =	vadd.s32 v2, v9;
	v3 =	vadd.s32 v3, v9;
	v13 =	vld.idx.msk [tilespmem:v18+s20+$0x0], $0xffff;
	v2 =	vshrl.u32 v15, $0x3;
	[tilespmem:s21+$0x100] =	vst v11  }
0x39f: {  	v15 =	vld.idx.msk [tilespmem:v17+s20+$0x0], $0xffff;
	v11 =	vadd.s32 v4, v9;
	v2 =	vshll.u32 v2, $0xB;
	[tilespmem:s21+$0x180] =	vst v12;
	v4 =	vshll.u32 v6, $0x3  }
0x3a0: {  	v10 =	vld.idx.msk [tilespmem:v10+s20+$0x0], $0xffff;
	v12 =	vbroadcast v2, $0x0;
	[tilespmem:s21+$0x200] =	vst v14;
	v6 =	vand.u32 $0x7F, v6;
	v4 =	vand.u32 $0xFFFFFC00, v4  }
0x3a1: {  	v17 =	vld.idx.msk [tilespmem:v20+s20+$0x0], $0xffff;
	v9 =	vadd.s32 v1, v9;
	[tilespmem:s21+$0x280] =	vst v7;
	v1 =	vor.u32 v6, v4  }
0x3a2: {  	s29 =	simm.s32 $0x8;
	v14 =	vld.idx.msk [tilespmem:v5+s20+$0x0], $0xffff;
	[tilespmem:s21+$0x300] =	vst v8;
	v2 =	vor.u32 $0x80, v1;
	v18 =	vadd.s32 v1, v12  }
0x3a3: {  	v20 =	vld.idx.msk [tilespmem:v3+s20+$0x0], $0xffff;
	v3 =	vmov s29;
	[tilespmem:s21+$0x380] =	vst v13;
	s21 =	sadd.s32 $0x1000, s21;
	v5 =	vor.u32 $0x100, v1;
	v19 =	vadd.s32 v2, v12  }
0x3a4: {  	v16 =	vld.idx.msk [tilespmem:v16+s20+$0x0], $0xffff;
	v3 =	vshrl.u32 v3, $0x3;
	[tilespmem:s21+$0x0] =	vst v15;
	v4 =	vor.u32 $0x180, v1;
	v13 =	vadd.s32 v5, v12  }
0x3a5: {  	v11 =	vld.idx.msk [tilespmem:v11+s20+$0x0], $0xffff;
	[tilespmem:s21+$0x100] =	vst v10;
	v10 =	vshll.u32 v3, $0xB;
	v6 =	vor.u32 $0x200, v1;
	v15 =	vadd.s32 v4, v12  }
0x3a6: {  	[tilespmem:s21+$0x80] =	vst v17;
	v9 =	vld.idx.msk [tilespmem:v9+s20+$0x0], $0xffff;
	v7 =	vor.u32 $0x280, v1;
	v10 =	vbroadcast v10, $0x0;
	v17 =	vadd.s32 v6, v12  }
0x3a7: {  	v21 =	vadd.s32 v7, v12;
	[tilespmem:s21+$0x180] =	vst v14;
	v18 =	vld.idx.msk [tilespmem:v18+s20+$0x0], $0xffff  }
0x3a8: {  	v8 =	vor.u32 $0x300, v1;
	[tilespmem:s21+$0x280] =	vst v20;
	v20 =	vadd.s32 v1, v10;
	v14 =	vld.idx.msk [tilespmem:v19+s20+$0x0], $0xffff  }
0x3a9: {  	v3 =	vor.u32 $0x380, v1;
	v19 =	vadd.s32 v8, v12;
	v13 =	vld.idx.msk [tilespmem:v13+s20+$0x0], $0xffff  }
0x3aa: {  	[tilespmem:s21+$0x200] =	vst v16;
	v12 =	vadd.s32 v3, v12;
	v22 =	vld.idx.msk [tilespmem:v15+s20+$0x0], $0xffff  }
0x3ab: {  	[tilespmem:s21+$0x300] =	vst v11;
	v11 =	vadd.s32 v2, v10;
	v17 =	vld.idx.msk [tilespmem:v17+s20+$0x0], $0xffff  }
0x3ac: {  	v23 =	vadd.s32 v5, v10;
	[tilespmem:s21+$0x380] =	vst v9;
	s21 =	simm.s32 $0x10;
	v24 =	vld.idx.msk [tilespmem:v21+s20+$0x0], $0xffff  }
0x3ad: {  	v25 =	vadd.s32 v4, v10;
	v9 =	vmov s21;
	v15 =	vld.idx.msk [tilespmem:v20+s20+$0x0], $0xffff;
	[tilespmem:s5+$0x0] =	vst v18  }
0x3ae: {  	v27 =	vadd.s32 v6, v10;
	v9 =	vshrl.u32 v9, $0x3;
	v26 =	vld.idx.msk [tilespmem:v19+s20+$0x0], $0xffff;
	[tilespmem:s5+$0x80] =	vst v14  }
0x3af: {  	v21 =	vadd.s32 v7, v10;
	v9 =	vshll.u32 v9, $0xB;
	v16 =	vld.idx.msk [tilespmem:v12+s20+$0x0], $0xffff;
	[tilespmem:s5+$0x100] =	vst v13  }
0x3b0: {  	v20 =	vadd.s32 v8, v10;
	v9 =	vbroadcast v9, $0x0;
	v14 =	vld.idx.msk [tilespmem:v11+s20+$0x0], $0xffff;
	[tilespmem:s5+$0x180] =	vst v22  }
0x3b1: {  	v12 =	vld.idx.msk [tilespmem:v23+s20+$0x0], $0xffff;
	[tilespmem:s5+$0x200] =	vst v17;
	v19 =	vadd.s32 v3, v10  }
0x3b2: {  	v17 =	vadd.s32 v1, v9;
	v13 =	vld.idx.msk [tilespmem:v25+s20+$0x0], $0xffff;
	[tilespmem:s5+$0x280] =	vst v24  }
0x3b3: {  	v18 =	vadd.s32 v2, v9;
	v10 =	vadd.s32 v5, v9;
	v11 =	vld.idx.msk [tilespmem:v27+s20+$0x0], $0xffff;
	[tilespmem:s5+$0x300] =	vst v26  }
.LBB2_60:
0x3b4: {  	s21 =	sadd.s32 $0x8, s21;
	v22 =	vld.idx.msk [tilespmem:v21+s20+$0x0], $0xffff;
	[tilespmem:s5+$0x380] =	vst v16;
	s5 =	sadd.s32 $0x1000, s5  }
0x3b5: {  	v23 =	vadd.s32 v4, v9;
	v16 =	vmov s21;
	p1 =	slt.u32 s21, $0x18;
	[tilespmem:s5+$0x0] =	vst v15;
	v24 =	vld.idx.msk [tilespmem:v20+s20+$0x0], $0xffff  }
0x3b6: {  	v25 =	vadd.s32 v6, v9;
	v15 =	vshrl.u32 v16, $0x3;
	[tilespmem:s5+$0x80] =	vst v14;
	v16 =	vld.idx.msk [tilespmem:v19+s20+$0x0], $0xffff  }
.Ltmp28:
0x3b7: {  	v21 =	vadd.s32 v7, v9;
	v14 =	vshll.u32 v15, $0xB;
	v15 =	vld.idx.msk [tilespmem:v17+s20+$0x0], $0xffff;
	[tilespmem:s5+$0x100] =	vst v12;
	(pc) =	sbr.rel @p1 .LBB2_60-.Ltmp28, $4  }
0x3b8: {  	v20 =	vadd.s32 v8, v9;
	v26 =	vbroadcast v14, $0x0;
	v14 =	vld.idx.msk [tilespmem:v18+s20+$0x0], $0xffff;
	[tilespmem:s5+$0x180] =	vst v13  }
0x3b9: {  	v19 =	vadd.s32 v3, v9;
	v12 =	vld.idx.msk [tilespmem:v10+s20+$0x0], $0xffff;
	[tilespmem:s5+$0x200] =	vst v11  }
0x3ba: {  	v17 =	vadd.s32 v1, v26;
	v10 =	vadd.s32 v5, v26;
	v13 =	vld.idx.msk [tilespmem:v23+s20+$0x0], $0xffff;
	[tilespmem:s5+$0x280] =	vst v22;
	v9 =	vmov v26  }
0x3bb: {  	v18 =	vadd.s32 v2, v9;
	v11 =	vld.idx.msk [tilespmem:v25+s20+$0x0], $0xffff;
	[tilespmem:s5+$0x300] =	vst v24  }
0x3bc: {  	_ =	sdelay $0x1  }
0x3bd: {  	v1 =	vld [tilespmem:s19+$0x20];
	_ =	sdelay $0x1  }
0x3be: {  	v2 =	vld.idx.msk [tilespmem:v21+s20+$0x0], $0xffff;
	[tilespmem:s5+$0x380] =	vst v16;
	s29 =	sadd.s32 $0x1000, s5;
	s21 =	simm.s32 $0x0  }
0x3bf: {  	v4 =	vadd.s32 v4, v9;
	v5 =	vld.idx.msk [tilespmem:v20+s20+$0x0], $0xffff;
	[tilespmem:s29+$0x0] =	vst v15;
	v15 =	vmov s21  }
0x3c0: {  	v6 =	vadd.s32 v6, v9;
	v7 =	vadd.s32 v7, v9;
	v16 =	vld.idx.msk [tilespmem:v17+s20+$0x0], $0xffff;
	[tilespmem:s29+$0x80] =	vst v14;
	v15 =	vshrl.u32 v15, $0x3  }
0x3c1: {  	v8 =	vadd.s32 v8, v9;
	v14 =	vld.idx.msk [tilespmem:v19+s20+$0x0], $0xffff;
	[tilespmem:s29+$0x100] =	vst v12;
	v15 =	vshll.u32 v15, $0xB;
	v12 =	vshll.u32 v1, $0x3  }
0x3c2: {  	v17 =	vld.idx.msk [tilespmem:v18+s20+$0x0], $0xffff;
	[tilespmem:s29+$0x180] =	vst v13;
	v13 =	vbroadcast v15, $0x0;
	v1 =	vand.u32 $0x7F, v1;
	v12 =	vand.u32 $0xFFFFFC00, v12  }
0x3c3: {  	v10 =	vld.idx.msk [tilespmem:v10+s20+$0x0], $0xffff;
	v3 =	vadd.s32 v3, v9;
	[tilespmem:s29+$0x200] =	vst v11;
	v1 =	vor.u32 v1, v12  }
0x3c4: {  	v9 =	vld.idx.msk [tilespmem:v4+s20+$0x0], $0xffff;
	[tilespmem:s29+$0x280] =	vst v2;
	v2 =	vor.u32 $0x80, v1;
	v11 =	vadd.s32 v1, v13  }
0x3c5: {  	[tilespmem:s29+$0x300] =	vst v5;
	v18 =	vld.idx.msk [tilespmem:v7+s20+$0x0], $0xffff;
	v5 =	vor.u32 $0x100, v1;
	v15 =	vadd.s32 v2, v13  }
0x3c6: {  	s5 =	sadd.s32 $0x1000, s29;
	[tilespmem:s29+$0x380] =	vst v14;
	s29 =	simm.s32 $0x8;
	v12 =	vld.idx.msk [tilespmem:v6+s20+$0x0], $0xffff;
	v4 =	vor.u32 $0x180, v1;
	v14 =	vadd.s32 v5, v13  }
0x3c7: {  	[tilespmem:s5+$0x0] =	vst v16;
	v16 =	vld.idx.msk [tilespmem:v8+s20+$0x0], $0xffff;
	v19 =	vmov s29;
	v6 =	vor.u32 $0x200, v1;
	v20 =	vadd.s32 v4, v13  }
0x3c8: {  	[tilespmem:s5+$0x80] =	vst v17;
	v17 =	vld.idx.msk [tilespmem:v3+s20+$0x0], $0xffff;
	v7 =	vor.u32 $0x280, v1;
	v3 =	vshrl.u32 v19, $0x3;
	v19 =	vadd.s32 v6, v13  }
0x3c9: {  	[tilespmem:s5+$0x100] =	vst v10;
	v8 =	vor.u32 $0x300, v1;
	v10 =	vshll.u32 v3, $0xB;
	v21 =	vadd.s32 v7, v13;
	v11 =	vld.idx.msk [tilespmem:v11+s20+$0x0], $0xffff  }
0x3ca: {  	v3 =	vor.u32 $0x380, v1;
	[tilespmem:s5+$0x180] =	vst v9;
	v10 =	vbroadcast v10, $0x0;
	v9 =	vld.idx.msk [tilespmem:v15+s20+$0x0], $0xffff;
	v15 =	vadd.s32 v8, v13  }
0x3cb: {  	[tilespmem:s5+$0x200] =	vst v12;
	v12 =	vld.idx.msk [tilespmem:v14+s20+$0x0], $0xffff;
	v13 =	vadd.s32 v3, v13  }
0x3cc: {  	[tilespmem:s5+$0x280] =	vst v18;
	v14 =	vadd.s32 v1, v10;
	v18 =	vld.idx.msk [tilespmem:v20+s20+$0x0], $0xffff  }
0x3cd: {  	[tilespmem:s5+$0x300] =	vst v16;
	v20 =	vadd.s32 v2, v10;
	v19 =	vld.idx.msk [tilespmem:v19+s20+$0x0], $0xffff  }
0x3ce: {  	[tilespmem:s5+$0x380] =	vst v17;
	v17 =	vadd.s32 v5, v10;
	s5 =	simm.s32 $0x10;
	v22 =	vld.idx.msk [tilespmem:v21+s20+$0x0], $0xffff  }
0x3cf: {  	v23 =	vadd.s32 v4, v10;
	v16 =	vmov s5;
	[tilespmem:s14+$0x0] =	vst v11;
	v24 =	vld.idx.msk [tilespmem:v15+s20+$0x0], $0xffff  }
0x3d0: {  	v25 =	vadd.s32 v6, v10;
	v11 =	vshrl.u32 v16, $0x3;
	[tilespmem:s14+$0x80] =	vst v9;
	v16 =	vld.idx.msk [tilespmem:v13+s20+$0x0], $0xffff  }
0x3d1: {  	v21 =	vadd.s32 v7, v10;
	v9 =	vshll.u32 v11, $0xB;
	v15 =	vld.idx.msk [tilespmem:v14+s20+$0x0], $0xffff;
	[tilespmem:s14+$0x100] =	vst v12  }
0x3d2: {  	v14 =	vld.idx.msk [tilespmem:v20+s20+$0x0], $0xffff;
	[tilespmem:s14+$0x180] =	vst v18;
	v20 =	vadd.s32 v8, v10;
	v9 =	vbroadcast v9, $0x0  }
0x3d3: {  	v12 =	vld.idx.msk [tilespmem:v17+s20+$0x0], $0xffff;
	[tilespmem:s14+$0x200] =	vst v19;
	v19 =	vadd.s32 v3, v10  }
0x3d4: {  	v13 =	vld.idx.msk [tilespmem:v23+s20+$0x0], $0xffff;
	[tilespmem:s14+$0x280] =	vst v22;
	v17 =	vadd.s32 v1, v9  }
0x3d5: {  	v11 =	vld.idx.msk [tilespmem:v25+s20+$0x0], $0xffff;
	v10 =	vadd.s32 v5, v9;
	v18 =	vadd.s32 v2, v9;
	[tilespmem:s14+$0x300] =	vst v24  }
.LBB2_62:
0x3d6: {  	s5 =	sadd.s32 $0x8, s5;
	v22 =	vld.idx.msk [tilespmem:v21+s20+$0x0], $0xffff;
	[tilespmem:s14+$0x380] =	vst v16;
	s14 =	sadd.s32 $0x1000, s14  }
0x3d7: {  	v23 =	vadd.s32 v4, v9;
	v16 =	vmov s5;
	p1 =	slt.u32 s5, $0x18;
	[tilespmem:s14+$0x0] =	vst v15;
	v24 =	vld.idx.msk [tilespmem:v20+s20+$0x0], $0xffff  }
0x3d8: {  	v25 =	vadd.s32 v6, v9;
	v15 =	vshrl.u32 v16, $0x3;
	[tilespmem:s14+$0x80] =	vst v14;
	v16 =	vld.idx.msk [tilespmem:v19+s20+$0x0], $0xffff  }
.Ltmp29:
0x3d9: {  	v21 =	vadd.s32 v7, v9;
	v14 =	vshll.u32 v15, $0xB;
	v15 =	vld.idx.msk [tilespmem:v17+s20+$0x0], $0xffff;
	[tilespmem:s14+$0x100] =	vst v12;
	(pc) =	sbr.rel @p1 .LBB2_62-.Ltmp29, $4  }
0x3da: {  	v20 =	vadd.s32 v8, v9;
	v26 =	vbroadcast v14, $0x0;
	v14 =	vld.idx.msk [tilespmem:v18+s20+$0x0], $0xffff;
	[tilespmem:s14+$0x180] =	vst v13  }
0x3db: {  	v19 =	vadd.s32 v3, v9;
	v12 =	vld.idx.msk [tilespmem:v10+s20+$0x0], $0xffff;
	[tilespmem:s14+$0x200] =	vst v11  }
0x3dc: {  	v17 =	vadd.s32 v1, v26;
	v10 =	vadd.s32 v5, v26;
	v13 =	vld.idx.msk [tilespmem:v23+s20+$0x0], $0xffff;
	[tilespmem:s14+$0x280] =	vst v22;
	v9 =	vmov v26  }
0x3dd: {  	v18 =	vadd.s32 v2, v9;
	v11 =	vld.idx.msk [tilespmem:v25+s20+$0x0], $0xffff;
	[tilespmem:s14+$0x300] =	vst v24  }
0x3de: {  	_ =	sdelay $0x2  }
0x3df: {  	v1 =	vld [tilespmem:s19+$0x30]  }
0x3e0: {  	v2 =	vld.idx.msk [tilespmem:v21+s20+$0x0], $0xffff;
	[tilespmem:s14+$0x380] =	vst v16;
	s5 =	sadd.s32 $0x1000, s14  }
0x3e1: {  	s21 =	simm.s32 $0x0;
	v4 =	vadd.s32 v4, v9;
	v5 =	vld.idx.msk [tilespmem:v20+s20+$0x0], $0xffff;
	[tilespmem:s5+$0x0] =	vst v15  }
0x3e2: {  	v6 =	vadd.s32 v6, v9;
	v16 =	vld.idx.msk [tilespmem:v17+s20+$0x0], $0xffff;
	v15 =	vmov s21;
	[tilespmem:s5+$0x80] =	vst v14  }
0x3e3: {  	v7 =	vadd.s32 v7, v9;
	v14 =	vld.idx.msk [tilespmem:v19+s20+$0x0], $0xffff;
	v15 =	vshrl.u32 v15, $0x3;
	[tilespmem:s5+$0x100] =	vst v12  }
0x3e4: {  	v8 =	vadd.s32 v8, v9;
	v17 =	vld.idx.msk [tilespmem:v18+s20+$0x0], $0xffff;
	v15 =	vshll.u32 v15, $0xB;
	[tilespmem:s5+$0x180] =	vst v13;
	v12 =	vshll.u32 v1, $0x3  }
0x3e5: {  	v10 =	vld.idx.msk [tilespmem:v10+s20+$0x0], $0xffff;
	v13 =	vbroadcast v15, $0x0;
	[tilespmem:s5+$0x200] =	vst v11;
	v1 =	vand.u32 $0x7F, v1;
	v12 =	vand.u32 $0xFFFFFC00, v12  }
0x3e6: {  	v9 =	vadd.s32 v3, v9;
	v11 =	vld.idx.msk [tilespmem:v4+s20+$0x0], $0xffff;
	[tilespmem:s5+$0x280] =	vst v2;
	v1 =	vor.u32 v1, v12  }
0x3e7: {  	s29 =	simm.s32 $0x8;
	v15 =	vld.idx.msk [tilespmem:v6+s20+$0x0], $0xffff;
	[tilespmem:s5+$0x300] =	vst v5;
	v2 =	vor.u32 $0x80, v1;
	v12 =	vadd.s32 v1, v13  }
0x3e8: {  	v19 =	vld.idx.msk [tilespmem:v7+s20+$0x0], $0xffff;
	v7 =	vmov s29;
	[tilespmem:s5+$0x380] =	vst v14;
	s5 =	sadd.s32 $0x1000, s5;
	v4 =	vor.u32 $0x100, v1;
	v18 =	vadd.s32 v2, v13  }
0x3e9: {  	[tilespmem:s5+$0x0] =	vst v16;
	v16 =	vld.idx.msk [tilespmem:v8+s20+$0x0], $0xffff;
	v8 =	vshrl.u32 v7, $0x3;
	v3 =	vor.u32 $0x180, v1;
	v14 =	vadd.s32 v4, v13  }
0x3ea: {  	[tilespmem:s5+$0x100] =	vst v10;
	v5 =	vor.u32 $0x200, v1;
	v10 =	vshll.u32 v8, $0xB;
	v20 =	vadd.s32 v3, v13  }
0x3eb: {  	v9 =	vld.idx.msk [tilespmem:v9+s20+$0x0], $0xffff;
	[tilespmem:s5+$0x80] =	vst v17;
	v6 =	vor.u32 $0x280, v1;
	v17 =	vadd.s32 v5, v13;
	v10 =	vbroadcast v10, $0x0  }
0x3ec: {  	v21 =	vadd.s32 v6, v13;
	[tilespmem:s5+$0x180] =	vst v11;
	v12 =	vld.idx.msk [tilespmem:v12+s20+$0x0], $0xffff  }
0x3ed: {  	v7 =	vor.u32 $0x300, v1;
	[tilespmem:s5+$0x200] =	vst v15;
	v15 =	vadd.s32 v1, v10;
	v11 =	vld.idx.msk [tilespmem:v18+s20+$0x0], $0xffff  }
0x3ee: {  	v8 =	vor.u32 $0x380, v1;
	v18 =	vadd.s32 v7, v13;
	v14 =	vld.idx.msk [tilespmem:v14+s20+$0x0], $0xffff  }
0x3ef: {  	[tilespmem:s5+$0x280] =	vst v19;
	v13 =	vadd.s32 v8, v13;
	v19 =	vld.idx.msk [tilespmem:v20+s20+$0x0], $0xffff  }
0x3f0: {  	[tilespmem:s5+$0x380] =	vst v9;
	v26 =	vadd.s32 v5, v10;
	v17 =	vld.idx.msk [tilespmem:v17+s20+$0x0], $0xffff  }
0x3f1: {  	[tilespmem:s5+$0x300] =	vst v16;
	s5 =	simm.s32 $0x10;
	v20 =	vadd.s32 v2, v10;
	v23 =	vld.idx.msk [tilespmem:v21+s20+$0x0], $0xffff  }
0x3f2: {  	v22 =	vadd.s32 v4, v10;
	v9 =	vmov s5;
	[tilespmem:s11+$0x0] =	vst v12;
	v12 =	vld.idx.msk [tilespmem:v15+s20+$0x0], $0xffff  }
0x3f3: {  	v24 =	vadd.s32 v3, v10;
	v9 =	vshrl.u32 v9, $0x3;
	v25 =	vld.idx.msk [tilespmem:v18+s20+$0x0], $0xffff;
	[tilespmem:s11+$0x80] =	vst v11  }
0x3f4: {  	v21 =	vadd.s32 v6, v10;
	v9 =	vshll.u32 v9, $0xB;
	v16 =	vld.idx.msk [tilespmem:v13+s20+$0x0], $0xffff;
	[tilespmem:s11+$0x100] =	vst v14  }
0x3f5: {  	v9 =	vbroadcast v9, $0x0;
	v15 =	vld.idx.msk [tilespmem:v26+s20+$0x0], $0xffff;
	[tilespmem:s11+$0x180] =	vst v19;
	v19 =	vadd.s32 v7, v10  }
0x3f6: {  	v13 =	vld.idx.msk [tilespmem:v20+s20+$0x0], $0xffff;
	[tilespmem:s11+$0x200] =	vst v17;
	v18 =	vadd.s32 v8, v10  }
0x3f7: {  	v11 =	vld.idx.msk [tilespmem:v22+s20+$0x0], $0xffff;
	v17 =	vadd.s32 v1, v9;
	[tilespmem:s11+$0x280] =	vst v23  }
0x3f8: {  	v14 =	vld.idx.msk [tilespmem:v24+s20+$0x0], $0xffff;
	v10 =	vadd.s32 v4, v9;
	v20 =	vadd.s32 v2, v9;
	[tilespmem:s11+$0x300] =	vst v25  }
.LBB2_64:
0x3f9: {  	s5 =	sadd.s32 $0x8, s5;
	v22 =	vld.idx.msk [tilespmem:v21+s20+$0x0], $0xffff;
	[tilespmem:s11+$0x380] =	vst v16;
	s11 =	sadd.s32 $0x1000, s11  }
0x3fa: {  	v23 =	vadd.s32 v3, v9;
	v16 =	vmov s5;
	p1 =	slt.u32 s5, $0x18;
	[tilespmem:s11+$0x0] =	vst v12;
	v24 =	vld.idx.msk [tilespmem:v19+s20+$0x0], $0xffff  }
0x3fb: {  	v25 =	vadd.s32 v5, v9;
	v12 =	vshrl.u32 v16, $0x3;
	[tilespmem:s11+$0x80] =	vst v13;
	v16 =	vld.idx.msk [tilespmem:v18+s20+$0x0], $0xffff  }
.Ltmp30:
0x3fc: {  	v21 =	vadd.s32 v6, v9;
	v13 =	vshll.u32 v12, $0xB;
	v12 =	vld.idx.msk [tilespmem:v17+s20+$0x0], $0xffff;
	[tilespmem:s11+$0x100] =	vst v11;
	(pc) =	sbr.rel @p1 .LBB2_64-.Ltmp30, $4  }
0x3fd: {  	v19 =	vadd.s32 v7, v9;
	v26 =	vbroadcast v13, $0x0;
	v13 =	vld.idx.msk [tilespmem:v20+s20+$0x0], $0xffff;
	[tilespmem:s11+$0x180] =	vst v14  }
0x3fe: {  	v18 =	vadd.s32 v8, v9;
	v11 =	vld.idx.msk [tilespmem:v10+s20+$0x0], $0xffff;
	[tilespmem:s11+$0x200] =	vst v15  }
0x3ff: {  	v17 =	vadd.s32 v1, v26;
	v10 =	vadd.s32 v4, v26;
	v14 =	vld.idx.msk [tilespmem:v23+s20+$0x0], $0xffff;
	[tilespmem:s11+$0x280] =	vst v22;
	v9 =	vmov v26  }
0x400: {  	v20 =	vadd.s32 v2, v9;
	v15 =	vld.idx.msk [tilespmem:v25+s20+$0x0], $0xffff;
	[tilespmem:s11+$0x300] =	vst v24  }
0x401: {  	_ =	sdelay $0x2  }
0x402: {  	[tilespmem:s11+$0x380] =	vst v16;
	s5 =	sadd.s32 $0x1000, s11  }
0x403: {  	v1 =	vld.idx.msk [tilespmem:v21+s20+$0x0], $0xffff;
	[tilespmem:s5+$0x0] =	vst v12  }
0x404: {  	v2 =	vadd.s32 v3, v9;
	v3 =	vld.idx.msk [tilespmem:v19+s20+$0x0], $0xffff;
	[tilespmem:s5+$0x80] =	vst v13  }
0x405: {  	v4 =	vadd.s32 v5, v9;
	v59 =	vld.idx.msk [tilespmem:v18+s20+$0x0], $0xffff;
	[tilespmem:s5+$0x100] =	vst v11  }
0x406: {  	v60 =	vld.idx.msk [tilespmem:v17+s20+$0x0], $0xffff;
	v6 =	vadd.s32 v6, v9;
	[tilespmem:s5+$0x180] =	vst v14  }
0x407: {  	v61 =	vld.idx.msk [tilespmem:v20+s20+$0x0], $0xffff;
	v7 =	vadd.s32 v7, v9;
	[tilespmem:s5+$0x200] =	vst v15  }
0x408: {  	v10 =	vld.idx.msk [tilespmem:v10+s20+$0x0], $0xffff;
	v8 =	vadd.s32 v8, v9;
	[tilespmem:s5+$0x280] =	vst v1  }
0x409: {  	v1 =	vld.idx.msk [tilespmem:v2+s20+$0x0], $0xffff;
	[tilespmem:s5+$0x300] =	vst v3  }
0x40a: {  	v2 =	vld.idx.msk [tilespmem:v4+s20+$0x0], $0xffff;
	[tilespmem:s5+$0x380] =	vst v59;
	s5 =	sadd.s32 $0x1000, s5  }
0x40b: {  	v3 =	vld.idx.msk [tilespmem:v6+s20+$0x0], $0xffff;
	[tilespmem:s5+$0x0] =	vst v60  }
0x40c: {  	v62 =	vld.idx.msk [tilespmem:v7+s20+$0x0], $0xffff;
	[tilespmem:s5+$0x80] =	vst v61  }
0x40d: {  	p1 =	slt.u32 s8, $0x1C;
	v63 =	vld.idx.msk [tilespmem:v8+s20+$0x0], $0xffff;
	[tilespmem:s5+$0x100] =	vst v10  }
.Ltmp31:
0x40e: {  	[tilespmem:s5+$0x180] =	vst v1;
	(pc) =	sbr.rel @p1 .LBB2_57-.Ltmp31, $4  }
0x40f: {  	[tilespmem:s5+$0x200] =	vst v2  }
0x410: {  	[tilespmem:s5+$0x280] =	vst v3  }
0x411: {  	[tilespmem:s5+$0x300] =	vst v62  }
0x412: {  	s8 =	sadd.s32 $0x4, s8;
	s7 =	sadd.s32 $0x200, s7;
	p0 =	por !p0, !p0;
	[tilespmem:s5+$0x380] =	vst v63  }
0x413: {  	s0 =	sadd.s32 $0x1, s0  }
0x414: {  	p0 =	sne.s32 s0, $0x14  }
.Ltmp32:
0x415: {  	_ = 	snop;
	(pc) =	sbr.rel @p0 .LBB2_46-.Ltmp32, $4  }
0x416: {  	s2 =	sadd.s32 s13, s4  }
0x417: {  	s2 =	sshrl.u32 s2, $0x3  }
0x418: {  	s2 =	sadd.s32 s3, s2  }
0x419: {  	[hbm4b:s2+s22] =	stream.strided.scatter [tilespmem:s28], [sflag:$0x4], $0x4000, s23, s22, $0x38;
	[tilespmem:$0x14000] =	vst v63  }
0x41a: {  	s0 =	simm.s32 $0x2  }
0x41b: {  	_ =	swait.ge [sflag:s0], $0x5000  }
0x41c: {  	[sflag:s0] =	ssyncset.done $0x0  }
0x41d: {  	s2 =	rddreg [dreg:$0x8];
	[sflag:s0] =	ssyncadd.s32 $0xFFFFB000;
	s0 =	simm.s32 $0x0  }
0x41e: {  	[tilespmem:s0], [sflag:$0x1] =	stream.strided.gather [hbm4b:s2+s22], $0x5000, s23, s22, $0x38;
	[tilespmem:$0x14000] =	vst v63  }
.LBB2_68:
0x41f: {  	_ =	swait.ge [sflag:s30], $0x4000;
	s2 =	sshll.u32 s0, $0xA  }
0x420: {  	s4 =	sshll.u32 s0, $0x8;
	p0 =	por $0x0, $0x0;
	s7 =	simm.s32 $0x0  }
0x421: {  	[sflag:s30] =	ssyncset.done $0x0;
	s2 =	sand.u32 $0x7000, s2;
	s25 =	sand.u32 $0x300, s4  }
0x422: {  	s4 =	simm.s32 $0x0;
	[sflag:s30] =	ssyncadd.s32 $0xFFFFC000;
	s2 =	sadd.s32 $0x5000, s2;
	v0 =	vmov s25  }
.LBB2_69:
0x423: {  	s5 =	sshll.u32 s7, $0x7  }
0x424: {  	s8 =	sshll.u32 s7, $0x4;
	s5 =	sand.u32 $0xC00, s5  }
0x425: {  	s8 =	sand.u32 $0x40, s8;
	s5 =	sadd.s32 s5, s2  }
0x426: {  	s14 =	sadd.s32 s8, s5  }
0x427: {  	v1 =	vld.idx.msk [tilespmem:v0+s14+$0x0 ss:$0x1], $0xffff;
	_ =	sdelay $0x1  }
0x428: {  	s19 =	simm.s32 $0x0  }
0x429: {  	v2 =	vmov s19  }
0x42a: {  	v2 =	vshrl.u32 v2, $0x3  }
0x42b: {  	v2 =	vshll.u32 v2, $0xB;
	v3 =	vshll.u32 v1, $0x3  }
0x42c: {  	v9 =	vbroadcast v2, $0x0;
	v1 =	vand.u32 $0x7F, v1;
	v3 =	vand.u32 $0xFFFFFC00, v3  }
0x42d: {  	v6 =	vor.u32 v1, v3  }
0x42e: {  	v7 =	vor.u32 $0x80, v6;
	v1 =	vadd.s32 v6, v9  }
0x42f: {  	s21 =	simm.s32 $0x8;
	v8 =	vor.u32 $0x100, v6;
	v10 =	vadd.s32 v7, v9  }
0x430: {  	v4 =	vmov s21;
	v5 =	vor.u32 $0x180, v6;
	v11 =	vadd.s32 v8, v9  }
0x431: {  	v13 =	vshrl.u32 v4, $0x3;
	v2 =	vor.u32 $0x200, v6;
	v12 =	vadd.s32 v5, v9  }
0x432: {  	v13 =	vshll.u32 v13, $0xB;
	v3 =	vor.u32 $0x280, v6;
	v14 =	vadd.s32 v2, v9  }
0x433: {  	s5 =	simm.s32 $0x1;
	v17 =	vbroadcast v13, $0x0;
	v4 =	vor.u32 $0x300, v6;
	v16 =	vadd.s32 v3, v9;
	v15 =	vld.idx.msk [tilespmem:v1+s20+$0x0], $0xffff  }
0x434: {  	s29 =	sshll.u32 s4, $0x2;
	s5 =	simm.s32 @!p0 $0x0;
	v13 =	vadd.s32 v4, v9;
	v10 =	vld.idx.msk [tilespmem:v10+s20+$0x0], $0xffff  }
0x435: {  	s8 =	sand.u32 $0xFFFFF000, s29;
	s5 =	sshll.u32 s5, $0x8;
	v18 =	vadd.s32 v6, v17;
	v1 =	vor.u32 $0x380, v6;
	v11 =	vld.idx.msk [tilespmem:v11+s20+$0x0], $0xffff  }
0x436: {  	s5 =	sor.u32 s5, s8;
	v9 =	vadd.s32 v1, v9;
	v12 =	vld.idx.msk [tilespmem:v12+s20+$0x0], $0xffff  }
0x437: {  	s5 =	sshrl.u32 s5, $0x2;
	v19 =	vadd.s32 v7, v17;
	v14 =	vld.idx.msk [tilespmem:v14+s20+$0x0], $0xffff  }
0x438: {  	s21 =	simm.s32 $0x10;
	s19 =	sadd.s32 $0xA200, s5;
	v20 =	vadd.s32 v8, v17;
	v22 =	vld.idx.msk [tilespmem:v16+s20+$0x0], $0xffff  }
0x439: {  	v23 =	vadd.s32 v5, v17;
	v16 =	vmov s21;
	v24 =	vld.idx.msk [tilespmem:v13+s20+$0x0], $0xffff;
	[tilespmem:s19+$0xFFFFFE00] =	vst v15  }
0x43a: {  	v25 =	vadd.s32 v2, v17;
	v13 =	vshrl.u32 v16, $0x3;
	v15 =	vld.idx.msk [tilespmem:v18+s20+$0x0], $0xffff;
	[tilespmem:s19+$0xFFFFFE80] =	vst v10  }
0x43b: {  	v21 =	vadd.s32 v3, v17;
	v16 =	vld.idx.msk [tilespmem:v9+s20+$0x0], $0xffff;
	v9 =	vshll.u32 v13, $0xB;
	[tilespmem:s19+$0xFFFFFF00] =	vst v11  }
0x43c: {  	v13 =	vld.idx.msk [tilespmem:v19+s20+$0x0], $0xffff;
	[tilespmem:s19+$0xFFFFFF80] =	vst v12;
	v19 =	vadd.s32 v4, v17;
	v9 =	vbroadcast v9, $0x0  }
0x43d: {  	v18 =	vadd.s32 v1, v17;
	v11 =	vld.idx.msk [tilespmem:v20+s20+$0x0], $0xffff;
	[tilespmem:s19+$0x0] =	vst v14  }
0x43e: {  	s14 =	sadd.s32 s25, s14;
	v12 =	vld.idx.msk [tilespmem:v23+s20+$0x0], $0xffff;
	[tilespmem:s19+$0x80] =	vst v22;
	v17 =	vadd.s32 v6, v9  }
0x43f: {  	s8 =	sadd.s32 $0xA230, s5;
	s11 =	sadd.s32 $0xA220, s5;
	s5 =	sadd.s32 $0xA210, s5;
	v14 =	vld.idx.msk [tilespmem:v25+s20+$0x0], $0xffff;
	[tilespmem:s19+$0x100] =	vst v24;
	v10 =	vadd.s32 v8, v9;
	v20 =	vadd.s32 v7, v9  }
.LBB2_70:
0x440: {  	s21 =	sadd.s32 $0x8, s21;
	v22 =	vld.idx.msk [tilespmem:v21+s20+$0x0], $0xffff;
	[tilespmem:s19+$0x180] =	vst v16;
	s19 =	sadd.s32 $0x1000, s19  }
0x441: {  	v23 =	vadd.s32 v5, v9;
	v16 =	vmov s21;
	p1 =	slt.u32 s21, $0x18;
	[tilespmem:s19+$0xFFFFFE00] =	vst v15;
	v24 =	vld.idx.msk [tilespmem:v19+s20+$0x0], $0xffff  }
0x442: {  	v25 =	vadd.s32 v2, v9;
	v15 =	vshrl.u32 v16, $0x3;
	[tilespmem:s19+$0xFFFFFE80] =	vst v13;
	v16 =	vld.idx.msk [tilespmem:v18+s20+$0x0], $0xffff  }
.Ltmp33:
0x443: {  	v21 =	vadd.s32 v3, v9;
	v13 =	vshll.u32 v15, $0xB;
	v15 =	vld.idx.msk [tilespmem:v17+s20+$0x0], $0xffff;
	[tilespmem:s19+$0xFFFFFF00] =	vst v11;
	(pc) =	sbr.rel @p1 .LBB2_70-.Ltmp33, $4  }
0x444: {  	v19 =	vadd.s32 v4, v9;
	v26 =	vbroadcast v13, $0x0;
	v13 =	vld.idx.msk [tilespmem:v20+s20+$0x0], $0xffff;
	[tilespmem:s19+$0xFFFFFF80] =	vst v12  }
0x445: {  	v18 =	vadd.s32 v1, v9;
	v11 =	vld.idx.msk [tilespmem:v10+s20+$0x0], $0xffff;
	[tilespmem:s19+$0x0] =	vst v14  }
0x446: {  	v17 =	vadd.s32 v6, v26;
	v10 =	vadd.s32 v8, v26;
	v12 =	vld.idx.msk [tilespmem:v23+s20+$0x0], $0xffff;
	[tilespmem:s19+$0x80] =	vst v22;
	v9 =	vmov v26  }
0x447: {  	v20 =	vadd.s32 v7, v9;
	v14 =	vld.idx.msk [tilespmem:v25+s20+$0x0], $0xffff;
	[tilespmem:s19+$0x100] =	vst v24  }
0x448: {  	_ =	sdelay $0x2  }
0x449: {  	v6 =	vld [tilespmem:s14+$0x10];
	[tilespmem:s19+$0x180] =	vst v16;
	s29 =	sadd.s32 $0x1000, s19  }
0x44a: {  	v7 =	vld.idx.msk [tilespmem:v21+s20+$0x0], $0xffff;
	[tilespmem:s29+$0xFFFFFE00] =	vst v15  }
0x44b: {  	s21 =	simm.s32 $0x0;
	v8 =	vld.idx.msk [tilespmem:v19+s20+$0x0], $0xffff;
	[tilespmem:s29+$0xFFFFFE80] =	vst v13  }
0x44c: {  	v5 =	vadd.s32 v5, v9;
	v15 =	vmov s21;
	v13 =	vld.idx.msk [tilespmem:v18+s20+$0x0], $0xffff;
	[tilespmem:s29+$0xFFFFFF00] =	vst v11  }
0x44d: {  	v16 =	vadd.s32 v2, v9;
	v3 =	vadd.s32 v3, v9;
	v2 =	vshrl.u32 v15, $0x3;
	[tilespmem:s29+$0xFFFFFF80] =	vst v12  }
0x44e: {  	v10 =	vld.idx.msk [tilespmem:v10+s20+$0x0], $0xffff;
	v11 =	vadd.s32 v4, v9;
	v2 =	vshll.u32 v2, $0xB;
	[tilespmem:s29+$0x0] =	vst v14;
	v4 =	vshll.u32 v6, $0x3  }
0x44f: {  	v15 =	vld.idx.msk [tilespmem:v17+s20+$0x0], $0xffff;
	v12 =	vbroadcast v2, $0x0;
	v6 =	vand.u32 $0x7F, v6;
	[tilespmem:s29+$0x80] =	vst v7;
	v4 =	vand.u32 $0xFFFFFC00, v4  }
0x450: {  	v17 =	vld.idx.msk [tilespmem:v20+s20+$0x0], $0xffff;
	v9 =	vadd.s32 v1, v9;
	[tilespmem:s29+$0x100] =	vst v8;
	v1 =	vor.u32 v6, v4  }
0x451: {  	s19 =	sadd.s32 $0x1000, s29;
	v14 =	vld.idx.msk [tilespmem:v5+s20+$0x0], $0xffff;
	[tilespmem:s29+$0x180] =	vst v13;
	s29 =	simm.s32 $0x8;
	v2 =	vor.u32 $0x80, v1;
	v18 =	vadd.s32 v1, v12  }
0x452: {  	v20 =	vld.idx.msk [tilespmem:v3+s20+$0x0], $0xffff;
	v3 =	vmov s29;
	v5 =	vor.u32 $0x100, v1;
	v19 =	vadd.s32 v2, v12  }
0x453: {  	v16 =	vld.idx.msk [tilespmem:v16+s20+$0x0], $0xffff;
	[tilespmem:s19+$0xFFFFFF00] =	vst v10;
	v4 =	vor.u32 $0x180, v1;
	v3 =	vshrl.u32 v3, $0x3;
	v13 =	vadd.s32 v5, v12  }
0x454: {  	[tilespmem:s19+$0xFFFFFE00] =	vst v15;
	v11 =	vld.idx.msk [tilespmem:v11+s20+$0x0], $0xffff;
	v6 =	vor.u32 $0x200, v1;
	v15 =	vadd.s32 v4, v12;
	v10 =	vshll.u32 v3, $0xB  }
0x455: {  	[tilespmem:s19+$0xFFFFFE80] =	vst v17;
	v9 =	vld.idx.msk [tilespmem:v9+s20+$0x0], $0xffff;
	v7 =	vor.u32 $0x280, v1;
	v17 =	vadd.s32 v6, v12;
	v10 =	vbroadcast v10, $0x0  }
0x456: {  	v21 =	vadd.s32 v7, v12;
	[tilespmem:s19+$0xFFFFFF80] =	vst v14;
	v18 =	vld.idx.msk [tilespmem:v18+s20+$0x0], $0xffff  }
0x457: {  	v8 =	vor.u32 $0x300, v1;
	[tilespmem:s19+$0x80] =	vst v20;
	v20 =	vadd.s32 v1, v10;
	v14 =	vld.idx.msk [tilespmem:v19+s20+$0x0], $0xffff  }
0x458: {  	v3 =	vor.u32 $0x380, v1;
	v19 =	vadd.s32 v8, v12;
	v13 =	vld.idx.msk [tilespmem:v13+s20+$0x0], $0xffff  }
0x459: {  	[tilespmem:s19+$0x0] =	vst v16;
	v12 =	vadd.s32 v3, v12;
	v22 =	vld.idx.msk [tilespmem:v15+s20+$0x0], $0xffff  }
0x45a: {  	[tilespmem:s19+$0x100] =	vst v11;
	v11 =	vadd.s32 v2, v10;
	v17 =	vld.idx.msk [tilespmem:v17+s20+$0x0], $0xffff  }
0x45b: {  	[tilespmem:s19+$0x180] =	vst v9;
	v23 =	vadd.s32 v5, v10;
	s19 =	simm.s32 $0x10;
	v24 =	vld.idx.msk [tilespmem:v21+s20+$0x0], $0xffff  }
0x45c: {  	v25 =	vadd.s32 v4, v10;
	v9 =	vmov s19;
	v15 =	vld.idx.msk [tilespmem:v20+s20+$0x0], $0xffff;
	[tilespmem:s5+$0xFFFFFE00] =	vst v18  }
0x45d: {  	v27 =	vadd.s32 v6, v10;
	v9 =	vshrl.u32 v9, $0x3;
	v26 =	vld.idx.msk [tilespmem:v19+s20+$0x0], $0xffff;
	[tilespmem:s5+$0xFFFFFE80] =	vst v14  }
0x45e: {  	v21 =	vadd.s32 v7, v10;
	v9 =	vshll.u32 v9, $0xB;
	v16 =	vld.idx.msk [tilespmem:v12+s20+$0x0], $0xffff;
	[tilespmem:s5+$0xFFFFFF00] =	vst v13  }
0x45f: {  	v9 =	vbroadcast v9, $0x0;
	v20 =	vadd.s32 v8, v10;
	v14 =	vld.idx.msk [tilespmem:v11+s20+$0x0], $0xffff;
	[tilespmem:s5+$0xFFFFFF80] =	vst v22  }
0x460: {  	v12 =	vld.idx.msk [tilespmem:v23+s20+$0x0], $0xffff;
	[tilespmem:s5+$0x0] =	vst v17;
	v19 =	vadd.s32 v3, v10  }
0x461: {  	v17 =	vadd.s32 v1, v9;
	v13 =	vld.idx.msk [tilespmem:v25+s20+$0x0], $0xffff;
	[tilespmem:s5+$0x80] =	vst v24  }
0x462: {  	v18 =	vadd.s32 v2, v9;
	v10 =	vadd.s32 v5, v9;
	v11 =	vld.idx.msk [tilespmem:v27+s20+$0x0], $0xffff;
	[tilespmem:s5+$0x100] =	vst v26  }
.LBB2_72:
0x463: {  	s19 =	sadd.s32 $0x8, s19;
	v22 =	vld.idx.msk [tilespmem:v21+s20+$0x0], $0xffff;
	[tilespmem:s5+$0x180] =	vst v16;
	s5 =	sadd.s32 $0x1000, s5  }
0x464: {  	v23 =	vadd.s32 v4, v9;
	v16 =	vmov s19;
	p1 =	slt.u32 s19, $0x18;
	[tilespmem:s5+$0xFFFFFE00] =	vst v15;
	v24 =	vld.idx.msk [tilespmem:v20+s20+$0x0], $0xffff  }
0x465: {  	v25 =	vadd.s32 v6, v9;
	v15 =	vshrl.u32 v16, $0x3;
	[tilespmem:s5+$0xFFFFFE80] =	vst v14;
	v16 =	vld.idx.msk [tilespmem:v19+s20+$0x0], $0xffff  }
.Ltmp34:
0x466: {  	v21 =	vadd.s32 v7, v9;
	v14 =	vshll.u32 v15, $0xB;
	v15 =	vld.idx.msk [tilespmem:v17+s20+$0x0], $0xffff;
	[tilespmem:s5+$0xFFFFFF00] =	vst v12;
	(pc) =	sbr.rel @p1 .LBB2_72-.Ltmp34, $4  }
0x467: {  	v20 =	vadd.s32 v8, v9;
	v26 =	vbroadcast v14, $0x0;
	v14 =	vld.idx.msk [tilespmem:v18+s20+$0x0], $0xffff;
	[tilespmem:s5+$0xFFFFFF80] =	vst v13  }
0x468: {  	v19 =	vadd.s32 v3, v9;
	v12 =	vld.idx.msk [tilespmem:v10+s20+$0x0], $0xffff;
	[tilespmem:s5+$0x0] =	vst v11  }
0x469: {  	v17 =	vadd.s32 v1, v26;
	v10 =	vadd.s32 v5, v26;
	v13 =	vld.idx.msk [tilespmem:v23+s20+$0x0], $0xffff;
	[tilespmem:s5+$0x80] =	vst v22;
	v9 =	vmov v26  }
0x46a: {  	v18 =	vadd.s32 v2, v9;
	v11 =	vld.idx.msk [tilespmem:v25+s20+$0x0], $0xffff;
	[tilespmem:s5+$0x100] =	vst v24  }
0x46b: {  	_ =	sdelay $0x1  }
0x46c: {  	v1 =	vld [tilespmem:s14+$0x20];
	_ =	sdelay $0x1  }
0x46d: {  	v2 =	vld.idx.msk [tilespmem:v21+s20+$0x0], $0xffff;
	[tilespmem:s5+$0x180] =	vst v16;
	s21 =	sadd.s32 $0x1000, s5;
	s19 =	simm.s32 $0x0  }
0x46e: {  	v4 =	vadd.s32 v4, v9;
	v5 =	vld.idx.msk [tilespmem:v20+s20+$0x0], $0xffff;
	[tilespmem:s21+$0xFFFFFE00] =	vst v15;
	v15 =	vmov s19  }
0x46f: {  	v6 =	vadd.s32 v6, v9;
	v7 =	vadd.s32 v7, v9;
	v16 =	vld.idx.msk [tilespmem:v17+s20+$0x0], $0xffff;
	[tilespmem:s21+$0xFFFFFE80] =	vst v14;
	v15 =	vshrl.u32 v15, $0x3  }
0x470: {  	v8 =	vadd.s32 v8, v9;
	v14 =	vld.idx.msk [tilespmem:v19+s20+$0x0], $0xffff;
	[tilespmem:s21+$0xFFFFFF00] =	vst v12;
	v15 =	vshll.u32 v15, $0xB;
	v12 =	vshll.u32 v1, $0x3  }
0x471: {  	v17 =	vld.idx.msk [tilespmem:v18+s20+$0x0], $0xffff;
	[tilespmem:s21+$0xFFFFFF80] =	vst v13;
	v13 =	vbroadcast v15, $0x0;
	v1 =	vand.u32 $0x7F, v1;
	v12 =	vand.u32 $0xFFFFFC00, v12  }
0x472: {  	v10 =	vld.idx.msk [tilespmem:v10+s20+$0x0], $0xffff;
	v3 =	vadd.s32 v3, v9;
	[tilespmem:s21+$0x0] =	vst v11;
	v1 =	vor.u32 v1, v12  }
0x473: {  	v9 =	vld.idx.msk [tilespmem:v4+s20+$0x0], $0xffff;
	[tilespmem:s21+$0x80] =	vst v2;
	v2 =	vor.u32 $0x80, v1;
	v11 =	vadd.s32 v1, v13  }
0x474: {  	[tilespmem:s21+$0x100] =	vst v5;
	v18 =	vld.idx.msk [tilespmem:v7+s20+$0x0], $0xffff;
	v5 =	vor.u32 $0x100, v1;
	v15 =	vadd.s32 v2, v13  }
0x475: {  	s29 =	simm.s32 $0x8;
	s5 =	sadd.s32 $0x1000, s21;
	[tilespmem:s21+$0x180] =	vst v14;
	v12 =	vld.idx.msk [tilespmem:v6+s20+$0x0], $0xffff;
	v4 =	vor.u32 $0x180, v1;
	v14 =	vadd.s32 v5, v13  }
0x476: {  	v19 =	vmov s29;
	[tilespmem:s5+$0xFFFFFE00] =	vst v16;
	v16 =	vld.idx.msk [tilespmem:v8+s20+$0x0], $0xffff;
	v6 =	vor.u32 $0x200, v1;
	v20 =	vadd.s32 v4, v13  }
0x477: {  	[tilespmem:s5+$0xFFFFFE80] =	vst v17;
	v17 =	vld.idx.msk [tilespmem:v3+s20+$0x0], $0xffff;
	v3 =	vshrl.u32 v19, $0x3;
	v7 =	vor.u32 $0x280, v1;
	v19 =	vadd.s32 v6, v13  }
0x478: {  	[tilespmem:s5+$0xFFFFFF00] =	vst v10;
	v10 =	vshll.u32 v3, $0xB;
	v8 =	vor.u32 $0x300, v1;
	v21 =	vadd.s32 v7, v13;
	v11 =	vld.idx.msk [tilespmem:v11+s20+$0x0], $0xffff  }
0x479: {  	v10 =	vbroadcast v10, $0x0;
	v3 =	vor.u32 $0x380, v1;
	[tilespmem:s5+$0xFFFFFF80] =	vst v9;
	v9 =	vld.idx.msk [tilespmem:v15+s20+$0x0], $0xffff;
	v15 =	vadd.s32 v8, v13  }
0x47a: {  	[tilespmem:s5+$0x0] =	vst v12;
	v12 =	vld.idx.msk [tilespmem:v14+s20+$0x0], $0xffff;
	v13 =	vadd.s32 v3, v13  }
0x47b: {  	[tilespmem:s5+$0x80] =	vst v18;
	v14 =	vadd.s32 v1, v10;
	v18 =	vld.idx.msk [tilespmem:v20+s20+$0x0], $0xffff  }
0x47c: {  	[tilespmem:s5+$0x100] =	vst v16;
	v20 =	vadd.s32 v2, v10;
	v19 =	vld.idx.msk [tilespmem:v19+s20+$0x0], $0xffff  }
0x47d: {  	[tilespmem:s5+$0x180] =	vst v17;
	v17 =	vadd.s32 v5, v10;
	s5 =	simm.s32 $0x10;
	v22 =	vld.idx.msk [tilespmem:v21+s20+$0x0], $0xffff  }
0x47e: {  	v23 =	vadd.s32 v4, v10;
	v16 =	vmov s5;
	[tilespmem:s11+$0xFFFFFE00] =	vst v11;
	v24 =	vld.idx.msk [tilespmem:v15+s20+$0x0], $0xffff  }
0x47f: {  	v25 =	vadd.s32 v6, v10;
	v11 =	vshrl.u32 v16, $0x3;
	[tilespmem:s11+$0xFFFFFE80] =	vst v9;
	v16 =	vld.idx.msk [tilespmem:v13+s20+$0x0], $0xffff  }
0x480: {  	v21 =	vadd.s32 v7, v10;
	v9 =	vshll.u32 v11, $0xB;
	v15 =	vld.idx.msk [tilespmem:v14+s20+$0x0], $0xffff;
	[tilespmem:s11+$0xFFFFFF00] =	vst v12  }
0x481: {  	v14 =	vld.idx.msk [tilespmem:v20+s20+$0x0], $0xffff;
	[tilespmem:s11+$0xFFFFFF80] =	vst v18;
	v20 =	vadd.s32 v8, v10;
	v9 =	vbroadcast v9, $0x0  }
0x482: {  	v12 =	vld.idx.msk [tilespmem:v17+s20+$0x0], $0xffff;
	[tilespmem:s11+$0x0] =	vst v19;
	v19 =	vadd.s32 v3, v10  }
0x483: {  	v13 =	vld.idx.msk [tilespmem:v23+s20+$0x0], $0xffff;
	[tilespmem:s11+$0x80] =	vst v22;
	v17 =	vadd.s32 v1, v9  }
0x484: {  	v11 =	vld.idx.msk [tilespmem:v25+s20+$0x0], $0xffff;
	v10 =	vadd.s32 v5, v9;
	v18 =	vadd.s32 v2, v9;
	[tilespmem:s11+$0x100] =	vst v24  }
.LBB2_74:
0x485: {  	s5 =	sadd.s32 $0x8, s5;
	v22 =	vld.idx.msk [tilespmem:v21+s20+$0x0], $0xffff;
	[tilespmem:s11+$0x180] =	vst v16;
	s11 =	sadd.s32 $0x1000, s11  }
0x486: {  	v23 =	vadd.s32 v4, v9;
	v16 =	vmov s5;
	p1 =	slt.u32 s5, $0x18;
	[tilespmem:s11+$0xFFFFFE00] =	vst v15;
	v24 =	vld.idx.msk [tilespmem:v20+s20+$0x0], $0xffff  }
0x487: {  	v25 =	vadd.s32 v6, v9;
	v15 =	vshrl.u32 v16, $0x3;
	[tilespmem:s11+$0xFFFFFE80] =	vst v14;
	v16 =	vld.idx.msk [tilespmem:v19+s20+$0x0], $0xffff  }
.Ltmp35:
0x488: {  	v21 =	vadd.s32 v7, v9;
	v14 =	vshll.u32 v15, $0xB;
	v15 =	vld.idx.msk [tilespmem:v17+s20+$0x0], $0xffff;
	[tilespmem:s11+$0xFFFFFF00] =	vst v12;
	(pc) =	sbr.rel @p1 .LBB2_74-.Ltmp35, $4  }
0x489: {  	v20 =	vadd.s32 v8, v9;
	v26 =	vbroadcast v14, $0x0;
	v14 =	vld.idx.msk [tilespmem:v18+s20+$0x0], $0xffff;
	[tilespmem:s11+$0xFFFFFF80] =	vst v13  }
0x48a: {  	v19 =	vadd.s32 v3, v9;
	v12 =	vld.idx.msk [tilespmem:v10+s20+$0x0], $0xffff;
	[tilespmem:s11+$0x0] =	vst v11  }
0x48b: {  	v17 =	vadd.s32 v1, v26;
	v10 =	vadd.s32 v5, v26;
	v13 =	vld.idx.msk [tilespmem:v23+s20+$0x0], $0xffff;
	[tilespmem:s11+$0x80] =	vst v22;
	v9 =	vmov v26  }
0x48c: {  	v18 =	vadd.s32 v2, v9;
	v11 =	vld.idx.msk [tilespmem:v25+s20+$0x0], $0xffff;
	[tilespmem:s11+$0x100] =	vst v24  }
0x48d: {  	_ =	sdelay $0x2  }
0x48e: {  	v1 =	vld [tilespmem:s14+$0x30]  }
0x48f: {  	v2 =	vld.idx.msk [tilespmem:v21+s20+$0x0], $0xffff;
	[tilespmem:s11+$0x180] =	vst v16;
	s5 =	sadd.s32 $0x1000, s11  }
0x490: {  	s21 =	simm.s32 $0x0;
	v4 =	vadd.s32 v4, v9;
	v5 =	vld.idx.msk [tilespmem:v20+s20+$0x0], $0xffff;
	[tilespmem:s5+$0xFFFFFE00] =	vst v15  }
0x491: {  	v6 =	vadd.s32 v6, v9;
	v16 =	vld.idx.msk [tilespmem:v17+s20+$0x0], $0xffff;
	v15 =	vmov s21;
	[tilespmem:s5+$0xFFFFFE80] =	vst v14  }
0x492: {  	v7 =	vadd.s32 v7, v9;
	v14 =	vld.idx.msk [tilespmem:v19+s20+$0x0], $0xffff;
	v15 =	vshrl.u32 v15, $0x3;
	[tilespmem:s5+$0xFFFFFF00] =	vst v12  }
0x493: {  	v8 =	vadd.s32 v8, v9;
	v17 =	vld.idx.msk [tilespmem:v18+s20+$0x0], $0xffff;
	v15 =	vshll.u32 v15, $0xB;
	[tilespmem:s5+$0xFFFFFF80] =	vst v13;
	v12 =	vshll.u32 v1, $0x3  }
0x494: {  	v10 =	vld.idx.msk [tilespmem:v10+s20+$0x0], $0xffff;
	v13 =	vbroadcast v15, $0x0;
	[tilespmem:s5+$0x0] =	vst v11;
	v1 =	vand.u32 $0x7F, v1;
	v12 =	vand.u32 $0xFFFFFC00, v12  }
0x495: {  	v9 =	vadd.s32 v3, v9;
	v11 =	vld.idx.msk [tilespmem:v4+s20+$0x0], $0xffff;
	[tilespmem:s5+$0x80] =	vst v2;
	v1 =	vor.u32 v1, v12  }
0x496: {  	s29 =	simm.s32 $0x8;
	v15 =	vld.idx.msk [tilespmem:v6+s20+$0x0], $0xffff;
	[tilespmem:s5+$0x100] =	vst v5;
	v2 =	vor.u32 $0x80, v1;
	v12 =	vadd.s32 v1, v13  }
0x497: {  	v19 =	vld.idx.msk [tilespmem:v7+s20+$0x0], $0xffff;
	v7 =	vmov s29;
	[tilespmem:s5+$0x180] =	vst v14;
	s5 =	sadd.s32 $0x1000, s5;
	v4 =	vor.u32 $0x100, v1;
	v18 =	vadd.s32 v2, v13  }
0x498: {  	[tilespmem:s5+$0xFFFFFE00] =	vst v16;
	v16 =	vld.idx.msk [tilespmem:v8+s20+$0x0], $0xffff;
	v8 =	vshrl.u32 v7, $0x3;
	v3 =	vor.u32 $0x180, v1;
	v14 =	vadd.s32 v4, v13  }
0x499: {  	[tilespmem:s5+$0xFFFFFF00] =	vst v10;
	v5 =	vor.u32 $0x200, v1;
	v10 =	vshll.u32 v8, $0xB;
	v20 =	vadd.s32 v3, v13  }
0x49a: {  	v9 =	vld.idx.msk [tilespmem:v9+s20+$0x0], $0xffff;
	[tilespmem:s5+$0xFFFFFE80] =	vst v17;
	v6 =	vor.u32 $0x280, v1;
	v17 =	vadd.s32 v5, v13;
	v10 =	vbroadcast v10, $0x0  }
0x49b: {  	v21 =	vadd.s32 v6, v13;
	[tilespmem:s5+$0xFFFFFF80] =	vst v11;
	v12 =	vld.idx.msk [tilespmem:v12+s20+$0x0], $0xffff  }
0x49c: {  	v7 =	vor.u32 $0x300, v1;
	[tilespmem:s5+$0x0] =	vst v15;
	v15 =	vadd.s32 v1, v10;
	v11 =	vld.idx.msk [tilespmem:v18+s20+$0x0], $0xffff  }
0x49d: {  	v8 =	vor.u32 $0x380, v1;
	v18 =	vadd.s32 v7, v13;
	v14 =	vld.idx.msk [tilespmem:v14+s20+$0x0], $0xffff  }
0x49e: {  	[tilespmem:s5+$0x80] =	vst v19;
	v13 =	vadd.s32 v8, v13;
	v19 =	vld.idx.msk [tilespmem:v20+s20+$0x0], $0xffff  }
0x49f: {  	[tilespmem:s5+$0x180] =	vst v9;
	v26 =	vadd.s32 v5, v10;
	v17 =	vld.idx.msk [tilespmem:v17+s20+$0x0], $0xffff  }
0x4a0: {  	[tilespmem:s5+$0x100] =	vst v16;
	s5 =	simm.s32 $0x10;
	v20 =	vadd.s32 v2, v10;
	v23 =	vld.idx.msk [tilespmem:v21+s20+$0x0], $0xffff  }
0x4a1: {  	v22 =	vadd.s32 v4, v10;
	v9 =	vmov s5;
	[tilespmem:s8+$0xFFFFFE00] =	vst v12;
	v12 =	vld.idx.msk [tilespmem:v15+s20+$0x0], $0xffff  }
0x4a2: {  	v24 =	vadd.s32 v3, v10;
	v9 =	vshrl.u32 v9, $0x3;
	v25 =	vld.idx.msk [tilespmem:v18+s20+$0x0], $0xffff;
	[tilespmem:s8+$0xFFFFFE80] =	vst v11  }
0x4a3: {  	v21 =	vadd.s32 v6, v10;
	v9 =	vshll.u32 v9, $0xB;
	v16 =	vld.idx.msk [tilespmem:v13+s20+$0x0], $0xffff;
	[tilespmem:s8+$0xFFFFFF00] =	vst v14  }
0x4a4: {  	v9 =	vbroadcast v9, $0x0;
	v15 =	vld.idx.msk [tilespmem:v26+s20+$0x0], $0xffff;
	[tilespmem:s8+$0xFFFFFF80] =	vst v19;
	v19 =	vadd.s32 v7, v10  }
0x4a5: {  	v13 =	vld.idx.msk [tilespmem:v20+s20+$0x0], $0xffff;
	[tilespmem:s8+$0x0] =	vst v17;
	v18 =	vadd.s32 v8, v10  }
0x4a6: {  	v11 =	vld.idx.msk [tilespmem:v22+s20+$0x0], $0xffff;
	v17 =	vadd.s32 v1, v9;
	[tilespmem:s8+$0x80] =	vst v23  }
0x4a7: {  	v14 =	vld.idx.msk [tilespmem:v24+s20+$0x0], $0xffff;
	v10 =	vadd.s32 v4, v9;
	v20 =	vadd.s32 v2, v9;
	[tilespmem:s8+$0x100] =	vst v25  }
.LBB2_76:
0x4a8: {  	s5 =	sadd.s32 $0x8, s5;
	v22 =	vld.idx.msk [tilespmem:v21+s20+$0x0], $0xffff;
	[tilespmem:s8+$0x180] =	vst v16;
	s8 =	sadd.s32 $0x1000, s8  }
0x4a9: {  	v23 =	vadd.s32 v3, v9;
	v16 =	vmov s5;
	p1 =	slt.u32 s5, $0x18;
	[tilespmem:s8+$0xFFFFFE00] =	vst v12;
	v24 =	vld.idx.msk [tilespmem:v19+s20+$0x0], $0xffff  }
0x4aa: {  	v25 =	vadd.s32 v5, v9;
	v12 =	vshrl.u32 v16, $0x3;
	[tilespmem:s8+$0xFFFFFE80] =	vst v13;
	v16 =	vld.idx.msk [tilespmem:v18+s20+$0x0], $0xffff  }
.Ltmp36:
0x4ab: {  	v21 =	vadd.s32 v6, v9;
	v13 =	vshll.u32 v12, $0xB;
	v12 =	vld.idx.msk [tilespmem:v17+s20+$0x0], $0xffff;
	[tilespmem:s8+$0xFFFFFF00] =	vst v11;
	(pc) =	sbr.rel @p1 .LBB2_76-.Ltmp36, $4  }
0x4ac: {  	v19 =	vadd.s32 v7, v9;
	v26 =	vbroadcast v13, $0x0;
	v13 =	vld.idx.msk [tilespmem:v20+s20+$0x0], $0xffff;
	[tilespmem:s8+$0xFFFFFF80] =	vst v14  }
0x4ad: {  	v18 =	vadd.s32 v8, v9;
	v11 =	vld.idx.msk [tilespmem:v10+s20+$0x0], $0xffff;
	[tilespmem:s8+$0x0] =	vst v15  }
0x4ae: {  	v17 =	vadd.s32 v1, v26;
	v10 =	vadd.s32 v4, v26;
	v14 =	vld.idx.msk [tilespmem:v23+s20+$0x0], $0xffff;
	[tilespmem:s8+$0x80] =	vst v22;
	v9 =	vmov v26  }
0x4af: {  	v20 =	vadd.s32 v2, v9;
	v15 =	vld.idx.msk [tilespmem:v25+s20+$0x0], $0xffff;
	[tilespmem:s8+$0x100] =	vst v24  }
0x4b0: {  	_ =	sdelay $0x2  }
0x4b1: {  	[tilespmem:s8+$0x180] =	vst v16;
	s5 =	sadd.s32 $0x1000, s8  }
0x4b2: {  	v1 =	vld.idx.msk [tilespmem:v21+s20+$0x0], $0xffff;
	[tilespmem:s5+$0xFFFFFE00] =	vst v12  }
0x4b3: {  	v2 =	vadd.s32 v3, v9;
	v3 =	vld.idx.msk [tilespmem:v19+s20+$0x0], $0xffff;
	[tilespmem:s5+$0xFFFFFE80] =	vst v13  }
0x4b4: {  	v4 =	vadd.s32 v5, v9;
	v59 =	vld.idx.msk [tilespmem:v18+s20+$0x0], $0xffff;
	[tilespmem:s5+$0xFFFFFF00] =	vst v11  }
0x4b5: {  	v60 =	vld.idx.msk [tilespmem:v17+s20+$0x0], $0xffff;
	v6 =	vadd.s32 v6, v9;
	[tilespmem:s5+$0xFFFFFF80] =	vst v14  }
0x4b6: {  	v61 =	vld.idx.msk [tilespmem:v20+s20+$0x0], $0xffff;
	v7 =	vadd.s32 v7, v9;
	[tilespmem:s5+$0x0] =	vst v15  }
0x4b7: {  	v10 =	vld.idx.msk [tilespmem:v10+s20+$0x0], $0xffff;
	v8 =	vadd.s32 v8, v9;
	[tilespmem:s5+$0x80] =	vst v1  }
0x4b8: {  	v1 =	vld.idx.msk [tilespmem:v2+s20+$0x0], $0xffff;
	[tilespmem:s5+$0x100] =	vst v3  }
0x4b9: {  	v2 =	vld.idx.msk [tilespmem:v4+s20+$0x0], $0xffff;
	[tilespmem:s5+$0x180] =	vst v59;
	s5 =	sadd.s32 $0x1000, s5  }
0x4ba: {  	v3 =	vld.idx.msk [tilespmem:v6+s20+$0x0], $0xffff;
	[tilespmem:s5+$0xFFFFFE00] =	vst v60  }
0x4bb: {  	v62 =	vld.idx.msk [tilespmem:v7+s20+$0x0], $0xffff;
	[tilespmem:s5+$0xFFFFFE80] =	vst v61  }
0x4bc: {  	p1 =	slt.u32 s7, $0x1C;
	v63 =	vld.idx.msk [tilespmem:v8+s20+$0x0], $0xffff;
	[tilespmem:s5+$0xFFFFFF00] =	vst v10  }
.Ltmp37:
0x4bd: {  	[tilespmem:s5+$0xFFFFFF80] =	vst v1;
	(pc) =	sbr.rel @p1 .LBB2_69-.Ltmp37, $4  }
0x4be: {  	[tilespmem:s5+$0x0] =	vst v2  }
0x4bf: {  	[tilespmem:s5+$0x80] =	vst v3  }
0x4c0: {  	[tilespmem:s5+$0x100] =	vst v62  }
0x4c1: {  	s7 =	sadd.s32 $0x4, s7;
	s4 =	sadd.s32 $0x200, s4;
	p0 =	por !p0, !p0;
	[tilespmem:s5+$0x180] =	vst v63  }
0x4c2: {  	s4 =	sshll.u32 s0, $0x14  }
0x4c3: {  	s5 =	sadd.s32 s15, s4  }
0x4c4: {  	s5 =	sshrl.u32 s5, $0x3  }
0x4c5: {  	s5 =	sadd.s32 s3, s5  }
0x4c6: {  	[hbm4b:s5+s22] =	stream.strided.scatter [tilespmem:s26], [sflag:$0x3], $0x4000, s23, s22, $0x38;
	[tilespmem:$0x14000] =	vst v63  }
0x4c7: {  	_ =	swait.ge [sflag:s31], $0x4000  }
0x4c8: {  	s25 =	sor.u32 $0x80, s25;
	s8 =	simm.s32 $0x0;
	[sflag:s31] =	ssyncset.done $0x0  }
0x4c9: {  	p0 =	por $0x0, $0x0;
	s7 =	simm.s32 $0x0;
	v0 =	vmov s25;
	[sflag:s31] =	ssyncadd.s32 $0xFFFFC000  }
.LBB2_79:
0x4ca: {  	s5 =	sshll.u32 s8, $0x7  }
0x4cb: {  	s11 =	sshll.u32 s8, $0x4;
	s5 =	sand.u32 $0xC00, s5  }
0x4cc: {  	s11 =	sand.u32 $0x40, s11;
	s5 =	sadd.s32 s5, s2  }
0x4cd: {  	s19 =	sadd.s32 s11, s5  }
0x4ce: {  	v1 =	vld.idx.msk [tilespmem:v0+s19+$0x0 ss:$0x1], $0xffff;
	_ =	sdelay $0x1  }
0x4cf: {  	s11 =	simm.s32 $0x0  }
0x4d0: {  	v2 =	vmov s11  }
0x4d1: {  	v2 =	vshrl.u32 v2, $0x3  }
0x4d2: {  	v2 =	vshll.u32 v2, $0xB;
	v3 =	vshll.u32 v1, $0x3  }
0x4d3: {  	v9 =	vbroadcast v2, $0x0;
	v1 =	vand.u32 $0x7F, v1;
	v3 =	vand.u32 $0xFFFFFC00, v3  }
0x4d4: {  	v6 =	vor.u32 v1, v3  }
0x4d5: {  	v7 =	vor.u32 $0x80, v6;
	v1 =	vadd.s32 v6, v9  }
0x4d6: {  	s14 =	simm.s32 $0x8;
	v8 =	vor.u32 $0x100, v6;
	v10 =	vadd.s32 v7, v9  }
0x4d7: {  	v4 =	vmov s14;
	v5 =	vor.u32 $0x180, v6;
	v11 =	vadd.s32 v8, v9  }
0x4d8: {  	v13 =	vshrl.u32 v4, $0x3;
	v2 =	vor.u32 $0x200, v6;
	v12 =	vadd.s32 v5, v9  }
0x4d9: {  	v13 =	vshll.u32 v13, $0xB;
	v3 =	vor.u32 $0x280, v6;
	v14 =	vadd.s32 v2, v9  }
0x4da: {  	s5 =	simm.s32 $0x1;
	v17 =	vbroadcast v13, $0x0;
	v4 =	vor.u32 $0x300, v6;
	v16 =	vadd.s32 v3, v9;
	v15 =	vld.idx.msk [tilespmem:v1+s20+$0x0], $0xffff  }
0x4db: {  	s21 =	sshll.u32 s7, $0x2;
	s5 =	simm.s32 @!p0 $0x0;
	v13 =	vadd.s32 v4, v9;
	v10 =	vld.idx.msk [tilespmem:v10+s20+$0x0], $0xffff  }
0x4dc: {  	s11 =	sand.u32 $0xFFFFF000, s21;
	s5 =	sshll.u32 s5, $0x8;
	v18 =	vadd.s32 v6, v17;
	v1 =	vor.u32 $0x380, v6;
	v11 =	vld.idx.msk [tilespmem:v11+s20+$0x0], $0xffff  }
0x4dd: {  	s5 =	sor.u32 s5, s11;
	v9 =	vadd.s32 v1, v9;
	v12 =	vld.idx.msk [tilespmem:v12+s20+$0x0], $0xffff  }
0x4de: {  	s5 =	sshrl.u32 s5, $0x2;
	v19 =	vadd.s32 v7, v17;
	v14 =	vld.idx.msk [tilespmem:v14+s20+$0x0], $0xffff  }
0x4df: {  	s29 =	simm.s32 $0x10;
	s21 =	sadd.s32 $0xE000, s5;
	v20 =	vadd.s32 v8, v17;
	v22 =	vld.idx.msk [tilespmem:v16+s20+$0x0], $0xffff  }
0x4e0: {  	v23 =	vadd.s32 v5, v17;
	v16 =	vmov s29;
	v24 =	vld.idx.msk [tilespmem:v13+s20+$0x0], $0xffff;
	[tilespmem:s21+$0x0] =	vst v15  }
0x4e1: {  	v25 =	vadd.s32 v2, v17;
	v13 =	vshrl.u32 v16, $0x3;
	v15 =	vld.idx.msk [tilespmem:v18+s20+$0x0], $0xffff;
	[tilespmem:s21+$0x80] =	vst v10  }
0x4e2: {  	v21 =	vadd.s32 v3, v17;
	v16 =	vld.idx.msk [tilespmem:v9+s20+$0x0], $0xffff;
	v9 =	vshll.u32 v13, $0xB;
	[tilespmem:s21+$0x100] =	vst v11  }
0x4e3: {  	v13 =	vld.idx.msk [tilespmem:v19+s20+$0x0], $0xffff;
	[tilespmem:s21+$0x180] =	vst v12;
	v19 =	vadd.s32 v4, v17;
	v9 =	vbroadcast v9, $0x0  }
0x4e4: {  	v18 =	vadd.s32 v1, v17;
	v11 =	vld.idx.msk [tilespmem:v20+s20+$0x0], $0xffff;
	[tilespmem:s21+$0x200] =	vst v14  }
0x4e5: {  	s19 =	sadd.s32 s25, s19;
	v12 =	vld.idx.msk [tilespmem:v23+s20+$0x0], $0xffff;
	[tilespmem:s21+$0x280] =	vst v22;
	v17 =	vadd.s32 v6, v9  }
0x4e6: {  	s11 =	sadd.s32 $0xE030, s5;
	s14 =	sadd.s32 $0xE020, s5;
	s5 =	sadd.s32 $0xE010, s5;
	v14 =	vld.idx.msk [tilespmem:v25+s20+$0x0], $0xffff;
	[tilespmem:s21+$0x300] =	vst v24;
	v10 =	vadd.s32 v8, v9;
	v20 =	vadd.s32 v7, v9  }
.LBB2_80:
0x4e7: {  	s29 =	sadd.s32 $0x8, s29;
	v22 =	vld.idx.msk [tilespmem:v21+s20+$0x0], $0xffff;
	[tilespmem:s21+$0x380] =	vst v16;
	s21 =	sadd.s32 $0x1000, s21  }
0x4e8: {  	v23 =	vadd.s32 v5, v9;
	v16 =	vmov s29;
	p1 =	slt.u32 s29, $0x18;
	[tilespmem:s21+$0x0] =	vst v15;
	v24 =	vld.idx.msk [tilespmem:v19+s20+$0x0], $0xffff  }
0x4e9: {  	v25 =	vadd.s32 v2, v9;
	v15 =	vshrl.u32 v16, $0x3;
	[tilespmem:s21+$0x80] =	vst v13;
	v16 =	vld.idx.msk [tilespmem:v18+s20+$0x0], $0xffff  }
.Ltmp38:
0x4ea: {  	v21 =	vadd.s32 v3, v9;
	v13 =	vshll.u32 v15, $0xB;
	v15 =	vld.idx.msk [tilespmem:v17+s20+$0x0], $0xffff;
	[tilespmem:s21+$0x100] =	vst v11;
	(pc) =	sbr.rel @p1 .LBB2_80-.Ltmp38, $4  }
0x4eb: {  	v19 =	vadd.s32 v4, v9;
	v26 =	vbroadcast v13, $0x0;
	v13 =	vld.idx.msk [tilespmem:v20+s20+$0x0], $0xffff;
	[tilespmem:s21+$0x180] =	vst v12  }
0x4ec: {  	v18 =	vadd.s32 v1, v9;
	v11 =	vld.idx.msk [tilespmem:v10+s20+$0x0], $0xffff;
	[tilespmem:s21+$0x200] =	vst v14  }
0x4ed: {  	v17 =	vadd.s32 v6, v26;
	v10 =	vadd.s32 v8, v26;
	v12 =	vld.idx.msk [tilespmem:v23+s20+$0x0], $0xffff;
	[tilespmem:s21+$0x280] =	vst v22;
	v9 =	vmov v26  }
0x4ee: {  	v20 =	vadd.s32 v7, v9;
	v14 =	vld.idx.msk [tilespmem:v25+s20+$0x0], $0xffff;
	[tilespmem:s21+$0x300] =	vst v24  }
0x4ef: {  	_ =	sdelay $0x1  }
0x4f0: {  	v6 =	vld [tilespmem:s19+$0x10]  }
0x4f1: {  	[tilespmem:s21+$0x380] =	vst v16;
	s21 =	sadd.s32 $0x1000, s21  }
0x4f2: {  	v7 =	vld.idx.msk [tilespmem:v21+s20+$0x0], $0xffff;
	s29 =	simm.s32 $0x0;
	[tilespmem:s21+$0x0] =	vst v15  }
0x4f3: {  	v5 =	vadd.s32 v5, v9;
	v8 =	vld.idx.msk [tilespmem:v19+s20+$0x0], $0xffff;
	v15 =	vmov s29;
	[tilespmem:s21+$0x80] =	vst v13  }
0x4f4: {  	v16 =	vadd.s32 v2, v9;
	v3 =	vadd.s32 v3, v9;
	v13 =	vld.idx.msk [tilespmem:v18+s20+$0x0], $0xffff;
	v2 =	vshrl.u32 v15, $0x3;
	[tilespmem:s21+$0x100] =	vst v11  }
0x4f5: {  	v15 =	vld.idx.msk [tilespmem:v17+s20+$0x0], $0xffff;
	v11 =	vadd.s32 v4, v9;
	v2 =	vshll.u32 v2, $0xB;
	[tilespmem:s21+$0x180] =	vst v12;
	v4 =	vshll.u32 v6, $0x3  }
0x4f6: {  	v10 =	vld.idx.msk [tilespmem:v10+s20+$0x0], $0xffff;
	v12 =	vbroadcast v2, $0x0;
	[tilespmem:s21+$0x200] =	vst v14;
	v6 =	vand.u32 $0x7F, v6;
	v4 =	vand.u32 $0xFFFFFC00, v4  }
0x4f7: {  	v17 =	vld.idx.msk [tilespmem:v20+s20+$0x0], $0xffff;
	v9 =	vadd.s32 v1, v9;
	[tilespmem:s21+$0x280] =	vst v7;
	v1 =	vor.u32 v6, v4  }
0x4f8: {  	s29 =	simm.s32 $0x8;
	v14 =	vld.idx.msk [tilespmem:v5+s20+$0x0], $0xffff;
	[tilespmem:s21+$0x300] =	vst v8;
	v2 =	vor.u32 $0x80, v1;
	v18 =	vadd.s32 v1, v12  }
0x4f9: {  	v20 =	vld.idx.msk [tilespmem:v3+s20+$0x0], $0xffff;
	v3 =	vmov s29;
	[tilespmem:s21+$0x380] =	vst v13;
	s21 =	sadd.s32 $0x1000, s21;
	v5 =	vor.u32 $0x100, v1;
	v19 =	vadd.s32 v2, v12  }
0x4fa: {  	v16 =	vld.idx.msk [tilespmem:v16+s20+$0x0], $0xffff;
	v3 =	vshrl.u32 v3, $0x3;
	[tilespmem:s21+$0x0] =	vst v15;
	v4 =	vor.u32 $0x180, v1;
	v13 =	vadd.s32 v5, v12  }
0x4fb: {  	v11 =	vld.idx.msk [tilespmem:v11+s20+$0x0], $0xffff;
	[tilespmem:s21+$0x100] =	vst v10;
	v10 =	vshll.u32 v3, $0xB;
	v6 =	vor.u32 $0x200, v1;
	v15 =	vadd.s32 v4, v12  }
0x4fc: {  	[tilespmem:s21+$0x80] =	vst v17;
	v9 =	vld.idx.msk [tilespmem:v9+s20+$0x0], $0xffff;
	v7 =	vor.u32 $0x280, v1;
	v10 =	vbroadcast v10, $0x0;
	v17 =	vadd.s32 v6, v12  }
0x4fd: {  	v21 =	vadd.s32 v7, v12;
	[tilespmem:s21+$0x180] =	vst v14;
	v18 =	vld.idx.msk [tilespmem:v18+s20+$0x0], $0xffff  }
0x4fe: {  	v8 =	vor.u32 $0x300, v1;
	[tilespmem:s21+$0x280] =	vst v20;
	v20 =	vadd.s32 v1, v10;
	v14 =	vld.idx.msk [tilespmem:v19+s20+$0x0], $0xffff  }
0x4ff: {  	v3 =	vor.u32 $0x380, v1;
	v19 =	vadd.s32 v8, v12;
	v13 =	vld.idx.msk [tilespmem:v13+s20+$0x0], $0xffff  }
0x500: {  	[tilespmem:s21+$0x200] =	vst v16;
	v12 =	vadd.s32 v3, v12;
	v22 =	vld.idx.msk [tilespmem:v15+s20+$0x0], $0xffff  }
0x501: {  	[tilespmem:s21+$0x300] =	vst v11;
	v11 =	vadd.s32 v2, v10;
	v17 =	vld.idx.msk [tilespmem:v17+s20+$0x0], $0xffff  }
0x502: {  	v23 =	vadd.s32 v5, v10;
	[tilespmem:s21+$0x380] =	vst v9;
	s21 =	simm.s32 $0x10;
	v24 =	vld.idx.msk [tilespmem:v21+s20+$0x0], $0xffff  }
0x503: {  	v25 =	vadd.s32 v4, v10;
	v9 =	vmov s21;
	v15 =	vld.idx.msk [tilespmem:v20+s20+$0x0], $0xffff;
	[tilespmem:s5+$0x0] =	vst v18  }
0x504: {  	v27 =	vadd.s32 v6, v10;
	v9 =	vshrl.u32 v9, $0x3;
	v26 =	vld.idx.msk [tilespmem:v19+s20+$0x0], $0xffff;
	[tilespmem:s5+$0x80] =	vst v14  }
0x505: {  	v21 =	vadd.s32 v7, v10;
	v9 =	vshll.u32 v9, $0xB;
	v16 =	vld.idx.msk [tilespmem:v12+s20+$0x0], $0xffff;
	[tilespmem:s5+$0x100] =	vst v13  }
0x506: {  	v20 =	vadd.s32 v8, v10;
	v9 =	vbroadcast v9, $0x0;
	v14 =	vld.idx.msk [tilespmem:v11+s20+$0x0], $0xffff;
	[tilespmem:s5+$0x180] =	vst v22  }
0x507: {  	v12 =	vld.idx.msk [tilespmem:v23+s20+$0x0], $0xffff;
	[tilespmem:s5+$0x200] =	vst v17;
	v19 =	vadd.s32 v3, v10  }
0x508: {  	v17 =	vadd.s32 v1, v9;
	v13 =	vld.idx.msk [tilespmem:v25+s20+$0x0], $0xffff;
	[tilespmem:s5+$0x280] =	vst v24  }
0x509: {  	v18 =	vadd.s32 v2, v9;
	v10 =	vadd.s32 v5, v9;
	v11 =	vld.idx.msk [tilespmem:v27+s20+$0x0], $0xffff;
	[tilespmem:s5+$0x300] =	vst v26  }
.LBB2_82:
0x50a: {  	s21 =	sadd.s32 $0x8, s21;
	v22 =	vld.idx.msk [tilespmem:v21+s20+$0x0], $0xffff;
	[tilespmem:s5+$0x380] =	vst v16;
	s5 =	sadd.s32 $0x1000, s5  }
0x50b: {  	v23 =	vadd.s32 v4, v9;
	v16 =	vmov s21;
	p1 =	slt.u32 s21, $0x18;
	[tilespmem:s5+$0x0] =	vst v15;
	v24 =	vld.idx.msk [tilespmem:v20+s20+$0x0], $0xffff  }
0x50c: {  	v25 =	vadd.s32 v6, v9;
	v15 =	vshrl.u32 v16, $0x3;
	[tilespmem:s5+$0x80] =	vst v14;
	v16 =	vld.idx.msk [tilespmem:v19+s20+$0x0], $0xffff  }
.Ltmp39:
0x50d: {  	v21 =	vadd.s32 v7, v9;
	v14 =	vshll.u32 v15, $0xB;
	v15 =	vld.idx.msk [tilespmem:v17+s20+$0x0], $0xffff;
	[tilespmem:s5+$0x100] =	vst v12;
	(pc) =	sbr.rel @p1 .LBB2_82-.Ltmp39, $4  }
0x50e: {  	v20 =	vadd.s32 v8, v9;
	v26 =	vbroadcast v14, $0x0;
	v14 =	vld.idx.msk [tilespmem:v18+s20+$0x0], $0xffff;
	[tilespmem:s5+$0x180] =	vst v13  }
0x50f: {  	v19 =	vadd.s32 v3, v9;
	v12 =	vld.idx.msk [tilespmem:v10+s20+$0x0], $0xffff;
	[tilespmem:s5+$0x200] =	vst v11  }
0x510: {  	v17 =	vadd.s32 v1, v26;
	v10 =	vadd.s32 v5, v26;
	v13 =	vld.idx.msk [tilespmem:v23+s20+$0x0], $0xffff;
	[tilespmem:s5+$0x280] =	vst v22;
	v9 =	vmov v26  }
0x511: {  	v18 =	vadd.s32 v2, v9;
	v11 =	vld.idx.msk [tilespmem:v25+s20+$0x0], $0xffff;
	[tilespmem:s5+$0x300] =	vst v24  }
0x512: {  	_ =	sdelay $0x1  }
0x513: {  	v1 =	vld [tilespmem:s19+$0x20];
	_ =	sdelay $0x1  }
0x514: {  	v2 =	vld.idx.msk [tilespmem:v21+s20+$0x0], $0xffff;
	[tilespmem:s5+$0x380] =	vst v16;
	s29 =	sadd.s32 $0x1000, s5;
	s21 =	simm.s32 $0x0  }
0x515: {  	v4 =	vadd.s32 v4, v9;
	v5 =	vld.idx.msk [tilespmem:v20+s20+$0x0], $0xffff;
	[tilespmem:s29+$0x0] =	vst v15;
	v15 =	vmov s21  }
0x516: {  	v6 =	vadd.s32 v6, v9;
	v7 =	vadd.s32 v7, v9;
	v16 =	vld.idx.msk [tilespmem:v17+s20+$0x0], $0xffff;
	[tilespmem:s29+$0x80] =	vst v14;
	v15 =	vshrl.u32 v15, $0x3  }
0x517: {  	v8 =	vadd.s32 v8, v9;
	v14 =	vld.idx.msk [tilespmem:v19+s20+$0x0], $0xffff;
	[tilespmem:s29+$0x100] =	vst v12;
	v15 =	vshll.u32 v15, $0xB;
	v12 =	vshll.u32 v1, $0x3  }
0x518: {  	v17 =	vld.idx.msk [tilespmem:v18+s20+$0x0], $0xffff;
	[tilespmem:s29+$0x180] =	vst v13;
	v13 =	vbroadcast v15, $0x0;
	v1 =	vand.u32 $0x7F, v1;
	v12 =	vand.u32 $0xFFFFFC00, v12  }
0x519: {  	v10 =	vld.idx.msk [tilespmem:v10+s20+$0x0], $0xffff;
	v3 =	vadd.s32 v3, v9;
	[tilespmem:s29+$0x200] =	vst v11;
	v1 =	vor.u32 v1, v12  }
0x51a: {  	v9 =	vld.idx.msk [tilespmem:v4+s20+$0x0], $0xffff;
	[tilespmem:s29+$0x280] =	vst v2;
	v2 =	vor.u32 $0x80, v1;
	v11 =	vadd.s32 v1, v13  }
0x51b: {  	[tilespmem:s29+$0x300] =	vst v5;
	v18 =	vld.idx.msk [tilespmem:v7+s20+$0x0], $0xffff;
	v5 =	vor.u32 $0x100, v1;
	v15 =	vadd.s32 v2, v13  }
0x51c: {  	s5 =	sadd.s32 $0x1000, s29;
	[tilespmem:s29+$0x380] =	vst v14;
	s29 =	simm.s32 $0x8;
	v12 =	vld.idx.msk [tilespmem:v6+s20+$0x0], $0xffff;
	v4 =	vor.u32 $0x180, v1;
	v14 =	vadd.s32 v5, v13  }
0x51d: {  	[tilespmem:s5+$0x0] =	vst v16;
	v16 =	vld.idx.msk [tilespmem:v8+s20+$0x0], $0xffff;
	v19 =	vmov s29;
	v6 =	vor.u32 $0x200, v1;
	v20 =	vadd.s32 v4, v13  }
0x51e: {  	[tilespmem:s5+$0x80] =	vst v17;
	v17 =	vld.idx.msk [tilespmem:v3+s20+$0x0], $0xffff;
	v7 =	vor.u32 $0x280, v1;
	v3 =	vshrl.u32 v19, $0x3;
	v19 =	vadd.s32 v6, v13  }
0x51f: {  	[tilespmem:s5+$0x100] =	vst v10;
	v8 =	vor.u32 $0x300, v1;
	v10 =	vshll.u32 v3, $0xB;
	v21 =	vadd.s32 v7, v13;
	v11 =	vld.idx.msk [tilespmem:v11+s20+$0x0], $0xffff  }
0x520: {  	v3 =	vor.u32 $0x380, v1;
	[tilespmem:s5+$0x180] =	vst v9;
	v10 =	vbroadcast v10, $0x0;
	v9 =	vld.idx.msk [tilespmem:v15+s20+$0x0], $0xffff;
	v15 =	vadd.s32 v8, v13  }
0x521: {  	[tilespmem:s5+$0x200] =	vst v12;
	v12 =	vld.idx.msk [tilespmem:v14+s20+$0x0], $0xffff;
	v13 =	vadd.s32 v3, v13  }
0x522: {  	[tilespmem:s5+$0x280] =	vst v18;
	v14 =	vadd.s32 v1, v10;
	v18 =	vld.idx.msk [tilespmem:v20+s20+$0x0], $0xffff  }
0x523: {  	[tilespmem:s5+$0x300] =	vst v16;
	v20 =	vadd.s32 v2, v10;
	v19 =	vld.idx.msk [tilespmem:v19+s20+$0x0], $0xffff  }
0x524: {  	[tilespmem:s5+$0x380] =	vst v17;
	v17 =	vadd.s32 v5, v10;
	s5 =	simm.s32 $0x10;
	v22 =	vld.idx.msk [tilespmem:v21+s20+$0x0], $0xffff  }
0x525: {  	v23 =	vadd.s32 v4, v10;
	v16 =	vmov s5;
	[tilespmem:s14+$0x0] =	vst v11;
	v24 =	vld.idx.msk [tilespmem:v15+s20+$0x0], $0xffff  }
0x526: {  	v25 =	vadd.s32 v6, v10;
	v11 =	vshrl.u32 v16, $0x3;
	[tilespmem:s14+$0x80] =	vst v9;
	v16 =	vld.idx.msk [tilespmem:v13+s20+$0x0], $0xffff  }
0x527: {  	v21 =	vadd.s32 v7, v10;
	v9 =	vshll.u32 v11, $0xB;
	v15 =	vld.idx.msk [tilespmem:v14+s20+$0x0], $0xffff;
	[tilespmem:s14+$0x100] =	vst v12  }
0x528: {  	v14 =	vld.idx.msk [tilespmem:v20+s20+$0x0], $0xffff;
	[tilespmem:s14+$0x180] =	vst v18;
	v20 =	vadd.s32 v8, v10;
	v9 =	vbroadcast v9, $0x0  }
0x529: {  	v12 =	vld.idx.msk [tilespmem:v17+s20+$0x0], $0xffff;
	[tilespmem:s14+$0x200] =	vst v19;
	v19 =	vadd.s32 v3, v10  }
0x52a: {  	v13 =	vld.idx.msk [tilespmem:v23+s20+$0x0], $0xffff;
	[tilespmem:s14+$0x280] =	vst v22;
	v17 =	vadd.s32 v1, v9  }
0x52b: {  	v11 =	vld.idx.msk [tilespmem:v25+s20+$0x0], $0xffff;
	v10 =	vadd.s32 v5, v9;
	v18 =	vadd.s32 v2, v9;
	[tilespmem:s14+$0x300] =	vst v24  }
.LBB2_84:
0x52c: {  	s5 =	sadd.s32 $0x8, s5;
	v22 =	vld.idx.msk [tilespmem:v21+s20+$0x0], $0xffff;
	[tilespmem:s14+$0x380] =	vst v16;
	s14 =	sadd.s32 $0x1000, s14  }
0x52d: {  	v23 =	vadd.s32 v4, v9;
	v16 =	vmov s5;
	p1 =	slt.u32 s5, $0x18;
	[tilespmem:s14+$0x0] =	vst v15;
	v24 =	vld.idx.msk [tilespmem:v20+s20+$0x0], $0xffff  }
0x52e: {  	v25 =	vadd.s32 v6, v9;
	v15 =	vshrl.u32 v16, $0x3;
	[tilespmem:s14+$0x80] =	vst v14;
	v16 =	vld.idx.msk [tilespmem:v19+s20+$0x0], $0xffff  }
.Ltmp40:
0x52f: {  	v21 =	vadd.s32 v7, v9;
	v14 =	vshll.u32 v15, $0xB;
	v15 =	vld.idx.msk [tilespmem:v17+s20+$0x0], $0xffff;
	[tilespmem:s14+$0x100] =	vst v12;
	(pc) =	sbr.rel @p1 .LBB2_84-.Ltmp40, $4  }
0x530: {  	v20 =	vadd.s32 v8, v9;
	v26 =	vbroadcast v14, $0x0;
	v14 =	vld.idx.msk [tilespmem:v18+s20+$0x0], $0xffff;
	[tilespmem:s14+$0x180] =	vst v13  }
0x531: {  	v19 =	vadd.s32 v3, v9;
	v12 =	vld.idx.msk [tilespmem:v10+s20+$0x0], $0xffff;
	[tilespmem:s14+$0x200] =	vst v11  }
0x532: {  	v17 =	vadd.s32 v1, v26;
	v10 =	vadd.s32 v5, v26;
	v13 =	vld.idx.msk [tilespmem:v23+s20+$0x0], $0xffff;
	[tilespmem:s14+$0x280] =	vst v22;
	v9 =	vmov v26  }
0x533: {  	v18 =	vadd.s32 v2, v9;
	v11 =	vld.idx.msk [tilespmem:v25+s20+$0x0], $0xffff;
	[tilespmem:s14+$0x300] =	vst v24  }
0x534: {  	_ =	sdelay $0x2  }
0x535: {  	v1 =	vld [tilespmem:s19+$0x30]  }
0x536: {  	v2 =	vld.idx.msk [tilespmem:v21+s20+$0x0], $0xffff;
	[tilespmem:s14+$0x380] =	vst v16;
	s5 =	sadd.s32 $0x1000, s14  }
0x537: {  	s21 =	simm.s32 $0x0;
	v4 =	vadd.s32 v4, v9;
	v5 =	vld.idx.msk [tilespmem:v20+s20+$0x0], $0xffff;
	[tilespmem:s5+$0x0] =	vst v15  }
0x538: {  	v6 =	vadd.s32 v6, v9;
	v16 =	vld.idx.msk [tilespmem:v17+s20+$0x0], $0xffff;
	v15 =	vmov s21;
	[tilespmem:s5+$0x80] =	vst v14  }
0x539: {  	v7 =	vadd.s32 v7, v9;
	v14 =	vld.idx.msk [tilespmem:v19+s20+$0x0], $0xffff;
	v15 =	vshrl.u32 v15, $0x3;
	[tilespmem:s5+$0x100] =	vst v12  }
0x53a: {  	v8 =	vadd.s32 v8, v9;
	v17 =	vld.idx.msk [tilespmem:v18+s20+$0x0], $0xffff;
	v15 =	vshll.u32 v15, $0xB;
	[tilespmem:s5+$0x180] =	vst v13;
	v12 =	vshll.u32 v1, $0x3  }
0x53b: {  	v10 =	vld.idx.msk [tilespmem:v10+s20+$0x0], $0xffff;
	v13 =	vbroadcast v15, $0x0;
	[tilespmem:s5+$0x200] =	vst v11;
	v1 =	vand.u32 $0x7F, v1;
	v12 =	vand.u32 $0xFFFFFC00, v12  }
0x53c: {  	v9 =	vadd.s32 v3, v9;
	v11 =	vld.idx.msk [tilespmem:v4+s20+$0x0], $0xffff;
	[tilespmem:s5+$0x280] =	vst v2;
	v1 =	vor.u32 v1, v12  }
0x53d: {  	s29 =	simm.s32 $0x8;
	v15 =	vld.idx.msk [tilespmem:v6+s20+$0x0], $0xffff;
	[tilespmem:s5+$0x300] =	vst v5;
	v2 =	vor.u32 $0x80, v1;
	v12 =	vadd.s32 v1, v13  }
0x53e: {  	v19 =	vld.idx.msk [tilespmem:v7+s20+$0x0], $0xffff;
	v7 =	vmov s29;
	[tilespmem:s5+$0x380] =	vst v14;
	s5 =	sadd.s32 $0x1000, s5;
	v4 =	vor.u32 $0x100, v1;
	v18 =	vadd.s32 v2, v13  }
0x53f: {  	[tilespmem:s5+$0x0] =	vst v16;
	v16 =	vld.idx.msk [tilespmem:v8+s20+$0x0], $0xffff;
	v8 =	vshrl.u32 v7, $0x3;
	v3 =	vor.u32 $0x180, v1;
	v14 =	vadd.s32 v4, v13  }
0x540: {  	[tilespmem:s5+$0x100] =	vst v10;
	v5 =	vor.u32 $0x200, v1;
	v10 =	vshll.u32 v8, $0xB;
	v20 =	vadd.s32 v3, v13  }
0x541: {  	v9 =	vld.idx.msk [tilespmem:v9+s20+$0x0], $0xffff;
	[tilespmem:s5+$0x80] =	vst v17;
	v6 =	vor.u32 $0x280, v1;
	v17 =	vadd.s32 v5, v13;
	v10 =	vbroadcast v10, $0x0  }
0x542: {  	v21 =	vadd.s32 v6, v13;
	[tilespmem:s5+$0x180] =	vst v11;
	v12 =	vld.idx.msk [tilespmem:v12+s20+$0x0], $0xffff  }
0x543: {  	v7 =	vor.u32 $0x300, v1;
	[tilespmem:s5+$0x200] =	vst v15;
	v15 =	vadd.s32 v1, v10;
	v11 =	vld.idx.msk [tilespmem:v18+s20+$0x0], $0xffff  }
0x544: {  	v8 =	vor.u32 $0x380, v1;
	v18 =	vadd.s32 v7, v13;
	v14 =	vld.idx.msk [tilespmem:v14+s20+$0x0], $0xffff  }
0x545: {  	[tilespmem:s5+$0x280] =	vst v19;
	v13 =	vadd.s32 v8, v13;
	v19 =	vld.idx.msk [tilespmem:v20+s20+$0x0], $0xffff  }
0x546: {  	[tilespmem:s5+$0x380] =	vst v9;
	v26 =	vadd.s32 v5, v10;
	v17 =	vld.idx.msk [tilespmem:v17+s20+$0x0], $0xffff  }
0x547: {  	[tilespmem:s5+$0x300] =	vst v16;
	s5 =	simm.s32 $0x10;
	v20 =	vadd.s32 v2, v10;
	v23 =	vld.idx.msk [tilespmem:v21+s20+$0x0], $0xffff  }
0x548: {  	v22 =	vadd.s32 v4, v10;
	v9 =	vmov s5;
	[tilespmem:s11+$0x0] =	vst v12;
	v12 =	vld.idx.msk [tilespmem:v15+s20+$0x0], $0xffff  }
0x549: {  	v24 =	vadd.s32 v3, v10;
	v9 =	vshrl.u32 v9, $0x3;
	v25 =	vld.idx.msk [tilespmem:v18+s20+$0x0], $0xffff;
	[tilespmem:s11+$0x80] =	vst v11  }
0x54a: {  	v21 =	vadd.s32 v6, v10;
	v9 =	vshll.u32 v9, $0xB;
	v16 =	vld.idx.msk [tilespmem:v13+s20+$0x0], $0xffff;
	[tilespmem:s11+$0x100] =	vst v14  }
0x54b: {  	v9 =	vbroadcast v9, $0x0;
	v15 =	vld.idx.msk [tilespmem:v26+s20+$0x0], $0xffff;
	[tilespmem:s11+$0x180] =	vst v19;
	v19 =	vadd.s32 v7, v10  }
0x54c: {  	v13 =	vld.idx.msk [tilespmem:v20+s20+$0x0], $0xffff;
	[tilespmem:s11+$0x200] =	vst v17;
	v18 =	vadd.s32 v8, v10  }
0x54d: {  	v11 =	vld.idx.msk [tilespmem:v22+s20+$0x0], $0xffff;
	v17 =	vadd.s32 v1, v9;
	[tilespmem:s11+$0x280] =	vst v23  }
0x54e: {  	v14 =	vld.idx.msk [tilespmem:v24+s20+$0x0], $0xffff;
	v10 =	vadd.s32 v4, v9;
	v20 =	vadd.s32 v2, v9;
	[tilespmem:s11+$0x300] =	vst v25  }
.LBB2_86:
0x54f: {  	s5 =	sadd.s32 $0x8, s5;
	v22 =	vld.idx.msk [tilespmem:v21+s20+$0x0], $0xffff;
	[tilespmem:s11+$0x380] =	vst v16;
	s11 =	sadd.s32 $0x1000, s11  }
0x550: {  	v23 =	vadd.s32 v3, v9;
	v16 =	vmov s5;
	p1 =	slt.u32 s5, $0x18;
	[tilespmem:s11+$0x0] =	vst v12;
	v24 =	vld.idx.msk [tilespmem:v19+s20+$0x0], $0xffff  }
0x551: {  	v25 =	vadd.s32 v5, v9;
	v12 =	vshrl.u32 v16, $0x3;
	[tilespmem:s11+$0x80] =	vst v13;
	v16 =	vld.idx.msk [tilespmem:v18+s20+$0x0], $0xffff  }
.Ltmp41:
0x552: {  	v21 =	vadd.s32 v6, v9;
	v13 =	vshll.u32 v12, $0xB;
	v12 =	vld.idx.msk [tilespmem:v17+s20+$0x0], $0xffff;
	[tilespmem:s11+$0x100] =	vst v11;
	(pc) =	sbr.rel @p1 .LBB2_86-.Ltmp41, $4  }
0x553: {  	v19 =	vadd.s32 v7, v9;
	v26 =	vbroadcast v13, $0x0;
	v13 =	vld.idx.msk [tilespmem:v20+s20+$0x0], $0xffff;
	[tilespmem:s11+$0x180] =	vst v14  }
0x554: {  	v18 =	vadd.s32 v8, v9;
	v11 =	vld.idx.msk [tilespmem:v10+s20+$0x0], $0xffff;
	[tilespmem:s11+$0x200] =	vst v15  }
0x555: {  	v17 =	vadd.s32 v1, v26;
	v10 =	vadd.s32 v4, v26;
	v14 =	vld.idx.msk [tilespmem:v23+s20+$0x0], $0xffff;
	[tilespmem:s11+$0x280] =	vst v22;
	v9 =	vmov v26  }
0x556: {  	v20 =	vadd.s32 v2, v9;
	v15 =	vld.idx.msk [tilespmem:v25+s20+$0x0], $0xffff;
	[tilespmem:s11+$0x300] =	vst v24  }
0x557: {  	_ =	sdelay $0x2  }
0x558: {  	[tilespmem:s11+$0x380] =	vst v16;
	s5 =	sadd.s32 $0x1000, s11  }
0x559: {  	v1 =	vld.idx.msk [tilespmem:v21+s20+$0x0], $0xffff;
	[tilespmem:s5+$0x0] =	vst v12  }
0x55a: {  	v2 =	vadd.s32 v3, v9;
	v3 =	vld.idx.msk [tilespmem:v19+s20+$0x0], $0xffff;
	[tilespmem:s5+$0x80] =	vst v13  }
0x55b: {  	v4 =	vadd.s32 v5, v9;
	v59 =	vld.idx.msk [tilespmem:v18+s20+$0x0], $0xffff;
	[tilespmem:s5+$0x100] =	vst v11  }
0x55c: {  	v60 =	vld.idx.msk [tilespmem:v17+s20+$0x0], $0xffff;
	v6 =	vadd.s32 v6, v9;
	[tilespmem:s5+$0x180] =	vst v14  }
0x55d: {  	v61 =	vld.idx.msk [tilespmem:v20+s20+$0x0], $0xffff;
	v7 =	vadd.s32 v7, v9;
	[tilespmem:s5+$0x200] =	vst v15  }
0x55e: {  	v10 =	vld.idx.msk [tilespmem:v10+s20+$0x0], $0xffff;
	v8 =	vadd.s32 v8, v9;
	[tilespmem:s5+$0x280] =	vst v1  }
0x55f: {  	v1 =	vld.idx.msk [tilespmem:v2+s20+$0x0], $0xffff;
	[tilespmem:s5+$0x300] =	vst v3  }
0x560: {  	v2 =	vld.idx.msk [tilespmem:v4+s20+$0x0], $0xffff;
	[tilespmem:s5+$0x380] =	vst v59;
	s5 =	sadd.s32 $0x1000, s5  }
0x561: {  	v3 =	vld.idx.msk [tilespmem:v6+s20+$0x0], $0xffff;
	[tilespmem:s5+$0x0] =	vst v60  }
0x562: {  	v62 =	vld.idx.msk [tilespmem:v7+s20+$0x0], $0xffff;
	[tilespmem:s5+$0x80] =	vst v61  }
0x563: {  	p1 =	slt.u32 s8, $0x1C;
	v63 =	vld.idx.msk [tilespmem:v8+s20+$0x0], $0xffff;
	[tilespmem:s5+$0x100] =	vst v10  }
.Ltmp42:
0x564: {  	[tilespmem:s5+$0x180] =	vst v1;
	(pc) =	sbr.rel @p1 .LBB2_79-.Ltmp42, $4  }
0x565: {  	[tilespmem:s5+$0x200] =	vst v2  }
0x566: {  	[tilespmem:s5+$0x280] =	vst v3  }
0x567: {  	[tilespmem:s5+$0x300] =	vst v62  }
0x568: {  	s8 =	sadd.s32 $0x4, s8;
	s7 =	sadd.s32 $0x200, s7;
	p0 =	por !p0, !p0;
	[tilespmem:s5+$0x380] =	vst v63  }
0x569: {  	s0 =	sadd.s32 $0x1, s0  }
0x56a: {  	p0 =	sne.s32 s0, $0x14  }
.Ltmp43:
0x56b: {  	_ = 	snop;
	(pc) =	sbr.rel @p0 .LBB2_68-.Ltmp43, $4  }
0x56c: {  	s2 =	sadd.s32 s16, s4  }
0x56d: {  	s2 =	sshrl.u32 s2, $0x3  }
0x56e: {  	s2 =	sadd.s32 s3, s2  }
0x56f: {  	[hbm4b:s2+s22] =	stream.strided.scatter [tilespmem:s28], [sflag:$0x4], $0x4000, s23, s22, $0x38;
	[tilespmem:$0x14000] =	vst v63  }
0x570: {  	_ =	swait.ge [sflag:s24], $0x5000  }
0x571: {  	[sflag:s24] =	ssyncset.done $0x0  }
0x572: {  	s0 =	simm.s32 $0x0;
	[sflag:s24] =	ssyncadd.s32 $0xFFFFB000  }
.LBB2_90:
0x573: {  	_ =	swait.ge [sflag:s30], $0x4000  }
0x574: {  	s2 =	sshll.u32 s0, $0x8;
	s4 =	sshll.u32 s0, $0xA;
	p0 =	por $0x0, $0x0  }
0x575: {  	s7 =	simm.s32 $0x0;
	[sflag:s30] =	ssyncset.done $0x0;
	s25 =	sand.u32 $0x300, s2  }
0x576: {  	s2 =	sand.u32 $0x7000, s4;
	s4 =	simm.s32 $0x0;
	[sflag:s30] =	ssyncadd.s32 $0xFFFFC000;
	v0 =	vmov s25  }
.LBB2_91:
0x577: {  	s5 =	sshll.u32 s7, $0x7  }
0x578: {  	s8 =	sshll.u32 s7, $0x4;
	s5 =	sand.u32 $0xC00, s5  }
0x579: {  	s8 =	sand.u32 $0x40, s8;
	s5 =	sadd.s32 s5, s2  }
0x57a: {  	s14 =	sadd.s32 s8, s5  }
0x57b: {  	v1 =	vld.idx.msk [tilespmem:v0+s14+$0x0 ss:$0x1], $0xffff;
	_ =	sdelay $0x1  }
0x57c: {  	s19 =	simm.s32 $0x0  }
0x57d: {  	v2 =	vmov s19  }
0x57e: {  	v2 =	vshrl.u32 v2, $0x3  }
0x57f: {  	v2 =	vshll.u32 v2, $0xB;
	v3 =	vshll.u32 v1, $0x3  }
0x580: {  	v9 =	vbroadcast v2, $0x0;
	v1 =	vand.u32 $0x7F, v1;
	v3 =	vand.u32 $0xFFFFFC00, v3  }
0x581: {  	v6 =	vor.u32 v1, v3  }
0x582: {  	v7 =	vor.u32 $0x80, v6;
	v1 =	vadd.s32 v6, v9  }
0x583: {  	s21 =	simm.s32 $0x8;
	v8 =	vor.u32 $0x100, v6;
	v10 =	vadd.s32 v7, v9  }
0x584: {  	v4 =	vmov s21;
	v5 =	vor.u32 $0x180, v6;
	v11 =	vadd.s32 v8, v9  }
0x585: {  	v13 =	vshrl.u32 v4, $0x3;
	v2 =	vor.u32 $0x200, v6;
	v12 =	vadd.s32 v5, v9  }
0x586: {  	v13 =	vshll.u32 v13, $0xB;
	v3 =	vor.u32 $0x280, v6;
	v14 =	vadd.s32 v2, v9  }
0x587: {  	s5 =	simm.s32 $0x1;
	v17 =	vbroadcast v13, $0x0;
	v4 =	vor.u32 $0x300, v6;
	v16 =	vadd.s32 v3, v9;
	v15 =	vld.idx.msk [tilespmem:v1+s20+$0x0], $0xffff  }
0x588: {  	s29 =	sshll.u32 s4, $0x2;
	s5 =	simm.s32 @!p0 $0x0;
	v13 =	vadd.s32 v4, v9;
	v10 =	vld.idx.msk [tilespmem:v10+s20+$0x0], $0xffff  }
0x589: {  	s8 =	sand.u32 $0xFFFFF000, s29;
	s5 =	sshll.u32 s5, $0x8;
	v18 =	vadd.s32 v6, v17;
	v1 =	vor.u32 $0x380, v6;
	v11 =	vld.idx.msk [tilespmem:v11+s20+$0x0], $0xffff  }
0x58a: {  	s5 =	sor.u32 s5, s8;
	v9 =	vadd.s32 v1, v9;
	v12 =	vld.idx.msk [tilespmem:v12+s20+$0x0], $0xffff  }
0x58b: {  	s5 =	sshrl.u32 s5, $0x2;
	v19 =	vadd.s32 v7, v17;
	v14 =	vld.idx.msk [tilespmem:v14+s20+$0x0], $0xffff  }
0x58c: {  	s21 =	simm.s32 $0x10;
	s19 =	sadd.s32 $0xA200, s5;
	v20 =	vadd.s32 v8, v17;
	v22 =	vld.idx.msk [tilespmem:v16+s20+$0x0], $0xffff  }
0x58d: {  	v23 =	vadd.s32 v5, v17;
	v16 =	vmov s21;
	v24 =	vld.idx.msk [tilespmem:v13+s20+$0x0], $0xffff;
	[tilespmem:s19+$0xFFFFFE00] =	vst v15  }
0x58e: {  	v25 =	vadd.s32 v2, v17;
	v13 =	vshrl.u32 v16, $0x3;
	v15 =	vld.idx.msk [tilespmem:v18+s20+$0x0], $0xffff;
	[tilespmem:s19+$0xFFFFFE80] =	vst v10  }
0x58f: {  	v21 =	vadd.s32 v3, v17;
	v16 =	vld.idx.msk [tilespmem:v9+s20+$0x0], $0xffff;
	v9 =	vshll.u32 v13, $0xB;
	[tilespmem:s19+$0xFFFFFF00] =	vst v11  }
0x590: {  	v13 =	vld.idx.msk [tilespmem:v19+s20+$0x0], $0xffff;
	[tilespmem:s19+$0xFFFFFF80] =	vst v12;
	v19 =	vadd.s32 v4, v17;
	v9 =	vbroadcast v9, $0x0  }
0x591: {  	v18 =	vadd.s32 v1, v17;
	v11 =	vld.idx.msk [tilespmem:v20+s20+$0x0], $0xffff;
	[tilespmem:s19+$0x0] =	vst v14  }
0x592: {  	s14 =	sadd.s32 s25, s14;
	v12 =	vld.idx.msk [tilespmem:v23+s20+$0x0], $0xffff;
	[tilespmem:s19+$0x80] =	vst v22;
	v17 =	vadd.s32 v6, v9  }
0x593: {  	s8 =	sadd.s32 $0xA230, s5;
	s11 =	sadd.s32 $0xA220, s5;
	s5 =	sadd.s32 $0xA210, s5;
	v14 =	vld.idx.msk [tilespmem:v25+s20+$0x0], $0xffff;
	[tilespmem:s19+$0x100] =	vst v24;
	v10 =	vadd.s32 v8, v9;
	v20 =	vadd.s32 v7, v9  }
.LBB2_92:
0x594: {  	s21 =	sadd.s32 $0x8, s21;
	v22 =	vld.idx.msk [tilespmem:v21+s20+$0x0], $0xffff;
	[tilespmem:s19+$0x180] =	vst v16;
	s19 =	sadd.s32 $0x1000, s19  }
0x595: {  	v23 =	vadd.s32 v5, v9;
	v16 =	vmov s21;
	p1 =	slt.u32 s21, $0x18;
	[tilespmem:s19+$0xFFFFFE00] =	vst v15;
	v24 =	vld.idx.msk [tilespmem:v19+s20+$0x0], $0xffff  }
0x596: {  	v25 =	vadd.s32 v2, v9;
	v15 =	vshrl.u32 v16, $0x3;
	[tilespmem:s19+$0xFFFFFE80] =	vst v13;
	v16 =	vld.idx.msk [tilespmem:v18+s20+$0x0], $0xffff  }
.Ltmp44:
0x597: {  	v21 =	vadd.s32 v3, v9;
	v13 =	vshll.u32 v15, $0xB;
	v15 =	vld.idx.msk [tilespmem:v17+s20+$0x0], $0xffff;
	[tilespmem:s19+$0xFFFFFF00] =	vst v11;
	(pc) =	sbr.rel @p1 .LBB2_92-.Ltmp44, $4  }
0x598: {  	v19 =	vadd.s32 v4, v9;
	v26 =	vbroadcast v13, $0x0;
	v13 =	vld.idx.msk [tilespmem:v20+s20+$0x0], $0xffff;
	[tilespmem:s19+$0xFFFFFF80] =	vst v12  }
0x599: {  	v18 =	vadd.s32 v1, v9;
	v11 =	vld.idx.msk [tilespmem:v10+s20+$0x0], $0xffff;
	[tilespmem:s19+$0x0] =	vst v14  }
0x59a: {  	v17 =	vadd.s32 v6, v26;
	v10 =	vadd.s32 v8, v26;
	v12 =	vld.idx.msk [tilespmem:v23+s20+$0x0], $0xffff;
	[tilespmem:s19+$0x80] =	vst v22;
	v9 =	vmov v26  }
0x59b: {  	v20 =	vadd.s32 v7, v9;
	v14 =	vld.idx.msk [tilespmem:v25+s20+$0x0], $0xffff;
	[tilespmem:s19+$0x100] =	vst v24  }
0x59c: {  	_ =	sdelay $0x2  }
0x59d: {  	v6 =	vld [tilespmem:s14+$0x10];
	[tilespmem:s19+$0x180] =	vst v16;
	s29 =	sadd.s32 $0x1000, s19  }
0x59e: {  	v7 =	vld.idx.msk [tilespmem:v21+s20+$0x0], $0xffff;
	[tilespmem:s29+$0xFFFFFE00] =	vst v15  }
0x59f: {  	s21 =	simm.s32 $0x0;
	v8 =	vld.idx.msk [tilespmem:v19+s20+$0x0], $0xffff;
	[tilespmem:s29+$0xFFFFFE80] =	vst v13  }
0x5a0: {  	v5 =	vadd.s32 v5, v9;
	v15 =	vmov s21;
	v13 =	vld.idx.msk [tilespmem:v18+s20+$0x0], $0xffff;
	[tilespmem:s29+$0xFFFFFF00] =	vst v11  }
0x5a1: {  	v16 =	vadd.s32 v2, v9;
	v3 =	vadd.s32 v3, v9;
	v2 =	vshrl.u32 v15, $0x3;
	[tilespmem:s29+$0xFFFFFF80] =	vst v12  }
0x5a2: {  	v10 =	vld.idx.msk [tilespmem:v10+s20+$0x0], $0xffff;
	v11 =	vadd.s32 v4, v9;
	v2 =	vshll.u32 v2, $0xB;
	[tilespmem:s29+$0x0] =	vst v14;
	v4 =	vshll.u32 v6, $0x3  }
0x5a3: {  	v15 =	vld.idx.msk [tilespmem:v17+s20+$0x0], $0xffff;
	v12 =	vbroadcast v2, $0x0;
	v6 =	vand.u32 $0x7F, v6;
	[tilespmem:s29+$0x80] =	vst v7;
	v4 =	vand.u32 $0xFFFFFC00, v4  }
0x5a4: {  	v17 =	vld.idx.msk [tilespmem:v20+s20+$0x0], $0xffff;
	v9 =	vadd.s32 v1, v9;
	[tilespmem:s29+$0x100] =	vst v8;
	v1 =	vor.u32 v6, v4  }
0x5a5: {  	s19 =	sadd.s32 $0x1000, s29;
	v14 =	vld.idx.msk [tilespmem:v5+s20+$0x0], $0xffff;
	[tilespmem:s29+$0x180] =	vst v13;
	s29 =	simm.s32 $0x8;
	v2 =	vor.u32 $0x80, v1;
	v18 =	vadd.s32 v1, v12  }
0x5a6: {  	v20 =	vld.idx.msk [tilespmem:v3+s20+$0x0], $0xffff;
	v3 =	vmov s29;
	v5 =	vor.u32 $0x100, v1;
	v19 =	vadd.s32 v2, v12  }
0x5a7: {  	v16 =	vld.idx.msk [tilespmem:v16+s20+$0x0], $0xffff;
	[tilespmem:s19+$0xFFFFFF00] =	vst v10;
	v4 =	vor.u32 $0x180, v1;
	v3 =	vshrl.u32 v3, $0x3;
	v13 =	vadd.s32 v5, v12  }
0x5a8: {  	[tilespmem:s19+$0xFFFFFE00] =	vst v15;
	v11 =	vld.idx.msk [tilespmem:v11+s20+$0x0], $0xffff;
	v6 =	vor.u32 $0x200, v1;
	v15 =	vadd.s32 v4, v12;
	v10 =	vshll.u32 v3, $0xB  }
0x5a9: {  	[tilespmem:s19+$0xFFFFFE80] =	vst v17;
	v9 =	vld.idx.msk [tilespmem:v9+s20+$0x0], $0xffff;
	v7 =	vor.u32 $0x280, v1;
	v17 =	vadd.s32 v6, v12;
	v10 =	vbroadcast v10, $0x0  }
0x5aa: {  	v21 =	vadd.s32 v7, v12;
	[tilespmem:s19+$0xFFFFFF80] =	vst v14;
	v18 =	vld.idx.msk [tilespmem:v18+s20+$0x0], $0xffff  }
0x5ab: {  	v8 =	vor.u32 $0x300, v1;
	[tilespmem:s19+$0x80] =	vst v20;
	v20 =	vadd.s32 v1, v10;
	v14 =	vld.idx.msk [tilespmem:v19+s20+$0x0], $0xffff  }
0x5ac: {  	v3 =	vor.u32 $0x380, v1;
	v19 =	vadd.s32 v8, v12;
	v13 =	vld.idx.msk [tilespmem:v13+s20+$0x0], $0xffff  }
0x5ad: {  	[tilespmem:s19+$0x0] =	vst v16;
	v12 =	vadd.s32 v3, v12;
	v22 =	vld.idx.msk [tilespmem:v15+s20+$0x0], $0xffff  }
0x5ae: {  	[tilespmem:s19+$0x100] =	vst v11;
	v11 =	vadd.s32 v2, v10;
	v17 =	vld.idx.msk [tilespmem:v17+s20+$0x0], $0xffff  }
0x5af: {  	[tilespmem:s19+$0x180] =	vst v9;
	v23 =	vadd.s32 v5, v10;
	s19 =	simm.s32 $0x10;
	v24 =	vld.idx.msk [tilespmem:v21+s20+$0x0], $0xffff  }
0x5b0: {  	v25 =	vadd.s32 v4, v10;
	v9 =	vmov s19;
	v15 =	vld.idx.msk [tilespmem:v20+s20+$0x0], $0xffff;
	[tilespmem:s5+$0xFFFFFE00] =	vst v18  }
0x5b1: {  	v27 =	vadd.s32 v6, v10;
	v9 =	vshrl.u32 v9, $0x3;
	v26 =	vld.idx.msk [tilespmem:v19+s20+$0x0], $0xffff;
	[tilespmem:s5+$0xFFFFFE80] =	vst v14  }
0x5b2: {  	v21 =	vadd.s32 v7, v10;
	v9 =	vshll.u32 v9, $0xB;
	v16 =	vld.idx.msk [tilespmem:v12+s20+$0x0], $0xffff;
	[tilespmem:s5+$0xFFFFFF00] =	vst v13  }
0x5b3: {  	v9 =	vbroadcast v9, $0x0;
	v20 =	vadd.s32 v8, v10;
	v14 =	vld.idx.msk [tilespmem:v11+s20+$0x0], $0xffff;
	[tilespmem:s5+$0xFFFFFF80] =	vst v22  }
0x5b4: {  	v12 =	vld.idx.msk [tilespmem:v23+s20+$0x0], $0xffff;
	[tilespmem:s5+$0x0] =	vst v17;
	v19 =	vadd.s32 v3, v10  }
0x5b5: {  	v17 =	vadd.s32 v1, v9;
	v13 =	vld.idx.msk [tilespmem:v25+s20+$0x0], $0xffff;
	[tilespmem:s5+$0x80] =	vst v24  }
0x5b6: {  	v18 =	vadd.s32 v2, v9;
	v10 =	vadd.s32 v5, v9;
	v11 =	vld.idx.msk [tilespmem:v27+s20+$0x0], $0xffff;
	[tilespmem:s5+$0x100] =	vst v26  }
.LBB2_94:
0x5b7: {  	s19 =	sadd.s32 $0x8, s19;
	v22 =	vld.idx.msk [tilespmem:v21+s20+$0x0], $0xffff;
	[tilespmem:s5+$0x180] =	vst v16;
	s5 =	sadd.s32 $0x1000, s5  }
0x5b8: {  	v23 =	vadd.s32 v4, v9;
	v16 =	vmov s19;
	p1 =	slt.u32 s19, $0x18;
	[tilespmem:s5+$0xFFFFFE00] =	vst v15;
	v24 =	vld.idx.msk [tilespmem:v20+s20+$0x0], $0xffff  }
0x5b9: {  	v25 =	vadd.s32 v6, v9;
	v15 =	vshrl.u32 v16, $0x3;
	[tilespmem:s5+$0xFFFFFE80] =	vst v14;
	v16 =	vld.idx.msk [tilespmem:v19+s20+$0x0], $0xffff  }
.Ltmp45:
0x5ba: {  	v21 =	vadd.s32 v7, v9;
	v14 =	vshll.u32 v15, $0xB;
	v15 =	vld.idx.msk [tilespmem:v17+s20+$0x0], $0xffff;
	[tilespmem:s5+$0xFFFFFF00] =	vst v12;
	(pc) =	sbr.rel @p1 .LBB2_94-.Ltmp45, $4  }
0x5bb: {  	v20 =	vadd.s32 v8, v9;
	v26 =	vbroadcast v14, $0x0;
	v14 =	vld.idx.msk [tilespmem:v18+s20+$0x0], $0xffff;
	[tilespmem:s5+$0xFFFFFF80] =	vst v13  }
0x5bc: {  	v19 =	vadd.s32 v3, v9;
	v12 =	vld.idx.msk [tilespmem:v10+s20+$0x0], $0xffff;
	[tilespmem:s5+$0x0] =	vst v11  }
0x5bd: {  	v17 =	vadd.s32 v1, v26;
	v10 =	vadd.s32 v5, v26;
	v13 =	vld.idx.msk [tilespmem:v23+s20+$0x0], $0xffff;
	[tilespmem:s5+$0x80] =	vst v22;
	v9 =	vmov v26  }
0x5be: {  	v18 =	vadd.s32 v2, v9;
	v11 =	vld.idx.msk [tilespmem:v25+s20+$0x0], $0xffff;
	[tilespmem:s5+$0x100] =	vst v24  }
0x5bf: {  	_ =	sdelay $0x1  }
0x5c0: {  	v1 =	vld [tilespmem:s14+$0x20];
	_ =	sdelay $0x1  }
0x5c1: {  	v2 =	vld.idx.msk [tilespmem:v21+s20+$0x0], $0xffff;
	[tilespmem:s5+$0x180] =	vst v16;
	s21 =	sadd.s32 $0x1000, s5;
	s19 =	simm.s32 $0x0  }
0x5c2: {  	v4 =	vadd.s32 v4, v9;
	v5 =	vld.idx.msk [tilespmem:v20+s20+$0x0], $0xffff;
	[tilespmem:s21+$0xFFFFFE00] =	vst v15;
	v15 =	vmov s19  }
0x5c3: {  	v6 =	vadd.s32 v6, v9;
	v7 =	vadd.s32 v7, v9;
	v16 =	vld.idx.msk [tilespmem:v17+s20+$0x0], $0xffff;
	[tilespmem:s21+$0xFFFFFE80] =	vst v14;
	v15 =	vshrl.u32 v15, $0x3  }
0x5c4: {  	v8 =	vadd.s32 v8, v9;
	v14 =	vld.idx.msk [tilespmem:v19+s20+$0x0], $0xffff;
	[tilespmem:s21+$0xFFFFFF00] =	vst v12;
	v15 =	vshll.u32 v15, $0xB;
	v12 =	vshll.u32 v1, $0x3  }
0x5c5: {  	v17 =	vld.idx.msk [tilespmem:v18+s20+$0x0], $0xffff;
	[tilespmem:s21+$0xFFFFFF80] =	vst v13;
	v13 =	vbroadcast v15, $0x0;
	v1 =	vand.u32 $0x7F, v1;
	v12 =	vand.u32 $0xFFFFFC00, v12  }
0x5c6: {  	v10 =	vld.idx.msk [tilespmem:v10+s20+$0x0], $0xffff;
	v3 =	vadd.s32 v3, v9;
	[tilespmem:s21+$0x0] =	vst v11;
	v1 =	vor.u32 v1, v12  }
0x5c7: {  	v9 =	vld.idx.msk [tilespmem:v4+s20+$0x0], $0xffff;
	[tilespmem:s21+$0x80] =	vst v2;
	v2 =	vor.u32 $0x80, v1;
	v11 =	vadd.s32 v1, v13  }
0x5c8: {  	[tilespmem:s21+$0x100] =	vst v5;
	v18 =	vld.idx.msk [tilespmem:v7+s20+$0x0], $0xffff;
	v5 =	vor.u32 $0x100, v1;
	v15 =	vadd.s32 v2, v13  }
0x5c9: {  	s29 =	simm.s32 $0x8;
	s5 =	sadd.s32 $0x1000, s21;
	[tilespmem:s21+$0x180] =	vst v14;
	v12 =	vld.idx.msk [tilespmem:v6+s20+$0x0], $0xffff;
	v4 =	vor.u32 $0x180, v1;
	v14 =	vadd.s32 v5, v13  }
0x5ca: {  	v19 =	vmov s29;
	[tilespmem:s5+$0xFFFFFE00] =	vst v16;
	v16 =	vld.idx.msk [tilespmem:v8+s20+$0x0], $0xffff;
	v6 =	vor.u32 $0x200, v1;
	v20 =	vadd.s32 v4, v13  }
0x5cb: {  	[tilespmem:s5+$0xFFFFFE80] =	vst v17;
	v17 =	vld.idx.msk [tilespmem:v3+s20+$0x0], $0xffff;
	v3 =	vshrl.u32 v19, $0x3;
	v7 =	vor.u32 $0x280, v1;
	v19 =	vadd.s32 v6, v13  }
0x5cc: {  	[tilespmem:s5+$0xFFFFFF00] =	vst v10;
	v10 =	vshll.u32 v3, $0xB;
	v8 =	vor.u32 $0x300, v1;
	v21 =	vadd.s32 v7, v13;
	v11 =	vld.idx.msk [tilespmem:v11+s20+$0x0], $0xffff  }
0x5cd: {  	v10 =	vbroadcast v10, $0x0;
	v3 =	vor.u32 $0x380, v1;
	[tilespmem:s5+$0xFFFFFF80] =	vst v9;
	v9 =	vld.idx.msk [tilespmem:v15+s20+$0x0], $0xffff;
	v15 =	vadd.s32 v8, v13  }
0x5ce: {  	[tilespmem:s5+$0x0] =	vst v12;
	v12 =	vld.idx.msk [tilespmem:v14+s20+$0x0], $0xffff;
	v13 =	vadd.s32 v3, v13  }
0x5cf: {  	[tilespmem:s5+$0x80] =	vst v18;
	v14 =	vadd.s32 v1, v10;
	v18 =	vld.idx.msk [tilespmem:v20+s20+$0x0], $0xffff  }
0x5d0: {  	[tilespmem:s5+$0x100] =	vst v16;
	v20 =	vadd.s32 v2, v10;
	v19 =	vld.idx.msk [tilespmem:v19+s20+$0x0], $0xffff  }
0x5d1: {  	[tilespmem:s5+$0x180] =	vst v17;
	v17 =	vadd.s32 v5, v10;
	s5 =	simm.s32 $0x10;
	v22 =	vld.idx.msk [tilespmem:v21+s20+$0x0], $0xffff  }
0x5d2: {  	v23 =	vadd.s32 v4, v10;
	v16 =	vmov s5;
	[tilespmem:s11+$0xFFFFFE00] =	vst v11;
	v24 =	vld.idx.msk [tilespmem:v15+s20+$0x0], $0xffff  }
0x5d3: {  	v25 =	vadd.s32 v6, v10;
	v11 =	vshrl.u32 v16, $0x3;
	[tilespmem:s11+$0xFFFFFE80] =	vst v9;
	v16 =	vld.idx.msk [tilespmem:v13+s20+$0x0], $0xffff  }
0x5d4: {  	v21 =	vadd.s32 v7, v10;
	v9 =	vshll.u32 v11, $0xB;
	v15 =	vld.idx.msk [tilespmem:v14+s20+$0x0], $0xffff;
	[tilespmem:s11+$0xFFFFFF00] =	vst v12  }
0x5d5: {  	v14 =	vld.idx.msk [tilespmem:v20+s20+$0x0], $0xffff;
	[tilespmem:s11+$0xFFFFFF80] =	vst v18;
	v20 =	vadd.s32 v8, v10;
	v9 =	vbroadcast v9, $0x0  }
0x5d6: {  	v12 =	vld.idx.msk [tilespmem:v17+s20+$0x0], $0xffff;
	[tilespmem:s11+$0x0] =	vst v19;
	v19 =	vadd.s32 v3, v10  }
0x5d7: {  	v13 =	vld.idx.msk [tilespmem:v23+s20+$0x0], $0xffff;
	[tilespmem:s11+$0x80] =	vst v22;
	v17 =	vadd.s32 v1, v9  }
0x5d8: {  	v11 =	vld.idx.msk [tilespmem:v25+s20+$0x0], $0xffff;
	v10 =	vadd.s32 v5, v9;
	v18 =	vadd.s32 v2, v9;
	[tilespmem:s11+$0x100] =	vst v24  }
.LBB2_96:
0x5d9: {  	s5 =	sadd.s32 $0x8, s5;
	v22 =	vld.idx.msk [tilespmem:v21+s20+$0x0], $0xffff;
	[tilespmem:s11+$0x180] =	vst v16;
	s11 =	sadd.s32 $0x1000, s11  }
0x5da: {  	v23 =	vadd.s32 v4, v9;
	v16 =	vmov s5;
	p1 =	slt.u32 s5, $0x18;
	[tilespmem:s11+$0xFFFFFE00] =	vst v15;
	v24 =	vld.idx.msk [tilespmem:v20+s20+$0x0], $0xffff  }
0x5db: {  	v25 =	vadd.s32 v6, v9;
	v15 =	vshrl.u32 v16, $0x3;
	[tilespmem:s11+$0xFFFFFE80] =	vst v14;
	v16 =	vld.idx.msk [tilespmem:v19+s20+$0x0], $0xffff  }
.Ltmp46:
0x5dc: {  	v21 =	vadd.s32 v7, v9;
	v14 =	vshll.u32 v15, $0xB;
	v15 =	vld.idx.msk [tilespmem:v17+s20+$0x0], $0xffff;
	[tilespmem:s11+$0xFFFFFF00] =	vst v12;
	(pc) =	sbr.rel @p1 .LBB2_96-.Ltmp46, $4  }
0x5dd: {  	v20 =	vadd.s32 v8, v9;
	v26 =	vbroadcast v14, $0x0;
	v14 =	vld.idx.msk [tilespmem:v18+s20+$0x0], $0xffff;
	[tilespmem:s11+$0xFFFFFF80] =	vst v13  }
0x5de: {  	v19 =	vadd.s32 v3, v9;
	v12 =	vld.idx.msk [tilespmem:v10+s20+$0x0], $0xffff;
	[tilespmem:s11+$0x0] =	vst v11  }
0x5df: {  	v17 =	vadd.s32 v1, v26;
	v10 =	vadd.s32 v5, v26;
	v13 =	vld.idx.msk [tilespmem:v23+s20+$0x0], $0xffff;
	[tilespmem:s11+$0x80] =	vst v22;
	v9 =	vmov v26  }
0x5e0: {  	v18 =	vadd.s32 v2, v9;
	v11 =	vld.idx.msk [tilespmem:v25+s20+$0x0], $0xffff;
	[tilespmem:s11+$0x100] =	vst v24  }
0x5e1: {  	_ =	sdelay $0x2  }
0x5e2: {  	v1 =	vld [tilespmem:s14+$0x30]  }
0x5e3: {  	v2 =	vld.idx.msk [tilespmem:v21+s20+$0x0], $0xffff;
	[tilespmem:s11+$0x180] =	vst v16;
	s5 =	sadd.s32 $0x1000, s11  }
0x5e4: {  	s21 =	simm.s32 $0x0;
	v4 =	vadd.s32 v4, v9;
	v5 =	vld.idx.msk [tilespmem:v20+s20+$0x0], $0xffff;
	[tilespmem:s5+$0xFFFFFE00] =	vst v15  }
0x5e5: {  	v6 =	vadd.s32 v6, v9;
	v16 =	vld.idx.msk [tilespmem:v17+s20+$0x0], $0xffff;
	v15 =	vmov s21;
	[tilespmem:s5+$0xFFFFFE80] =	vst v14  }
0x5e6: {  	v7 =	vadd.s32 v7, v9;
	v14 =	vld.idx.msk [tilespmem:v19+s20+$0x0], $0xffff;
	v15 =	vshrl.u32 v15, $0x3;
	[tilespmem:s5+$0xFFFFFF00] =	vst v12  }
0x5e7: {  	v8 =	vadd.s32 v8, v9;
	v17 =	vld.idx.msk [tilespmem:v18+s20+$0x0], $0xffff;
	v15 =	vshll.u32 v15, $0xB;
	[tilespmem:s5+$0xFFFFFF80] =	vst v13;
	v12 =	vshll.u32 v1, $0x3  }
0x5e8: {  	v10 =	vld.idx.msk [tilespmem:v10+s20+$0x0], $0xffff;
	v13 =	vbroadcast v15, $0x0;
	[tilespmem:s5+$0x0] =	vst v11;
	v1 =	vand.u32 $0x7F, v1;
	v12 =	vand.u32 $0xFFFFFC00, v12  }
0x5e9: {  	v9 =	vadd.s32 v3, v9;
	v11 =	vld.idx.msk [tilespmem:v4+s20+$0x0], $0xffff;
	[tilespmem:s5+$0x80] =	vst v2;
	v1 =	vor.u32 v1, v12  }
0x5ea: {  	s29 =	simm.s32 $0x8;
	v15 =	vld.idx.msk [tilespmem:v6+s20+$0x0], $0xffff;
	[tilespmem:s5+$0x100] =	vst v5;
	v2 =	vor.u32 $0x80, v1;
	v12 =	vadd.s32 v1, v13  }
0x5eb: {  	v19 =	vld.idx.msk [tilespmem:v7+s20+$0x0], $0xffff;
	v7 =	vmov s29;
	[tilespmem:s5+$0x180] =	vst v14;
	s5 =	sadd.s32 $0x1000, s5;
	v4 =	vor.u32 $0x100, v1;
	v18 =	vadd.s32 v2, v13  }
0x5ec: {  	[tilespmem:s5+$0xFFFFFE00] =	vst v16;
	v16 =	vld.idx.msk [tilespmem:v8+s20+$0x0], $0xffff;
	v8 =	vshrl.u32 v7, $0x3;
	v3 =	vor.u32 $0x180, v1;
	v14 =	vadd.s32 v4, v13  }
0x5ed: {  	[tilespmem:s5+$0xFFFFFF00] =	vst v10;
	v5 =	vor.u32 $0x200, v1;
	v10 =	vshll.u32 v8, $0xB;
	v20 =	vadd.s32 v3, v13  }
0x5ee: {  	v9 =	vld.idx.msk [tilespmem:v9+s20+$0x0], $0xffff;
	[tilespmem:s5+$0xFFFFFE80] =	vst v17;
	v6 =	vor.u32 $0x280, v1;
	v17 =	vadd.s32 v5, v13;
	v10 =	vbroadcast v10, $0x0  }
0x5ef: {  	v21 =	vadd.s32 v6, v13;
	[tilespmem:s5+$0xFFFFFF80] =	vst v11;
	v12 =	vld.idx.msk [tilespmem:v12+s20+$0x0], $0xffff  }
0x5f0: {  	v7 =	vor.u32 $0x300, v1;
	[tilespmem:s5+$0x0] =	vst v15;
	v15 =	vadd.s32 v1, v10;
	v11 =	vld.idx.msk [tilespmem:v18+s20+$0x0], $0xffff  }
0x5f1: {  	v8 =	vor.u32 $0x380, v1;
	v18 =	vadd.s32 v7, v13;
	v14 =	vld.idx.msk [tilespmem:v14+s20+$0x0], $0xffff  }
0x5f2: {  	[tilespmem:s5+$0x80] =	vst v19;
	v13 =	vadd.s32 v8, v13;
	v19 =	vld.idx.msk [tilespmem:v20+s20+$0x0], $0xffff  }
0x5f3: {  	[tilespmem:s5+$0x180] =	vst v9;
	v26 =	vadd.s32 v5, v10;
	v17 =	vld.idx.msk [tilespmem:v17+s20+$0x0], $0xffff  }
0x5f4: {  	[tilespmem:s5+$0x100] =	vst v16;
	s5 =	simm.s32 $0x10;
	v20 =	vadd.s32 v2, v10;
	v23 =	vld.idx.msk [tilespmem:v21+s20+$0x0], $0xffff  }
0x5f5: {  	v22 =	vadd.s32 v4, v10;
	v9 =	vmov s5;
	[tilespmem:s8+$0xFFFFFE00] =	vst v12;
	v12 =	vld.idx.msk [tilespmem:v15+s20+$0x0], $0xffff  }
0x5f6: {  	v24 =	vadd.s32 v3, v10;
	v9 =	vshrl.u32 v9, $0x3;
	v25 =	vld.idx.msk [tilespmem:v18+s20+$0x0], $0xffff;
	[tilespmem:s8+$0xFFFFFE80] =	vst v11  }
0x5f7: {  	v21 =	vadd.s32 v6, v10;
	v9 =	vshll.u32 v9, $0xB;
	v16 =	vld.idx.msk [tilespmem:v13+s20+$0x0], $0xffff;
	[tilespmem:s8+$0xFFFFFF00] =	vst v14  }
0x5f8: {  	v9 =	vbroadcast v9, $0x0;
	v15 =	vld.idx.msk [tilespmem:v26+s20+$0x0], $0xffff;
	[tilespmem:s8+$0xFFFFFF80] =	vst v19;
	v19 =	vadd.s32 v7, v10  }
0x5f9: {  	v13 =	vld.idx.msk [tilespmem:v20+s20+$0x0], $0xffff;
	[tilespmem:s8+$0x0] =	vst v17;
	v18 =	vadd.s32 v8, v10  }
0x5fa: {  	v11 =	vld.idx.msk [tilespmem:v22+s20+$0x0], $0xffff;
	v17 =	vadd.s32 v1, v9;
	[tilespmem:s8+$0x80] =	vst v23  }
0x5fb: {  	v14 =	vld.idx.msk [tilespmem:v24+s20+$0x0], $0xffff;
	v10 =	vadd.s32 v4, v9;
	v20 =	vadd.s32 v2, v9;
	[tilespmem:s8+$0x100] =	vst v25  }
.LBB2_98:
0x5fc: {  	s5 =	sadd.s32 $0x8, s5;
	v22 =	vld.idx.msk [tilespmem:v21+s20+$0x0], $0xffff;
	[tilespmem:s8+$0x180] =	vst v16;
	s8 =	sadd.s32 $0x1000, s8  }
0x5fd: {  	v23 =	vadd.s32 v3, v9;
	v16 =	vmov s5;
	p1 =	slt.u32 s5, $0x18;
	[tilespmem:s8+$0xFFFFFE00] =	vst v12;
	v24 =	vld.idx.msk [tilespmem:v19+s20+$0x0], $0xffff  }
0x5fe: {  	v25 =	vadd.s32 v5, v9;
	v12 =	vshrl.u32 v16, $0x3;
	[tilespmem:s8+$0xFFFFFE80] =	vst v13;
	v16 =	vld.idx.msk [tilespmem:v18+s20+$0x0], $0xffff  }
.Ltmp47:
0x5ff: {  	v21 =	vadd.s32 v6, v9;
	v13 =	vshll.u32 v12, $0xB;
	v12 =	vld.idx.msk [tilespmem:v17+s20+$0x0], $0xffff;
	[tilespmem:s8+$0xFFFFFF00] =	vst v11;
	(pc) =	sbr.rel @p1 .LBB2_98-.Ltmp47, $4  }
0x600: {  	v19 =	vadd.s32 v7, v9;
	v26 =	vbroadcast v13, $0x0;
	v13 =	vld.idx.msk [tilespmem:v20+s20+$0x0], $0xffff;
	[tilespmem:s8+$0xFFFFFF80] =	vst v14  }
0x601: {  	v18 =	vadd.s32 v8, v9;
	v11 =	vld.idx.msk [tilespmem:v10+s20+$0x0], $0xffff;
	[tilespmem:s8+$0x0] =	vst v15  }
0x602: {  	v17 =	vadd.s32 v1, v26;
	v10 =	vadd.s32 v4, v26;
	v14 =	vld.idx.msk [tilespmem:v23+s20+$0x0], $0xffff;
	[tilespmem:s8+$0x80] =	vst v22;
	v9 =	vmov v26  }
0x603: {  	v20 =	vadd.s32 v2, v9;
	v15 =	vld.idx.msk [tilespmem:v25+s20+$0x0], $0xffff;
	[tilespmem:s8+$0x100] =	vst v24  }
0x604: {  	_ =	sdelay $0x2  }
0x605: {  	[tilespmem:s8+$0x180] =	vst v16;
	s5 =	sadd.s32 $0x1000, s8  }
0x606: {  	v1 =	vld.idx.msk [tilespmem:v21+s20+$0x0], $0xffff;
	[tilespmem:s5+$0xFFFFFE00] =	vst v12  }
0x607: {  	v2 =	vadd.s32 v3, v9;
	v3 =	vld.idx.msk [tilespmem:v19+s20+$0x0], $0xffff;
	[tilespmem:s5+$0xFFFFFE80] =	vst v13  }
0x608: {  	v4 =	vadd.s32 v5, v9;
	v59 =	vld.idx.msk [tilespmem:v18+s20+$0x0], $0xffff;
	[tilespmem:s5+$0xFFFFFF00] =	vst v11  }
0x609: {  	v60 =	vld.idx.msk [tilespmem:v17+s20+$0x0], $0xffff;
	v6 =	vadd.s32 v6, v9;
	[tilespmem:s5+$0xFFFFFF80] =	vst v14  }
0x60a: {  	v61 =	vld.idx.msk [tilespmem:v20+s20+$0x0], $0xffff;
	v7 =	vadd.s32 v7, v9;
	[tilespmem:s5+$0x0] =	vst v15  }
0x60b: {  	v10 =	vld.idx.msk [tilespmem:v10+s20+$0x0], $0xffff;
	v8 =	vadd.s32 v8, v9;
	[tilespmem:s5+$0x80] =	vst v1  }
0x60c: {  	v1 =	vld.idx.msk [tilespmem:v2+s20+$0x0], $0xffff;
	[tilespmem:s5+$0x100] =	vst v3  }
0x60d: {  	v2 =	vld.idx.msk [tilespmem:v4+s20+$0x0], $0xffff;
	[tilespmem:s5+$0x180] =	vst v59;
	s5 =	sadd.s32 $0x1000, s5  }
0x60e: {  	v3 =	vld.idx.msk [tilespmem:v6+s20+$0x0], $0xffff;
	[tilespmem:s5+$0xFFFFFE00] =	vst v60  }
0x60f: {  	v62 =	vld.idx.msk [tilespmem:v7+s20+$0x0], $0xffff;
	[tilespmem:s5+$0xFFFFFE80] =	vst v61  }
0x610: {  	p1 =	slt.u32 s7, $0x1C;
	v63 =	vld.idx.msk [tilespmem:v8+s20+$0x0], $0xffff;
	[tilespmem:s5+$0xFFFFFF00] =	vst v10  }
.Ltmp48:
0x611: {  	[tilespmem:s5+$0xFFFFFF80] =	vst v1;
	(pc) =	sbr.rel @p1 .LBB2_91-.Ltmp48, $4  }
0x612: {  	[tilespmem:s5+$0x0] =	vst v2  }
0x613: {  	[tilespmem:s5+$0x80] =	vst v3  }
0x614: {  	[tilespmem:s5+$0x100] =	vst v62  }
0x615: {  	s7 =	sadd.s32 $0x4, s7;
	s4 =	sadd.s32 $0x200, s4;
	p0 =	por !p0, !p0;
	[tilespmem:s5+$0x180] =	vst v63  }
0x616: {  	s4 =	sshll.u32 s0, $0x14  }
0x617: {  	s5 =	sadd.s32 s17, s4  }
0x618: {  	s5 =	sshrl.u32 s5, $0x3  }
0x619: {  	s5 =	sadd.s32 s3, s5  }
0x61a: {  	[hbm4b:s5+s22] =	stream.strided.scatter [tilespmem:s26], [sflag:$0x3], $0x4000, s23, s22, $0x38;
	[tilespmem:$0x14000] =	vst v63  }
0x61b: {  	_ =	swait.ge [sflag:s31], $0x4000  }
0x61c: {  	s25 =	sor.u32 $0x80, s25;
	s8 =	simm.s32 $0x0;
	[sflag:s31] =	ssyncset.done $0x0  }
0x61d: {  	p0 =	por $0x0, $0x0;
	s7 =	simm.s32 $0x0;
	v0 =	vmov s25;
	[sflag:s31] =	ssyncadd.s32 $0xFFFFC000  }
.LBB2_101:
0x61e: {  	s5 =	sshll.u32 s8, $0x7  }
0x61f: {  	s11 =	sshll.u32 s8, $0x4;
	s5 =	sand.u32 $0xC00, s5  }
0x620: {  	s11 =	sand.u32 $0x40, s11;
	s5 =	sadd.s32 s5, s2  }
0x621: {  	s19 =	sadd.s32 s11, s5  }
0x622: {  	v1 =	vld.idx.msk [tilespmem:v0+s19+$0x0 ss:$0x1], $0xffff;
	_ =	sdelay $0x1  }
0x623: {  	s11 =	simm.s32 $0x0  }
0x624: {  	v2 =	vmov s11  }
0x625: {  	v2 =	vshrl.u32 v2, $0x3  }
0x626: {  	v2 =	vshll.u32 v2, $0xB;
	v3 =	vshll.u32 v1, $0x3  }
0x627: {  	v9 =	vbroadcast v2, $0x0;
	v1 =	vand.u32 $0x7F, v1;
	v3 =	vand.u32 $0xFFFFFC00, v3  }
0x628: {  	v6 =	vor.u32 v1, v3  }
0x629: {  	v7 =	vor.u32 $0x80, v6;
	v1 =	vadd.s32 v6, v9  }
0x62a: {  	s14 =	simm.s32 $0x8;
	v8 =	vor.u32 $0x100, v6;
	v10 =	vadd.s32 v7, v9  }
0x62b: {  	v4 =	vmov s14;
	v5 =	vor.u32 $0x180, v6;
	v11 =	vadd.s32 v8, v9  }
0x62c: {  	v13 =	vshrl.u32 v4, $0x3;
	v2 =	vor.u32 $0x200, v6;
	v12 =	vadd.s32 v5, v9  }
0x62d: {  	v13 =	vshll.u32 v13, $0xB;
	v3 =	vor.u32 $0x280, v6;
	v14 =	vadd.s32 v2, v9  }
0x62e: {  	s5 =	simm.s32 $0x1;
	v17 =	vbroadcast v13, $0x0;
	v4 =	vor.u32 $0x300, v6;
	v16 =	vadd.s32 v3, v9;
	v15 =	vld.idx.msk [tilespmem:v1+s20+$0x0], $0xffff  }
0x62f: {  	s21 =	sshll.u32 s7, $0x2;
	s5 =	simm.s32 @!p0 $0x0;
	v13 =	vadd.s32 v4, v9;
	v10 =	vld.idx.msk [tilespmem:v10+s20+$0x0], $0xffff  }
0x630: {  	s11 =	sand.u32 $0xFFFFF000, s21;
	s5 =	sshll.u32 s5, $0x8;
	v18 =	vadd.s32 v6, v17;
	v1 =	vor.u32 $0x380, v6;
	v11 =	vld.idx.msk [tilespmem:v11+s20+$0x0], $0xffff  }
0x631: {  	s5 =	sor.u32 s5, s11;
	v9 =	vadd.s32 v1, v9;
	v12 =	vld.idx.msk [tilespmem:v12+s20+$0x0], $0xffff  }
0x632: {  	s5 =	sshrl.u32 s5, $0x2;
	v19 =	vadd.s32 v7, v17;
	v14 =	vld.idx.msk [tilespmem:v14+s20+$0x0], $0xffff  }
0x633: {  	s29 =	simm.s32 $0x10;
	s21 =	sadd.s32 $0xE000, s5;
	v20 =	vadd.s32 v8, v17;
	v22 =	vld.idx.msk [tilespmem:v16+s20+$0x0], $0xffff  }
0x634: {  	v23 =	vadd.s32 v5, v17;
	v16 =	vmov s29;
	v24 =	vld.idx.msk [tilespmem:v13+s20+$0x0], $0xffff;
	[tilespmem:s21+$0x0] =	vst v15  }
0x635: {  	v25 =	vadd.s32 v2, v17;
	v13 =	vshrl.u32 v16, $0x3;
	v15 =	vld.idx.msk [tilespmem:v18+s20+$0x0], $0xffff;
	[tilespmem:s21+$0x80] =	vst v10  }
0x636: {  	v21 =	vadd.s32 v3, v17;
	v16 =	vld.idx.msk [tilespmem:v9+s20+$0x0], $0xffff;
	v9 =	vshll.u32 v13, $0xB;
	[tilespmem:s21+$0x100] =	vst v11  }
0x637: {  	v13 =	vld.idx.msk [tilespmem:v19+s20+$0x0], $0xffff;
	[tilespmem:s21+$0x180] =	vst v12;
	v19 =	vadd.s32 v4, v17;
	v9 =	vbroadcast v9, $0x0  }
0x638: {  	v18 =	vadd.s32 v1, v17;
	v11 =	vld.idx.msk [tilespmem:v20+s20+$0x0], $0xffff;
	[tilespmem:s21+$0x200] =	vst v14  }
0x639: {  	s19 =	sadd.s32 s25, s19;
	v12 =	vld.idx.msk [tilespmem:v23+s20+$0x0], $0xffff;
	[tilespmem:s21+$0x280] =	vst v22;
	v17 =	vadd.s32 v6, v9  }
0x63a: {  	s11 =	sadd.s32 $0xE030, s5;
	s14 =	sadd.s32 $0xE020, s5;
	s5 =	sadd.s32 $0xE010, s5;
	v14 =	vld.idx.msk [tilespmem:v25+s20+$0x0], $0xffff;
	[tilespmem:s21+$0x300] =	vst v24;
	v10 =	vadd.s32 v8, v9;
	v20 =	vadd.s32 v7, v9  }
.LBB2_102:
0x63b: {  	s29 =	sadd.s32 $0x8, s29;
	v22 =	vld.idx.msk [tilespmem:v21+s20+$0x0], $0xffff;
	[tilespmem:s21+$0x380] =	vst v16;
	s21 =	sadd.s32 $0x1000, s21  }
0x63c: {  	v23 =	vadd.s32 v5, v9;
	v16 =	vmov s29;
	p1 =	slt.u32 s29, $0x18;
	[tilespmem:s21+$0x0] =	vst v15;
	v24 =	vld.idx.msk [tilespmem:v19+s20+$0x0], $0xffff  }
0x63d: {  	v25 =	vadd.s32 v2, v9;
	v15 =	vshrl.u32 v16, $0x3;
	[tilespmem:s21+$0x80] =	vst v13;
	v16 =	vld.idx.msk [tilespmem:v18+s20+$0x0], $0xffff  }
.Ltmp49:
0x63e: {  	v21 =	vadd.s32 v3, v9;
	v13 =	vshll.u32 v15, $0xB;
	v15 =	vld.idx.msk [tilespmem:v17+s20+$0x0], $0xffff;
	[tilespmem:s21+$0x100] =	vst v11;
	(pc) =	sbr.rel @p1 .LBB2_102-.Ltmp49, $4  }
0x63f: {  	v19 =	vadd.s32 v4, v9;
	v26 =	vbroadcast v13, $0x0;
	v13 =	vld.idx.msk [tilespmem:v20+s20+$0x0], $0xffff;
	[tilespmem:s21+$0x180] =	vst v12  }
0x640: {  	v18 =	vadd.s32 v1, v9;
	v11 =	vld.idx.msk [tilespmem:v10+s20+$0x0], $0xffff;
	[tilespmem:s21+$0x200] =	vst v14  }
0x641: {  	v17 =	vadd.s32 v6, v26;
	v10 =	vadd.s32 v8, v26;
	v12 =	vld.idx.msk [tilespmem:v23+s20+$0x0], $0xffff;
	[tilespmem:s21+$0x280] =	vst v22;
	v9 =	vmov v26  }
0x642: {  	v20 =	vadd.s32 v7, v9;
	v14 =	vld.idx.msk [tilespmem:v25+s20+$0x0], $0xffff;
	[tilespmem:s21+$0x300] =	vst v24  }
0x643: {  	_ =	sdelay $0x1  }
0x644: {  	v6 =	vld [tilespmem:s19+$0x10]  }
0x645: {  	[tilespmem:s21+$0x380] =	vst v16;
	s21 =	sadd.s32 $0x1000, s21  }
0x646: {  	v7 =	vld.idx.msk [tilespmem:v21+s20+$0x0], $0xffff;
	s29 =	simm.s32 $0x0;
	[tilespmem:s21+$0x0] =	vst v15  }
0x647: {  	v5 =	vadd.s32 v5, v9;
	v8 =	vld.idx.msk [tilespmem:v19+s20+$0x0], $0xffff;
	v15 =	vmov s29;
	[tilespmem:s21+$0x80] =	vst v13  }
0x648: {  	v16 =	vadd.s32 v2, v9;
	v3 =	vadd.s32 v3, v9;
	v13 =	vld.idx.msk [tilespmem:v18+s20+$0x0], $0xffff;
	v2 =	vshrl.u32 v15, $0x3;
	[tilespmem:s21+$0x100] =	vst v11  }
0x649: {  	v15 =	vld.idx.msk [tilespmem:v17+s20+$0x0], $0xffff;
	v11 =	vadd.s32 v4, v9;
	v2 =	vshll.u32 v2, $0xB;
	[tilespmem:s21+$0x180] =	vst v12;
	v4 =	vshll.u32 v6, $0x3  }
0x64a: {  	v10 =	vld.idx.msk [tilespmem:v10+s20+$0x0], $0xffff;
	v12 =	vbroadcast v2, $0x0;
	[tilespmem:s21+$0x200] =	vst v14;
	v6 =	vand.u32 $0x7F, v6;
	v4 =	vand.u32 $0xFFFFFC00, v4  }
0x64b: {  	v17 =	vld.idx.msk [tilespmem:v20+s20+$0x0], $0xffff;
	v9 =	vadd.s32 v1, v9;
	[tilespmem:s21+$0x280] =	vst v7;
	v1 =	vor.u32 v6, v4  }
0x64c: {  	s29 =	simm.s32 $0x8;
	v14 =	vld.idx.msk [tilespmem:v5+s20+$0x0], $0xffff;
	[tilespmem:s21+$0x300] =	vst v8;
	v2 =	vor.u32 $0x80, v1;
	v18 =	vadd.s32 v1, v12  }
0x64d: {  	v20 =	vld.idx.msk [tilespmem:v3+s20+$0x0], $0xffff;
	v3 =	vmov s29;
	[tilespmem:s21+$0x380] =	vst v13;
	s21 =	sadd.s32 $0x1000, s21;
	v5 =	vor.u32 $0x100, v1;
	v19 =	vadd.s32 v2, v12  }
0x64e: {  	v16 =	vld.idx.msk [tilespmem:v16+s20+$0x0], $0xffff;
	v3 =	vshrl.u32 v3, $0x3;
	[tilespmem:s21+$0x0] =	vst v15;
	v4 =	vor.u32 $0x180, v1;
	v13 =	vadd.s32 v5, v12  }
0x64f: {  	v11 =	vld.idx.msk [tilespmem:v11+s20+$0x0], $0xffff;
	[tilespmem:s21+$0x100] =	vst v10;
	v10 =	vshll.u32 v3, $0xB;
	v6 =	vor.u32 $0x200, v1;
	v15 =	vadd.s32 v4, v12  }
0x650: {  	[tilespmem:s21+$0x80] =	vst v17;
	v9 =	vld.idx.msk [tilespmem:v9+s20+$0x0], $0xffff;
	v7 =	vor.u32 $0x280, v1;
	v10 =	vbroadcast v10, $0x0;
	v17 =	vadd.s32 v6, v12  }
0x651: {  	v21 =	vadd.s32 v7, v12;
	[tilespmem:s21+$0x180] =	vst v14;
	v18 =	vld.idx.msk [tilespmem:v18+s20+$0x0], $0xffff  }
0x652: {  	v8 =	vor.u32 $0x300, v1;
	[tilespmem:s21+$0x280] =	vst v20;
	v20 =	vadd.s32 v1, v10;
	v14 =	vld.idx.msk [tilespmem:v19+s20+$0x0], $0xffff  }
0x653: {  	v3 =	vor.u32 $0x380, v1;
	v19 =	vadd.s32 v8, v12;
	v13 =	vld.idx.msk [tilespmem:v13+s20+$0x0], $0xffff  }
0x654: {  	[tilespmem:s21+$0x200] =	vst v16;
	v12 =	vadd.s32 v3, v12;
	v22 =	vld.idx.msk [tilespmem:v15+s20+$0x0], $0xffff  }
0x655: {  	[tilespmem:s21+$0x300] =	vst v11;
	v11 =	vadd.s32 v2, v10;
	v17 =	vld.idx.msk [tilespmem:v17+s20+$0x0], $0xffff  }
0x656: {  	v23 =	vadd.s32 v5, v10;
	[tilespmem:s21+$0x380] =	vst v9;
	s21 =	simm.s32 $0x10;
	v24 =	vld.idx.msk [tilespmem:v21+s20+$0x0], $0xffff  }
0x657: {  	v25 =	vadd.s32 v4, v10;
	v9 =	vmov s21;
	v15 =	vld.idx.msk [tilespmem:v20+s20+$0x0], $0xffff;
	[tilespmem:s5+$0x0] =	vst v18  }
0x658: {  	v27 =	vadd.s32 v6, v10;
	v9 =	vshrl.u32 v9, $0x3;
	v26 =	vld.idx.msk [tilespmem:v19+s20+$0x0], $0xffff;
	[tilespmem:s5+$0x80] =	vst v14  }
0x659: {  	v21 =	vadd.s32 v7, v10;
	v9 =	vshll.u32 v9, $0xB;
	v16 =	vld.idx.msk [tilespmem:v12+s20+$0x0], $0xffff;
	[tilespmem:s5+$0x100] =	vst v13  }
0x65a: {  	v20 =	vadd.s32 v8, v10;
	v9 =	vbroadcast v9, $0x0;
	v14 =	vld.idx.msk [tilespmem:v11+s20+$0x0], $0xffff;
	[tilespmem:s5+$0x180] =	vst v22  }
0x65b: {  	v12 =	vld.idx.msk [tilespmem:v23+s20+$0x0], $0xffff;
	[tilespmem:s5+$0x200] =	vst v17;
	v19 =	vadd.s32 v3, v10  }
0x65c: {  	v17 =	vadd.s32 v1, v9;
	v13 =	vld.idx.msk [tilespmem:v25+s20+$0x0], $0xffff;
	[tilespmem:s5+$0x280] =	vst v24  }
0x65d: {  	v18 =	vadd.s32 v2, v9;
	v10 =	vadd.s32 v5, v9;
	v11 =	vld.idx.msk [tilespmem:v27+s20+$0x0], $0xffff;
	[tilespmem:s5+$0x300] =	vst v26  }
.LBB2_104:
0x65e: {  	s21 =	sadd.s32 $0x8, s21;
	v22 =	vld.idx.msk [tilespmem:v21+s20+$0x0], $0xffff;
	[tilespmem:s5+$0x380] =	vst v16;
	s5 =	sadd.s32 $0x1000, s5  }
0x65f: {  	v23 =	vadd.s32 v4, v9;
	v16 =	vmov s21;
	p1 =	slt.u32 s21, $0x18;
	[tilespmem:s5+$0x0] =	vst v15;
	v24 =	vld.idx.msk [tilespmem:v20+s20+$0x0], $0xffff  }
0x660: {  	v25 =	vadd.s32 v6, v9;
	v15 =	vshrl.u32 v16, $0x3;
	[tilespmem:s5+$0x80] =	vst v14;
	v16 =	vld.idx.msk [tilespmem:v19+s20+$0x0], $0xffff  }
.Ltmp50:
0x661: {  	v21 =	vadd.s32 v7, v9;
	v14 =	vshll.u32 v15, $0xB;
	v15 =	vld.idx.msk [tilespmem:v17+s20+$0x0], $0xffff;
	[tilespmem:s5+$0x100] =	vst v12;
	(pc) =	sbr.rel @p1 .LBB2_104-.Ltmp50, $4  }
0x662: {  	v20 =	vadd.s32 v8, v9;
	v26 =	vbroadcast v14, $0x0;
	v14 =	vld.idx.msk [tilespmem:v18+s20+$0x0], $0xffff;
	[tilespmem:s5+$0x180] =	vst v13  }
0x663: {  	v19 =	vadd.s32 v3, v9;
	v12 =	vld.idx.msk [tilespmem:v10+s20+$0x0], $0xffff;
	[tilespmem:s5+$0x200] =	vst v11  }
0x664: {  	v17 =	vadd.s32 v1, v26;
	v10 =	vadd.s32 v5, v26;
	v13 =	vld.idx.msk [tilespmem:v23+s20+$0x0], $0xffff;
	[tilespmem:s5+$0x280] =	vst v22;
	v9 =	vmov v26  }
0x665: {  	v18 =	vadd.s32 v2, v9;
	v11 =	vld.idx.msk [tilespmem:v25+s20+$0x0], $0xffff;
	[tilespmem:s5+$0x300] =	vst v24  }
0x666: {  	_ =	sdelay $0x1  }
0x667: {  	v1 =	vld [tilespmem:s19+$0x20];
	_ =	sdelay $0x1  }
0x668: {  	v2 =	vld.idx.msk [tilespmem:v21+s20+$0x0], $0xffff;
	[tilespmem:s5+$0x380] =	vst v16;
	s29 =	sadd.s32 $0x1000, s5;
	s21 =	simm.s32 $0x0  }
0x669: {  	v4 =	vadd.s32 v4, v9;
	v5 =	vld.idx.msk [tilespmem:v20+s20+$0x0], $0xffff;
	[tilespmem:s29+$0x0] =	vst v15;
	v15 =	vmov s21  }
0x66a: {  	v6 =	vadd.s32 v6, v9;
	v7 =	vadd.s32 v7, v9;
	v16 =	vld.idx.msk [tilespmem:v17+s20+$0x0], $0xffff;
	[tilespmem:s29+$0x80] =	vst v14;
	v15 =	vshrl.u32 v15, $0x3  }
0x66b: {  	v8 =	vadd.s32 v8, v9;
	v14 =	vld.idx.msk [tilespmem:v19+s20+$0x0], $0xffff;
	[tilespmem:s29+$0x100] =	vst v12;
	v15 =	vshll.u32 v15, $0xB;
	v12 =	vshll.u32 v1, $0x3  }
0x66c: {  	v17 =	vld.idx.msk [tilespmem:v18+s20+$0x0], $0xffff;
	[tilespmem:s29+$0x180] =	vst v13;
	v13 =	vbroadcast v15, $0x0;
	v1 =	vand.u32 $0x7F, v1;
	v12 =	vand.u32 $0xFFFFFC00, v12  }
0x66d: {  	v10 =	vld.idx.msk [tilespmem:v10+s20+$0x0], $0xffff;
	v3 =	vadd.s32 v3, v9;
	[tilespmem:s29+$0x200] =	vst v11;
	v1 =	vor.u32 v1, v12  }
0x66e: {  	v9 =	vld.idx.msk [tilespmem:v4+s20+$0x0], $0xffff;
	[tilespmem:s29+$0x280] =	vst v2;
	v2 =	vor.u32 $0x80, v1;
	v11 =	vadd.s32 v1, v13  }
0x66f: {  	[tilespmem:s29+$0x300] =	vst v5;
	v18 =	vld.idx.msk [tilespmem:v7+s20+$0x0], $0xffff;
	v5 =	vor.u32 $0x100, v1;
	v15 =	vadd.s32 v2, v13  }
0x670: {  	s5 =	sadd.s32 $0x1000, s29;
	[tilespmem:s29+$0x380] =	vst v14;
	s29 =	simm.s32 $0x8;
	v12 =	vld.idx.msk [tilespmem:v6+s20+$0x0], $0xffff;
	v4 =	vor.u32 $0x180, v1;
	v14 =	vadd.s32 v5, v13  }
0x671: {  	[tilespmem:s5+$0x0] =	vst v16;
	v16 =	vld.idx.msk [tilespmem:v8+s20+$0x0], $0xffff;
	v19 =	vmov s29;
	v6 =	vor.u32 $0x200, v1;
	v20 =	vadd.s32 v4, v13  }
0x672: {  	[tilespmem:s5+$0x80] =	vst v17;
	v17 =	vld.idx.msk [tilespmem:v3+s20+$0x0], $0xffff;
	v7 =	vor.u32 $0x280, v1;
	v3 =	vshrl.u32 v19, $0x3;
	v19 =	vadd.s32 v6, v13  }
0x673: {  	[tilespmem:s5+$0x100] =	vst v10;
	v8 =	vor.u32 $0x300, v1;
	v10 =	vshll.u32 v3, $0xB;
	v21 =	vadd.s32 v7, v13;
	v11 =	vld.idx.msk [tilespmem:v11+s20+$0x0], $0xffff  }
0x674: {  	v3 =	vor.u32 $0x380, v1;
	[tilespmem:s5+$0x180] =	vst v9;
	v10 =	vbroadcast v10, $0x0;
	v9 =	vld.idx.msk [tilespmem:v15+s20+$0x0], $0xffff;
	v15 =	vadd.s32 v8, v13  }
0x675: {  	[tilespmem:s5+$0x200] =	vst v12;
	v12 =	vld.idx.msk [tilespmem:v14+s20+$0x0], $0xffff;
	v13 =	vadd.s32 v3, v13  }
0x676: {  	[tilespmem:s5+$0x280] =	vst v18;
	v14 =	vadd.s32 v1, v10;
	v18 =	vld.idx.msk [tilespmem:v20+s20+$0x0], $0xffff  }
0x677: {  	[tilespmem:s5+$0x300] =	vst v16;
	v20 =	vadd.s32 v2, v10;
	v19 =	vld.idx.msk [tilespmem:v19+s20+$0x0], $0xffff  }
0x678: {  	[tilespmem:s5+$0x380] =	vst v17;
	v17 =	vadd.s32 v5, v10;
	s5 =	simm.s32 $0x10;
	v22 =	vld.idx.msk [tilespmem:v21+s20+$0x0], $0xffff  }
0x679: {  	v23 =	vadd.s32 v4, v10;
	v16 =	vmov s5;
	[tilespmem:s14+$0x0] =	vst v11;
	v24 =	vld.idx.msk [tilespmem:v15+s20+$0x0], $0xffff  }
0x67a: {  	v25 =	vadd.s32 v6, v10;
	v11 =	vshrl.u32 v16, $0x3;
	[tilespmem:s14+$0x80] =	vst v9;
	v16 =	vld.idx.msk [tilespmem:v13+s20+$0x0], $0xffff  }
0x67b: {  	v21 =	vadd.s32 v7, v10;
	v9 =	vshll.u32 v11, $0xB;
	v15 =	vld.idx.msk [tilespmem:v14+s20+$0x0], $0xffff;
	[tilespmem:s14+$0x100] =	vst v12  }
0x67c: {  	v14 =	vld.idx.msk [tilespmem:v20+s20+$0x0], $0xffff;
	[tilespmem:s14+$0x180] =	vst v18;
	v20 =	vadd.s32 v8, v10;
	v9 =	vbroadcast v9, $0x0  }
0x67d: {  	v12 =	vld.idx.msk [tilespmem:v17+s20+$0x0], $0xffff;
	[tilespmem:s14+$0x200] =	vst v19;
	v19 =	vadd.s32 v3, v10  }
0x67e: {  	v13 =	vld.idx.msk [tilespmem:v23+s20+$0x0], $0xffff;
	[tilespmem:s14+$0x280] =	vst v22;
	v17 =	vadd.s32 v1, v9  }
0x67f: {  	v11 =	vld.idx.msk [tilespmem:v25+s20+$0x0], $0xffff;
	v10 =	vadd.s32 v5, v9;
	v18 =	vadd.s32 v2, v9;
	[tilespmem:s14+$0x300] =	vst v24  }
.LBB2_106:
0x680: {  	s5 =	sadd.s32 $0x8, s5;
	v22 =	vld.idx.msk [tilespmem:v21+s20+$0x0], $0xffff;
	[tilespmem:s14+$0x380] =	vst v16;
	s14 =	sadd.s32 $0x1000, s14  }
0x681: {  	v23 =	vadd.s32 v4, v9;
	v16 =	vmov s5;
	p1 =	slt.u32 s5, $0x18;
	[tilespmem:s14+$0x0] =	vst v15;
	v24 =	vld.idx.msk [tilespmem:v20+s20+$0x0], $0xffff  }
0x682: {  	v25 =	vadd.s32 v6, v9;
	v15 =	vshrl.u32 v16, $0x3;
	[tilespmem:s14+$0x80] =	vst v14;
	v16 =	vld.idx.msk [tilespmem:v19+s20+$0x0], $0xffff  }
.Ltmp51:
0x683: {  	v21 =	vadd.s32 v7, v9;
	v14 =	vshll.u32 v15, $0xB;
	v15 =	vld.idx.msk [tilespmem:v17+s20+$0x0], $0xffff;
	[tilespmem:s14+$0x100] =	vst v12;
	(pc) =	sbr.rel @p1 .LBB2_106-.Ltmp51, $4  }
0x684: {  	v20 =	vadd.s32 v8, v9;
	v26 =	vbroadcast v14, $0x0;
	v14 =	vld.idx.msk [tilespmem:v18+s20+$0x0], $0xffff;
	[tilespmem:s14+$0x180] =	vst v13  }
0x685: {  	v19 =	vadd.s32 v3, v9;
	v12 =	vld.idx.msk [tilespmem:v10+s20+$0x0], $0xffff;
	[tilespmem:s14+$0x200] =	vst v11  }
0x686: {  	v17 =	vadd.s32 v1, v26;
	v10 =	vadd.s32 v5, v26;
	v13 =	vld.idx.msk [tilespmem:v23+s20+$0x0], $0xffff;
	[tilespmem:s14+$0x280] =	vst v22;
	v9 =	vmov v26  }
0x687: {  	v18 =	vadd.s32 v2, v9;
	v11 =	vld.idx.msk [tilespmem:v25+s20+$0x0], $0xffff;
	[tilespmem:s14+$0x300] =	vst v24  }
0x688: {  	_ =	sdelay $0x2  }
0x689: {  	v1 =	vld [tilespmem:s19+$0x30]  }
0x68a: {  	v2 =	vld.idx.msk [tilespmem:v21+s20+$0x0], $0xffff;
	[tilespmem:s14+$0x380] =	vst v16;
	s5 =	sadd.s32 $0x1000, s14  }
0x68b: {  	s21 =	simm.s32 $0x0;
	v4 =	vadd.s32 v4, v9;
	v5 =	vld.idx.msk [tilespmem:v20+s20+$0x0], $0xffff;
	[tilespmem:s5+$0x0] =	vst v15  }
0x68c: {  	v6 =	vadd.s32 v6, v9;
	v16 =	vld.idx.msk [tilespmem:v17+s20+$0x0], $0xffff;
	v15 =	vmov s21;
	[tilespmem:s5+$0x80] =	vst v14  }
0x68d: {  	v7 =	vadd.s32 v7, v9;
	v14 =	vld.idx.msk [tilespmem:v19+s20+$0x0], $0xffff;
	v15 =	vshrl.u32 v15, $0x3;
	[tilespmem:s5+$0x100] =	vst v12  }
0x68e: {  	v8 =	vadd.s32 v8, v9;
	v17 =	vld.idx.msk [tilespmem:v18+s20+$0x0], $0xffff;
	v15 =	vshll.u32 v15, $0xB;
	[tilespmem:s5+$0x180] =	vst v13;
	v12 =	vshll.u32 v1, $0x3  }
0x68f: {  	v10 =	vld.idx.msk [tilespmem:v10+s20+$0x0], $0xffff;
	v13 =	vbroadcast v15, $0x0;
	[tilespmem:s5+$0x200] =	vst v11;
	v1 =	vand.u32 $0x7F, v1;
	v12 =	vand.u32 $0xFFFFFC00, v12  }
0x690: {  	v9 =	vadd.s32 v3, v9;
	v11 =	vld.idx.msk [tilespmem:v4+s20+$0x0], $0xffff;
	[tilespmem:s5+$0x280] =	vst v2;
	v1 =	vor.u32 v1, v12  }
0x691: {  	s29 =	simm.s32 $0x8;
	v15 =	vld.idx.msk [tilespmem:v6+s20+$0x0], $0xffff;
	[tilespmem:s5+$0x300] =	vst v5;
	v2 =	vor.u32 $0x80, v1;
	v12 =	vadd.s32 v1, v13  }
0x692: {  	v19 =	vld.idx.msk [tilespmem:v7+s20+$0x0], $0xffff;
	v7 =	vmov s29;
	[tilespmem:s5+$0x380] =	vst v14;
	s5 =	sadd.s32 $0x1000, s5;
	v4 =	vor.u32 $0x100, v1;
	v18 =	vadd.s32 v2, v13  }
0x693: {  	[tilespmem:s5+$0x0] =	vst v16;
	v16 =	vld.idx.msk [tilespmem:v8+s20+$0x0], $0xffff;
	v8 =	vshrl.u32 v7, $0x3;
	v3 =	vor.u32 $0x180, v1;
	v14 =	vadd.s32 v4, v13  }
0x694: {  	[tilespmem:s5+$0x100] =	vst v10;
	v5 =	vor.u32 $0x200, v1;
	v10 =	vshll.u32 v8, $0xB;
	v20 =	vadd.s32 v3, v13  }
0x695: {  	v9 =	vld.idx.msk [tilespmem:v9+s20+$0x0], $0xffff;
	[tilespmem:s5+$0x80] =	vst v17;
	v6 =	vor.u32 $0x280, v1;
	v17 =	vadd.s32 v5, v13;
	v10 =	vbroadcast v10, $0x0  }
0x696: {  	v21 =	vadd.s32 v6, v13;
	[tilespmem:s5+$0x180] =	vst v11;
	v12 =	vld.idx.msk [tilespmem:v12+s20+$0x0], $0xffff  }
0x697: {  	v7 =	vor.u32 $0x300, v1;
	[tilespmem:s5+$0x200] =	vst v15;
	v15 =	vadd.s32 v1, v10;
	v11 =	vld.idx.msk [tilespmem:v18+s20+$0x0], $0xffff  }
0x698: {  	v8 =	vor.u32 $0x380, v1;
	v18 =	vadd.s32 v7, v13;
	v14 =	vld.idx.msk [tilespmem:v14+s20+$0x0], $0xffff  }
0x699: {  	[tilespmem:s5+$0x280] =	vst v19;
	v13 =	vadd.s32 v8, v13;
	v19 =	vld.idx.msk [tilespmem:v20+s20+$0x0], $0xffff  }
0x69a: {  	[tilespmem:s5+$0x380] =	vst v9;
	v26 =	vadd.s32 v5, v10;
	v17 =	vld.idx.msk [tilespmem:v17+s20+$0x0], $0xffff  }
0x69b: {  	[tilespmem:s5+$0x300] =	vst v16;
	s5 =	simm.s32 $0x10;
	v20 =	vadd.s32 v2, v10;
	v23 =	vld.idx.msk [tilespmem:v21+s20+$0x0], $0xffff  }
0x69c: {  	v22 =	vadd.s32 v4, v10;
	v9 =	vmov s5;
	[tilespmem:s11+$0x0] =	vst v12;
	v12 =	vld.idx.msk [tilespmem:v15+s20+$0x0], $0xffff  }
0x69d: {  	v24 =	vadd.s32 v3, v10;
	v9 =	vshrl.u32 v9, $0x3;
	v25 =	vld.idx.msk [tilespmem:v18+s20+$0x0], $0xffff;
	[tilespmem:s11+$0x80] =	vst v11  }
0x69e: {  	v21 =	vadd.s32 v6, v10;
	v9 =	vshll.u32 v9, $0xB;
	v16 =	vld.idx.msk [tilespmem:v13+s20+$0x0], $0xffff;
	[tilespmem:s11+$0x100] =	vst v14  }
0x69f: {  	v9 =	vbroadcast v9, $0x0;
	v15 =	vld.idx.msk [tilespmem:v26+s20+$0x0], $0xffff;
	[tilespmem:s11+$0x180] =	vst v19;
	v19 =	vadd.s32 v7, v10  }
0x6a0: {  	v13 =	vld.idx.msk [tilespmem:v20+s20+$0x0], $0xffff;
	[tilespmem:s11+$0x200] =	vst v17;
	v18 =	vadd.s32 v8, v10  }
0x6a1: {  	v11 =	vld.idx.msk [tilespmem:v22+s20+$0x0], $0xffff;
	v17 =	vadd.s32 v1, v9;
	[tilespmem:s11+$0x280] =	vst v23  }
0x6a2: {  	v14 =	vld.idx.msk [tilespmem:v24+s20+$0x0], $0xffff;
	v10 =	vadd.s32 v4, v9;
	v20 =	vadd.s32 v2, v9;
	[tilespmem:s11+$0x300] =	vst v25  }
.LBB2_108:
0x6a3: {  	s5 =	sadd.s32 $0x8, s5;
	v22 =	vld.idx.msk [tilespmem:v21+s20+$0x0], $0xffff;
	[tilespmem:s11+$0x380] =	vst v16;
	s11 =	sadd.s32 $0x1000, s11  }
0x6a4: {  	v23 =	vadd.s32 v3, v9;
	v16 =	vmov s5;
	p1 =	slt.u32 s5, $0x18;
	[tilespmem:s11+$0x0] =	vst v12;
	v24 =	vld.idx.msk [tilespmem:v19+s20+$0x0], $0xffff  }
0x6a5: {  	v25 =	vadd.s32 v5, v9;
	v12 =	vshrl.u32 v16, $0x3;
	[tilespmem:s11+$0x80] =	vst v13;
	v16 =	vld.idx.msk [tilespmem:v18+s20+$0x0], $0xffff  }
.Ltmp52:
0x6a6: {  	v21 =	vadd.s32 v6, v9;
	v13 =	vshll.u32 v12, $0xB;
	v12 =	vld.idx.msk [tilespmem:v17+s20+$0x0], $0xffff;
	[tilespmem:s11+$0x100] =	vst v11;
	(pc) =	sbr.rel @p1 .LBB2_108-.Ltmp52, $4  }
0x6a7: {  	v19 =	vadd.s32 v7, v9;
	v26 =	vbroadcast v13, $0x0;
	v13 =	vld.idx.msk [tilespmem:v20+s20+$0x0], $0xffff;
	[tilespmem:s11+$0x180] =	vst v14  }
0x6a8: {  	v18 =	vadd.s32 v8, v9;
	v11 =	vld.idx.msk [tilespmem:v10+s20+$0x0], $0xffff;
	[tilespmem:s11+$0x200] =	vst v15  }
0x6a9: {  	v17 =	vadd.s32 v1, v26;
	v10 =	vadd.s32 v4, v26;
	v14 =	vld.idx.msk [tilespmem:v23+s20+$0x0], $0xffff;
	[tilespmem:s11+$0x280] =	vst v22;
	v9 =	vmov v26  }
0x6aa: {  	v20 =	vadd.s32 v2, v9;
	v15 =	vld.idx.msk [tilespmem:v25+s20+$0x0], $0xffff;
	[tilespmem:s11+$0x300] =	vst v24  }
0x6ab: {  	_ =	sdelay $0x2  }
0x6ac: {  	[tilespmem:s11+$0x380] =	vst v16;
	s5 =	sadd.s32 $0x1000, s11  }
0x6ad: {  	v1 =	vld.idx.msk [tilespmem:v21+s20+$0x0], $0xffff;
	[tilespmem:s5+$0x0] =	vst v12  }
0x6ae: {  	v2 =	vadd.s32 v3, v9;
	v3 =	vld.idx.msk [tilespmem:v19+s20+$0x0], $0xffff;
	[tilespmem:s5+$0x80] =	vst v13  }
0x6af: {  	v4 =	vadd.s32 v5, v9;
	v59 =	vld.idx.msk [tilespmem:v18+s20+$0x0], $0xffff;
	[tilespmem:s5+$0x100] =	vst v11  }
0x6b0: {  	v60 =	vld.idx.msk [tilespmem:v17+s20+$0x0], $0xffff;
	v6 =	vadd.s32 v6, v9;
	[tilespmem:s5+$0x180] =	vst v14  }
0x6b1: {  	v61 =	vld.idx.msk [tilespmem:v20+s20+$0x0], $0xffff;
	v7 =	vadd.s32 v7, v9;
	[tilespmem:s5+$0x200] =	vst v15  }
0x6b2: {  	v10 =	vld.idx.msk [tilespmem:v10+s20+$0x0], $0xffff;
	v8 =	vadd.s32 v8, v9;
	[tilespmem:s5+$0x280] =	vst v1  }
0x6b3: {  	v1 =	vld.idx.msk [tilespmem:v2+s20+$0x0], $0xffff;
	[tilespmem:s5+$0x300] =	vst v3  }
0x6b4: {  	v2 =	vld.idx.msk [tilespmem:v4+s20+$0x0], $0xffff;
	[tilespmem:s5+$0x380] =	vst v59;
	s5 =	sadd.s32 $0x1000, s5  }
0x6b5: {  	v3 =	vld.idx.msk [tilespmem:v6+s20+$0x0], $0xffff;
	[tilespmem:s5+$0x0] =	vst v60  }
0x6b6: {  	v62 =	vld.idx.msk [tilespmem:v7+s20+$0x0], $0xffff;
	[tilespmem:s5+$0x80] =	vst v61  }
0x6b7: {  	p1 =	slt.u32 s8, $0x1C;
	v63 =	vld.idx.msk [tilespmem:v8+s20+$0x0], $0xffff;
	[tilespmem:s5+$0x100] =	vst v10  }
.Ltmp53:
0x6b8: {  	[tilespmem:s5+$0x180] =	vst v1;
	(pc) =	sbr.rel @p1 .LBB2_101-.Ltmp53, $4  }
0x6b9: {  	[tilespmem:s5+$0x200] =	vst v2  }
0x6ba: {  	[tilespmem:s5+$0x280] =	vst v3  }
0x6bb: {  	[tilespmem:s5+$0x300] =	vst v62  }
0x6bc: {  	s8 =	sadd.s32 $0x4, s8;
	s7 =	sadd.s32 $0x200, s7;
	p0 =	por !p0, !p0;
	[tilespmem:s5+$0x380] =	vst v63  }
0x6bd: {  	s0 =	sadd.s32 $0x1, s0  }
0x6be: {  	p0 =	sne.s32 s0, $0x14  }
.Ltmp54:
0x6bf: {  	_ = 	snop;
	(pc) =	sbr.rel @p0 .LBB2_90-.Ltmp54, $4  }
0x6c0: {  	s2 =	sadd.s32 s18, s4  }
0x6c1: {  	s2 =	sshrl.u32 s2, $0x3  }
0x6c2: {  	s2 =	sadd.s32 s3, s2  }
0x6c3: {  	[hbm4b:s2+s22] =	stream.strided.scatter [tilespmem:s28], [sflag:$0x4], $0x4000, s23, s22, $0x38;
	[tilespmem:$0x14000] =	vst v63  }
0x6c4: {  	_ =	swait.ge [sflag:s30], $0x4000  }
0x6c5: {  	[sflag:s30] =	ssyncset.done $0x0  }
0x6c6: {  	[sflag:s30] =	ssyncadd.s32 $0xFFFFC000  }
0x6c7: {  	_ =	swait.ge [sflag:s31], $0x4000  }
0x6c8: {  	s1 =	sadd.s32 $0x1, s1;
	s0 =	rddreg [dreg:$0x9]  }
0x6c9: {  	p0 =	sne.s32 s1, s0  }
.Ltmp55:
0x6ca: {  	_ = 	snop;
	(pc) =	sbr.rel @p0 .LBB2_1-.Ltmp55, $3  }
0x6cb: {  	_ =	sdelay $0x1  }
0x6cc: {  	[sflag:s31] =	ssyncset.done $0x0  }
0x6cd: {  	[sflag:s31] =	ssyncadd.s32 $0xFFFFC000  }
0x6ce: {  	_ =	sfence.sel $0x180000  }
0x6cf: {  	[bflag:$0x0] =	sbarrier.arrive $0xFFFF  }
0x6d0: {  	_ =	strace $0x90000047  }
0x6d1: {  	s0 =	stileid.u32;
	[bflag:$0x2] =	sbarrier.arrive $0xFFFF  }
0x6d2: {  	p0 =	sne.s32 s0, $0x0;
	s0 =	rddreg [dreg:$0x3]  }
0x6d3: {  	s0 =	sadd.s32 @!p0 $0x100000, s0  }
0x6d4: {  	[sflag:s0] =	ssyncadd.tile.s32 @!p0 $0x1;
	_ =	shalt  }
.Lfunc_end2:
_tile_overlayer_lowered:
.L_overlay_start_2:
0x6d5: {  	(tag) =	ssettag $0x2  }
0x6d6: {  	s0 =	rddreg [dreg:$0x0];
	s2 =	stileid.u32  }
0x6d7: {  	s1 =	rddreg [dreg:$0x1];
	p0 =	sne.s32 s2, $0x0  }
0x6d8: {  	s3 =	rddreg [dreg:$0x2];
	[bflag:$0x3] =	sbarrier.arrive $0xFFFF;
	s2 =	simm.s32 @!p0 $0x1C05  }
0x6d9: {  	[timem:s3], [sflag:s2] =	dma.local @!p0 [hbm:s0], s1  }
0x6da: {  	s0 =	simm.s32 @!p0 $0x5  }
0x6db: {  	_ =	swait.ge @!p0 [sflag:s0], s1  }
0x6dc: {  	s1 =	ssub.s32 @!p0 $0x0, s1;
	[sflag:s0] =	ssyncset.done @!p0 $0x0  }
0x6dd: {  	[sflag:s0] =	ssyncadd.s32 @!p0 s1  }
0x6de: {  	[bflag:$0x3] =	sbarrier.arrive $0xFFFF  }
0x6df: {  	_ =	shalt  }

</sc_bundles>
